<compile_context>
chip_gen: v7x
topology: tpu7x:2x2x1
jax: 0.10.2.dev20260603
libtpu: 0.0.44.dev20260713+nightly
codegen_flags: <defaults>
</compile_context>

<pallas_src>
import functools

import jax
import jax.numpy as jnp
from jax import lax
from jax.experimental import pallas as pl
from jax.experimental.pallas import tpu as pltpu
import jax.experimental.pallas.tpu_sc as plsc

N = 10000
E = 320000
C = 128
NC = 2
NS = 16
NW = NC * NS
ECH = E // NC
EW = E // NW
B = 80
NB = EW // B
NPAD = 10240
STR = NPAD // NS
T = 2000
NBLK = N // T

_mesh = plsc.VectorSubcoreMesh(core_axis_name="c", subcore_axis_name="s")




@functools.partial(
    pl.kernel,
    out_type=(
        jax.ShapeDtypeStruct((E, C), jnp.float32),
        jax.ShapeDtypeStruct((NW, C), jnp.float32),
        jax.ShapeDtypeStruct((NW, C), jnp.float32),
        jax.ShapeDtypeStruct((NC, NPAD), jnp.float32),
    ),
    mesh=_mesh,
    scratch_types=[
        pltpu.VMEM((NB, B), jnp.int32),
        pltpu.VMEM((NB, B), jnp.int32),
        pltpu.VMEM((B, C), jnp.float32),
        pltpu.VMEM((B, C), jnp.float32),
        pltpu.VMEM((B, C), jnp.float32),
        pltpu.VMEM((B, C), jnp.float32),
        pltpu.VMEM((B, C), jnp.float32),
        pltpu.VMEM((B, C), jnp.float32),
        pltpu.VMEM((B,), jnp.float32),
        pltpu.VMEM((STR,), jnp.float32),
        pltpu.VMEM((C,), jnp.float32),
        pltpu.VMEM((C,), jnp.float32),
        pltpu.VMEM_SHARED((NPAD,), jnp.float32),
        pltpu.SemaphoreType.DMA,
        pltpu.SemaphoreType.DMA,
        pltpu.SemaphoreType.DMA,
        pltpu.SemaphoreType.DMA,
        pltpu.SemaphoreType.DMA,
        pltpu.SemaphoreType.DMA,
        pltpu.SemaphoreType.DMA,
    ],
)
def _sc_build_edges(xa_hbm, xb_hbm, src_hbm, dst_hbm,
                    h1_hbm, s1_hbm, s2_hbm, hist_hbm,
                    srcall, dstall,
                    bufa0, bufb0, out0, bufa1, bufb1, out1,
                    ones_v, zstr_v, acc1_v, acc2_v, hist_sh,
                    ga0, gb0, ga1, gb1, wb0, wb1, hsem):
    cid = lax.axis_index("c")
    sid = lax.axis_index("s")
    wid = cid * NS + sid
    cbase = cid * ECH + sid * EW

    for i in range(B // 16):
        ones_v[pl.ds(i * 16, 16)] = jnp.full((16,), 1.0, jnp.float32)

    def _zr(i, _):
        zstr_v[pl.ds(i * 16, 16)] = jnp.zeros((16,), jnp.float32)
        return 0

    lax.fori_loop(0, STR // 16, _zr, 0)
    pltpu.sync_copy(zstr_v, hist_sh.at[pl.ds(sid * STR, STR)])
    pltpu.sync_copy(src_hbm.at[wid], srcall)
    pltpu.sync_copy(dst_hbm.at[wid], dstall)
    plsc.subcore_barrier()

    def _compute(ba, bb, out, accs):
        def _row(i, accs):
            new = list(accs)
            for rr in range(2):
                r = 2 * i + rr
                for c in range(C // 16):
                    sl = pl.ds(c * 16, 16)
                    h = ba[r, sl] + bb[r, sl]
                    out[r, sl] = h
                    new[c] = new[c] + h
                    new[c + 8] = new[c + 8] + h * h
            return tuple(new)

        return lax.fori_loop(0, B // 2, _row, accs)

    def _fetch(b, ba, bb, sa, sb):
        pltpu.async_copy(xa_hbm.at[srcall.at[b]], ba, sa)
        pltpu.async_copy(xb_hbm.at[dstall.at[b]], bb, sb)

    def _gwait(ba, bb, sa, sb):
        pltpu.make_async_copy(xa_hbm.at[srcall.at[0]], ba, sa).wait()
        pltpu.make_async_copy(xb_hbm.at[dstall.at[0]], bb, sb).wait()

    _fetch(0, bufa0, bufb0, ga0, gb0)
    zv = jnp.zeros((16,), jnp.float32)

    def _pair(j, accs):
        _fetch(2 * j + 1, bufa1, bufb1, ga1, gb1)
        _gwait(bufa0, bufb0, ga0, gb0)
        pltpu.async_copy(ones_v, hist_sh.at[dstall.at[2 * j]], hsem,
                         add=True)

        @pl.when(j > 0)
        def _():
            pltpu.make_async_copy(out0, h1_hbm.at[pl.ds(0, B)], wb0).wait()

        accs = _compute(bufa0, bufb0, out0, accs)
        pltpu.async_copy(out0, h1_hbm.at[pl.ds(cbase + 2 * j * B, B)], wb0)
        _fetch(2 * j + 2, bufa0, bufb0, ga0, gb0)
        _gwait(bufa1, bufb1, ga1, gb1)
        pltpu.async_copy(ones_v, hist_sh.at[dstall.at[2 * j + 1]], hsem,
                         add=True)

        @pl.when(j > 0)
        def _():
            pltpu.make_async_copy(out1, h1_hbm.at[pl.ds(0, B)], wb1).wait()

        accs = _compute(bufa1, bufb1, out1, accs)
        pltpu.async_copy(out1, h1_hbm.at[pl.ds(cbase + (2 * j + 1) * B, B)],
                         wb1)
        return accs

    accs = lax.fori_loop(0, (NB - 1) // 2, _pair, (zv,) * 16)

    _gwait(bufa0, bufb0, ga0, gb0)
    pltpu.async_copy(ones_v, hist_sh.at[dstall.at[NB - 1]], hsem, add=True)
    pltpu.make_async_copy(out0, h1_hbm.at[pl.ds(0, B)], wb0).wait()
    accs = _compute(bufa0, bufb0, out0, accs)
    pltpu.async_copy(out0, h1_hbm.at[pl.ds(cbase + (NB - 1) * B, B)], wb0)
    pltpu.make_async_copy(out0, h1_hbm.at[pl.ds(0, B)], wb0).wait()
    pltpu.make_async_copy(out1, h1_hbm.at[pl.ds(0, B)], wb1).wait()

    for c in range(C // 16):
        acc1_v[pl.ds(c * 16, 16)] = accs[c]
        acc2_v[pl.ds(c * 16, 16)] = accs[c + 8]
    pltpu.sync_copy(acc1_v, s1_hbm.at[wid])
    pltpu.sync_copy(acc2_v, s2_hbm.at[wid])

    def _hdrain(i, _):
        pltpu.make_async_copy(ones_v, hist_sh.at[dstall.at[0]],
                              hsem).wait()
        return 0

    lax.fori_loop(0, NB, _hdrain, 0)
    plsc.subcore_barrier()
    pltpu.sync_copy(hist_sh.at[pl.ds(sid * STR, STR)],
                    hist_hbm.at[cid, pl.ds(sid * STR, STR)])


@functools.partial(
    pl.kernel,
    out_type=jax.ShapeDtypeStruct((NC, NPAD, C), jnp.float32),
    mesh=_mesh,
    scratch_types=(
        [pltpu.VMEM((1, B), jnp.int32) for _ in range(8)]
        + [pltpu.VMEM((B, C), jnp.float32) for _ in range(2)]
        + [pltpu.VMEM((128, C), jnp.float32),
           pltpu.VMEM_SHARED((NPAD, C), jnp.float32)]
        + [pltpu.SemaphoreType.DMA for _ in range(8)]
    ),
)
def _sc_scatter_agg(p_hbm, src_hbm, dst_hbm, out_hbm, *refs):
    idxs = refs[0:4]
    idxd = refs[4:8]
    rows = refs[8:10]
    zero_v = refs[10]
    agg_sh = refs[11]
    isem = refs[12:16]
    gsem = refs[16:18]
    ssem = refs[18:20]
    cid = lax.axis_index("c")
    sid = lax.axis_index("s")
    wid = cid * NS + sid

    def _zr(r, _):
        for c in range(C // 16):
            zero_v[r, pl.ds(c * 16, 16)] = jnp.zeros((16,), jnp.float32)
        return 0

    lax.fori_loop(0, 128, _zr, 0)
    for k in range(STR // 128):
        pltpu.sync_copy(zero_v, agg_sh.at[pl.ds(sid * STR + k * 128, 128)])
    plsc.subcore_barrier()

    def _fire_idx(b, k):
        pltpu.async_copy(src_hbm.at[wid, pl.ds(b, 1)], idxs[k], isem[k])
        pltpu.async_copy(dst_hbm.at[wid, pl.ds(b, 1)], idxd[k], isem[k])

    def _fire_gather(k, p):
        pltpu.make_async_copy(src_hbm.at[wid, pl.ds(0, 1)], idxs[k],
                              isem[k]).wait()
        pltpu.make_async_copy(dst_hbm.at[wid, pl.ds(0, 1)], idxd[k],
                              isem[k]).wait()
        pltpu.async_copy(p_hbm.at[idxs[k].at[0]], rows[p], gsem[p])

    def _gwait(k, p):
        pltpu.make_async_copy(p_hbm.at[idxs[k].at[0]], rows[p],
                              gsem[p]).wait()

    def _step(b, k, p, nk, refill, prefetch):
        _gwait(k, p)
        pltpu.async_copy(rows[p], agg_sh.at[idxd[k].at[0]], ssem[p],
                         add=True)
        pltpu.make_async_copy(rows[p], agg_sh.at[idxd[k].at[0]],
                              ssem[p]).wait()
        if prefetch:
            _fire_idx(b + 4, k)
        if refill:
            _fire_gather(nk, p)

    for k in range(4):
        _fire_idx(k, k)
    _fire_gather(0, 0)
    _fire_gather(1, 1)

    def _quad(q, _):
        b0 = 4 * q
        _step(b0, 0, 0, 2, True, True)
        _step(b0 + 1, 1, 1, 3, True, True)
        _step(b0 + 2, 2, 0, 0, True, True)
        _step(b0 + 3, 3, 1, 1, True, True)
        return 0

    lax.fori_loop(0, (NB - 1) // 4 - 1, _quad, 0)
    b0 = NB - 5
    _step(b0, 0, 0, 2, True, True)
    _step(b0 + 1, 1, 1, 3, True, False)
    _step(b0 + 2, 2, 0, 0, True, False)
    _step(b0 + 3, 3, 1, 1, False, False)
    _step(b0 + 4, 0, 0, 0, False, False)

    plsc.subcore_barrier()
    for k in range(STR // 128):
        pltpu.sync_copy(agg_sh.at[pl.ds(sid * STR + k * 128, 128)],
                        out_hbm.at[cid, pl.ds(sid * STR + k * 128, 128)])




def _tc_xab(x, w1r):
    def body(x_ref, w_ref, o_ref):
        o_ref[...] = jnp.dot(x_ref[...], w_ref[...],
                             preferred_element_type=jnp.float32)

    return pl.pallas_call(
        body,
        out_shape=jax.ShapeDtypeStruct((N, 2 * C), jnp.float32),
    )(x, w1r)


def _tc_scale_head(hs, sdeg2d):
    def body(h_ref, s_ref, o_ref):
        o_ref[...] = h_ref[...] * s_ref[...]

    return pl.pallas_call(
        body,
        grid=(1,),
        in_specs=[
            pl.BlockSpec((N, C), lambda i: (0, 0)),
            pl.BlockSpec((N, 1), lambda i: (0, 0)),
        ],
        out_specs=pl.BlockSpec((N, C), lambda i: (0, 0)),
        out_shape=jax.ShapeDtypeStruct((N, C), jnp.float32),
    )(hs, sdeg2d)


def _tc_combine_agg1(aggp, h1, dis2d, inv2d, b1):
    def body(ap_ref, h_ref, d_ref, iv_ref, b_ref,
             agg_ref, q1_ref, q2_ref, q3_ref):
        a = (ap_ref[0, :N, :] + ap_ref[1, :N, :]) * d_ref[...]
        agg_ref[...] = a
        h = h_ref[...]
        iv = iv_ref[...]
        hi = h * iv
        g = hi + b_ref[...]
        q1_ref[...] = jnp.sum(hi - h, axis=0, keepdims=True)
        q2_ref[...] = jnp.sum(a, axis=0, keepdims=True)
        q3_ref[...] = jnp.sum(hi * hi - h * h + (2.0 * g + a) * a,
                              axis=0, keepdims=True)

    return pl.pallas_call(
        body,
        grid=(1,),
        in_specs=[
            pl.BlockSpec((NC, NPAD, C), lambda i: (0, 0, 0)),
            pl.BlockSpec((N, C), lambda i: (0, 0)),
            pl.BlockSpec((N, 1), lambda i: (0, 0)),
            pl.BlockSpec((N, 1), lambda i: (0, 0)),
            pl.BlockSpec((1, C), lambda i: (0, 0)),
        ],
        out_specs=[
            pl.BlockSpec((N, C), lambda i: (0, 0)),
            pl.BlockSpec((1, C), lambda i: (0, 0)),
            pl.BlockSpec((1, C), lambda i: (0, 0)),
            pl.BlockSpec((1, C), lambda i: (0, 0)),
        ],
        out_shape=[
            jax.ShapeDtypeStruct((N, C), jnp.float32),
            jax.ShapeDtypeStruct((1, C), jnp.float32),
            jax.ShapeDtypeStruct((1, C), jnp.float32),
            jax.ShapeDtypeStruct((1, C), jnp.float32),
        ],
    )(aggp, h1, dis2d, inv2d, b1)


def _tc_p2_head(h1, agg1, dis2d, inv2d, b1, s, t, w2):
    def body(h_ref, a_ref, d_ref, iv_ref, b_ref, s_ref, t_ref, w_ref, o_ref):
        o1 = h_ref[...] * iv_ref[...] + b_ref[...] + a_ref[...]
        z = jnp.maximum(o1 * s_ref[...] + t_ref[...], 0.0)
        o_ref[...] = jnp.dot(z * d_ref[...], w_ref[...],
                             preferred_element_type=jnp.float32)

    return pl.pallas_call(
        body,
        grid=(1,),
        in_specs=[
            pl.BlockSpec((N, C), lambda i: (0, 0)),
            pl.BlockSpec((N, C), lambda i: (0, 0)),
            pl.BlockSpec((N, 1), lambda i: (0, 0)),
            pl.BlockSpec((N, 1), lambda i: (0, 0)),
            pl.BlockSpec((1, C), lambda i: (0, 0)),
            pl.BlockSpec((1, C), lambda i: (0, 0)),
            pl.BlockSpec((1, C), lambda i: (0, 0)),
            pl.BlockSpec((C, C), lambda i: (0, 0)),
        ],
        out_specs=pl.BlockSpec((N, C), lambda i: (0, 0)),
        out_shape=jax.ShapeDtypeStruct((N, C), jnp.float32),
    )(h1, agg1, dis2d, inv2d, b1, s, t, w2)


def _tc_head(h1h, inv2d, agg1, agg2p, dis2d, s, t, b1, b2, w2, lnw, lnb, wlr):
    def body(h_ref, i_ref, a1_ref, a2_ref, d_ref, s_ref, t_ref, b1_ref,
             b2_ref, w2_ref, lw_ref, lb_ref, wl_ref, o_ref):
        o1 = h_ref[...] * i_ref[...] + b1_ref[...] + a1_ref[...]
        z = jnp.maximum(o1 * s_ref[...] + t_ref[...], 0.0)
        h2s = jnp.dot(z * i_ref[...], w2_ref[...],
                      preferred_element_type=jnp.float32)
        a2 = (a2_ref[0] + a2_ref[1]) * d_ref[...]
        o2 = h2s + b2_ref[...] + a2
        mu = jnp.mean(o2, axis=-1, keepdims=True)
        var = jnp.mean(o2 * o2, axis=-1, keepdims=True) - mu * mu
        zz = (o2 - mu) * lax.rsqrt(var + 1e-5) * lw_ref[...] + lb_ref[...]
        zz = jnp.maximum(zz, 0.0)
        o_ref[...] = jnp.sum(zz * wl_ref[...], axis=-1, keepdims=True)

    return pl.pallas_call(
        body,
        grid=(NBLK,),
        in_specs=[
            pl.BlockSpec((T, C), lambda i: (i, 0)),
            pl.BlockSpec((T, 1), lambda i: (i, 0)),
            pl.BlockSpec((T, C), lambda i: (i, 0)),
            pl.BlockSpec((NC, T, C), lambda i: (0, i, 0)),
            pl.BlockSpec((T, 1), lambda i: (i, 0)),
            pl.BlockSpec((1, C), lambda i: (0, 0)),
            pl.BlockSpec((1, C), lambda i: (0, 0)),
            pl.BlockSpec((1, C), lambda i: (0, 0)),
            pl.BlockSpec((1, C), lambda i: (0, 0)),
            pl.BlockSpec((C, C), lambda i: (0, 0)),
            pl.BlockSpec((1, C), lambda i: (0, 0)),
            pl.BlockSpec((1, C), lambda i: (0, 0)),
            pl.BlockSpec((1, C), lambda i: (0, 0)),
        ],
        out_specs=pl.BlockSpec((T, 1), lambda i: (i, 0)),
        out_shape=jax.ShapeDtypeStruct((N, 1), jnp.float32),
    )(h1h, inv2d, agg1, agg2p, dis2d, s, t, b1, b2, w2, lnw, lnb, wlr)


def _tc_tail(h1, sf, tf, b2, w2, w2m, red, b2m, lnw, lnb, wlr):
    def body(h_ref, s_ref, t_ref, b2_ref, w2_ref, wm_ref, rd_ref, bm_ref,
             lw_ref, lb_ref, wl_ref, o_ref):
        z = jnp.maximum(h_ref[...] * s_ref[...] + t_ref[...], 0.0)
        o2 = jnp.dot(z, w2_ref[...], preferred_element_type=jnp.float32)
        o2 = o2 + b2_ref[...]
        mu = jnp.dot(z, wm_ref[...],
                     preferred_element_type=jnp.float32) + bm_ref[...]
        msq = jnp.dot(o2 * o2, rd_ref[...], preferred_element_type=jnp.float32)
        var = msq - mu * mu
        zz = (o2 - mu) * lax.rsqrt(var + 1e-5) * lw_ref[...] + lb_ref[...]
        zz = jnp.maximum(zz, 0.0)
        o_ref[...] = jnp.dot(zz, wl_ref[...], preferred_element_type=jnp.float32)

    return pl.pallas_call(
        body,
        grid=((E - N) // T,),
        in_specs=[
            pl.BlockSpec((T, C), lambda i: (i + NBLK, 0)),
            pl.BlockSpec((1, C), lambda i: (0, 0)),
            pl.BlockSpec((1, C), lambda i: (0, 0)),
            pl.BlockSpec((1, C), lambda i: (0, 0)),
            pl.BlockSpec((C, C), lambda i: (0, 0)),
            pl.BlockSpec((C, 1), lambda i: (0, 0)),
            pl.BlockSpec((C, 1), lambda i: (0, 0)),
            pl.BlockSpec((1, 1), lambda i: (0, 0)),
            pl.BlockSpec((1, C), lambda i: (0, 0)),
            pl.BlockSpec((1, C), lambda i: (0, 0)),
            pl.BlockSpec((C, 1), lambda i: (0, 0)),
        ],
        out_specs=pl.BlockSpec((T, 1), lambda i: (i, 0)),
        out_shape=jax.ShapeDtypeStruct((E - N, 1), jnp.float32),
    )(h1, sf, tf, b2, w2, w2m, red, b2m, lnw, lnb, wlr)




def kernel(x, edge_index, W1, b1, bn_w, bn_b, W2, b2, ln_w, ln_b, Wl, bl):
    f32 = jnp.float32
    src = edge_index[0]
    dst = edge_index[1]

    w1r = jnp.concatenate([W1[:C], W1[C:]], axis=1)
    xab = _tc_xab(x, w1r)
    xa = xab[:, :C]
    xb = xab[:, C:]

    src3 = src.reshape(NW, NB, B)
    dst3 = dst.reshape(NW, NB, B)
    h1, s1p, s2p, hist = _sc_build_edges(xa, xb, src3, dst3)
    u1 = jnp.sum(s1p, axis=0, keepdims=True)
    u2 = jnp.sum(s2p, axis=0, keepdims=True)
    h1_head = jax.lax.slice(h1, (0, 0), (N, C))

    deg = hist[0, :N] + hist[1, :N] + 1.0
    dis = lax.rsqrt(deg)
    inv = 1.0 / deg

    dis2d = dis[:, None]
    inv2d = inv[:, None]
    p1 = _tc_scale_head(h1_head, dis2d)
    agg1p = _sc_scatter_agg(p1, src3, dst3)
    b1r = b1[None, :]
    agg1, q1, q2, q3 = _tc_combine_agg1(agg1p, h1_head, dis2d, inv2d, b1r)

    s1 = u1 + q1
    mean = (s1 + q2) / E + b1r
    ex2 = (u2 + q3 + 2.0 * b1r * s1) / E + b1r * b1r
    var = ex2 - mean * mean
    s = bn_w[None, :] * lax.rsqrt(var + 1e-5)
    t = bn_b[None, :] - mean * s

    p2 = _tc_p2_head(h1_head, agg1, dis2d, inv2d, b1r, s, t, W2)
    agg2p = _sc_scatter_agg(p2, src3, dst3)

    b2r = b2[None, :]
    red = jnp.full((C, 1), 1.0 / C, f32)
    w2m = jnp.dot(W2, red)
    b2m = jnp.mean(b2).reshape(1, 1)
    tf = t + b1r * s
    y_tail = _tc_tail(h1, s, tf, b2r, W2, w2m, red, b2m,
                      ln_w[None, :], ln_b[None, :], Wl)
    y_head = _tc_head(h1_head, inv2d, agg1, agg2p, dis2d, s, t,
                      b1r, b2r, W2, ln_w[None, :], ln_b[None, :],
                      Wl.reshape(1, C))
    y = jnp.concatenate([y_head[:, 0], y_tail[:, 0]])
    return y + bl[0]

# --- scband reference (transcript-rebuilt; emitter-appended) ---
"""Pipeline reference for scband-edge-weight-predictor-60129542956 (READ-ONLY COPY).

The authoritative reference and input builder live on the scoring server;
editing this copy changes nothing except your own understanding.
"""

import jax, jax.numpy as jnp
import numpy as np

N_NODES = 10000
AVG_DEG = 32
E = N_NODES * AVG_DEG
C = 128
OUT = 1


def gcn_conv(x, edge_index, W, b):
    # Faithful PyG GCNConv: linear transform, add self-loops over all rows of x,
    # symmetric deg^{-1/2} normalization (degree from dst/col), scatter-add aggregation, bias.
    n = x.shape[0]
    h = x @ W
    loop = jnp.arange(n, dtype=edge_index.dtype)
    row = jnp.concatenate([edge_index[0], loop])
    col = jnp.concatenate([edge_index[1], loop])
    deg = jnp.zeros((n,), dtype=h.dtype).at[col].add(1.0)
    deg_inv_sqrt = jax.lax.rsqrt(jnp.maximum(deg, 1e-12))
    norm = deg_inv_sqrt[row] * deg_inv_sqrt[col]
    out = jnp.zeros_like(h).at[col].add(norm[:, None] * h[row])
    return out + b


def setup_inputs(seed: int = 0) -> dict:
    key = jax.random.key(seed)
    ks = jax.random.split(key, 8)
    x = jax.random.normal(ks[0], (N_NODES, C), dtype=jnp.float32)
    edge_index = jax.random.randint(ks[1], (2, E), 0, N_NODES, dtype=jnp.int32)
    W1 = jax.random.normal(ks[2], (2 * C, C), dtype=jnp.float32) / np.sqrt(2 * C)
    b1 = jnp.zeros((C,), dtype=jnp.float32)
    bn_w = jnp.ones((C,), dtype=jnp.float32)
    bn_b = jnp.zeros((C,), dtype=jnp.float32)
    W2 = jax.random.normal(ks[3], (C, C), dtype=jnp.float32) / np.sqrt(C)
    b2 = jnp.zeros((C,), dtype=jnp.float32)
    ln_w = jnp.ones((C,), dtype=jnp.float32)
    ln_b = jnp.zeros((C,), dtype=jnp.float32)
    Wl = jax.random.normal(ks[4], (C, OUT), dtype=jnp.float32) / np.sqrt(C)
    bl = jnp.zeros((OUT,), dtype=jnp.float32)
    return {"x": x, "edge_index": edge_index, "W1": W1, "b1": b1, "bn_w": bn_w, "bn_b": bn_b, "W2": W2, "b2": b2, "ln_w": ln_w, "ln_b": ln_b, "Wl": Wl, "bl": bl}


def reference(x, edge_index, W1, b1, bn_w, bn_b, W2, b2, ln_w, ln_b, Wl, bl):
    # edge features: gather src/dst node features and concat -> [E, 2C]
    ef = jnp.concatenate([x[edge_index[0]], x[edge_index[1]]], axis=1)
    # GCNConv over the E-row edge-feature matrix (node indices still in-range since E >= N_NODES)
    h = gcn_conv(ef, edge_index, W1, b1)
    # BatchNorm1d (training mode: batch statistics, biased variance)
    mean = jnp.mean(h, axis=0)
    var = jnp.var(h, axis=0)
    h = (h - mean) / jnp.sqrt(var + 1e-5) * bn_w + bn_b
    h = jax.nn.relu(h)
    h = gcn_conv(h, edge_index, W2, b2)
    # LayerNorm over last dim
    mu = jnp.mean(h, axis=-1, keepdims=True)
    v = jnp.var(h, axis=-1, keepdims=True)
    h = (h - mu) / jnp.sqrt(v + 1e-5) * ln_w + ln_b
    h = jax.nn.relu(h)
    out = h @ Wl + bl
    return jnp.squeeze(out)

if __name__ == "__main__":
    import jax
    _d = setup_inputs()
    print(jax.jit(kernel)(*tuple(_d.values())))

</pallas_src>

<mosaic_0001>
#map = affine_map<(d0, d1) -> (0, 0)>
#map1 = affine_map<(d0, d1) -> (0, 0, 0)>
module attributes {stable_mosaic.version = 14 : i64} {
  func.func @_sc_scatter_agg(%arg0: i32, %arg1: i32, %arg2: memref<10000x128xf32, #tpu.memory_space<hbm>>, %arg3: memref<32x125x80xi32, #tpu.memory_space<hbm>>, %arg4: memref<32x125x80xi32, #tpu.memory_space<hbm>>, %arg5: memref<2x10240x128xf32, #tpu.memory_space<hbm>>, %arg6: memref<1x80xi32, #tpu.memory_space<vmem>>, %arg7: memref<1x80xi32, #tpu.memory_space<vmem>>, %arg8: memref<1x80xi32, #tpu.memory_space<vmem>>, %arg9: memref<1x80xi32, #tpu.memory_space<vmem>>, %arg10: memref<1x80xi32, #tpu.memory_space<vmem>>, %arg11: memref<1x80xi32, #tpu.memory_space<vmem>>, %arg12: memref<1x80xi32, #tpu.memory_space<vmem>>, %arg13: memref<1x80xi32, #tpu.memory_space<vmem>>, %arg14: memref<80x128xf32, #tpu.memory_space<vmem>>, %arg15: memref<80x128xf32, #tpu.memory_space<vmem>>, %arg16: memref<128x128xf32, #tpu.memory_space<vmem>>, %arg17: memref<10240x128xf32, #tpu.memory_space<vmem_shared>>, %arg18: memref<!tpu.dma_semaphore, #tpu.memory_space<semaphore_mem>>, %arg19: memref<!tpu.dma_semaphore, #tpu.memory_space<semaphore_mem>>, %arg20: memref<!tpu.dma_semaphore, #tpu.memory_space<semaphore_mem>>, %arg21: memref<!tpu.dma_semaphore, #tpu.memory_space<semaphore_mem>>, %arg22: memref<!tpu.dma_semaphore, #tpu.memory_space<semaphore_mem>>, %arg23: memref<!tpu.dma_semaphore, #tpu.memory_space<semaphore_mem>>, %arg24: memref<!tpu.dma_semaphore, #tpu.memory_space<semaphore_mem>>, %arg25: memref<!tpu.dma_semaphore, #tpu.memory_space<semaphore_mem>>) attributes {dimension_semantics = [#tpu.dimension_semantics<core_parallel>, #tpu.dimension_semantics<subcore_parallel>], iteration_bounds = array<i64: 2, 16>, scalar_prefetch = 0 : i64, scratch_operands = 20 : i64, tpu.core_type = #tpu.core_type<sc_vector_subcore>, window_params = [{transform_indices = #map}, {transform_indices = #map1}, {transform_indices = #map1}, {transform_indices = #map1}]} {
    %mul3A = arith.constant 16 : i32
    %mul3A_0 = arith.muli %arg0, %mul3A : i32
    %add3A = arith.addi %mul3A_0, %arg1 : i32
    %scan3A = arith.constant 0 : i32
    %scan3A_1 = arith.constant 0 : i32
    %scan3A_2 = arith.constant 128 : i32
    %scan3A_3 = arith.addi %scan3A_1, %scan3A_2 : i32
    %scan3A_4 = arith.constant 1 : i32
    %scan3A_5 = scf.for %scan3A_373 = %scan3A_1 to %scan3A_3 step %scan3A_4 iter_args(%scan3A_374 = %scan3A) -> (i32)  : i32 {
      %broadcast_in_dim3A = arith.constant 0.000000e+00 : f32
      %broadcast_in_dim3A_375 = vector.broadcast %broadcast_in_dim3A : f32 to vector<16xf32>
      %swap3A = arith.index_cast %scan3A_373 : i32 to index
      %swap3A_376 = arith.constant 0 : index
      %swap3A_377 = tpu.vector_load %arg16[%swap3A, %swap3A_376] {strides = array<i32>} : memref<128x128xf32, #tpu.memory_space<vmem>>, vector<1x16xf32>,
      %swap3A_378 = vector.shape_cast %swap3A_377 : vector<1x16xf32> to vector<16xf32>
      %swap3A_379 = vector.shape_cast %broadcast_in_dim3A_375 : vector<16xf32> to vector<1x16xf32>
      tpu.vector_store %arg16[%swap3A, %swap3A_376], %swap3A_379 {strides = array<i32>} : memref<128x128xf32, #tpu.memory_space<vmem>>, vector<1x16xf32>,
      %broadcast_in_dim3A_380 = arith.constant 0.000000e+00 : f32
      %broadcast_in_dim3A_381 = vector.broadcast %broadcast_in_dim3A_380 : f32 to vector<16xf32>
      %swap3A_382 = arith.index_cast %scan3A_373 : i32 to index
      %swap3A_383 = arith.constant 16 : index
      %swap3A_384 = tpu.vector_load %arg16[%swap3A_382, %swap3A_383] {strides = array<i32>} : memref<128x128xf32, #tpu.memory_space<vmem>>, vector<1x16xf32>,
      %swap3A_385 = vector.shape_cast %swap3A_384 : vector<1x16xf32> to vector<16xf32>
      %swap3A_386 = vector.shape_cast %broadcast_in_dim3A_381 : vector<16xf32> to vector<1x16xf32>
      tpu.vector_store %arg16[%swap3A_382, %swap3A_383], %swap3A_386 {strides = array<i32>} : memref<128x128xf32, #tpu.memory_space<vmem>>, vector<1x16xf32>,
      %broadcast_in_dim3A_387 = arith.constant 0.000000e+00 : f32
      %broadcast_in_dim3A_388 = vector.broadcast %broadcast_in_dim3A_387 : f32 to vector<16xf32>
      %swap3A_389 = arith.index_cast %scan3A_373 : i32 to index
      %swap3A_390 = arith.constant 32 : index
      %swap3A_391 = tpu.vector_load %arg16[%swap3A_389, %swap3A_390] {strides = array<i32>} : memref<128x128xf32, #tpu.memory_space<vmem>>, vector<1x16xf32>,
      %swap3A_392 = vector.shape_cast %swap3A_391 : vector<1x16xf32> to vector<16xf32>
      %swap3A_393 = vector.shape_cast %broadcast_in_dim3A_388 : vector<16xf32> to vector<1x16xf32>
      tpu.vector_store %arg16[%swap3A_389, %swap3A_390], %swap3A_393 {strides = array<i32>} : memref<128x128xf32, #tpu.memory_space<vmem>>, vector<1x16xf32>,
      %broadcast_in_dim3A_394 = arith.constant 0.000000e+00 : f32
      %broadcast_in_dim3A_395 = vector.broadcast %broadcast_in_dim3A_394 : f32 to vector<16xf32>
      %swap3A_396 = arith.index_cast %scan3A_373 : i32 to index
      %swap3A_397 = arith.constant 48 : index
      %swap3A_398 = tpu.vector_load %arg16[%swap3A_396, %swap3A_397] {strides = array<i32>} : memref<128x128xf32, #tpu.memory_space<vmem>>, vector<1x16xf32>,
      %swap3A_399 = vector.shape_cast %swap3A_398 : vector<1x16xf32> to vector<16xf32>
      %swap3A_400 = vector.shape_cast %broadcast_in_dim3A_395 : vector<16xf32> to vector<1x16xf32>
      tpu.vector_store %arg16[%swap3A_396, %swap3A_397], %swap3A_400 {strides = array<i32>} : memref<128x128xf32, #tpu.memory_space<vmem>>, vector<1x16xf32>,
      %broadcast_in_dim3A_401 = arith.constant 0.000000e+00 : f32
      %broadcast_in_dim3A_402 = vector.broadcast %broadcast_in_dim3A_401 : f32 to vector<16xf32>
      %swap3A_403 = arith.index_cast %scan3A_373 : i32 to index
      %swap3A_404 = arith.constant 64 : index
      %swap3A_405 = tpu.vector_load %arg16[%swap3A_403, %swap3A_404] {strides = array<i32>} : memref<128x128xf32, #tpu.memory_space<vmem>>, vector<1x16xf32>,
      %swap3A_406 = vector.shape_cast %swap3A_405 : vector<1x16xf32> to vector<16xf32>
      %swap3A_407 = vector.shape_cast %broadcast_in_dim3A_402 : vector<16xf32> to vector<1x16xf32>
      tpu.vector_store %arg16[%swap3A_403, %swap3A_404], %swap3A_407 {strides = array<i32>} : memref<128x128xf32, #tpu.memory_space<vmem>>, vector<1x16xf32>,
      %broadcast_in_dim3A_408 = arith.constant 0.000000e+00 : f32
      %broadcast_in_dim3A_409 = vector.broadcast %broadcast_in_dim3A_408 : f32 to vector<16xf32>
      %swap3A_410 = arith.index_cast %scan3A_373 : i32 to index
      %swap3A_411 = arith.constant 80 : index
      %swap3A_412 = tpu.vector_load %arg16[%swap3A_410, %swap3A_411] {strides = array<i32>} : memref<128x128xf32, #tpu.memory_space<vmem>>, vector<1x16xf32>,
      %swap3A_413 = vector.shape_cast %swap3A_412 : vector<1x16xf32> to vector<16xf32>
      %swap3A_414 = vector.shape_cast %broadcast_in_dim3A_409 : vector<16xf32> to vector<1x16xf32>
      tpu.vector_store %arg16[%swap3A_410, %swap3A_411], %swap3A_414 {strides = array<i32>} : memref<128x128xf32, #tpu.memory_space<vmem>>, vector<1x16xf32>,
      %broadcast_in_dim3A_415 = arith.constant 0.000000e+00 : f32
      %broadcast_in_dim3A_416 = vector.broadcast %broadcast_in_dim3A_415 : f32 to vector<16xf32>
      %swap3A_417 = arith.index_cast %scan3A_373 : i32 to index
      %swap3A_418 = arith.constant 96 : index
      %swap3A_419 = tpu.vector_load %arg16[%swap3A_417, %swap3A_418] {strides = array<i32>} : memref<128x128xf32, #tpu.memory_space<vmem>>, vector<1x16xf32>,
      %swap3A_420 = vector.shape_cast %swap3A_419 : vector<1x16xf32> to vector<16xf32>
      %swap3A_421 = vector.shape_cast %broadcast_in_dim3A_416 : vector<16xf32> to vector<1x16xf32>
      tpu.vector_store %arg16[%swap3A_417, %swap3A_418], %swap3A_421 {strides = array<i32>} : memref<128x128xf32, #tpu.memory_space<vmem>>, vector<1x16xf32>,
      %broadcast_in_dim3A_422 = arith.constant 0.000000e+00 : f32
      %broadcast_in_dim3A_423 = vector.broadcast %broadcast_in_dim3A_422 : f32 to vector<16xf32>
      %swap3A_424 = arith.index_cast %scan3A_373 : i32 to index
      %swap3A_425 = arith.constant 112 : index
      %swap3A_426 = tpu.vector_load %arg16[%swap3A_424, %swap3A_425] {strides = array<i32>} : memref<128x128xf32, #tpu.memory_space<vmem>>, vector<1x16xf32>,
      %swap3A_427 = vector.shape_cast %swap3A_426 : vector<1x16xf32> to vector<16xf32>
      %swap3A_428 = vector.shape_cast %broadcast_in_dim3A_423 : vector<16xf32> to vector<1x16xf32>
      tpu.vector_store %arg16[%swap3A_424, %swap3A_425], %swap3A_428 {strides = array<i32>} : memref<128x128xf32, #tpu.memory_space<vmem>>, vector<1x16xf32>,
      %scan3A_429 = arith.constant 0 : i32
      scf.yield %scan3A_429 : i32
    }
    %scan3A_6 = arith.constant 128 : i32
    %mul3A_7 = arith.constant 640 : i32
    %mul3A_8 = arith.muli %arg1, %mul3A_7 : i32
    %add3A_9 = arith.constant 0 : i32
    %add3A_10 = arith.addi %mul3A_8, %add3A_9 : i32
    "tpu.region"() ({
      %run_scoped3A = tpu.sem_alloc : memref<!tpu.dma_semaphore, #tpu.memory_space<semaphore_mem>>
      %dma_start3A_373 = arith.constant 0 : i32
      %dma_start3A_374 = tpu.memref_slice %arg17[%add3A_10, %dma_start3A_373] : memref<10240x128xf32, #tpu.memory_space<vmem_shared>> -> memref<128x128xf32, #tpu.memory_space<vmem_shared>>
      %dma_start3A_375 = arith.constant 0 : i32
      %dma_start3A_376 = tpu.memref_slice %arg17[%add3A_10, %dma_start3A_375] : memref<10240x128xf32, #tpu.memory_space<vmem_shared>> -> memref<128x128xf32, #tpu.memory_space<vmem_shared>>
      tpu.enqueue_dma source(%arg16 : memref<128x128xf32, #tpu.memory_space<vmem>>) target(%dma_start3A_376 : memref<128x128xf32, #tpu.memory_space<vmem_shared>>) target_semaphore(%run_scoped3A : memref<!tpu.dma_semaphore, #tpu.memory_space<semaphore_mem>>)
      %dma_wait3A_377 = arith.constant 0 : i32
      %dma_wait3A_378 = tpu.memref_slice %arg17[%add3A_10, %dma_wait3A_377] : memref<10240x128xf32, #tpu.memory_space<vmem_shared>> -> memref<128x128xf32, #tpu.memory_space<vmem_shared>>
      %dma_wait3A_379 = arith.constant 0 : i32
      %dma_wait3A_380 = tpu.memref_slice %arg17[%add3A_10, %dma_wait3A_379] : memref<10240x128xf32, #tpu.memory_space<vmem_shared>> -> memref<128x128xf32, #tpu.memory_space<vmem_shared>>
      tpu.wait_dma2 semaphore(%run_scoped3A : memref<!tpu.dma_semaphore, #tpu.memory_space<semaphore_mem>>) src(%arg16 : memref<128x128xf32, #tpu.memory_space<vmem>>) dst(%dma_wait3A_380 : memref<128x128xf32, #tpu.memory_space<vmem_shared>>)
      tpu.yield
    }) : () -> ()
    %mul3A_11 = arith.constant 640 : i32
    %mul3A_12 = arith.muli %arg1, %mul3A_11 : i32
    %add3A_13 = arith.constant 128 : i32
    %add3A_14 = arith.addi %mul3A_12, %add3A_13 : i32
    "tpu.region"() ({
      %run_scoped3A = tpu.sem_alloc : memref<!tpu.dma_semaphore, #tpu.memory_space<semaphore_mem>>
      %dma_start3A_373 = arith.constant 0 : i32
      %dma_start3A_374 = tpu.memref_slice %arg17[%add3A_14, %dma_start3A_373] : memref<10240x128xf32, #tpu.memory_space<vmem_shared>> -> memref<128x128xf32, #tpu.memory_space<vmem_shared>>
      %dma_start3A_375 = arith.constant 0 : i32
      %dma_start3A_376 = tpu.memref_slice %arg17[%add3A_14, %dma_start3A_375] : memref<10240x128xf32, #tpu.memory_space<vmem_shared>> -> memref<128x128xf32, #tpu.memory_space<vmem_shared>>
      tpu.enqueue_dma source(%arg16 : memref<128x128xf32, #tpu.memory_space<vmem>>) target(%dma_start3A_376 : memref<128x128xf32, #tpu.memory_space<vmem_shared>>) target_semaphore(%run_scoped3A : memref<!tpu.dma_semaphore, #tpu.memory_space<semaphore_mem>>)
      %dma_wait3A_377 = arith.constant 0 : i32
      %dma_wait3A_378 = tpu.memref_slice %arg17[%add3A_14, %dma_wait3A_377] : memref<10240x128xf32, #tpu.memory_space<vmem_shared>> -> memref<128x128xf32, #tpu.memory_space<vmem_shared>>
      %dma_wait3A_379 = arith.constant 0 : i32
      %dma_wait3A_380 = tpu.memref_slice %arg17[%add3A_14, %dma_wait3A_379] : memref<10240x128xf32, #tpu.memory_space<vmem_shared>> -> memref<128x128xf32, #tpu.memory_space<vmem_shared>>
      tpu.wait_dma2 semaphore(%run_scoped3A : memref<!tpu.dma_semaphore, #tpu.memory_space<semaphore_mem>>) src(%arg16 : memref<128x128xf32, #tpu.memory_space<vmem>>) dst(%dma_wait3A_380 : memref<128x128xf32, #tpu.memory_space<vmem_shared>>)
      tpu.yield
    }) : () -> ()
    %mul3A_15 = arith.constant 640 : i32
    %mul3A_16 = arith.muli %arg1, %mul3A_15 : i32
    %add3A_17 = arith.constant 256 : i32
    %add3A_18 = arith.addi %mul3A_16, %add3A_17 : i32
    "tpu.region"() ({
      %run_scoped3A = tpu.sem_alloc : memref<!tpu.dma_semaphore, #tpu.memory_space<semaphore_mem>>
      %dma_start3A_373 = arith.constant 0 : i32
      %dma_start3A_374 = tpu.memref_slice %arg17[%add3A_18, %dma_start3A_373] : memref<10240x128xf32, #tpu.memory_space<vmem_shared>> -> memref<128x128xf32, #tpu.memory_space<vmem_shared>>
      %dma_start3A_375 = arith.constant 0 : i32
      %dma_start3A_376 = tpu.memref_slice %arg17[%add3A_18, %dma_start3A_375] : memref<10240x128xf32, #tpu.memory_space<vmem_shared>> -> memref<128x128xf32, #tpu.memory_space<vmem_shared>>
      tpu.enqueue_dma source(%arg16 : memref<128x128xf32, #tpu.memory_space<vmem>>) target(%dma_start3A_376 : memref<128x128xf32, #tpu.memory_space<vmem_shared>>) target_semaphore(%run_scoped3A : memref<!tpu.dma_semaphore, #tpu.memory_space<semaphore_mem>>)
      %dma_wait3A_377 = arith.constant 0 : i32
      %dma_wait3A_378 = tpu.memref_slice %arg17[%add3A_18, %dma_wait3A_377] : memref<10240x128xf32, #tpu.memory_space<vmem_shared>> -> memref<128x128xf32, #tpu.memory_space<vmem_shared>>
      %dma_wait3A_379 = arith.constant 0 : i32
      %dma_wait3A_380 = tpu.memref_slice %arg17[%add3A_18, %dma_wait3A_379] : memref<10240x128xf32, #tpu.memory_space<vmem_shared>> -> memref<128x128xf32, #tpu.memory_space<vmem_shared>>
      tpu.wait_dma2 semaphore(%run_scoped3A : memref<!tpu.dma_semaphore, #tpu.memory_space<semaphore_mem>>) src(%arg16 : memref<128x128xf32, #tpu.memory_space<vmem>>) dst(%dma_wait3A_380 : memref<128x128xf32, #tpu.memory_space<vmem_shared>>)
      tpu.yield
    }) : () -> ()
    %mul3A_19 = arith.constant 640 : i32
    %mul3A_20 = arith.muli %arg1, %mul3A_19 : i32
    %add3A_21 = arith.constant 384 : i32
    %add3A_22 = arith.addi %mul3A_20, %add3A_21 : i32
    "tpu.region"() ({
      %run_scoped3A = tpu.sem_alloc : memref<!tpu.dma_semaphore, #tpu.memory_space<semaphore_mem>>
      %dma_start3A_373 = arith.constant 0 : i32
      %dma_start3A_374 = tpu.memref_slice %arg17[%add3A_22, %dma_start3A_373] : memref<10240x128xf32, #tpu.memory_space<vmem_shared>> -> memref<128x128xf32, #tpu.memory_space<vmem_shared>>
      %dma_start3A_375 = arith.constant 0 : i32
      %dma_start3A_376 = tpu.memref_slice %arg17[%add3A_22, %dma_start3A_375] : memref<10240x128xf32, #tpu.memory_space<vmem_shared>> -> memref<128x128xf32, #tpu.memory_space<vmem_shared>>
      tpu.enqueue_dma source(%arg16 : memref<128x128xf32, #tpu.memory_space<vmem>>) target(%dma_start3A_376 : memref<128x128xf32, #tpu.memory_space<vmem_shared>>) target_semaphore(%run_scoped3A : memref<!tpu.dma_semaphore, #tpu.memory_space<semaphore_mem>>)
      %dma_wait3A_377 = arith.constant 0 : i32
      %dma_wait3A_378 = tpu.memref_slice %arg17[%add3A_22, %dma_wait3A_377] : memref<10240x128xf32, #tpu.memory_space<vmem_shared>> -> memref<128x128xf32, #tpu.memory_space<vmem_shared>>
      %dma_wait3A_379 = arith.constant 0 : i32
      %dma_wait3A_380 = tpu.memref_slice %arg17[%add3A_22, %dma_wait3A_379] : memref<10240x128xf32, #tpu.memory_space<vmem_shared>> -> memref<128x128xf32, #tpu.memory_space<vmem_shared>>
      tpu.wait_dma2 semaphore(%run_scoped3A : memref<!tpu.dma_semaphore, #tpu.memory_space<semaphore_mem>>) src(%arg16 : memref<128x128xf32, #tpu.memory_space<vmem>>) dst(%dma_wait3A_380 : memref<128x128xf32, #tpu.memory_space<vmem_shared>>)
      tpu.yield
    }) : () -> ()
    %mul3A_23 = arith.constant 640 : i32
    %mul3A_24 = arith.muli %arg1, %mul3A_23 : i32
    %add3A_25 = arith.constant 512 : i32
    %add3A_26 = arith.addi %mul3A_24, %add3A_25 : i32
    "tpu.region"() ({
      %run_scoped3A = tpu.sem_alloc : memref<!tpu.dma_semaphore, #tpu.memory_space<semaphore_mem>>
      %dma_start3A_373 = arith.constant 0 : i32
      %dma_start3A_374 = tpu.memref_slice %arg17[%add3A_26, %dma_start3A_373] : memref<10240x128xf32, #tpu.memory_space<vmem_shared>> -> memref<128x128xf32, #tpu.memory_space<vmem_shared>>
      %dma_start3A_375 = arith.constant 0 : i32
      %dma_start3A_376 = tpu.memref_slice %arg17[%add3A_26, %dma_start3A_375] : memref<10240x128xf32, #tpu.memory_space<vmem_shared>> -> memref<128x128xf32, #tpu.memory_space<vmem_shared>>
      tpu.enqueue_dma source(%arg16 : memref<128x128xf32, #tpu.memory_space<vmem>>) target(%dma_start3A_376 : memref<128x128xf32, #tpu.memory_space<vmem_shared>>) target_semaphore(%run_scoped3A : memref<!tpu.dma_semaphore, #tpu.memory_space<semaphore_mem>>)
      %dma_wait3A_377 = arith.constant 0 : i32
      %dma_wait3A_378 = tpu.memref_slice %arg17[%add3A_26, %dma_wait3A_377] : memref<10240x128xf32, #tpu.memory_space<vmem_shared>> -> memref<128x128xf32, #tpu.memory_space<vmem_shared>>
      %dma_wait3A_379 = arith.constant 0 : i32
      %dma_wait3A_380 = tpu.memref_slice %arg17[%add3A_26, %dma_wait3A_379] : memref<10240x128xf32, #tpu.memory_space<vmem_shared>> -> memref<128x128xf32, #tpu.memory_space<vmem_shared>>
      tpu.wait_dma2 semaphore(%run_scoped3A : memref<!tpu.dma_semaphore, #tpu.memory_space<semaphore_mem>>) src(%arg16 : memref<128x128xf32, #tpu.memory_space<vmem>>) dst(%dma_wait3A_380 : memref<128x128xf32, #tpu.memory_space<vmem_shared>>)
      tpu.yield
    }) : () -> ()
    %barrier3A = arith.constant 0 : index
    tpu.barrier barrier_id(%barrier3A)
    %dma_start3A = arith.constant 0 : i32
    %dma_start3A_27 = arith.constant 0 : i32
    %dma_start3A_28 = tpu.memref_slice %arg3[%add3A, %dma_start3A, %dma_start3A_27] : memref<32x125x80xi32, #tpu.memory_space<hbm>> -> memref<1x1x80xi32, #tpu.memory_space<hbm>>
    %dma_start3A_29 = tpu.memref_squeeze %dma_start3A_28 : memref<1x1x80xi32, #tpu.memory_space<hbm>> -> memref<1x80xi32, #tpu.memory_space<hbm>>
    %dma_start3A_30 = arith.constant 0 : i32
    %dma_start3A_31 = arith.constant 0 : i32
    %dma_start3A_32 = tpu.memref_slice %arg3[%add3A, %dma_start3A_30, %dma_start3A_31] : memref<32x125x80xi32, #tpu.memory_space<hbm>> -> memref<1x1x80xi32, #tpu.memory_space<hbm>>
    %dma_start3A_33 = tpu.memref_squeeze %dma_start3A_32 : memref<1x1x80xi32, #tpu.memory_space<hbm>> -> memref<1x80xi32, #tpu.memory_space<hbm>>
    tpu.enqueue_dma source(%dma_start3A_33 : memref<1x80xi32, #tpu.memory_space<hbm>>) target(%arg6 : memref<1x80xi32, #tpu.memory_space<vmem>>) target_semaphore(%arg18 : memref<!tpu.dma_semaphore, #tpu.memory_space<semaphore_mem>>)
    %dma_start3A_34 = arith.constant 0 : i32
    %dma_start3A_35 = arith.constant 0 : i32
    %dma_start3A_36 = tpu.memref_slice %arg4[%add3A, %dma_start3A_34, %dma_start3A_35] : memref<32x125x80xi32, #tpu.memory_space<hbm>> -> memref<1x1x80xi32, #tpu.memory_space<hbm>>
    %dma_start3A_37 = tpu.memref_squeeze %dma_start3A_36 : memref<1x1x80xi32, #tpu.memory_space<hbm>> -> memref<1x80xi32, #tpu.memory_space<hbm>>
    %dma_start3A_38 = arith.constant 0 : i32
    %dma_start3A_39 = arith.constant 0 : i32
    %dma_start3A_40 = tpu.memref_slice %arg4[%add3A, %dma_start3A_38, %dma_start3A_39] : memref<32x125x80xi32, #tpu.memory_space<hbm>> -> memref<1x1x80xi32, #tpu.memory_space<hbm>>
    %dma_start3A_41 = tpu.memref_squeeze %dma_start3A_40 : memref<1x1x80xi32, #tpu.memory_space<hbm>> -> memref<1x80xi32, #tpu.memory_space<hbm>>
    tpu.enqueue_dma source(%dma_start3A_41 : memref<1x80xi32, #tpu.memory_space<hbm>>) target(%arg10 : memref<1x80xi32, #tpu.memory_space<vmem>>) target_semaphore(%arg18 : memref<!tpu.dma_semaphore, #tpu.memory_space<semaphore_mem>>)
    %dma_start3A_42 = arith.constant 1 : i32
    %dma_start3A_43 = arith.constant 0 : i32
    %dma_start3A_44 = tpu.memref_slice %arg3[%add3A, %dma_start3A_42, %dma_start3A_43] : memref<32x125x80xi32, #tpu.memory_space<hbm>> -> memref<1x1x80xi32, #tpu.memory_space<hbm>>
    %dma_start3A_45 = tpu.memref_squeeze %dma_start3A_44 : memref<1x1x80xi32, #tpu.memory_space<hbm>> -> memref<1x80xi32, #tpu.memory_space<hbm>>
    %dma_start3A_46 = arith.constant 1 : i32
    %dma_start3A_47 = arith.constant 0 : i32
    %dma_start3A_48 = tpu.memref_slice %arg3[%add3A, %dma_start3A_46, %dma_start3A_47] : memref<32x125x80xi32, #tpu.memory_space<hbm>> -> memref<1x1x80xi32, #tpu.memory_space<hbm>>
    %dma_start3A_49 = tpu.memref_squeeze %dma_start3A_48 : memref<1x1x80xi32, #tpu.memory_space<hbm>> -> memref<1x80xi32, #tpu.memory_space<hbm>>
    tpu.enqueue_dma source(%dma_start3A_49 : memref<1x80xi32, #tpu.memory_space<hbm>>) target(%arg7 : memref<1x80xi32, #tpu.memory_space<vmem>>) target_semaphore(%arg19 : memref<!tpu.dma_semaphore, #tpu.memory_space<semaphore_mem>>)
    %dma_start3A_50 = arith.constant 1 : i32
    %dma_start3A_51 = arith.constant 0 : i32
    %dma_start3A_52 = tpu.memref_slice %arg4[%add3A, %dma_start3A_50, %dma_start3A_51] : memref<32x125x80xi32, #tpu.memory_space<hbm>> -> memref<1x1x80xi32, #tpu.memory_space<hbm>>
    %dma_start3A_53 = tpu.memref_squeeze %dma_start3A_52 : memref<1x1x80xi32, #tpu.memory_space<hbm>> -> memref<1x80xi32, #tpu.memory_space<hbm>>
    %dma_start3A_54 = arith.constant 1 : i32
    %dma_start3A_55 = arith.constant 0 : i32
    %dma_start3A_56 = tpu.memref_slice %arg4[%add3A, %dma_start3A_54, %dma_start3A_55] : memref<32x125x80xi32, #tpu.memory_space<hbm>> -> memref<1x1x80xi32, #tpu.memory_space<hbm>>
    %dma_start3A_57 = tpu.memref_squeeze %dma_start3A_56 : memref<1x1x80xi32, #tpu.memory_space<hbm>> -> memref<1x80xi32, #tpu.memory_space<hbm>>
    tpu.enqueue_dma source(%dma_start3A_57 : memref<1x80xi32, #tpu.memory_space<hbm>>) target(%arg11 : memref<1x80xi32, #tpu.memory_space<vmem>>) target_semaphore(%arg19 : memref<!tpu.dma_semaphore, #tpu.memory_space<semaphore_mem>>)
    %dma_start3A_58 = arith.constant 2 : i32
    %dma_start3A_59 = arith.constant 0 : i32
    %dma_start3A_60 = tpu.memref_slice %arg3[%add3A, %dma_start3A_58, %dma_start3A_59] : memref<32x125x80xi32, #tpu.memory_space<hbm>> -> memref<1x1x80xi32, #tpu.memory_space<hbm>>
    %dma_start3A_61 = tpu.memref_squeeze %dma_start3A_60 : memref<1x1x80xi32, #tpu.memory_space<hbm>> -> memref<1x80xi32, #tpu.memory_space<hbm>>
    %dma_start3A_62 = arith.constant 2 : i32
    %dma_start3A_63 = arith.constant 0 : i32
    %dma_start3A_64 = tpu.memref_slice %arg3[%add3A, %dma_start3A_62, %dma_start3A_63] : memref<32x125x80xi32, #tpu.memory_space<hbm>> -> memref<1x1x80xi32, #tpu.memory_space<hbm>>
    %dma_start3A_65 = tpu.memref_squeeze %dma_start3A_64 : memref<1x1x80xi32, #tpu.memory_space<hbm>> -> memref<1x80xi32, #tpu.memory_space<hbm>>
    tpu.enqueue_dma source(%dma_start3A_65 : memref<1x80xi32, #tpu.memory_space<hbm>>) target(%arg8 : memref<1x80xi32, #tpu.memory_space<vmem>>) target_semaphore(%arg20 : memref<!tpu.dma_semaphore, #tpu.memory_space<semaphore_mem>>)
    %dma_start3A_66 = arith.constant 2 : i32
    %dma_start3A_67 = arith.constant 0 : i32
    %dma_start3A_68 = tpu.memref_slice %arg4[%add3A, %dma_start3A_66, %dma_start3A_67] : memref<32x125x80xi32, #tpu.memory_space<hbm>> -> memref<1x1x80xi32, #tpu.memory_space<hbm>>
    %dma_start3A_69 = tpu.memref_squeeze %dma_start3A_68 : memref<1x1x80xi32, #tpu.memory_space<hbm>> -> memref<1x80xi32, #tpu.memory_space<hbm>>
    %dma_start3A_70 = arith.constant 2 : i32
    %dma_start3A_71 = arith.constant 0 : i32
    %dma_start3A_72 = tpu.memref_slice %arg4[%add3A, %dma_start3A_70, %dma_start3A_71] : memref<32x125x80xi32, #tpu.memory_space<hbm>> -> memref<1x1x80xi32, #tpu.memory_space<hbm>>
    %dma_start3A_73 = tpu.memref_squeeze %dma_start3A_72 : memref<1x1x80xi32, #tpu.memory_space<hbm>> -> memref<1x80xi32, #tpu.memory_space<hbm>>
    tpu.enqueue_dma source(%dma_start3A_73 : memref<1x80xi32, #tpu.memory_space<hbm>>) target(%arg12 : memref<1x80xi32, #tpu.memory_space<vmem>>) target_semaphore(%arg20 : memref<!tpu.dma_semaphore, #tpu.memory_space<semaphore_mem>>)
    %dma_start3A_74 = arith.constant 3 : i32
    %dma_start3A_75 = arith.constant 0 : i32
    %dma_start3A_76 = tpu.memref_slice %arg3[%add3A, %dma_start3A_74, %dma_start3A_75] : memref<32x125x80xi32, #tpu.memory_space<hbm>> -> memref<1x1x80xi32, #tpu.memory_space<hbm>>
    %dma_start3A_77 = tpu.memref_squeeze %dma_start3A_76 : memref<1x1x80xi32, #tpu.memory_space<hbm>> -> memref<1x80xi32, #tpu.memory_space<hbm>>
    %dma_start3A_78 = arith.constant 3 : i32
    %dma_start3A_79 = arith.constant 0 : i32
    %dma_start3A_80 = tpu.memref_slice %arg3[%add3A, %dma_start3A_78, %dma_start3A_79] : memref<32x125x80xi32, #tpu.memory_space<hbm>> -> memref<1x1x80xi32, #tpu.memory_space<hbm>>
    %dma_start3A_81 = tpu.memref_squeeze %dma_start3A_80 : memref<1x1x80xi32, #tpu.memory_space<hbm>> -> memref<1x80xi32, #tpu.memory_space<hbm>>
    tpu.enqueue_dma source(%dma_start3A_81 : memref<1x80xi32, #tpu.memory_space<hbm>>) target(%arg9 : memref<1x80xi32, #tpu.memory_space<vmem>>) target_semaphore(%arg21 : memref<!tpu.dma_semaphore, #tpu.memory_space<semaphore_mem>>)
    %dma_start3A_82 = arith.constant 3 : i32
    %dma_start3A_83 = arith.constant 0 : i32
    %dma_start3A_84 = tpu.memref_slice %arg4[%add3A, %dma_start3A_82, %dma_start3A_83] : memref<32x125x80xi32, #tpu.memory_space<hbm>> -> memref<1x1x80xi32, #tpu.memory_space<hbm>>
    %dma_start3A_85 = tpu.memref_squeeze %dma_start3A_84 : memref<1x1x80xi32, #tpu.memory_space<hbm>> -> memref<1x80xi32, #tpu.memory_space<hbm>>
    %dma_start3A_86 = arith.constant 3 : i32
    %dma_start3A_87 = arith.constant 0 : i32
    %dma_start3A_88 = tpu.memref_slice %arg4[%add3A, %dma_start3A_86, %dma_start3A_87] : memref<32x125x80xi32, #tpu.memory_space<hbm>> -> memref<1x1x80xi32, #tpu.memory_space<hbm>>
    %dma_start3A_89 = tpu.memref_squeeze %dma_start3A_88 : memref<1x1x80xi32, #tpu.memory_space<hbm>> -> memref<1x80xi32, #tpu.memory_space<hbm>>
    tpu.enqueue_dma source(%dma_start3A_89 : memref<1x80xi32, #tpu.memory_space<hbm>>) target(%arg13 : memref<1x80xi32, #tpu.memory_space<vmem>>) target_semaphore(%arg21 : memref<!tpu.dma_semaphore, #tpu.memory_space<semaphore_mem>>)
    %dma_wait3A = arith.constant 0 : i32
    %dma_wait3A_90 = arith.constant 0 : i32
    %dma_wait3A_91 = tpu.memref_slice %arg3[%add3A, %dma_wait3A, %dma_wait3A_90] : memref<32x125x80xi32, #tpu.memory_space<hbm>> -> memref<1x1x80xi32, #tpu.memory_space<hbm>>
    %dma_wait3A_92 = tpu.memref_squeeze %dma_wait3A_91 : memref<1x1x80xi32, #tpu.memory_space<hbm>> -> memref<1x80xi32, #tpu.memory_space<hbm>>
    %dma_wait3A_93 = arith.constant 0 : i32
    %dma_wait3A_94 = arith.constant 0 : i32
    %dma_wait3A_95 = tpu.memref_slice %arg3[%add3A, %dma_wait3A_93, %dma_wait3A_94] : memref<32x125x80xi32, #tpu.memory_space<hbm>> -> memref<1x1x80xi32, #tpu.memory_space<hbm>>
    %dma_wait3A_96 = tpu.memref_squeeze %dma_wait3A_95 : memref<1x1x80xi32, #tpu.memory_space<hbm>> -> memref<1x80xi32, #tpu.memory_space<hbm>>
    tpu.wait_dma2 semaphore(%arg18 : memref<!tpu.dma_semaphore, #tpu.memory_space<semaphore_mem>>) src(%dma_wait3A_96 : memref<1x80xi32, #tpu.memory_space<hbm>>) dst(%arg6 : memref<1x80xi32, #tpu.memory_space<vmem>>)
    %dma_wait3A_97 = arith.constant 0 : i32
    %dma_wait3A_98 = arith.constant 0 : i32
    %dma_wait3A_99 = tpu.memref_slice %arg4[%add3A, %dma_wait3A_97, %dma_wait3A_98] : memref<32x125x80xi32, #tpu.memory_space<hbm>> -> memref<1x1x80xi32, #tpu.memory_space<hbm>>
    %dma_wait3A_100 = tpu.memref_squeeze %dma_wait3A_99 : memref<1x1x80xi32, #tpu.memory_space<hbm>> -> memref<1x80xi32, #tpu.memory_space<hbm>>
    %dma_wait3A_101 = arith.constant 0 : i32
    %dma_wait3A_102 = arith.constant 0 : i32
    %dma_wait3A_103 = tpu.memref_slice %arg4[%add3A, %dma_wait3A_101, %dma_wait3A_102] : memref<32x125x80xi32, #tpu.memory_space<hbm>> -> memref<1x1x80xi32, #tpu.memory_space<hbm>>
    %dma_wait3A_104 = tpu.memref_squeeze %dma_wait3A_103 : memref<1x1x80xi32, #tpu.memory_space<hbm>> -> memref<1x80xi32, #tpu.memory_space<hbm>>
    tpu.wait_dma2 semaphore(%arg18 : memref<!tpu.dma_semaphore, #tpu.memory_space<semaphore_mem>>) src(%dma_wait3A_104 : memref<1x80xi32, #tpu.memory_space<hbm>>) dst(%arg10 : memref<1x80xi32, #tpu.memory_space<vmem>>)
    %dma_start3A_105 = arith.constant 0 : i32
    %dma_start3A_106 = arith.constant 0 : i32
    %dma_start3A_107 = tpu.memref_slice %arg6[%dma_start3A_105, %dma_start3A_106] : memref<1x80xi32, #tpu.memory_space<vmem>> -> memref<1x80xi32, #tpu.memory_space<vmem>>
    %dma_start3A_108 = tpu.memref_squeeze %dma_start3A_107 : memref<1x80xi32, #tpu.memory_space<vmem>> -> memref<80xi32, #tpu.memory_space<vmem>>
    %dma_start3A_109 = arith.constant 0 : i32
    %dma_start3A_110 = arith.constant 0 : i32
    %dma_start3A_111 = tpu.memref_slice %arg2[%dma_start3A_109, %dma_start3A_110] : memref<10000x128xf32, #tpu.memory_space<hbm>> -> memref<10000x128xf32, #tpu.memory_space<hbm>>
    tpu.enqueue_indirect_dma source(%dma_start3A_111 : memref<10000x128xf32, #tpu.memory_space<hbm>>) target(%arg14 : memref<80x128xf32, #tpu.memory_space<vmem>>) offsets(%dma_start3A_108 : memref<80xi32, #tpu.memory_space<vmem>>) semaphore(%arg22 : memref<!tpu.dma_semaphore, #tpu.memory_space<semaphore_mem>>)
    %dma_wait3A_112 = arith.constant 0 : i32
    %dma_wait3A_113 = arith.constant 0 : i32
    %dma_wait3A_114 = tpu.memref_slice %arg3[%add3A, %dma_wait3A_112, %dma_wait3A_113] : memref<32x125x80xi32, #tpu.memory_space<hbm>> -> memref<1x1x80xi32, #tpu.memory_space<hbm>>
    %dma_wait3A_115 = tpu.memref_squeeze %dma_wait3A_114 : memref<1x1x80xi32, #tpu.memory_space<hbm>> -> memref<1x80xi32, #tpu.memory_space<hbm>>
    %dma_wait3A_116 = arith.constant 0 : i32
    %dma_wait3A_117 = arith.constant 0 : i32
    %dma_wait3A_118 = tpu.memref_slice %arg3[%add3A, %dma_wait3A_116, %dma_wait3A_117] : memref<32x125x80xi32, #tpu.memory_space<hbm>> -> memref<1x1x80xi32, #tpu.memory_space<hbm>>
    %dma_wait3A_119 = tpu.memref_squeeze %dma_wait3A_118 : memref<1x1x80xi32, #tpu.memory_space<hbm>> -> memref<1x80xi32, #tpu.memory_space<hbm>>
    tpu.wait_dma2 semaphore(%arg19 : memref<!tpu.dma_semaphore, #tpu.memory_space<semaphore_mem>>) src(%dma_wait3A_119 : memref<1x80xi32, #tpu.memory_space<hbm>>) dst(%arg7 : memref<1x80xi32, #tpu.memory_space<vmem>>)
    %dma_wait3A_120 = arith.constant 0 : i32
    %dma_wait3A_121 = arith.constant 0 : i32
    %dma_wait3A_122 = tpu.memref_slice %arg4[%add3A, %dma_wait3A_120, %dma_wait3A_121] : memref<32x125x80xi32, #tpu.memory_space<hbm>> -> memref<1x1x80xi32, #tpu.memory_space<hbm>>
    %dma_wait3A_123 = tpu.memref_squeeze %dma_wait3A_122 : memref<1x1x80xi32, #tpu.memory_space<hbm>> -> memref<1x80xi32, #tpu.memory_space<hbm>>
    %dma_wait3A_124 = arith.constant 0 : i32
    %dma_wait3A_125 = arith.constant 0 : i32
    %dma_wait3A_126 = tpu.memref_slice %arg4[%add3A, %dma_wait3A_124, %dma_wait3A_125] : memref<32x125x80xi32, #tpu.memory_space<hbm>> -> memref<1x1x80xi32, #tpu.memory_space<hbm>>
    %dma_wait3A_127 = tpu.memref_squeeze %dma_wait3A_126 : memref<1x1x80xi32, #tpu.memory_space<hbm>> -> memref<1x80xi32, #tpu.memory_space<hbm>>
    tpu.wait_dma2 semaphore(%arg19 : memref<!tpu.dma_semaphore, #tpu.memory_space<semaphore_mem>>) src(%dma_wait3A_127 : memref<1x80xi32, #tpu.memory_space<hbm>>) dst(%arg11 : memref<1x80xi32, #tpu.memory_space<vmem>>)
    %dma_start3A_128 = arith.constant 0 : i32
    %dma_start3A_129 = arith.constant 0 : i32
    %dma_start3A_130 = tpu.memref_slice %arg7[%dma_start3A_128, %dma_start3A_129] : memref<1x80xi32, #tpu.memory_space<vmem>> -> memref<1x80xi32, #tpu.memory_space<vmem>>
    %dma_start3A_131 = tpu.memref_squeeze %dma_start3A_130 : memref<1x80xi32, #tpu.memory_space<vmem>> -> memref<80xi32, #tpu.memory_space<vmem>>
    %dma_start3A_132 = arith.constant 0 : i32
    %dma_start3A_133 = arith.constant 0 : i32
    %dma_start3A_134 = tpu.memref_slice %arg2[%dma_start3A_132, %dma_start3A_133] : memref<10000x128xf32, #tpu.memory_space<hbm>> -> memref<10000x128xf32, #tpu.memory_space<hbm>>
    tpu.enqueue_indirect_dma source(%dma_start3A_134 : memref<10000x128xf32, #tpu.memory_space<hbm>>) target(%arg15 : memref<80x128xf32, #tpu.memory_space<vmem>>) offsets(%dma_start3A_131 : memref<80xi32, #tpu.memory_space<vmem>>) semaphore(%arg23 : memref<!tpu.dma_semaphore, #tpu.memory_space<semaphore_mem>>)
    %scan3A_135 = arith.constant 0 : i32
    %scan3A_136 = arith.constant 0 : i32
    %scan3A_137 = arith.constant 30 : i32
    %scan3A_138 = arith.addi %scan3A_136, %scan3A_137 : i32
    %scan3A_139 = arith.constant 1 : i32
    %scan3A_140 = scf.for %scan3A_373 = %scan3A_136 to %scan3A_138 step %scan3A_139 iter_args(%scan3A_374 = %scan3A_135) -> (i32)  : i32 {
      %mul3A_375 = arith.constant 4 : i32
      %mul3A_376 = arith.muli %mul3A_375, %scan3A_373 : i32
      %dma_wait3A_377 = arith.constant 0 : i32
      %dma_wait3A_378 = arith.constant 0 : i32
      %dma_wait3A_379 = tpu.memref_slice %arg6[%dma_wait3A_377, %dma_wait3A_378] : memref<1x80xi32, #tpu.memory_space<vmem>> -> memref<1x80xi32, #tpu.memory_space<vmem>>
      %dma_wait3A_380 = tpu.memref_squeeze %dma_wait3A_379 : memref<1x80xi32, #tpu.memory_space<vmem>> -> memref<80xi32, #tpu.memory_space<vmem>>
      %dma_wait3A_381 = arith.constant 0 : i32
      %dma_wait3A_382 = arith.constant 0 : i32
      %dma_wait3A_383 = tpu.memref_slice %arg2[%dma_wait3A_381, %dma_wait3A_382] : memref<10000x128xf32, #tpu.memory_space<hbm>> -> memref<10000x128xf32, #tpu.memory_space<hbm>>
      tpu.wait_indirect_dma semaphore(%arg22 : memref<!tpu.dma_semaphore, #tpu.memory_space<semaphore_mem>>) src(%dma_wait3A_383 : memref<10000x128xf32, #tpu.memory_space<hbm>>) dst(%arg14 : memref<80x128xf32, #tpu.memory_space<vmem>>)
      %dma_start3A_384 = arith.constant 0 : i32
      %dma_start3A_385 = arith.constant 0 : i32
      %dma_start3A_386 = tpu.memref_slice %arg10[%dma_start3A_384, %dma_start3A_385] : memref<1x80xi32, #tpu.memory_space<vmem>> -> memref<1x80xi32, #tpu.memory_space<vmem>>
      %dma_start3A_387 = tpu.memref_squeeze %dma_start3A_386 : memref<1x80xi32, #tpu.memory_space<vmem>> -> memref<80xi32, #tpu.memory_space<vmem>>
      %dma_start3A_388 = arith.constant 0 : i32
      %dma_start3A_389 = arith.constant 0 : i32
      %dma_start3A_390 = tpu.memref_slice %arg17[%dma_start3A_388, %dma_start3A_389] : memref<10240x128xf32, #tpu.memory_space<vmem_shared>> -> memref<10240x128xf32, #tpu.memory_space<vmem_shared>>
      tpu.enqueue_indirect_dma source(%arg14 : memref<80x128xf32, #tpu.memory_space<vmem>>) target(%dma_start3A_390 : memref<10240x128xf32, #tpu.memory_space<vmem_shared>>) offsets(%dma_start3A_387 : memref<80xi32, #tpu.memory_space<vmem>>) semaphore(%arg24 : memref<!tpu.dma_semaphore, #tpu.memory_space<semaphore_mem>>) {add = true}
      %dma_wait3A_391 = arith.constant 0 : i32
      %dma_wait3A_392 = arith.constant 0 : i32
      %dma_wait3A_393 = tpu.memref_slice %arg10[%dma_wait3A_391, %dma_wait3A_392] : memref<1x80xi32, #tpu.memory_space<vmem>> -> memref<1x80xi32, #tpu.memory_space<vmem>>
      %dma_wait3A_394 = tpu.memref_squeeze %dma_wait3A_393 : memref<1x80xi32, #tpu.memory_space<vmem>> -> memref<80xi32, #tpu.memory_space<vmem>>
      %dma_wait3A_395 = arith.constant 0 : i32
      %dma_wait3A_396 = arith.constant 0 : i32
      %dma_wait3A_397 = tpu.memref_slice %arg17[%dma_wait3A_395, %dma_wait3A_396] : memref<10240x128xf32, #tpu.memory_space<vmem_shared>> -> memref<10240x128xf32, #tpu.memory_space<vmem_shared>>
      tpu.wait_indirect_dma semaphore(%arg24 : memref<!tpu.dma_semaphore, #tpu.memory_space<semaphore_mem>>) src(%arg14 : memref<80x128xf32, #tpu.memory_space<vmem>>) dst(%dma_wait3A_397 : memref<10240x128xf32, #tpu.memory_space<vmem_shared>>)
      %add3A_398 = arith.constant 4 : i32
      %add3A_399 = arith.addi %mul3A_376, %add3A_398 : i32
      %dma_start3A_400 = arith.constant 0 : i32
      %dma_start3A_401 = tpu.memref_slice %arg3[%add3A, %add3A_399, %dma_start3A_400] : memref<32x125x80xi32, #tpu.memory_space<hbm>> -> memref<1x1x80xi32, #tpu.memory_space<hbm>>
      %dma_start3A_402 = tpu.memref_squeeze %dma_start3A_401 : memref<1x1x80xi32, #tpu.memory_space<hbm>> -> memref<1x80xi32, #tpu.memory_space<hbm>>
      %dma_start3A_403 = arith.constant 0 : i32
      %dma_start3A_404 = tpu.memref_slice %arg3[%add3A, %add3A_399, %dma_start3A_403] : memref<32x125x80xi32, #tpu.memory_space<hbm>> -> memref<1x1x80xi32, #tpu.memory_space<hbm>>
      %dma_start3A_405 = tpu.memref_squeeze %dma_start3A_404 : memref<1x1x80xi32, #tpu.memory_space<hbm>> -> memref<1x80xi32, #tpu.memory_space<hbm>>
      tpu.enqueue_dma source(%dma_start3A_405 : memref<1x80xi32, #tpu.memory_space<hbm>>) target(%arg6 : memref<1x80xi32, #tpu.memory_space<vmem>>) target_semaphore(%arg18 : memref<!tpu.dma_semaphore, #tpu.memory_space<semaphore_mem>>)
      %dma_start3A_406 = arith.constant 0 : i32
      %dma_start3A_407 = tpu.memref_slice %arg4[%add3A, %add3A_399, %dma_start3A_406] : memref<32x125x80xi32, #tpu.memory_space<hbm>> -> memref<1x1x80xi32, #tpu.memory_space<hbm>>
      %dma_start3A_408 = tpu.memref_squeeze %dma_start3A_407 : memref<1x1x80xi32, #tpu.memory_space<hbm>> -> memref<1x80xi32, #tpu.memory_space<hbm>>
      %dma_start3A_409 = arith.constant 0 : i32
      %dma_start3A_410 = tpu.memref_slice %arg4[%add3A, %add3A_399, %dma_start3A_409] : memref<32x125x80xi32, #tpu.memory_space<hbm>> -> memref<1x1x80xi32, #tpu.memory_space<hbm>>
      %dma_start3A_411 = tpu.memref_squeeze %dma_start3A_410 : memref<1x1x80xi32, #tpu.memory_space<hbm>> -> memref<1x80xi32, #tpu.memory_space<hbm>>
      tpu.enqueue_dma source(%dma_start3A_411 : memref<1x80xi32, #tpu.memory_space<hbm>>) target(%arg10 : memref<1x80xi32, #tpu.memory_space<vmem>>) target_semaphore(%arg18 : memref<!tpu.dma_semaphore, #tpu.memory_space<semaphore_mem>>)
      %dma_wait3A_412 = arith.constant 0 : i32
      %dma_wait3A_413 = arith.constant 0 : i32
      %dma_wait3A_414 = tpu.memref_slice %arg3[%add3A, %dma_wait3A_412, %dma_wait3A_413] : memref<32x125x80xi32, #tpu.memory_space<hbm>> -> memref<1x1x80xi32, #tpu.memory_space<hbm>>
      %dma_wait3A_415 = tpu.memref_squeeze %dma_wait3A_414 : memref<1x1x80xi32, #tpu.memory_space<hbm>> -> memref<1x80xi32, #tpu.memory_space<hbm>>
      %dma_wait3A_416 = arith.constant 0 : i32
      %dma_wait3A_417 = arith.constant 0 : i32
      %dma_wait3A_418 = tpu.memref_slice %arg3[%add3A, %dma_wait3A_416, %dma_wait3A_417] : memref<32x125x80xi32, #tpu.memory_space<hbm>> -> memref<1x1x80xi32, #tpu.memory_space<hbm>>
      %dma_wait3A_419 = tpu.memref_squeeze %dma_wait3A_418 : memref<1x1x80xi32, #tpu.memory_space<hbm>> -> memref<1x80xi32, #tpu.memory_space<hbm>>
      tpu.wait_dma2 semaphore(%arg20 : memref<!tpu.dma_semaphore, #tpu.memory_space<semaphore_mem>>) src(%dma_wait3A_419 : memref<1x80xi32, #tpu.memory_space<hbm>>) dst(%arg8 : memref<1x80xi32, #tpu.memory_space<vmem>>)
      %dma_wait3A_420 = arith.constant 0 : i32
      %dma_wait3A_421 = arith.constant 0 : i32
      %dma_wait3A_422 = tpu.memref_slice %arg4[%add3A, %dma_wait3A_420, %dma_wait3A_421] : memref<32x125x80xi32, #tpu.memory_space<hbm>> -> memref<1x1x80xi32, #tpu.memory_space<hbm>>
      %dma_wait3A_423 = tpu.memref_squeeze %dma_wait3A_422 : memref<1x1x80xi32, #tpu.memory_space<hbm>> -> memref<1x80xi32, #tpu.memory_space<hbm>>
      %dma_wait3A_424 = arith.constant 0 : i32
      %dma_wait3A_425 = arith.constant 0 : i32
      %dma_wait3A_426 = tpu.memref_slice %arg4[%add3A, %dma_wait3A_424, %dma_wait3A_425] : memref<32x125x80xi32, #tpu.memory_space<hbm>> -> memref<1x1x80xi32, #tpu.memory_space<hbm>>
      %dma_wait3A_427 = tpu.memref_squeeze %dma_wait3A_426 : memref<1x1x80xi32, #tpu.memory_space<hbm>> -> memref<1x80xi32, #tpu.memory_space<hbm>>
      tpu.wait_dma2 semaphore(%arg20 : memref<!tpu.dma_semaphore, #tpu.memory_space<semaphore_mem>>) src(%dma_wait3A_427 : memref<1x80xi32, #tpu.memory_space<hbm>>) dst(%arg12 : memref<1x80xi32, #tpu.memory_space<vmem>>)
      %dma_start3A_428 = arith.constant 0 : i32
      %dma_start3A_429 = arith.constant 0 : i32
      %dma_start3A_430 = tpu.memref_slice %arg8[%dma_start3A_428, %dma_start3A_429] : memref<1x80xi32, #tpu.memory_space<vmem>> -> memref<1x80xi32, #tpu.memory_space<vmem>>
      %dma_start3A_431 = tpu.memref_squeeze %dma_start3A_430 : memref<1x80xi32, #tpu.memory_space<vmem>> -> memref<80xi32, #tpu.memory_space<vmem>>
      %dma_start3A_432 = arith.constant 0 : i32
      %dma_start3A_433 = arith.constant 0 : i32
      %dma_start3A_434 = tpu.memref_slice %arg2[%dma_start3A_432, %dma_start3A_433] : memref<10000x128xf32, #tpu.memory_space<hbm>> -> memref<10000x128xf32, #tpu.memory_space<hbm>>
      tpu.enqueue_indirect_dma source(%dma_start3A_434 : memref<10000x128xf32, #tpu.memory_space<hbm>>) target(%arg14 : memref<80x128xf32, #tpu.memory_space<vmem>>) offsets(%dma_start3A_431 : memref<80xi32, #tpu.memory_space<vmem>>) semaphore(%arg22 : memref<!tpu.dma_semaphore, #tpu.memory_space<semaphore_mem>>)
      %add3A_435 = arith.constant 1 : i32
      %add3A_436 = arith.addi %mul3A_376, %add3A_435 : i32
      %dma_wait3A_437 = arith.constant 0 : i32
      %dma_wait3A_438 = arith.constant 0 : i32
      %dma_wait3A_439 = tpu.memref_slice %arg7[%dma_wait3A_437, %dma_wait3A_438] : memref<1x80xi32, #tpu.memory_space<vmem>> -> memref<1x80xi32, #tpu.memory_space<vmem>>
      %dma_wait3A_440 = tpu.memref_squeeze %dma_wait3A_439 : memref<1x80xi32, #tpu.memory_space<vmem>> -> memref<80xi32, #tpu.memory_space<vmem>>
      %dma_wait3A_441 = arith.constant 0 : i32
      %dma_wait3A_442 = arith.constant 0 : i32
      %dma_wait3A_443 = tpu.memref_slice %arg2[%dma_wait3A_441, %dma_wait3A_442] : memref<10000x128xf32, #tpu.memory_space<hbm>> -> memref<10000x128xf32, #tpu.memory_space<hbm>>
      tpu.wait_indirect_dma semaphore(%arg23 : memref<!tpu.dma_semaphore, #tpu.memory_space<semaphore_mem>>) src(%dma_wait3A_443 : memref<10000x128xf32, #tpu.memory_space<hbm>>) dst(%arg15 : memref<80x128xf32, #tpu.memory_space<vmem>>)
      %dma_start3A_444 = arith.constant 0 : i32
      %dma_start3A_445 = arith.constant 0 : i32
      %dma_start3A_446 = tpu.memref_slice %arg11[%dma_start3A_444, %dma_start3A_445] : memref<1x80xi32, #tpu.memory_space<vmem>> -> memref<1x80xi32, #tpu.memory_space<vmem>>
      %dma_start3A_447 = tpu.memref_squeeze %dma_start3A_446 : memref<1x80xi32, #tpu.memory_space<vmem>> -> memref<80xi32, #tpu.memory_space<vmem>>
      %dma_start3A_448 = arith.constant 0 : i32
      %dma_start3A_449 = arith.constant 0 : i32
      %dma_start3A_450 = tpu.memref_slice %arg17[%dma_start3A_448, %dma_start3A_449] : memref<10240x128xf32, #tpu.memory_space<vmem_shared>> -> memref<10240x128xf32, #tpu.memory_space<vmem_shared>>
      tpu.enqueue_indirect_dma source(%arg15 : memref<80x128xf32, #tpu.memory_space<vmem>>) target(%dma_start3A_450 : memref<10240x128xf32, #tpu.memory_space<vmem_shared>>) offsets(%dma_start3A_447 : memref<80xi32, #tpu.memory_space<vmem>>) semaphore(%arg25 : memref<!tpu.dma_semaphore, #tpu.memory_space<semaphore_mem>>) {add = true}
      %dma_wait3A_451 = arith.constant 0 : i32
      %dma_wait3A_452 = arith.constant 0 : i32
      %dma_wait3A_453 = tpu.memref_slice %arg11[%dma_wait3A_451, %dma_wait3A_452] : memref<1x80xi32, #tpu.memory_space<vmem>> -> memref<1x80xi32, #tpu.memory_space<vmem>>
      %dma_wait3A_454 = tpu.memref_squeeze %dma_wait3A_453 : memref<1x80xi32, #tpu.memory_space<vmem>> -> memref<80xi32, #tpu.memory_space<vmem>>
      %dma_wait3A_455 = arith.constant 0 : i32
      %dma_wait3A_456 = arith.constant 0 : i32
      %dma_wait3A_457 = tpu.memref_slice %arg17[%dma_wait3A_455, %dma_wait3A_456] : memref<10240x128xf32, #tpu.memory_space<vmem_shared>> -> memref<10240x128xf32, #tpu.memory_space<vmem_shared>>
      tpu.wait_indirect_dma semaphore(%arg25 : memref<!tpu.dma_semaphore, #tpu.memory_space<semaphore_mem>>) src(%arg15 : memref<80x128xf32, #tpu.memory_space<vmem>>) dst(%dma_wait3A_457 : memref<10240x128xf32, #tpu.memory_space<vmem_shared>>)
      %add3A_458 = arith.constant 4 : i32
      %add3A_459 = arith.addi %add3A_436, %add3A_458 : i32
      %dma_start3A_460 = arith.constant 0 : i32
      %dma_start3A_461 = tpu.memref_slice %arg3[%add3A, %add3A_459, %dma_start3A_460] : memref<32x125x80xi32, #tpu.memory_space<hbm>> -> memref<1x1x80xi32, #tpu.memory_space<hbm>>
      %dma_start3A_462 = tpu.memref_squeeze %dma_start3A_461 : memref<1x1x80xi32, #tpu.memory_space<hbm>> -> memref<1x80xi32, #tpu.memory_space<hbm>>
      %dma_start3A_463 = arith.constant 0 : i32
      %dma_start3A_464 = tpu.memref_slice %arg3[%add3A, %add3A_459, %dma_start3A_463] : memref<32x125x80xi32, #tpu.memory_space<hbm>> -> memref<1x1x80xi32, #tpu.memory_space<hbm>>
      %dma_start3A_465 = tpu.memref_squeeze %dma_start3A_464 : memref<1x1x80xi32, #tpu.memory_space<hbm>> -> memref<1x80xi32, #tpu.memory_space<hbm>>
      tpu.enqueue_dma source(%dma_start3A_465 : memref<1x80xi32, #tpu.memory_space<hbm>>) target(%arg7 : memref<1x80xi32, #tpu.memory_space<vmem>>) target_semaphore(%arg19 : memref<!tpu.dma_semaphore, #tpu.memory_space<semaphore_mem>>)
      %dma_start3A_466 = arith.constant 0 : i32
      %dma_start3A_467 = tpu.memref_slice %arg4[%add3A, %add3A_459, %dma_start3A_466] : memref<32x125x80xi32, #tpu.memory_space<hbm>> -> memref<1x1x80xi32, #tpu.memory_space<hbm>>
      %dma_start3A_468 = tpu.memref_squeeze %dma_start3A_467 : memref<1x1x80xi32, #tpu.memory_space<hbm>> -> memref<1x80xi32, #tpu.memory_space<hbm>>
      %dma_start3A_469 = arith.constant 0 : i32
      %dma_start3A_470 = tpu.memref_slice %arg4[%add3A, %add3A_459, %dma_start3A_469] : memref<32x125x80xi32, #tpu.memory_space<hbm>> -> memref<1x1x80xi32, #tpu.memory_space<hbm>>
      %dma_start3A_471 = tpu.memref_squeeze %dma_start3A_470 : memref<1x1x80xi32, #tpu.memory_space<hbm>> -> memref<1x80xi32, #tpu.memory_space<hbm>>
      tpu.enqueue_dma source(%dma_start3A_471 : memref<1x80xi32, #tpu.memory_space<hbm>>) target(%arg11 : memref<1x80xi32, #tpu.memory_space<vmem>>) target_semaphore(%arg19 : memref<!tpu.dma_semaphore, #tpu.memory_space<semaphore_mem>>)
      %dma_wait3A_472 = arith.constant 0 : i32
      %dma_wait3A_473 = arith.constant 0 : i32
      %dma_wait3A_474 = tpu.memref_slice %arg3[%add3A, %dma_wait3A_472, %dma_wait3A_473] : memref<32x125x80xi32, #tpu.memory_space<hbm>> -> memref<1x1x80xi32, #tpu.memory_space<hbm>>
      %dma_wait3A_475 = tpu.memref_squeeze %dma_wait3A_474 : memref<1x1x80xi32, #tpu.memory_space<hbm>> -> memref<1x80xi32, #tpu.memory_space<hbm>>
      %dma_wait3A_476 = arith.constant 0 : i32
      %dma_wait3A_477 = arith.constant 0 : i32
      %dma_wait3A_478 = tpu.memref_slice %arg3[%add3A, %dma_wait3A_476, %dma_wait3A_477] : memref<32x125x80xi32, #tpu.memory_space<hbm>> -> memref<1x1x80xi32, #tpu.memory_space<hbm>>
      %dma_wait3A_479 = tpu.memref_squeeze %dma_wait3A_478 : memref<1x1x80xi32, #tpu.memory_space<hbm>> -> memref<1x80xi32, #tpu.memory_space<hbm>>
      tpu.wait_dma2 semaphore(%arg21 : memref<!tpu.dma_semaphore, #tpu.memory_space<semaphore_mem>>) src(%dma_wait3A_479 : memref<1x80xi32, #tpu.memory_space<hbm>>) dst(%arg9 : memref<1x80xi32, #tpu.memory_space<vmem>>)
      %dma_wait3A_480 = arith.constant 0 : i32
      %dma_wait3A_481 = arith.constant 0 : i32
      %dma_wait3A_482 = tpu.memref_slice %arg4[%add3A, %dma_wait3A_480, %dma_wait3A_481] : memref<32x125x80xi32, #tpu.memory_space<hbm>> -> memref<1x1x80xi32, #tpu.memory_space<hbm>>
      %dma_wait3A_483 = tpu.memref_squeeze %dma_wait3A_482 : memref<1x1x80xi32, #tpu.memory_space<hbm>> -> memref<1x80xi32, #tpu.memory_space<hbm>>
      %dma_wait3A_484 = arith.constant 0 : i32
      %dma_wait3A_485 = arith.constant 0 : i32
      %dma_wait3A_486 = tpu.memref_slice %arg4[%add3A, %dma_wait3A_484, %dma_wait3A_485] : memref<32x125x80xi32, #tpu.memory_space<hbm>> -> memref<1x1x80xi32, #tpu.memory_space<hbm>>
      %dma_wait3A_487 = tpu.memref_squeeze %dma_wait3A_486 : memref<1x1x80xi32, #tpu.memory_space<hbm>> -> memref<1x80xi32, #tpu.memory_space<hbm>>
      tpu.wait_dma2 semaphore(%arg21 : memref<!tpu.dma_semaphore, #tpu.memory_space<semaphore_mem>>) src(%dma_wait3A_487 : memref<1x80xi32, #tpu.memory_space<hbm>>) dst(%arg13 : memref<1x80xi32, #tpu.memory_space<vmem>>)
      %dma_start3A_488 = arith.constant 0 : i32
      %dma_start3A_489 = arith.constant 0 : i32
      %dma_start3A_490 = tpu.memref_slice %arg9[%dma_start3A_488, %dma_start3A_489] : memref<1x80xi32, #tpu.memory_space<vmem>> -> memref<1x80xi32, #tpu.memory_space<vmem>>
      %dma_start3A_491 = tpu.memref_squeeze %dma_start3A_490 : memref<1x80xi32, #tpu.memory_space<vmem>> -> memref<80xi32, #tpu.memory_space<vmem>>
      %dma_start3A_492 = arith.constant 0 : i32
      %dma_start3A_493 = arith.constant 0 : i32
      %dma_start3A_494 = tpu.memref_slice %arg2[%dma_start3A_492, %dma_start3A_493] : memref<10000x128xf32, #tpu.memory_space<hbm>> -> memref<10000x128xf32, #tpu.memory_space<hbm>>
      tpu.enqueue_indirect_dma source(%dma_start3A_494 : memref<10000x128xf32, #tpu.memory_space<hbm>>) target(%arg15 : memref<80x128xf32, #tpu.memory_space<vmem>>) offsets(%dma_start3A_491 : memref<80xi32, #tpu.memory_space<vmem>>) semaphore(%arg23 : memref<!tpu.dma_semaphore, #tpu.memory_space<semaphore_mem>>)
      %add3A_495 = arith.constant 2 : i32
      %add3A_496 = arith.addi %mul3A_376, %add3A_495 : i32
      %dma_wait3A_497 = arith.constant 0 : i32
      %dma_wait3A_498 = arith.constant 0 : i32
      %dma_wait3A_499 = tpu.memref_slice %arg8[%dma_wait3A_497, %dma_wait3A_498] : memref<1x80xi32, #tpu.memory_space<vmem>> -> memref<1x80xi32, #tpu.memory_space<vmem>>
      %dma_wait3A_500 = tpu.memref_squeeze %dma_wait3A_499 : memref<1x80xi32, #tpu.memory_space<vmem>> -> memref<80xi32, #tpu.memory_space<vmem>>
      %dma_wait3A_501 = arith.constant 0 : i32
      %dma_wait3A_502 = arith.constant 0 : i32
      %dma_wait3A_503 = tpu.memref_slice %arg2[%dma_wait3A_501, %dma_wait3A_502] : memref<10000x128xf32, #tpu.memory_space<hbm>> -> memref<10000x128xf32, #tpu.memory_space<hbm>>
      tpu.wait_indirect_dma semaphore(%arg22 : memref<!tpu.dma_semaphore, #tpu.memory_space<semaphore_mem>>) src(%dma_wait3A_503 : memref<10000x128xf32, #tpu.memory_space<hbm>>) dst(%arg14 : memref<80x128xf32, #tpu.memory_space<vmem>>)
      %dma_start3A_504 = arith.constant 0 : i32
      %dma_start3A_505 = arith.constant 0 : i32
      %dma_start3A_506 = tpu.memref_slice %arg12[%dma_start3A_504, %dma_start3A_505] : memref<1x80xi32, #tpu.memory_space<vmem>> -> memref<1x80xi32, #tpu.memory_space<vmem>>
      %dma_start3A_507 = tpu.memref_squeeze %dma_start3A_506 : memref<1x80xi32, #tpu.memory_space<vmem>> -> memref<80xi32, #tpu.memory_space<vmem>>
      %dma_start3A_508 = arith.constant 0 : i32
      %dma_start3A_509 = arith.constant 0 : i32
      %dma_start3A_510 = tpu.memref_slice %arg17[%dma_start3A_508, %dma_start3A_509] : memref<10240x128xf32, #tpu.memory_space<vmem_shared>> -> memref<10240x128xf32, #tpu.memory_space<vmem_shared>>
      tpu.enqueue_indirect_dma source(%arg14 : memref<80x128xf32, #tpu.memory_space<vmem>>) target(%dma_start3A_510 : memref<10240x128xf32, #tpu.memory_space<vmem_shared>>) offsets(%dma_start3A_507 : memref<80xi32, #tpu.memory_space<vmem>>) semaphore(%arg24 : memref<!tpu.dma_semaphore, #tpu.memory_space<semaphore_mem>>) {add = true}
      %dma_wait3A_511 = arith.constant 0 : i32
      %dma_wait3A_512 = arith.constant 0 : i32
      %dma_wait3A_513 = tpu.memref_slice %arg12[%dma_wait3A_511, %dma_wait3A_512] : memref<1x80xi32, #tpu.memory_space<vmem>> -> memref<1x80xi32, #tpu.memory_space<vmem>>
      %dma_wait3A_514 = tpu.memref_squeeze %dma_wait3A_513 : memref<1x80xi32, #tpu.memory_space<vmem>> -> memref<80xi32, #tpu.memory_space<vmem>>
      %dma_wait3A_515 = arith.constant 0 : i32
      %dma_wait3A_516 = arith.constant 0 : i32
      %dma_wait3A_517 = tpu.memref_slice %arg17[%dma_wait3A_515, %dma_wait3A_516] : memref<10240x128xf32, #tpu.memory_space<vmem_shared>> -> memref<10240x128xf32, #tpu.memory_space<vmem_shared>>
      tpu.wait_indirect_dma semaphore(%arg24 : memref<!tpu.dma_semaphore, #tpu.memory_space<semaphore_mem>>) src(%arg14 : memref<80x128xf32, #tpu.memory_space<vmem>>) dst(%dma_wait3A_517 : memref<10240x128xf32, #tpu.memory_space<vmem_shared>>)
      %add3A_518 = arith.constant 4 : i32
      %add3A_519 = arith.addi %add3A_496, %add3A_518 : i32
      %dma_start3A_520 = arith.constant 0 : i32
      %dma_start3A_521 = tpu.memref_slice %arg3[%add3A, %add3A_519, %dma_start3A_520] : memref<32x125x80xi32, #tpu.memory_space<hbm>> -> memref<1x1x80xi32, #tpu.memory_space<hbm>>
      %dma_start3A_522 = tpu.memref_squeeze %dma_start3A_521 : memref<1x1x80xi32, #tpu.memory_space<hbm>> -> memref<1x80xi32, #tpu.memory_space<hbm>>
      %dma_start3A_523 = arith.constant 0 : i32
      %dma_start3A_524 = tpu.memref_slice %arg3[%add3A, %add3A_519, %dma_start3A_523] : memref<32x125x80xi32, #tpu.memory_space<hbm>> -> memref<1x1x80xi32, #tpu.memory_space<hbm>>
      %dma_start3A_525 = tpu.memref_squeeze %dma_start3A_524 : memref<1x1x80xi32, #tpu.memory_space<hbm>> -> memref<1x80xi32, #tpu.memory_space<hbm>>
      tpu.enqueue_dma source(%dma_start3A_525 : memref<1x80xi32, #tpu.memory_space<hbm>>) target(%arg8 : memref<1x80xi32, #tpu.memory_space<vmem>>) target_semaphore(%arg20 : memref<!tpu.dma_semaphore, #tpu.memory_space<semaphore_mem>>)
      %dma_start3A_526 = arith.constant 0 : i32
      %dma_start3A_527 = tpu.memref_slice %arg4[%add3A, %add3A_519, %dma_start3A_526] : memref<32x125x80xi32, #tpu.memory_space<hbm>> -> memref<1x1x80xi32, #tpu.memory_space<hbm>>
      %dma_start3A_528 = tpu.memref_squeeze %dma_start3A_527 : memref<1x1x80xi32, #tpu.memory_space<hbm>> -> memref<1x80xi32, #tpu.memory_space<hbm>>
      %dma_start3A_529 = arith.constant 0 : i32
      %dma_start3A_530 = tpu.memref_slice %arg4[%add3A, %add3A_519, %dma_start3A_529] : memref<32x125x80xi32, #tpu.memory_space<hbm>> -> memref<1x1x80xi32, #tpu.memory_space<hbm>>
      %dma_start3A_531 = tpu.memref_squeeze %dma_start3A_530 : memref<1x1x80xi32, #tpu.memory_space<hbm>> -> memref<1x80xi32, #tpu.memory_space<hbm>>
      tpu.enqueue_dma source(%dma_start3A_531 : memref<1x80xi32, #tpu.memory_space<hbm>>) target(%arg12 : memref<1x80xi32, #tpu.memory_space<vmem>>) target_semaphore(%arg20 : memref<!tpu.dma_semaphore, #tpu.memory_space<semaphore_mem>>)
      %dma_wait3A_532 = arith.constant 0 : i32
      %dma_wait3A_533 = arith.constant 0 : i32
      %dma_wait3A_534 = tpu.memref_slice %arg3[%add3A, %dma_wait3A_532, %dma_wait3A_533] : memref<32x125x80xi32, #tpu.memory_space<hbm>> -> memref<1x1x80xi32, #tpu.memory_space<hbm>>
      %dma_wait3A_535 = tpu.memref_squeeze %dma_wait3A_534 : memref<1x1x80xi32, #tpu.memory_space<hbm>> -> memref<1x80xi32, #tpu.memory_space<hbm>>
      %dma_wait3A_536 = arith.constant 0 : i32
      %dma_wait3A_537 = arith.constant 0 : i32
      %dma_wait3A_538 = tpu.memref_slice %arg3[%add3A, %dma_wait3A_536, %dma_wait3A_537] : memref<32x125x80xi32, #tpu.memory_space<hbm>> -> memref<1x1x80xi32, #tpu.memory_space<hbm>>
      %dma_wait3A_539 = tpu.memref_squeeze %dma_wait3A_538 : memref<1x1x80xi32, #tpu.memory_space<hbm>> -> memref<1x80xi32, #tpu.memory_space<hbm>>
      tpu.wait_dma2 semaphore(%arg18 : memref<!tpu.dma_semaphore, #tpu.memory_space<semaphore_mem>>) src(%dma_wait3A_539 : memref<1x80xi32, #tpu.memory_space<hbm>>) dst(%arg6 : memref<1x80xi32, #tpu.memory_space<vmem>>)
      %dma_wait3A_540 = arith.constant 0 : i32
      %dma_wait3A_541 = arith.constant 0 : i32
      %dma_wait3A_542 = tpu.memref_slice %arg4[%add3A, %dma_wait3A_540, %dma_wait3A_541] : memref<32x125x80xi32, #tpu.memory_space<hbm>> -> memref<1x1x80xi32, #tpu.memory_space<hbm>>
      %dma_wait3A_543 = tpu.memref_squeeze %dma_wait3A_542 : memref<1x1x80xi32, #tpu.memory_space<hbm>> -> memref<1x80xi32, #tpu.memory_space<hbm>>
      %dma_wait3A_544 = arith.constant 0 : i32
      %dma_wait3A_545 = arith.constant 0 : i32
      %dma_wait3A_546 = tpu.memref_slice %arg4[%add3A, %dma_wait3A_544, %dma_wait3A_545] : memref<32x125x80xi32, #tpu.memory_space<hbm>> -> memref<1x1x80xi32, #tpu.memory_space<hbm>>
      %dma_wait3A_547 = tpu.memref_squeeze %dma_wait3A_546 : memref<1x1x80xi32, #tpu.memory_space<hbm>> -> memref<1x80xi32, #tpu.memory_space<hbm>>
      tpu.wait_dma2 semaphore(%arg18 : memref<!tpu.dma_semaphore, #tpu.memory_space<semaphore_mem>>) src(%dma_wait3A_547 : memref<1x80xi32, #tpu.memory_space<hbm>>) dst(%arg10 : memref<1x80xi32, #tpu.memory_space<vmem>>)
      %dma_start3A_548 = arith.constant 0 : i32
      %dma_start3A_549 = arith.constant 0 : i32
      %dma_start3A_550 = tpu.memref_slice %arg6[%dma_start3A_548, %dma_start3A_549] : memref<1x80xi32, #tpu.memory_space<vmem>> -> memref<1x80xi32, #tpu.memory_space<vmem>>
      %dma_start3A_551 = tpu.memref_squeeze %dma_start3A_550 : memref<1x80xi32, #tpu.memory_space<vmem>> -> memref<80xi32, #tpu.memory_space<vmem>>
      %dma_start3A_552 = arith.constant 0 : i32
      %dma_start3A_553 = arith.constant 0 : i32
      %dma_start3A_554 = tpu.memref_slice %arg2[%dma_start3A_552, %dma_start3A_553] : memref<10000x128xf32, #tpu.memory_space<hbm>> -> memref<10000x128xf32, #tpu.memory_space<hbm>>
      tpu.enqueue_indirect_dma source(%dma_start3A_554 : memref<10000x128xf32, #tpu.memory_space<hbm>>) target(%arg14 : memref<80x128xf32, #tpu.memory_space<vmem>>) offsets(%dma_start3A_551 : memref<80xi32, #tpu.memory_space<vmem>>) semaphore(%arg22 : memref<!tpu.dma_semaphore, #tpu.memory_space<semaphore_mem>>)
      %add3A_555 = arith.constant 3 : i32
      %add3A_556 = arith.addi %mul3A_376, %add3A_555 : i32
      %dma_wait3A_557 = arith.constant 0 : i32
      %dma_wait3A_558 = arith.constant 0 : i32
      %dma_wait3A_559 = tpu.memref_slice %arg9[%dma_wait3A_557, %dma_wait3A_558] : memref<1x80xi32, #tpu.memory_space<vmem>> -> memref<1x80xi32, #tpu.memory_space<vmem>>
      %dma_wait3A_560 = tpu.memref_squeeze %dma_wait3A_559 : memref<1x80xi32, #tpu.memory_space<vmem>> -> memref<80xi32, #tpu.memory_space<vmem>>
      %dma_wait3A_561 = arith.constant 0 : i32
      %dma_wait3A_562 = arith.constant 0 : i32
      %dma_wait3A_563 = tpu.memref_slice %arg2[%dma_wait3A_561, %dma_wait3A_562] : memref<10000x128xf32, #tpu.memory_space<hbm>> -> memref<10000x128xf32, #tpu.memory_space<hbm>>
      tpu.wait_indirect_dma semaphore(%arg23 : memref<!tpu.dma_semaphore, #tpu.memory_space<semaphore_mem>>) src(%dma_wait3A_563 : memref<10000x128xf32, #tpu.memory_space<hbm>>) dst(%arg15 : memref<80x128xf32, #tpu.memory_space<vmem>>)
      %dma_start3A_564 = arith.constant 0 : i32
      %dma_start3A_565 = arith.constant 0 : i32
      %dma_start3A_566 = tpu.memref_slice %arg13[%dma_start3A_564, %dma_start3A_565] : memref<1x80xi32, #tpu.memory_space<vmem>> -> memref<1x80xi32, #tpu.memory_space<vmem>>
      %dma_start3A_567 = tpu.memref_squeeze %dma_start3A_566 : memref<1x80xi32, #tpu.memory_space<vmem>> -> memref<80xi32, #tpu.memory_space<vmem>>
      %dma_start3A_568 = arith.constant 0 : i32
      %dma_start3A_569 = arith.constant 0 : i32
      %dma_start3A_570 = tpu.memref_slice %arg17[%dma_start3A_568, %dma_start3A_569] : memref<10240x128xf32, #tpu.memory_space<vmem_shared>> -> memref<10240x128xf32, #tpu.memory_space<vmem_shared>>
      tpu.enqueue_indirect_dma source(%arg15 : memref<80x128xf32, #tpu.memory_space<vmem>>) target(%dma_start3A_570 : memref<10240x128xf32, #tpu.memory_space<vmem_shared>>) offsets(%dma_start3A_567 : memref<80xi32, #tpu.memory_space<vmem>>) semaphore(%arg25 : memref<!tpu.dma_semaphore, #tpu.memory_space<semaphore_mem>>) {add = true}
      %dma_wait3A_571 = arith.constant 0 : i32
      %dma_wait3A_572 = arith.constant 0 : i32
      %dma_wait3A_573 = tpu.memref_slice %arg13[%dma_wait3A_571, %dma_wait3A_572] : memref<1x80xi32, #tpu.memory_space<vmem>> -> memref<1x80xi32, #tpu.memory_space<vmem>>
      %dma_wait3A_574 = tpu.memref_squeeze %dma_wait3A_573 : memref<1x80xi32, #tpu.memory_space<vmem>> -> memref<80xi32, #tpu.memory_space<vmem>>
      %dma_wait3A_575 = arith.constant 0 : i32
      %dma_wait3A_576 = arith.constant 0 : i32
      %dma_wait3A_577 = tpu.memref_slice %arg17[%dma_wait3A_575, %dma_wait3A_576] : memref<10240x128xf32, #tpu.memory_space<vmem_shared>> -> memref<10240x128xf32, #tpu.memory_space<vmem_shared>>
      tpu.wait_indirect_dma semaphore(%arg25 : memref<!tpu.dma_semaphore, #tpu.memory_space<semaphore_mem>>) src(%arg15 : memref<80x128xf32, #tpu.memory_space<vmem>>) dst(%dma_wait3A_577 : memref<10240x128xf32, #tpu.memory_space<vmem_shared>>)
      %add3A_578 = arith.constant 4 : i32
      %add3A_579 = arith.addi %add3A_556, %add3A_578 : i32
      %dma_start3A_580 = arith.constant 0 : i32
      %dma_start3A_581 = tpu.memref_slice %arg3[%add3A, %add3A_579, %dma_start3A_580] : memref<32x125x80xi32, #tpu.memory_space<hbm>> -> memref<1x1x80xi32, #tpu.memory_space<hbm>>
      %dma_start3A_582 = tpu.memref_squeeze %dma_start3A_581 : memref<1x1x80xi32, #tpu.memory_space<hbm>> -> memref<1x80xi32, #tpu.memory_space<hbm>>
      %dma_start3A_583 = arith.constant 0 : i32
      %dma_start3A_584 = tpu.memref_slice %arg3[%add3A, %add3A_579, %dma_start3A_583] : memref<32x125x80xi32, #tpu.memory_space<hbm>> -> memref<1x1x80xi32, #tpu.memory_space<hbm>>
      %dma_start3A_585 = tpu.memref_squeeze %dma_start3A_584 : memref<1x1x80xi32, #tpu.memory_space<hbm>> -> memref<1x80xi32, #tpu.memory_space<hbm>>
      tpu.enqueue_dma source(%dma_start3A_585 : memref<1x80xi32, #tpu.memory_space<hbm>>) target(%arg9 : memref<1x80xi32, #tpu.memory_space<vmem>>) target_semaphore(%arg21 : memref<!tpu.dma_semaphore, #tpu.memory_space<semaphore_mem>>)
      %dma_start3A_586 = arith.constant 0 : i32
      %dma_start3A_587 = tpu.memref_slice %arg4[%add3A, %add3A_579, %dma_start3A_586] : memref<32x125x80xi32, #tpu.memory_space<hbm>> -> memref<1x1x80xi32, #tpu.memory_space<hbm>>
      %dma_start3A_588 = tpu.memref_squeeze %dma_start3A_587 : memref<1x1x80xi32, #tpu.memory_space<hbm>> -> memref<1x80xi32, #tpu.memory_space<hbm>>
      %dma_start3A_589 = arith.constant 0 : i32
      %dma_start3A_590 = tpu.memref_slice %arg4[%add3A, %add3A_579, %dma_start3A_589] : memref<32x125x80xi32, #tpu.memory_space<hbm>> -> memref<1x1x80xi32, #tpu.memory_space<hbm>>
      %dma_start3A_591 = tpu.memref_squeeze %dma_start3A_590 : memref<1x1x80xi32, #tpu.memory_space<hbm>> -> memref<1x80xi32, #tpu.memory_space<hbm>>
      tpu.enqueue_dma source(%dma_start3A_591 : memref<1x80xi32, #tpu.memory_space<hbm>>) target(%arg13 : memref<1x80xi32, #tpu.memory_space<vmem>>) target_semaphore(%arg21 : memref<!tpu.dma_semaphore, #tpu.memory_space<semaphore_mem>>)
      %dma_wait3A_592 = arith.constant 0 : i32
      %dma_wait3A_593 = arith.constant 0 : i32
      %dma_wait3A_594 = tpu.memref_slice %arg3[%add3A, %dma_wait3A_592, %dma_wait3A_593] : memref<32x125x80xi32, #tpu.memory_space<hbm>> -> memref<1x1x80xi32, #tpu.memory_space<hbm>>
      %dma_wait3A_595 = tpu.memref_squeeze %dma_wait3A_594 : memref<1x1x80xi32, #tpu.memory_space<hbm>> -> memref<1x80xi32, #tpu.memory_space<hbm>>
      %dma_wait3A_596 = arith.constant 0 : i32
      %dma_wait3A_597 = arith.constant 0 : i32
      %dma_wait3A_598 = tpu.memref_slice %arg3[%add3A, %dma_wait3A_596, %dma_wait3A_597] : memref<32x125x80xi32, #tpu.memory_space<hbm>> -> memref<1x1x80xi32, #tpu.memory_space<hbm>>
      %dma_wait3A_599 = tpu.memref_squeeze %dma_wait3A_598 : memref<1x1x80xi32, #tpu.memory_space<hbm>> -> memref<1x80xi32, #tpu.memory_space<hbm>>
      tpu.wait_dma2 semaphore(%arg19 : memref<!tpu.dma_semaphore, #tpu.memory_space<semaphore_mem>>) src(%dma_wait3A_599 : memref<1x80xi32, #tpu.memory_space<hbm>>) dst(%arg7 : memref<1x80xi32, #tpu.memory_space<vmem>>)
      %dma_wait3A_600 = arith.constant 0 : i32
      %dma_wait3A_601 = arith.constant 0 : i32
      %dma_wait3A_602 = tpu.memref_slice %arg4[%add3A, %dma_wait3A_600, %dma_wait3A_601] : memref<32x125x80xi32, #tpu.memory_space<hbm>> -> memref<1x1x80xi32, #tpu.memory_space<hbm>>
      %dma_wait3A_603 = tpu.memref_squeeze %dma_wait3A_602 : memref<1x1x80xi32, #tpu.memory_space<hbm>> -> memref<1x80xi32, #tpu.memory_space<hbm>>
      %dma_wait3A_604 = arith.constant 0 : i32
      %dma_wait3A_605 = arith.constant 0 : i32
      %dma_wait3A_606 = tpu.memref_slice %arg4[%add3A, %dma_wait3A_604, %dma_wait3A_605] : memref<32x125x80xi32, #tpu.memory_space<hbm>> -> memref<1x1x80xi32, #tpu.memory_space<hbm>>
      %dma_wait3A_607 = tpu.memref_squeeze %dma_wait3A_606 : memref<1x1x80xi32, #tpu.memory_space<hbm>> -> memref<1x80xi32, #tpu.memory_space<hbm>>
      tpu.wait_dma2 semaphore(%arg19 : memref<!tpu.dma_semaphore, #tpu.memory_space<semaphore_mem>>) src(%dma_wait3A_607 : memref<1x80xi32, #tpu.memory_space<hbm>>) dst(%arg11 : memref<1x80xi32, #tpu.memory_space<vmem>>)
      %dma_start3A_608 = arith.constant 0 : i32
      %dma_start3A_609 = arith.constant 0 : i32
      %dma_start3A_610 = tpu.memref_slice %arg7[%dma_start3A_608, %dma_start3A_609] : memref<1x80xi32, #tpu.memory_space<vmem>> -> memref<1x80xi32, #tpu.memory_space<vmem>>
      %dma_start3A_611 = tpu.memref_squeeze %dma_start3A_610 : memref<1x80xi32, #tpu.memory_space<vmem>> -> memref<80xi32, #tpu.memory_space<vmem>>
      %dma_start3A_612 = arith.constant 0 : i32
      %dma_start3A_613 = arith.constant 0 : i32
      %dma_start3A_614 = tpu.memref_slice %arg2[%dma_start3A_612, %dma_start3A_613] : memref<10000x128xf32, #tpu.memory_space<hbm>> -> memref<10000x128xf32, #tpu.memory_space<hbm>>
      tpu.enqueue_indirect_dma source(%dma_start3A_614 : memref<10000x128xf32, #tpu.memory_space<hbm>>) target(%arg15 : memref<80x128xf32, #tpu.memory_space<vmem>>) offsets(%dma_start3A_611 : memref<80xi32, #tpu.memory_space<vmem>>) semaphore(%arg23 : memref<!tpu.dma_semaphore, #tpu.memory_space<semaphore_mem>>)
      %scan3A_615 = arith.constant 0 : i32
      scf.yield %scan3A_615 : i32
    }
    %scan3A_141 = arith.constant 30 : i32
    %dma_wait3A_142 = arith.constant 0 : i32
    %dma_wait3A_143 = arith.constant 0 : i32
    %dma_wait3A_144 = tpu.memref_slice %arg6[%dma_wait3A_142, %dma_wait3A_143] : memref<1x80xi32, #tpu.memory_space<vmem>> -> memref<1x80xi32, #tpu.memory_space<vmem>>
    %dma_wait3A_145 = tpu.memref_squeeze %dma_wait3A_144 : memref<1x80xi32, #tpu.memory_space<vmem>> -> memref<80xi32, #tpu.memory_space<vmem>>
    %dma_wait3A_146 = arith.constant 0 : i32
    %dma_wait3A_147 = arith.constant 0 : i32
    %dma_wait3A_148 = tpu.memref_slice %arg2[%dma_wait3A_146, %dma_wait3A_147] : memref<10000x128xf32, #tpu.memory_space<hbm>> -> memref<10000x128xf32, #tpu.memory_space<hbm>>
    tpu.wait_indirect_dma semaphore(%arg22 : memref<!tpu.dma_semaphore, #tpu.memory_space<semaphore_mem>>) src(%dma_wait3A_148 : memref<10000x128xf32, #tpu.memory_space<hbm>>) dst(%arg14 : memref<80x128xf32, #tpu.memory_space<vmem>>)
    %dma_start3A_149 = arith.constant 0 : i32
    %dma_start3A_150 = arith.constant 0 : i32
    %dma_start3A_151 = tpu.memref_slice %arg10[%dma_start3A_149, %dma_start3A_150] : memref<1x80xi32, #tpu.memory_space<vmem>> -> memref<1x80xi32, #tpu.memory_space<vmem>>
    %dma_start3A_152 = tpu.memref_squeeze %dma_start3A_151 : memref<1x80xi32, #tpu.memory_space<vmem>> -> memref<80xi32, #tpu.memory_space<vmem>>
    %dma_start3A_153 = arith.constant 0 : i32
    %dma_start3A_154 = arith.constant 0 : i32
    %dma_start3A_155 = tpu.memref_slice %arg17[%dma_start3A_153, %dma_start3A_154] : memref<10240x128xf32, #tpu.memory_space<vmem_shared>> -> memref<10240x128xf32, #tpu.memory_space<vmem_shared>>
    tpu.enqueue_indirect_dma source(%arg14 : memref<80x128xf32, #tpu.memory_space<vmem>>) target(%dma_start3A_155 : memref<10240x128xf32, #tpu.memory_space<vmem_shared>>) offsets(%dma_start3A_152 : memref<80xi32, #tpu.memory_space<vmem>>) semaphore(%arg24 : memref<!tpu.dma_semaphore, #tpu.memory_space<semaphore_mem>>) {add = true}
    %dma_wait3A_156 = arith.constant 0 : i32
    %dma_wait3A_157 = arith.constant 0 : i32
    %dma_wait3A_158 = tpu.memref_slice %arg10[%dma_wait3A_156, %dma_wait3A_157] : memref<1x80xi32, #tpu.memory_space<vmem>> -> memref<1x80xi32, #tpu.memory_space<vmem>>
    %dma_wait3A_159 = tpu.memref_squeeze %dma_wait3A_158 : memref<1x80xi32, #tpu.memory_space<vmem>> -> memref<80xi32, #tpu.memory_space<vmem>>
    %dma_wait3A_160 = arith.constant 0 : i32
    %dma_wait3A_161 = arith.constant 0 : i32
    %dma_wait3A_162 = tpu.memref_slice %arg17[%dma_wait3A_160, %dma_wait3A_161] : memref<10240x128xf32, #tpu.memory_space<vmem_shared>> -> memref<10240x128xf32, #tpu.memory_space<vmem_shared>>
    tpu.wait_indirect_dma semaphore(%arg24 : memref<!tpu.dma_semaphore, #tpu.memory_space<semaphore_mem>>) src(%arg14 : memref<80x128xf32, #tpu.memory_space<vmem>>) dst(%dma_wait3A_162 : memref<10240x128xf32, #tpu.memory_space<vmem_shared>>)
    %dma_start3A_163 = arith.constant 124 : i32
    %dma_start3A_164 = arith.constant 0 : i32
    %dma_start3A_165 = tpu.memref_slice %arg3[%add3A, %dma_start3A_163, %dma_start3A_164] : memref<32x125x80xi32, #tpu.memory_space<hbm>> -> memref<1x1x80xi32, #tpu.memory_space<hbm>>
    %dma_start3A_166 = tpu.memref_squeeze %dma_start3A_165 : memref<1x1x80xi32, #tpu.memory_space<hbm>> -> memref<1x80xi32, #tpu.memory_space<hbm>>
    %dma_start3A_167 = arith.constant 124 : i32
    %dma_start3A_168 = arith.constant 0 : i32
    %dma_start3A_169 = tpu.memref_slice %arg3[%add3A, %dma_start3A_167, %dma_start3A_168] : memref<32x125x80xi32, #tpu.memory_space<hbm>> -> memref<1x1x80xi32, #tpu.memory_space<hbm>>
    %dma_start3A_170 = tpu.memref_squeeze %dma_start3A_169 : memref<1x1x80xi32, #tpu.memory_space<hbm>> -> memref<1x80xi32, #tpu.memory_space<hbm>>
    tpu.enqueue_dma source(%dma_start3A_170 : memref<1x80xi32, #tpu.memory_space<hbm>>) target(%arg6 : memref<1x80xi32, #tpu.memory_space<vmem>>) target_semaphore(%arg18 : memref<!tpu.dma_semaphore, #tpu.memory_space<semaphore_mem>>)
    %dma_start3A_171 = arith.constant 124 : i32
    %dma_start3A_172 = arith.constant 0 : i32
    %dma_start3A_173 = tpu.memref_slice %arg4[%add3A, %dma_start3A_171, %dma_start3A_172] : memref<32x125x80xi32, #tpu.memory_space<hbm>> -> memref<1x1x80xi32, #tpu.memory_space<hbm>>
    %dma_start3A_174 = tpu.memref_squeeze %dma_start3A_173 : memref<1x1x80xi32, #tpu.memory_space<hbm>> -> memref<1x80xi32, #tpu.memory_space<hbm>>
    %dma_start3A_175 = arith.constant 124 : i32
    %dma_start3A_176 = arith.constant 0 : i32
    %dma_start3A_177 = tpu.memref_slice %arg4[%add3A, %dma_start3A_175, %dma_start3A_176] : memref<32x125x80xi32, #tpu.memory_space<hbm>> -> memref<1x1x80xi32, #tpu.memory_space<hbm>>
    %dma_start3A_178 = tpu.memref_squeeze %dma_start3A_177 : memref<1x1x80xi32, #tpu.memory_space<hbm>> -> memref<1x80xi32, #tpu.memory_space<hbm>>
    tpu.enqueue_dma source(%dma_start3A_178 : memref<1x80xi32, #tpu.memory_space<hbm>>) target(%arg10 : memref<1x80xi32, #tpu.memory_space<vmem>>) target_semaphore(%arg18 : memref<!tpu.dma_semaphore, #tpu.memory_space<semaphore_mem>>)
    %dma_wait3A_179 = arith.constant 0 : i32
    %dma_wait3A_180 = arith.constant 0 : i32
    %dma_wait3A_181 = tpu.memref_slice %arg3[%add3A, %dma_wait3A_179, %dma_wait3A_180] : memref<32x125x80xi32, #tpu.memory_space<hbm>> -> memref<1x1x80xi32, #tpu.memory_space<hbm>>
    %dma_wait3A_182 = tpu.memref_squeeze %dma_wait3A_181 : memref<1x1x80xi32, #tpu.memory_space<hbm>> -> memref<1x80xi32, #tpu.memory_space<hbm>>
    %dma_wait3A_183 = arith.constant 0 : i32
    %dma_wait3A_184 = arith.constant 0 : i32
    %dma_wait3A_185 = tpu.memref_slice %arg3[%add3A, %dma_wait3A_183, %dma_wait3A_184] : memref<32x125x80xi32, #tpu.memory_space<hbm>> -> memref<1x1x80xi32, #tpu.memory_space<hbm>>
    %dma_wait3A_186 = tpu.memref_squeeze %dma_wait3A_185 : memref<1x1x80xi32, #tpu.memory_space<hbm>> -> memref<1x80xi32, #tpu.memory_space<hbm>>
    tpu.wait_dma2 semaphore(%arg20 : memref<!tpu.dma_semaphore, #tpu.memory_space<semaphore_mem>>) src(%dma_wait3A_186 : memref<1x80xi32, #tpu.memory_space<hbm>>) dst(%arg8 : memref<1x80xi32, #tpu.memory_space<vmem>>)
    %dma_wait3A_187 = arith.constant 0 : i32
    %dma_wait3A_188 = arith.constant 0 : i32
    %dma_wait3A_189 = tpu.memref_slice %arg4[%add3A, %dma_wait3A_187, %dma_wait3A_188] : memref<32x125x80xi32, #tpu.memory_space<hbm>> -> memref<1x1x80xi32, #tpu.memory_space<hbm>>
    %dma_wait3A_190 = tpu.memref_squeeze %dma_wait3A_189 : memref<1x1x80xi32, #tpu.memory_space<hbm>> -> memref<1x80xi32, #tpu.memory_space<hbm>>
    %dma_wait3A_191 = arith.constant 0 : i32
    %dma_wait3A_192 = arith.constant 0 : i32
    %dma_wait3A_193 = tpu.memref_slice %arg4[%add3A, %dma_wait3A_191, %dma_wait3A_192] : memref<32x125x80xi32, #tpu.memory_space<hbm>> -> memref<1x1x80xi32, #tpu.memory_space<hbm>>
    %dma_wait3A_194 = tpu.memref_squeeze %dma_wait3A_193 : memref<1x1x80xi32, #tpu.memory_space<hbm>> -> memref<1x80xi32, #tpu.memory_space<hbm>>
    tpu.wait_dma2 semaphore(%arg20 : memref<!tpu.dma_semaphore, #tpu.memory_space<semaphore_mem>>) src(%dma_wait3A_194 : memref<1x80xi32, #tpu.memory_space<hbm>>) dst(%arg12 : memref<1x80xi32, #tpu.memory_space<vmem>>)
    %dma_start3A_195 = arith.constant 0 : i32
    %dma_start3A_196 = arith.constant 0 : i32
    %dma_start3A_197 = tpu.memref_slice %arg8[%dma_start3A_195, %dma_start3A_196] : memref<1x80xi32, #tpu.memory_space<vmem>> -> memref<1x80xi32, #tpu.memory_space<vmem>>
    %dma_start3A_198 = tpu.memref_squeeze %dma_start3A_197 : memref<1x80xi32, #tpu.memory_space<vmem>> -> memref<80xi32, #tpu.memory_space<vmem>>
    %dma_start3A_199 = arith.constant 0 : i32
    %dma_start3A_200 = arith.constant 0 : i32
    %dma_start3A_201 = tpu.memref_slice %arg2[%dma_start3A_199, %dma_start3A_200] : memref<10000x128xf32, #tpu.memory_space<hbm>> -> memref<10000x128xf32, #tpu.memory_space<hbm>>
    tpu.enqueue_indirect_dma source(%dma_start3A_201 : memref<10000x128xf32, #tpu.memory_space<hbm>>) target(%arg14 : memref<80x128xf32, #tpu.memory_space<vmem>>) offsets(%dma_start3A_198 : memref<80xi32, #tpu.memory_space<vmem>>) semaphore(%arg22 : memref<!tpu.dma_semaphore, #tpu.memory_space<semaphore_mem>>)
    %dma_wait3A_202 = arith.constant 0 : i32
    %dma_wait3A_203 = arith.constant 0 : i32
    %dma_wait3A_204 = tpu.memref_slice %arg7[%dma_wait3A_202, %dma_wait3A_203] : memref<1x80xi32, #tpu.memory_space<vmem>> -> memref<1x80xi32, #tpu.memory_space<vmem>>
    %dma_wait3A_205 = tpu.memref_squeeze %dma_wait3A_204 : memref<1x80xi32, #tpu.memory_space<vmem>> -> memref<80xi32, #tpu.memory_space<vmem>>
    %dma_wait3A_206 = arith.constant 0 : i32
    %dma_wait3A_207 = arith.constant 0 : i32
    %dma_wait3A_208 = tpu.memref_slice %arg2[%dma_wait3A_206, %dma_wait3A_207] : memref<10000x128xf32, #tpu.memory_space<hbm>> -> memref<10000x128xf32, #tpu.memory_space<hbm>>
    tpu.wait_indirect_dma semaphore(%arg23 : memref<!tpu.dma_semaphore, #tpu.memory_space<semaphore_mem>>) src(%dma_wait3A_208 : memref<10000x128xf32, #tpu.memory_space<hbm>>) dst(%arg15 : memref<80x128xf32, #tpu.memory_space<vmem>>)
    %dma_start3A_209 = arith.constant 0 : i32
    %dma_start3A_210 = arith.constant 0 : i32
    %dma_start3A_211 = tpu.memref_slice %arg11[%dma_start3A_209, %dma_start3A_210] : memref<1x80xi32, #tpu.memory_space<vmem>> -> memref<1x80xi32, #tpu.memory_space<vmem>>
    %dma_start3A_212 = tpu.memref_squeeze %dma_start3A_211 : memref<1x80xi32, #tpu.memory_space<vmem>> -> memref<80xi32, #tpu.memory_space<vmem>>
    %dma_start3A_213 = arith.constant 0 : i32
    %dma_start3A_214 = arith.constant 0 : i32
    %dma_start3A_215 = tpu.memref_slice %arg17[%dma_start3A_213, %dma_start3A_214] : memref<10240x128xf32, #tpu.memory_space<vmem_shared>> -> memref<10240x128xf32, #tpu.memory_space<vmem_shared>>
    tpu.enqueue_indirect_dma source(%arg15 : memref<80x128xf32, #tpu.memory_space<vmem>>) target(%dma_start3A_215 : memref<10240x128xf32, #tpu.memory_space<vmem_shared>>) offsets(%dma_start3A_212 : memref<80xi32, #tpu.memory_space<vmem>>) semaphore(%arg25 : memref<!tpu.dma_semaphore, #tpu.memory_space<semaphore_mem>>) {add = true}
    %dma_wait3A_216 = arith.constant 0 : i32
    %dma_wait3A_217 = arith.constant 0 : i32
    %dma_wait3A_218 = tpu.memref_slice %arg11[%dma_wait3A_216, %dma_wait3A_217] : memref<1x80xi32, #tpu.memory_space<vmem>> -> memref<1x80xi32, #tpu.memory_space<vmem>>
    %dma_wait3A_219 = tpu.memref_squeeze %dma_wait3A_218 : memref<1x80xi32, #tpu.memory_space<vmem>> -> memref<80xi32, #tpu.memory_space<vmem>>
    %dma_wait3A_220 = arith.constant 0 : i32
    %dma_wait3A_221 = arith.constant 0 : i32
    %dma_wait3A_222 = tpu.memref_slice %arg17[%dma_wait3A_220, %dma_wait3A_221] : memref<10240x128xf32, #tpu.memory_space<vmem_shared>> -> memref<10240x128xf32, #tpu.memory_space<vmem_shared>>
    tpu.wait_indirect_dma semaphore(%arg25 : memref<!tpu.dma_semaphore, #tpu.memory_space<semaphore_mem>>) src(%arg15 : memref<80x128xf32, #tpu.memory_space<vmem>>) dst(%dma_wait3A_222 : memref<10240x128xf32, #tpu.memory_space<vmem_shared>>)
    %dma_wait3A_223 = arith.constant 0 : i32
    %dma_wait3A_224 = arith.constant 0 : i32
    %dma_wait3A_225 = tpu.memref_slice %arg3[%add3A, %dma_wait3A_223, %dma_wait3A_224] : memref<32x125x80xi32, #tpu.memory_space<hbm>> -> memref<1x1x80xi32, #tpu.memory_space<hbm>>
    %dma_wait3A_226 = tpu.memref_squeeze %dma_wait3A_225 : memref<1x1x80xi32, #tpu.memory_space<hbm>> -> memref<1x80xi32, #tpu.memory_space<hbm>>
    %dma_wait3A_227 = arith.constant 0 : i32
    %dma_wait3A_228 = arith.constant 0 : i32
    %dma_wait3A_229 = tpu.memref_slice %arg3[%add3A, %dma_wait3A_227, %dma_wait3A_228] : memref<32x125x80xi32, #tpu.memory_space<hbm>> -> memref<1x1x80xi32, #tpu.memory_space<hbm>>
    %dma_wait3A_230 = tpu.memref_squeeze %dma_wait3A_229 : memref<1x1x80xi32, #tpu.memory_space<hbm>> -> memref<1x80xi32, #tpu.memory_space<hbm>>
    tpu.wait_dma2 semaphore(%arg21 : memref<!tpu.dma_semaphore, #tpu.memory_space<semaphore_mem>>) src(%dma_wait3A_230 : memref<1x80xi32, #tpu.memory_space<hbm>>) dst(%arg9 : memref<1x80xi32, #tpu.memory_space<vmem>>)
    %dma_wait3A_231 = arith.constant 0 : i32
    %dma_wait3A_232 = arith.constant 0 : i32
    %dma_wait3A_233 = tpu.memref_slice %arg4[%add3A, %dma_wait3A_231, %dma_wait3A_232] : memref<32x125x80xi32, #tpu.memory_space<hbm>> -> memref<1x1x80xi32, #tpu.memory_space<hbm>>
    %dma_wait3A_234 = tpu.memref_squeeze %dma_wait3A_233 : memref<1x1x80xi32, #tpu.memory_space<hbm>> -> memref<1x80xi32, #tpu.memory_space<hbm>>
    %dma_wait3A_235 = arith.constant 0 : i32
    %dma_wait3A_236 = arith.constant 0 : i32
    %dma_wait3A_237 = tpu.memref_slice %arg4[%add3A, %dma_wait3A_235, %dma_wait3A_236] : memref<32x125x80xi32, #tpu.memory_space<hbm>> -> memref<1x1x80xi32, #tpu.memory_space<hbm>>
    %dma_wait3A_238 = tpu.memref_squeeze %dma_wait3A_237 : memref<1x1x80xi32, #tpu.memory_space<hbm>> -> memref<1x80xi32, #tpu.memory_space<hbm>>
    tpu.wait_dma2 semaphore(%arg21 : memref<!tpu.dma_semaphore, #tpu.memory_space<semaphore_mem>>) src(%dma_wait3A_238 : memref<1x80xi32, #tpu.memory_space<hbm>>) dst(%arg13 : memref<1x80xi32, #tpu.memory_space<vmem>>)
    %dma_start3A_239 = arith.constant 0 : i32
    %dma_start3A_240 = arith.constant 0 : i32
    %dma_start3A_241 = tpu.memref_slice %arg9[%dma_start3A_239, %dma_start3A_240] : memref<1x80xi32, #tpu.memory_space<vmem>> -> memref<1x80xi32, #tpu.memory_space<vmem>>
    %dma_start3A_242 = tpu.memref_squeeze %dma_start3A_241 : memref<1x80xi32, #tpu.memory_space<vmem>> -> memref<80xi32, #tpu.memory_space<vmem>>
    %dma_start3A_243 = arith.constant 0 : i32
    %dma_start3A_244 = arith.constant 0 : i32
    %dma_start3A_245 = tpu.memref_slice %arg2[%dma_start3A_243, %dma_start3A_244] : memref<10000x128xf32, #tpu.memory_space<hbm>> -> memref<10000x128xf32, #tpu.memory_space<hbm>>
    tpu.enqueue_indirect_dma source(%dma_start3A_245 : memref<10000x128xf32, #tpu.memory_space<hbm>>) target(%arg15 : memref<80x128xf32, #tpu.memory_space<vmem>>) offsets(%dma_start3A_242 : memref<80xi32, #tpu.memory_space<vmem>>) semaphore(%arg23 : memref<!tpu.dma_semaphore, #tpu.memory_space<semaphore_mem>>)
    %dma_wait3A_246 = arith.constant 0 : i32
    %dma_wait3A_247 = arith.constant 0 : i32
    %dma_wait3A_248 = tpu.memref_slice %arg8[%dma_wait3A_246, %dma_wait3A_247] : memref<1x80xi32, #tpu.memory_space<vmem>> -> memref<1x80xi32, #tpu.memory_space<vmem>>
    %dma_wait3A_249 = tpu.memref_squeeze %dma_wait3A_248 : memref<1x80xi32, #tpu.memory_space<vmem>> -> memref<80xi32, #tpu.memory_space<vmem>>
    %dma_wait3A_250 = arith.constant 0 : i32
    %dma_wait3A_251 = arith.constant 0 : i32
    %dma_wait3A_252 = tpu.memref_slice %arg2[%dma_wait3A_250, %dma_wait3A_251] : memref<10000x128xf32, #tpu.memory_space<hbm>> -> memref<10000x128xf32, #tpu.memory_space<hbm>>
    tpu.wait_indirect_dma semaphore(%arg22 : memref<!tpu.dma_semaphore, #tpu.memory_space<semaphore_mem>>) src(%dma_wait3A_252 : memref<10000x128xf32, #tpu.memory_space<hbm>>) dst(%arg14 : memref<80x128xf32, #tpu.memory_space<vmem>>)
    %dma_start3A_253 = arith.constant 0 : i32
    %dma_start3A_254 = arith.constant 0 : i32
    %dma_start3A_255 = tpu.memref_slice %arg12[%dma_start3A_253, %dma_start3A_254] : memref<1x80xi32, #tpu.memory_space<vmem>> -> memref<1x80xi32, #tpu.memory_space<vmem>>
    %dma_start3A_256 = tpu.memref_squeeze %dma_start3A_255 : memref<1x80xi32, #tpu.memory_space<vmem>> -> memref<80xi32, #tpu.memory_space<vmem>>
    %dma_start3A_257 = arith.constant 0 : i32
    %dma_start3A_258 = arith.constant 0 : i32
    %dma_start3A_259 = tpu.memref_slice %arg17[%dma_start3A_257, %dma_start3A_258] : memref<10240x128xf32, #tpu.memory_space<vmem_shared>> -> memref<10240x128xf32, #tpu.memory_space<vmem_shared>>
    tpu.enqueue_indirect_dma source(%arg14 : memref<80x128xf32, #tpu.memory_space<vmem>>) target(%dma_start3A_259 : memref<10240x128xf32, #tpu.memory_space<vmem_shared>>) offsets(%dma_start3A_256 : memref<80xi32, #tpu.memory_space<vmem>>) semaphore(%arg24 : memref<!tpu.dma_semaphore, #tpu.memory_space<semaphore_mem>>) {add = true}
    %dma_wait3A_260 = arith.constant 0 : i32
    %dma_wait3A_261 = arith.constant 0 : i32
    %dma_wait3A_262 = tpu.memref_slice %arg12[%dma_wait3A_260, %dma_wait3A_261] : memref<1x80xi32, #tpu.memory_space<vmem>> -> memref<1x80xi32, #tpu.memory_space<vmem>>
    %dma_wait3A_263 = tpu.memref_squeeze %dma_wait3A_262 : memref<1x80xi32, #tpu.memory_space<vmem>> -> memref<80xi32, #tpu.memory_space<vmem>>
    %dma_wait3A_264 = arith.constant 0 : i32
    %dma_wait3A_265 = arith.constant 0 : i32
    %dma_wait3A_266 = tpu.memref_slice %arg17[%dma_wait3A_264, %dma_wait3A_265] : memref<10240x128xf32, #tpu.memory_space<vmem_shared>> -> memref<10240x128xf32, #tpu.memory_space<vmem_shared>>
    tpu.wait_indirect_dma semaphore(%arg24 : memref<!tpu.dma_semaphore, #tpu.memory_space<semaphore_mem>>) src(%arg14 : memref<80x128xf32, #tpu.memory_space<vmem>>) dst(%dma_wait3A_266 : memref<10240x128xf32, #tpu.memory_space<vmem_shared>>)
    %dma_wait3A_267 = arith.constant 0 : i32
    %dma_wait3A_268 = arith.constant 0 : i32
    %dma_wait3A_269 = tpu.memref_slice %arg3[%add3A, %dma_wait3A_267, %dma_wait3A_268] : memref<32x125x80xi32, #tpu.memory_space<hbm>> -> memref<1x1x80xi32, #tpu.memory_space<hbm>>
    %dma_wait3A_270 = tpu.memref_squeeze %dma_wait3A_269 : memref<1x1x80xi32, #tpu.memory_space<hbm>> -> memref<1x80xi32, #tpu.memory_space<hbm>>
    %dma_wait3A_271 = arith.constant 0 : i32
    %dma_wait3A_272 = arith.constant 0 : i32
    %dma_wait3A_273 = tpu.memref_slice %arg3[%add3A, %dma_wait3A_271, %dma_wait3A_272] : memref<32x125x80xi32, #tpu.memory_space<hbm>> -> memref<1x1x80xi32, #tpu.memory_space<hbm>>
    %dma_wait3A_274 = tpu.memref_squeeze %dma_wait3A_273 : memref<1x1x80xi32, #tpu.memory_space<hbm>> -> memref<1x80xi32, #tpu.memory_space<hbm>>
    tpu.wait_dma2 semaphore(%arg18 : memref<!tpu.dma_semaphore, #tpu.memory_space<semaphore_mem>>) src(%dma_wait3A_274 : memref<1x80xi32, #tpu.memory_space<hbm>>) dst(%arg6 : memref<1x80xi32, #tpu.memory_space<vmem>>)
    %dma_wait3A_275 = arith.constant 0 : i32
    %dma_wait3A_276 = arith.constant 0 : i32
    %dma_wait3A_277 = tpu.memref_slice %arg4[%add3A, %dma_wait3A_275, %dma_wait3A_276] : memref<32x125x80xi32, #tpu.memory_space<hbm>> -> memref<1x1x80xi32, #tpu.memory_space<hbm>>
    %dma_wait3A_278 = tpu.memref_squeeze %dma_wait3A_277 : memref<1x1x80xi32, #tpu.memory_space<hbm>> -> memref<1x80xi32, #tpu.memory_space<hbm>>
    %dma_wait3A_279 = arith.constant 0 : i32
    %dma_wait3A_280 = arith.constant 0 : i32
    %dma_wait3A_281 = tpu.memref_slice %arg4[%add3A, %dma_wait3A_279, %dma_wait3A_280] : memref<32x125x80xi32, #tpu.memory_space<hbm>> -> memref<1x1x80xi32, #tpu.memory_space<hbm>>
    %dma_wait3A_282 = tpu.memref_squeeze %dma_wait3A_281 : memref<1x1x80xi32, #tpu.memory_space<hbm>> -> memref<1x80xi32, #tpu.memory_space<hbm>>
    tpu.wait_dma2 semaphore(%arg18 : memref<!tpu.dma_semaphore, #tpu.memory_space<semaphore_mem>>) src(%dma_wait3A_282 : memref<1x80xi32, #tpu.memory_space<hbm>>) dst(%arg10 : memref<1x80xi32, #tpu.memory_space<vmem>>)
    %dma_start3A_283 = arith.constant 0 : i32
    %dma_start3A_284 = arith.constant 0 : i32
    %dma_start3A_285 = tpu.memref_slice %arg6[%dma_start3A_283, %dma_start3A_284] : memref<1x80xi32, #tpu.memory_space<vmem>> -> memref<1x80xi32, #tpu.memory_space<vmem>>
    %dma_start3A_286 = tpu.memref_squeeze %dma_start3A_285 : memref<1x80xi32, #tpu.memory_space<vmem>> -> memref<80xi32, #tpu.memory_space<vmem>>
    %dma_start3A_287 = arith.constant 0 : i32
    %dma_start3A_288 = arith.constant 0 : i32
    %dma_start3A_289 = tpu.memref_slice %arg2[%dma_start3A_287, %dma_start3A_288] : memref<10000x128xf32, #tpu.memory_space<hbm>> -> memref<10000x128xf32, #tpu.memory_space<hbm>>
    tpu.enqueue_indirect_dma source(%dma_start3A_289 : memref<10000x128xf32, #tpu.memory_space<hbm>>) target(%arg14 : memref<80x128xf32, #tpu.memory_space<vmem>>) offsets(%dma_start3A_286 : memref<80xi32, #tpu.memory_space<vmem>>) semaphore(%arg22 : memref<!tpu.dma_semaphore, #tpu.memory_space<semaphore_mem>>)
    %dma_wait3A_290 = arith.constant 0 : i32
    %dma_wait3A_291 = arith.constant 0 : i32
    %dma_wait3A_292 = tpu.memref_slice %arg9[%dma_wait3A_290, %dma_wait3A_291] : memref<1x80xi32, #tpu.memory_space<vmem>> -> memref<1x80xi32, #tpu.memory_space<vmem>>
    %dma_wait3A_293 = tpu.memref_squeeze %dma_wait3A_292 : memref<1x80xi32, #tpu.memory_space<vmem>> -> memref<80xi32, #tpu.memory_space<vmem>>
    %dma_wait3A_294 = arith.constant 0 : i32
    %dma_wait3A_295 = arith.constant 0 : i32
    %dma_wait3A_296 = tpu.memref_slice %arg2[%dma_wait3A_294, %dma_wait3A_295] : memref<10000x128xf32, #tpu.memory_space<hbm>> -> memref<10000x128xf32, #tpu.memory_space<hbm>>
    tpu.wait_indirect_dma semaphore(%arg23 : memref<!tpu.dma_semaphore, #tpu.memory_space<semaphore_mem>>) src(%dma_wait3A_296 : memref<10000x128xf32, #tpu.memory_space<hbm>>) dst(%arg15 : memref<80x128xf32, #tpu.memory_space<vmem>>)
    %dma_start3A_297 = arith.constant 0 : i32
    %dma_start3A_298 = arith.constant 0 : i32
    %dma_start3A_299 = tpu.memref_slice %arg13[%dma_start3A_297, %dma_start3A_298] : memref<1x80xi32, #tpu.memory_space<vmem>> -> memref<1x80xi32, #tpu.memory_space<vmem>>
    %dma_start3A_300 = tpu.memref_squeeze %dma_start3A_299 : memref<1x80xi32, #tpu.memory_space<vmem>> -> memref<80xi32, #tpu.memory_space<vmem>>
    %dma_start3A_301 = arith.constant 0 : i32
    %dma_start3A_302 = arith.constant 0 : i32
    %dma_start3A_303 = tpu.memref_slice %arg17[%dma_start3A_301, %dma_start3A_302] : memref<10240x128xf32, #tpu.memory_space<vmem_shared>> -> memref<10240x128xf32, #tpu.memory_space<vmem_shared>>
    tpu.enqueue_indirect_dma source(%arg15 : memref<80x128xf32, #tpu.memory_space<vmem>>) target(%dma_start3A_303 : memref<10240x128xf32, #tpu.memory_space<vmem_shared>>) offsets(%dma_start3A_300 : memref<80xi32, #tpu.memory_space<vmem>>) semaphore(%arg25 : memref<!tpu.dma_semaphore, #tpu.memory_space<semaphore_mem>>) {add = true}
    %dma_wait3A_304 = arith.constant 0 : i32
    %dma_wait3A_305 = arith.constant 0 : i32
    %dma_wait3A_306 = tpu.memref_slice %arg13[%dma_wait3A_304, %dma_wait3A_305] : memref<1x80xi32, #tpu.memory_space<vmem>> -> memref<1x80xi32, #tpu.memory_space<vmem>>
    %dma_wait3A_307 = tpu.memref_squeeze %dma_wait3A_306 : memref<1x80xi32, #tpu.memory_space<vmem>> -> memref<80xi32, #tpu.memory_space<vmem>>
    %dma_wait3A_308 = arith.constant 0 : i32
    %dma_wait3A_309 = arith.constant 0 : i32
    %dma_wait3A_310 = tpu.memref_slice %arg17[%dma_wait3A_308, %dma_wait3A_309] : memref<10240x128xf32, #tpu.memory_space<vmem_shared>> -> memref<10240x128xf32, #tpu.memory_space<vmem_shared>>
    tpu.wait_indirect_dma semaphore(%arg25 : memref<!tpu.dma_semaphore, #tpu.memory_space<semaphore_mem>>) src(%arg15 : memref<80x128xf32, #tpu.memory_space<vmem>>) dst(%dma_wait3A_310 : memref<10240x128xf32, #tpu.memory_space<vmem_shared>>)
    %dma_wait3A_311 = arith.constant 0 : i32
    %dma_wait3A_312 = arith.constant 0 : i32
    %dma_wait3A_313 = tpu.memref_slice %arg6[%dma_wait3A_311, %dma_wait3A_312] : memref<1x80xi32, #tpu.memory_space<vmem>> -> memref<1x80xi32, #tpu.memory_space<vmem>>
    %dma_wait3A_314 = tpu.memref_squeeze %dma_wait3A_313 : memref<1x80xi32, #tpu.memory_space<vmem>> -> memref<80xi32, #tpu.memory_space<vmem>>
    %dma_wait3A_315 = arith.constant 0 : i32
    %dma_wait3A_316 = arith.constant 0 : i32
    %dma_wait3A_317 = tpu.memref_slice %arg2[%dma_wait3A_315, %dma_wait3A_316] : memref<10000x128xf32, #tpu.memory_space<hbm>> -> memref<10000x128xf32, #tpu.memory_space<hbm>>
    tpu.wait_indirect_dma semaphore(%arg22 : memref<!tpu.dma_semaphore, #tpu.memory_space<semaphore_mem>>) src(%dma_wait3A_317 : memref<10000x128xf32, #tpu.memory_space<hbm>>) dst(%arg14 : memref<80x128xf32, #tpu.memory_space<vmem>>)
    %dma_start3A_318 = arith.constant 0 : i32
    %dma_start3A_319 = arith.constant 0 : i32
    %dma_start3A_320 = tpu.memref_slice %arg10[%dma_start3A_318, %dma_start3A_319] : memref<1x80xi32, #tpu.memory_space<vmem>> -> memref<1x80xi32, #tpu.memory_space<vmem>>
    %dma_start3A_321 = tpu.memref_squeeze %dma_start3A_320 : memref<1x80xi32, #tpu.memory_space<vmem>> -> memref<80xi32, #tpu.memory_space<vmem>>
    %dma_start3A_322 = arith.constant 0 : i32
    %dma_start3A_323 = arith.constant 0 : i32
    %dma_start3A_324 = tpu.memref_slice %arg17[%dma_start3A_322, %dma_start3A_323] : memref<10240x128xf32, #tpu.memory_space<vmem_shared>> -> memref<10240x128xf32, #tpu.memory_space<vmem_shared>>
    tpu.enqueue_indirect_dma source(%arg14 : memref<80x128xf32, #tpu.memory_space<vmem>>) target(%dma_start3A_324 : memref<10240x128xf32, #tpu.memory_space<vmem_shared>>) offsets(%dma_start3A_321 : memref<80xi32, #tpu.memory_space<vmem>>) semaphore(%arg24 : memref<!tpu.dma_semaphore, #tpu.memory_space<semaphore_mem>>) {add = true}
    %dma_wait3A_325 = arith.constant 0 : i32
    %dma_wait3A_326 = arith.constant 0 : i32
    %dma_wait3A_327 = tpu.memref_slice %arg10[%dma_wait3A_325, %dma_wait3A_326] : memref<1x80xi32, #tpu.memory_space<vmem>> -> memref<1x80xi32, #tpu.memory_space<vmem>>
    %dma_wait3A_328 = tpu.memref_squeeze %dma_wait3A_327 : memref<1x80xi32, #tpu.memory_space<vmem>> -> memref<80xi32, #tpu.memory_space<vmem>>
    %dma_wait3A_329 = arith.constant 0 : i32
    %dma_wait3A_330 = arith.constant 0 : i32
    %dma_wait3A_331 = tpu.memref_slice %arg17[%dma_wait3A_329, %dma_wait3A_330] : memref<10240x128xf32, #tpu.memory_space<vmem_shared>> -> memref<10240x128xf32, #tpu.memory_space<vmem_shared>>
    tpu.wait_indirect_dma semaphore(%arg24 : memref<!tpu.dma_semaphore, #tpu.memory_space<semaphore_mem>>) src(%arg14 : memref<80x128xf32, #tpu.memory_space<vmem>>) dst(%dma_wait3A_331 : memref<10240x128xf32, #tpu.memory_space<vmem_shared>>)
    %barrier3A_332 = arith.constant 0 : index
    tpu.barrier barrier_id(%barrier3A_332)
    %mul3A_333 = arith.constant 640 : i32
    %mul3A_334 = arith.muli %arg1, %mul3A_333 : i32
    %add3A_335 = arith.constant 0 : i32
    %add3A_336 = arith.addi %mul3A_334, %add3A_335 : i32
    %mul3A_337 = arith.constant 640 : i32
    %mul3A_338 = arith.muli %arg1, %mul3A_337 : i32
    %add3A_339 = arith.constant 0 : i32
    %add3A_340 = arith.addi %mul3A_338, %add3A_339 : i32
    "tpu.region"() ({
      %run_scoped3A = tpu.sem_alloc : memref<!tpu.dma_semaphore, #tpu.memory_space<semaphore_mem>>
      %dma_start3A_373 = arith.constant 0 : i32
      %dma_start3A_374 = tpu.memref_slice %arg5[%arg0, %add3A_340, %dma_start3A_373] : memref<2x10240x128xf32, #tpu.memory_space<hbm>> -> memref<1x128x128xf32, #tpu.memory_space<hbm>>
      %dma_start3A_375 = tpu.memref_squeeze %dma_start3A_374 : memref<1x128x128xf32, #tpu.memory_space<hbm>> -> memref<128x128xf32, #tpu.memory_space<hbm>>
      %dma_start3A_376 = arith.constant 0 : i32
      %dma_start3A_377 = tpu.memref_slice %arg17[%add3A_336, %dma_start3A_376] : memref<10240x128xf32, #tpu.memory_space<vmem_shared>> -> memref<128x128xf32, #tpu.memory_space<vmem_shared>>
      tpu.enqueue_dma source(%dma_start3A_377 : memref<128x128xf32, #tpu.memory_space<vmem_shared>>) target(%dma_start3A_375 : memref<128x128xf32, #tpu.memory_space<hbm>>) target_semaphore(%run_scoped3A : memref<!tpu.dma_semaphore, #tpu.memory_space<semaphore_mem>>)
      %dma_wait3A_378 = arith.constant 0 : i32
      %dma_wait3A_379 = tpu.memref_slice %arg5[%arg0, %add3A_340, %dma_wait3A_378] : memref<2x10240x128xf32, #tpu.memory_space<hbm>> -> memref<1x128x128xf32, #tpu.memory_space<hbm>>
      %dma_wait3A_380 = tpu.memref_squeeze %dma_wait3A_379 : memref<1x128x128xf32, #tpu.memory_space<hbm>> -> memref<128x128xf32, #tpu.memory_space<hbm>>
      %dma_wait3A_381 = arith.constant 0 : i32
      %dma_wait3A_382 = tpu.memref_slice %arg17[%add3A_336, %dma_wait3A_381] : memref<10240x128xf32, #tpu.memory_space<vmem_shared>> -> memref<128x128xf32, #tpu.memory_space<vmem_shared>>
      tpu.wait_dma2 semaphore(%run_scoped3A : memref<!tpu.dma_semaphore, #tpu.memory_space<semaphore_mem>>) src(%dma_wait3A_382 : memref<128x128xf32, #tpu.memory_space<vmem_shared>>) dst(%dma_wait3A_380 : memref<128x128xf32, #tpu.memory_space<hbm>>)
      tpu.yield
    }) : () -> ()
    %mul3A_341 = arith.constant 640 : i32
    %mul3A_342 = arith.muli %arg1, %mul3A_341 : i32
    %add3A_343 = arith.constant 128 : i32
    %add3A_344 = arith.addi %mul3A_342, %add3A_343 : i32
    %mul3A_345 = arith.constant 640 : i32
    %mul3A_346 = arith.muli %arg1, %mul3A_345 : i32
    %add3A_347 = arith.constant 128 : i32
    %add3A_348 = arith.addi %mul3A_346, %add3A_347 : i32
    "tpu.region"() ({
      %run_scoped3A = tpu.sem_alloc : memref<!tpu.dma_semaphore, #tpu.memory_space<semaphore_mem>>
      %dma_start3A_373 = arith.constant 0 : i32
      %dma_start3A_374 = tpu.memref_slice %arg5[%arg0, %add3A_348, %dma_start3A_373] : memref<2x10240x128xf32, #tpu.memory_space<hbm>> -> memref<1x128x128xf32, #tpu.memory_space<hbm>>
      %dma_start3A_375 = tpu.memref_squeeze %dma_start3A_374 : memref<1x128x128xf32, #tpu.memory_space<hbm>> -> memref<128x128xf32, #tpu.memory_space<hbm>>
      %dma_start3A_376 = arith.constant 0 : i32
      %dma_start3A_377 = tpu.memref_slice %arg17[%add3A_344, %dma_start3A_376] : memref<10240x128xf32, #tpu.memory_space<vmem_shared>> -> memref<128x128xf32, #tpu.memory_space<vmem_shared>>
      tpu.enqueue_dma source(%dma_start3A_377 : memref<128x128xf32, #tpu.memory_space<vmem_shared>>) target(%dma_start3A_375 : memref<128x128xf32, #tpu.memory_space<hbm>>) target_semaphore(%run_scoped3A : memref<!tpu.dma_semaphore, #tpu.memory_space<semaphore_mem>>)
      %dma_wait3A_378 = arith.constant 0 : i32
      %dma_wait3A_379 = tpu.memref_slice %arg5[%arg0, %add3A_348, %dma_wait3A_378] : memref<2x10240x128xf32, #tpu.memory_space<hbm>> -> memref<1x128x128xf32, #tpu.memory_space<hbm>>
      %dma_wait3A_380 = tpu.memref_squeeze %dma_wait3A_379 : memref<1x128x128xf32, #tpu.memory_space<hbm>> -> memref<128x128xf32, #tpu.memory_space<hbm>>
      %dma_wait3A_381 = arith.constant 0 : i32
      %dma_wait3A_382 = tpu.memref_slice %arg17[%add3A_344, %dma_wait3A_381] : memref<10240x128xf32, #tpu.memory_space<vmem_shared>> -> memref<128x128xf32, #tpu.memory_space<vmem_shared>>
      tpu.wait_dma2 semaphore(%run_scoped3A : memref<!tpu.dma_semaphore, #tpu.memory_space<semaphore_mem>>) src(%dma_wait3A_382 : memref<128x128xf32, #tpu.memory_space<vmem_shared>>) dst(%dma_wait3A_380 : memref<128x128xf32, #tpu.memory_space<hbm>>)
      tpu.yield
    }) : () -> ()
    %mul3A_349 = arith.constant 640 : i32
    %mul3A_350 = arith.muli %arg1, %mul3A_349 : i32
    %add3A_351 = arith.constant 256 : i32
    %add3A_352 = arith.addi %mul3A_350, %add3A_351 : i32
    %mul3A_353 = arith.constant 640 : i32
    %mul3A_354 = arith.muli %arg1, %mul3A_353 : i32
    %add3A_355 = arith.constant 256 : i32
    %add3A_356 = arith.addi %mul3A_354, %add3A_355 : i32
    "tpu.region"() ({
      %run_scoped3A = tpu.sem_alloc : memref<!tpu.dma_semaphore, #tpu.memory_space<semaphore_mem>>
      %dma_start3A_373 = arith.constant 0 : i32
      %dma_start3A_374 = tpu.memref_slice %arg5[%arg0, %add3A_356, %dma_start3A_373] : memref<2x10240x128xf32, #tpu.memory_space<hbm>> -> memref<1x128x128xf32, #tpu.memory_space<hbm>>
      %dma_start3A_375 = tpu.memref_squeeze %dma_start3A_374 : memref<1x128x128xf32, #tpu.memory_space<hbm>> -> memref<128x128xf32, #tpu.memory_space<hbm>>
      %dma_start3A_376 = arith.constant 0 : i32
      %dma_start3A_377 = tpu.memref_slice %arg17[%add3A_352, %dma_start3A_376] : memref<10240x128xf32, #tpu.memory_space<vmem_shared>> -> memref<128x128xf32, #tpu.memory_space<vmem_shared>>
      tpu.enqueue_dma source(%dma_start3A_377 : memref<128x128xf32, #tpu.memory_space<vmem_shared>>) target(%dma_start3A_375 : memref<128x128xf32, #tpu.memory_space<hbm>>) target_semaphore(%run_scoped3A : memref<!tpu.dma_semaphore, #tpu.memory_space<semaphore_mem>>)
      %dma_wait3A_378 = arith.constant 0 : i32
      %dma_wait3A_379 = tpu.memref_slice %arg5[%arg0, %add3A_356, %dma_wait3A_378] : memref<2x10240x128xf32, #tpu.memory_space<hbm>> -> memref<1x128x128xf32, #tpu.memory_space<hbm>>
      %dma_wait3A_380 = tpu.memref_squeeze %dma_wait3A_379 : memref<1x128x128xf32, #tpu.memory_space<hbm>> -> memref<128x128xf32, #tpu.memory_space<hbm>>
      %dma_wait3A_381 = arith.constant 0 : i32
      %dma_wait3A_382 = tpu.memref_slice %arg17[%add3A_352, %dma_wait3A_381] : memref<10240x128xf32, #tpu.memory_space<vmem_shared>> -> memref<128x128xf32, #tpu.memory_space<vmem_shared>>
      tpu.wait_dma2 semaphore(%run_scoped3A : memref<!tpu.dma_semaphore, #tpu.memory_space<semaphore_mem>>) src(%dma_wait3A_382 : memref<128x128xf32, #tpu.memory_space<vmem_shared>>) dst(%dma_wait3A_380 : memref<128x128xf32, #tpu.memory_space<hbm>>)
      tpu.yield
    }) : () -> ()
    %mul3A_357 = arith.constant 640 : i32
    %mul3A_358 = arith.muli %arg1, %mul3A_357 : i32
    %add3A_359 = arith.constant 384 : i32
    %add3A_360 = arith.addi %mul3A_358, %add3A_359 : i32
    %mul3A_361 = arith.constant 640 : i32
    %mul3A_362 = arith.muli %arg1, %mul3A_361 : i32
    %add3A_363 = arith.constant 384 : i32
    %add3A_364 = arith.addi %mul3A_362, %add3A_363 : i32
    "tpu.region"() ({
      %run_scoped3A = tpu.sem_alloc : memref<!tpu.dma_semaphore, #tpu.memory_space<semaphore_mem>>
      %dma_start3A_373 = arith.constant 0 : i32
      %dma_start3A_374 = tpu.memref_slice %arg5[%arg0, %add3A_364, %dma_start3A_373] : memref<2x10240x128xf32, #tpu.memory_space<hbm>> -> memref<1x128x128xf32, #tpu.memory_space<hbm>>
      %dma_start3A_375 = tpu.memref_squeeze %dma_start3A_374 : memref<1x128x128xf32, #tpu.memory_space<hbm>> -> memref<128x128xf32, #tpu.memory_space<hbm>>
      %dma_start3A_376 = arith.constant 0 : i32
      %dma_start3A_377 = tpu.memref_slice %arg17[%add3A_360, %dma_start3A_376] : memref<10240x128xf32, #tpu.memory_space<vmem_shared>> -> memref<128x128xf32, #tpu.memory_space<vmem_shared>>
      tpu.enqueue_dma source(%dma_start3A_377 : memref<128x128xf32, #tpu.memory_space<vmem_shared>>) target(%dma_start3A_375 : memref<128x128xf32, #tpu.memory_space<hbm>>) target_semaphore(%run_scoped3A : memref<!tpu.dma_semaphore, #tpu.memory_space<semaphore_mem>>)
      %dma_wait3A_378 = arith.constant 0 : i32
      %dma_wait3A_379 = tpu.memref_slice %arg5[%arg0, %add3A_364, %dma_wait3A_378] : memref<2x10240x128xf32, #tpu.memory_space<hbm>> -> memref<1x128x128xf32, #tpu.memory_space<hbm>>
      %dma_wait3A_380 = tpu.memref_squeeze %dma_wait3A_379 : memref<1x128x128xf32, #tpu.memory_space<hbm>> -> memref<128x128xf32, #tpu.memory_space<hbm>>
      %dma_wait3A_381 = arith.constant 0 : i32
      %dma_wait3A_382 = tpu.memref_slice %arg17[%add3A_360, %dma_wait3A_381] : memref<10240x128xf32, #tpu.memory_space<vmem_shared>> -> memref<128x128xf32, #tpu.memory_space<vmem_shared>>
      tpu.wait_dma2 semaphore(%run_scoped3A : memref<!tpu.dma_semaphore, #tpu.memory_space<semaphore_mem>>) src(%dma_wait3A_382 : memref<128x128xf32, #tpu.memory_space<vmem_shared>>) dst(%dma_wait3A_380 : memref<128x128xf32, #tpu.memory_space<hbm>>)
      tpu.yield
    }) : () -> ()
    %mul3A_365 = arith.constant 640 : i32
    %mul3A_366 = arith.muli %arg1, %mul3A_365 : i32
    %add3A_367 = arith.constant 512 : i32
    %add3A_368 = arith.addi %mul3A_366, %add3A_367 : i32
    %mul3A_369 = arith.constant 640 : i32
    %mul3A_370 = arith.muli %arg1, %mul3A_369 : i32
    %add3A_371 = arith.constant 512 : i32
    %add3A_372 = arith.addi %mul3A_370, %add3A_371 : i32
    "tpu.region"() ({
      %run_scoped3A = tpu.sem_alloc : memref<!tpu.dma_semaphore, #tpu.memory_space<semaphore_mem>>
      %dma_start3A_373 = arith.constant 0 : i32
      %dma_start3A_374 = tpu.memref_slice %arg5[%arg0, %add3A_372, %dma_start3A_373] : memref<2x10240x128xf32, #tpu.memory_space<hbm>> -> memref<1x128x128xf32, #tpu.memory_space<hbm>>
      %dma_start3A_375 = tpu.memref_squeeze %dma_start3A_374 : memref<1x128x128xf32, #tpu.memory_space<hbm>> -> memref<128x128xf32, #tpu.memory_space<hbm>>
      %dma_start3A_376 = arith.constant 0 : i32
      %dma_start3A_377 = tpu.memref_slice %arg17[%add3A_368, %dma_start3A_376] : memref<10240x128xf32, #tpu.memory_space<vmem_shared>> -> memref<128x128xf32, #tpu.memory_space<vmem_shared>>
      tpu.enqueue_dma source(%dma_start3A_377 : memref<128x128xf32, #tpu.memory_space<vmem_shared>>) target(%dma_start3A_375 : memref<128x128xf32, #tpu.memory_space<hbm>>) target_semaphore(%run_scoped3A : memref<!tpu.dma_semaphore, #tpu.memory_space<semaphore_mem>>)
      %dma_wait3A_378 = arith.constant 0 : i32
      %dma_wait3A_379 = tpu.memref_slice %arg5[%arg0, %add3A_372, %dma_wait3A_378] : memref<2x10240x128xf32, #tpu.memory_space<hbm>> -> memref<1x128x128xf32, #tpu.memory_space<hbm>>
      %dma_wait3A_380 = tpu.memref_squeeze %dma_wait3A_379 : memref<1x128x128xf32, #tpu.memory_space<hbm>> -> memref<128x128xf32, #tpu.memory_space<hbm>>
      %dma_wait3A_381 = arith.constant 0 : i32
      %dma_wait3A_382 = tpu.memref_slice %arg17[%add3A_368, %dma_wait3A_381] : memref<10240x128xf32, #tpu.memory_space<vmem_shared>> -> memref<128x128xf32, #tpu.memory_space<vmem_shared>>
      tpu.wait_dma2 semaphore(%run_scoped3A : memref<!tpu.dma_semaphore, #tpu.memory_space<semaphore_mem>>) src(%dma_wait3A_382 : memref<128x128xf32, #tpu.memory_space<vmem_shared>>) dst(%dma_wait3A_380 : memref<128x128xf32, #tpu.memory_space<hbm>>)
      tpu.yield
    }) : () -> ()
    return
  }
}

#map = affine_map<(d0, d1) -> (0, 0)>
#map1 = affine_map<(d0, d1) -> (0, 0, 0)>
module attributes {stable_mosaic.version = 14 : i64} {
  func.func @_sc_build_edges(%arg0: i32, %arg1: i32, %arg2: memref<10000x128xf32, #tpu.memory_space<hbm>>, %arg3: memref<10000x128xf32, #tpu.memory_space<hbm>>, %arg4: memref<32x125x80xi32, #tpu.memory_space<hbm>>, %arg5: memref<32x125x80xi32, #tpu.memory_space<hbm>>, %arg6: memref<320000x128xf32, #tpu.memory_space<hbm>>, %arg7: memref<32x128xf32, #tpu.memory_space<hbm>>, %arg8: memref<32x128xf32, #tpu.memory_space<hbm>>, %arg9: memref<2x10240xf32, #tpu.memory_space<hbm>>, %arg10: memref<125x80xi32, #tpu.memory_space<vmem>>, %arg11: memref<125x80xi32, #tpu.memory_space<vmem>>, %arg12: memref<80x128xf32, #tpu.memory_space<vmem>>, %arg13: memref<80x128xf32, #tpu.memory_space<vmem>>, %arg14: memref<80x128xf32, #tpu.memory_space<vmem>>, %arg15: memref<80x128xf32, #tpu.memory_space<vmem>>, %arg16: memref<80x128xf32, #tpu.memory_space<vmem>>, %arg17: memref<80x128xf32, #tpu.memory_space<vmem>>, %arg18: memref<80xf32, #tpu.memory_space<vmem>>, %arg19: memref<640xf32, #tpu.memory_space<vmem>>, %arg20: memref<128xf32, #tpu.memory_space<vmem>>, %arg21: memref<128xf32, #tpu.memory_space<vmem>>, %arg22: memref<10240xf32, #tpu.memory_space<vmem_shared>>, %arg23: memref<!tpu.dma_semaphore, #tpu.memory_space<semaphore_mem>>, %arg24: memref<!tpu.dma_semaphore, #tpu.memory_space<semaphore_mem>>, %arg25: memref<!tpu.dma_semaphore, #tpu.memory_space<semaphore_mem>>, %arg26: memref<!tpu.dma_semaphore, #tpu.memory_space<semaphore_mem>>, %arg27: memref<!tpu.dma_semaphore, #tpu.memory_space<semaphore_mem>>, %arg28: memref<!tpu.dma_semaphore, #tpu.memory_space<semaphore_mem>>, %arg29: memref<!tpu.dma_semaphore, #tpu.memory_space<semaphore_mem>>) attributes {dimension_semantics = [#tpu.dimension_semantics<core_parallel>, #tpu.dimension_semantics<subcore_parallel>], iteration_bounds = array<i64: 2, 16>, scalar_prefetch = 0 : i64, scratch_operands = 20 : i64, tpu.core_type = #tpu.core_type<sc_vector_subcore>, window_params = [{transform_indices = #map}, {transform_indices = #map}, {transform_indices = #map1}, {transform_indices = #map1}, {transform_indices = #map}, {transform_indices = #map}, {transform_indices = #map}, {transform_indices = #map}]} {
    %mul3A = arith.constant 16 : i32
    %mul3A_0 = arith.muli %arg0, %mul3A : i32
    %add3A = arith.addi %mul3A_0, %arg1 : i32
    %mul3A_1 = arith.constant 160000 : i32
    %mul3A_2 = arith.muli %arg0, %mul3A_1 : i32
    %mul3A_3 = arith.constant 10000 : i32
    %mul3A_4 = arith.muli %arg1, %mul3A_3 : i32
    %add3A_5 = arith.addi %mul3A_2, %mul3A_4 : i32
    %broadcast_in_dim3A = arith.constant 1.000000e+00 : f32
    %broadcast_in_dim3A_6 = vector.broadcast %broadcast_in_dim3A : f32 to vector<16xf32>
    %swap3A = arith.constant 0 : index
    %swap3A_7 = tpu.vector_load %arg18[%swap3A] {strides = array<i32>} : memref<80xf32, #tpu.memory_space<vmem>>, vector<16xf32>,
    %swap3A_8 = vector.shape_cast %swap3A_7 : vector<16xf32> to vector<16xf32>
    %swap3A_9 = vector.shape_cast %broadcast_in_dim3A_6 : vector<16xf32> to vector<16xf32>
    tpu.vector_store %arg18[%swap3A], %swap3A_9 {strides = array<i32>} : memref<80xf32, #tpu.memory_space<vmem>>, vector<16xf32>,
    %broadcast_in_dim3A_10 = arith.constant 1.000000e+00 : f32
    %broadcast_in_dim3A_11 = vector.broadcast %broadcast_in_dim3A_10 : f32 to vector<16xf32>
    %swap3A_12 = arith.constant 16 : index
    %swap3A_13 = tpu.vector_load %arg18[%swap3A_12] {strides = array<i32>} : memref<80xf32, #tpu.memory_space<vmem>>, vector<16xf32>,
    %swap3A_14 = vector.shape_cast %swap3A_13 : vector<16xf32> to vector<16xf32>
    %swap3A_15 = vector.shape_cast %broadcast_in_dim3A_11 : vector<16xf32> to vector<16xf32>
    tpu.vector_store %arg18[%swap3A_12], %swap3A_15 {strides = array<i32>} : memref<80xf32, #tpu.memory_space<vmem>>, vector<16xf32>,
    %broadcast_in_dim3A_16 = arith.constant 1.000000e+00 : f32
    %broadcast_in_dim3A_17 = vector.broadcast %broadcast_in_dim3A_16 : f32 to vector<16xf32>
    %swap3A_18 = arith.constant 32 : index
    %swap3A_19 = tpu.vector_load %arg18[%swap3A_18] {strides = array<i32>} : memref<80xf32, #tpu.memory_space<vmem>>, vector<16xf32>,
    %swap3A_20 = vector.shape_cast %swap3A_19 : vector<16xf32> to vector<16xf32>
    %swap3A_21 = vector.shape_cast %broadcast_in_dim3A_17 : vector<16xf32> to vector<16xf32>
    tpu.vector_store %arg18[%swap3A_18], %swap3A_21 {strides = array<i32>} : memref<80xf32, #tpu.memory_space<vmem>>, vector<16xf32>,
    %broadcast_in_dim3A_22 = arith.constant 1.000000e+00 : f32
    %broadcast_in_dim3A_23 = vector.broadcast %broadcast_in_dim3A_22 : f32 to vector<16xf32>
    %swap3A_24 = arith.constant 48 : index
    %swap3A_25 = tpu.vector_load %arg18[%swap3A_24] {strides = array<i32>} : memref<80xf32, #tpu.memory_space<vmem>>, vector<16xf32>,
    %swap3A_26 = vector.shape_cast %swap3A_25 : vector<16xf32> to vector<16xf32>
    %swap3A_27 = vector.shape_cast %broadcast_in_dim3A_23 : vector<16xf32> to vector<16xf32>
    tpu.vector_store %arg18[%swap3A_24], %swap3A_27 {strides = array<i32>} : memref<80xf32, #tpu.memory_space<vmem>>, vector<16xf32>,
    %broadcast_in_dim3A_28 = arith.constant 1.000000e+00 : f32
    %broadcast_in_dim3A_29 = vector.broadcast %broadcast_in_dim3A_28 : f32 to vector<16xf32>
    %swap3A_30 = arith.constant 64 : index
    %swap3A_31 = tpu.vector_load %arg18[%swap3A_30] {strides = array<i32>} : memref<80xf32, #tpu.memory_space<vmem>>, vector<16xf32>,
    %swap3A_32 = vector.shape_cast %swap3A_31 : vector<16xf32> to vector<16xf32>
    %swap3A_33 = vector.shape_cast %broadcast_in_dim3A_29 : vector<16xf32> to vector<16xf32>
    tpu.vector_store %arg18[%swap3A_30], %swap3A_33 {strides = array<i32>} : memref<80xf32, #tpu.memory_space<vmem>>, vector<16xf32>,
    %scan3A = arith.constant 0 : i32
    %scan3A_34 = arith.constant 0 : i32
    %scan3A_35 = arith.constant 40 : i32
    %scan3A_36 = arith.addi %scan3A_34, %scan3A_35 : i32
    %scan3A_37 = arith.constant 1 : i32
    %scan3A_38 = scf.for %scan3A_188 = %scan3A_34 to %scan3A_36 step %scan3A_37 iter_args(%scan3A_189 = %scan3A) -> (i32)  : i32 {
      %broadcast_in_dim3A_190 = arith.constant 0.000000e+00 : f32
      %broadcast_in_dim3A_191 = vector.broadcast %broadcast_in_dim3A_190 : f32 to vector<16xf32>
      %mul3A_192 = arith.constant 16 : i32
      %mul3A_193 = arith.muli %scan3A_188, %mul3A_192 : i32
      %swap3A_194 = arith.index_cast %mul3A_193 : i32 to index
      %swap3A_195 = tpu.vector_load %arg19[%swap3A_194] {strides = array<i32>} : memref<640xf32, #tpu.memory_space<vmem>>, vector<16xf32>,
      %swap3A_196 = vector.shape_cast %swap3A_195 : vector<16xf32> to vector<16xf32>
      %swap3A_197 = vector.shape_cast %broadcast_in_dim3A_191 : vector<16xf32> to vector<16xf32>
      tpu.vector_store %arg19[%swap3A_194], %swap3A_197 {strides = array<i32>} : memref<640xf32, #tpu.memory_space<vmem>>, vector<16xf32>,
      %scan3A_198 = arith.constant 0 : i32
      scf.yield %scan3A_198 : i32
    }
    %scan3A_39 = arith.constant 40 : i32
    %mul3A_40 = arith.constant 640 : i32
    %mul3A_41 = arith.muli %arg1, %mul3A_40 : i32
    "tpu.region"() ({
      %run_scoped3A = tpu.sem_alloc : memref<!tpu.dma_semaphore, #tpu.memory_space<semaphore_mem>>
      %dma_start3A_188 = tpu.memref_slice %arg22[%mul3A_41] : memref<10240xf32, #tpu.memory_space<vmem_shared>> -> memref<640xf32, #tpu.memory_space<vmem_shared>>
      %dma_start3A_189 = tpu.memref_slice %arg22[%mul3A_41] : memref<10240xf32, #tpu.memory_space<vmem_shared>> -> memref<640xf32, #tpu.memory_space<vmem_shared>>
      tpu.enqueue_dma source(%arg19 : memref<640xf32, #tpu.memory_space<vmem>>) target(%dma_start3A_189 : memref<640xf32, #tpu.memory_space<vmem_shared>>) target_semaphore(%run_scoped3A : memref<!tpu.dma_semaphore, #tpu.memory_space<semaphore_mem>>)
      %dma_wait3A_190 = tpu.memref_slice %arg22[%mul3A_41] : memref<10240xf32, #tpu.memory_space<vmem_shared>> -> memref<640xf32, #tpu.memory_space<vmem_shared>>
      %dma_wait3A_191 = tpu.memref_slice %arg22[%mul3A_41] : memref<10240xf32, #tpu.memory_space<vmem_shared>> -> memref<640xf32, #tpu.memory_space<vmem_shared>>
      tpu.wait_dma2 semaphore(%run_scoped3A : memref<!tpu.dma_semaphore, #tpu.memory_space<semaphore_mem>>) src(%arg19 : memref<640xf32, #tpu.memory_space<vmem>>) dst(%dma_wait3A_191 : memref<640xf32, #tpu.memory_space<vmem_shared>>)
      tpu.yield
    }) : () -> ()
    "tpu.region"() ({
      %run_scoped3A = tpu.sem_alloc : memref<!tpu.dma_semaphore, #tpu.memory_space<semaphore_mem>>
      %dma_start3A_188 = arith.constant 0 : i32
      %dma_start3A_189 = arith.constant 0 : i32
      %dma_start3A_190 = tpu.memref_slice %arg4[%add3A, %dma_start3A_188, %dma_start3A_189] : memref<32x125x80xi32, #tpu.memory_space<hbm>> -> memref<1x125x80xi32, #tpu.memory_space<hbm>>
      %dma_start3A_191 = tpu.memref_squeeze %dma_start3A_190 : memref<1x125x80xi32, #tpu.memory_space<hbm>> -> memref<125x80xi32, #tpu.memory_space<hbm>>
      %dma_start3A_192 = arith.constant 0 : i32
      %dma_start3A_193 = arith.constant 0 : i32
      %dma_start3A_194 = tpu.memref_slice %arg4[%add3A, %dma_start3A_192, %dma_start3A_193] : memref<32x125x80xi32, #tpu.memory_space<hbm>> -> memref<1x125x80xi32, #tpu.memory_space<hbm>>
      %dma_start3A_195 = tpu.memref_squeeze %dma_start3A_194 : memref<1x125x80xi32, #tpu.memory_space<hbm>> -> memref<125x80xi32, #tpu.memory_space<hbm>>
      tpu.enqueue_dma source(%dma_start3A_195 : memref<125x80xi32, #tpu.memory_space<hbm>>) target(%arg10 : memref<125x80xi32, #tpu.memory_space<vmem>>) target_semaphore(%run_scoped3A : memref<!tpu.dma_semaphore, #tpu.memory_space<semaphore_mem>>)
      %dma_wait3A_196 = arith.constant 0 : i32
      %dma_wait3A_197 = arith.constant 0 : i32
      %dma_wait3A_198 = tpu.memref_slice %arg4[%add3A, %dma_wait3A_196, %dma_wait3A_197] : memref<32x125x80xi32, #tpu.memory_space<hbm>> -> memref<1x125x80xi32, #tpu.memory_space<hbm>>
      %dma_wait3A_199 = tpu.memref_squeeze %dma_wait3A_198 : memref<1x125x80xi32, #tpu.memory_space<hbm>> -> memref<125x80xi32, #tpu.memory_space<hbm>>
      %dma_wait3A_200 = arith.constant 0 : i32
      %dma_wait3A_201 = arith.constant 0 : i32
      %dma_wait3A_202 = tpu.memref_slice %arg4[%add3A, %dma_wait3A_200, %dma_wait3A_201] : memref<32x125x80xi32, #tpu.memory_space<hbm>> -> memref<1x125x80xi32, #tpu.memory_space<hbm>>
      %dma_wait3A_203 = tpu.memref_squeeze %dma_wait3A_202 : memref<1x125x80xi32, #tpu.memory_space<hbm>> -> memref<125x80xi32, #tpu.memory_space<hbm>>
      tpu.wait_dma2 semaphore(%run_scoped3A : memref<!tpu.dma_semaphore, #tpu.memory_space<semaphore_mem>>) src(%dma_wait3A_203 : memref<125x80xi32, #tpu.memory_space<hbm>>) dst(%arg10 : memref<125x80xi32, #tpu.memory_space<vmem>>)
      tpu.yield
    }) : () -> ()
    "tpu.region"() ({
      %run_scoped3A = tpu.sem_alloc : memref<!tpu.dma_semaphore, #tpu.memory_space<semaphore_mem>>
      %dma_start3A_188 = arith.constant 0 : i32
      %dma_start3A_189 = arith.constant 0 : i32
      %dma_start3A_190 = tpu.memref_slice %arg5[%add3A, %dma_start3A_188, %dma_start3A_189] : memref<32x125x80xi32, #tpu.memory_space<hbm>> -> memref<1x125x80xi32, #tpu.memory_space<hbm>>
      %dma_start3A_191 = tpu.memref_squeeze %dma_start3A_190 : memref<1x125x80xi32, #tpu.memory_space<hbm>> -> memref<125x80xi32, #tpu.memory_space<hbm>>
      %dma_start3A_192 = arith.constant 0 : i32
      %dma_start3A_193 = arith.constant 0 : i32
      %dma_start3A_194 = tpu.memref_slice %arg5[%add3A, %dma_start3A_192, %dma_start3A_193] : memref<32x125x80xi32, #tpu.memory_space<hbm>> -> memref<1x125x80xi32, #tpu.memory_space<hbm>>
      %dma_start3A_195 = tpu.memref_squeeze %dma_start3A_194 : memref<1x125x80xi32, #tpu.memory_space<hbm>> -> memref<125x80xi32, #tpu.memory_space<hbm>>
      tpu.enqueue_dma source(%dma_start3A_195 : memref<125x80xi32, #tpu.memory_space<hbm>>) target(%arg11 : memref<125x80xi32, #tpu.memory_space<vmem>>) target_semaphore(%run_scoped3A : memref<!tpu.dma_semaphore, #tpu.memory_space<semaphore_mem>>)
      %dma_wait3A_196 = arith.constant 0 : i32
      %dma_wait3A_197 = arith.constant 0 : i32
      %dma_wait3A_198 = tpu.memref_slice %arg5[%add3A, %dma_wait3A_196, %dma_wait3A_197] : memref<32x125x80xi32, #tpu.memory_space<hbm>> -> memref<1x125x80xi32, #tpu.memory_space<hbm>>
      %dma_wait3A_199 = tpu.memref_squeeze %dma_wait3A_198 : memref<1x125x80xi32, #tpu.memory_space<hbm>> -> memref<125x80xi32, #tpu.memory_space<hbm>>
      %dma_wait3A_200 = arith.constant 0 : i32
      %dma_wait3A_201 = arith.constant 0 : i32
      %dma_wait3A_202 = tpu.memref_slice %arg5[%add3A, %dma_wait3A_200, %dma_wait3A_201] : memref<32x125x80xi32, #tpu.memory_space<hbm>> -> memref<1x125x80xi32, #tpu.memory_space<hbm>>
      %dma_wait3A_203 = tpu.memref_squeeze %dma_wait3A_202 : memref<1x125x80xi32, #tpu.memory_space<hbm>> -> memref<125x80xi32, #tpu.memory_space<hbm>>
      tpu.wait_dma2 semaphore(%run_scoped3A : memref<!tpu.dma_semaphore, #tpu.memory_space<semaphore_mem>>) src(%dma_wait3A_203 : memref<125x80xi32, #tpu.memory_space<hbm>>) dst(%arg11 : memref<125x80xi32, #tpu.memory_space<vmem>>)
      tpu.yield
    }) : () -> ()
    %barrier3A = arith.constant 0 : index
    tpu.barrier barrier_id(%barrier3A)
    %dma_start3A = arith.constant 0 : i32
    %dma_start3A_42 = arith.constant 0 : i32
    %dma_start3A_43 = tpu.memref_slice %arg10[%dma_start3A, %dma_start3A_42] : memref<125x80xi32, #tpu.memory_space<vmem>> -> memref<1x80xi32, #tpu.memory_space<vmem>>
    %dma_start3A_44 = tpu.memref_squeeze %dma_start3A_43 : memref<1x80xi32, #tpu.memory_space<vmem>> -> memref<80xi32, #tpu.memory_space<vmem>>
    %dma_start3A_45 = arith.constant 0 : i32
    %dma_start3A_46 = arith.constant 0 : i32
    %dma_start3A_47 = tpu.memref_slice %arg2[%dma_start3A_45, %dma_start3A_46] : memref<10000x128xf32, #tpu.memory_space<hbm>> -> memref<10000x128xf32, #tpu.memory_space<hbm>>
    tpu.enqueue_indirect_dma source(%dma_start3A_47 : memref<10000x128xf32, #tpu.memory_space<hbm>>) target(%arg12 : memref<80x128xf32, #tpu.memory_space<vmem>>) offsets(%dma_start3A_44 : memref<80xi32, #tpu.memory_space<vmem>>) semaphore(%arg23 : memref<!tpu.dma_semaphore, #tpu.memory_space<semaphore_mem>>)
    %dma_start3A_48 = arith.constant 0 : i32
    %dma_start3A_49 = arith.constant 0 : i32
    %dma_start3A_50 = tpu.memref_slice %arg11[%dma_start3A_48, %dma_start3A_49] : memref<125x80xi32, #tpu.memory_space<vmem>> -> memref<1x80xi32, #tpu.memory_space<vmem>>
    %dma_start3A_51 = tpu.memref_squeeze %dma_start3A_50 : memref<1x80xi32, #tpu.memory_space<vmem>> -> memref<80xi32, #tpu.memory_space<vmem>>
    %dma_start3A_52 = arith.constant 0 : i32
    %dma_start3A_53 = arith.constant 0 : i32
    %dma_start3A_54 = tpu.memref_slice %arg3[%dma_start3A_52, %dma_start3A_53] : memref<10000x128xf32, #tpu.memory_space<hbm>> -> memref<10000x128xf32, #tpu.memory_space<hbm>>
    tpu.enqueue_indirect_dma source(%dma_start3A_54 : memref<10000x128xf32, #tpu.memory_space<hbm>>) target(%arg13 : memref<80x128xf32, #tpu.memory_space<vmem>>) offsets(%dma_start3A_51 : memref<80xi32, #tpu.memory_space<vmem>>) semaphore(%arg24 : memref<!tpu.dma_semaphore, #tpu.memory_space<semaphore_mem>>)
    %broadcast_in_dim3A_55 = arith.constant 0.000000e+00 : f32
    %broadcast_in_dim3A_56 = vector.broadcast %broadcast_in_dim3A_55 : f32 to vector<16xf32>
    %scan3A_57 = arith.constant 0 : i32
    %scan3A_58 = arith.constant 62 : i32
    %scan3A_59 = arith.addi %scan3A_57, %scan3A_58 : i32
    %scan3A_60 = arith.constant 1 : i32
    %scan3A_61:16 = scf.for %scan3A_188 = %scan3A_57 to %scan3A_59 step %scan3A_60 iter_args(%scan3A_189 = %broadcast_in_dim3A_56, %scan3A_190 = %broadcast_in_dim3A_56, %scan3A_191 = %broadcast_in_dim3A_56, %scan3A_192 = %broadcast_in_dim3A_56, %scan3A_193 = %broadcast_in_dim3A_56, %scan3A_194 = %broadcast_in_dim3A_56, %scan3A_195 = %broadcast_in_dim3A_56, %scan3A_196 = %broadcast_in_dim3A_56, %scan3A_197 = %broadcast_in_dim3A_56, %scan3A_198 = %broadcast_in_dim3A_56, %scan3A_199 = %broadcast_in_dim3A_56, %scan3A_200 = %broadcast_in_dim3A_56, %scan3A_201 = %broadcast_in_dim3A_56, %scan3A_202 = %broadcast_in_dim3A_56, %scan3A_203 = %broadcast_in_dim3A_56, %scan3A_204 = %broadcast_in_dim3A_56) -> (vector<16xf32>, vector<16xf32>, vector<16xf32>, vector<16xf32>, vector<16xf32>, vector<16xf32>, vector<16xf32>, vector<16xf32>, vector<16xf32>, vector<16xf32>, vector<16xf32>, vector<16xf32>, vector<16xf32>, vector<16xf32>, vector<16xf32>, vector<16xf32>)  : i32 {
      %mul3A_205 = arith.constant 2 : i32
      %mul3A_206 = arith.muli %mul3A_205, %scan3A_188 : i32
      %add3A_207 = arith.constant 1 : i32
      %add3A_208 = arith.addi %mul3A_206, %add3A_207 : i32
      %dma_start3A_209 = arith.constant 0 : i32
      %dma_start3A_210 = tpu.memref_slice %arg10[%add3A_208, %dma_start3A_209] : memref<125x80xi32, #tpu.memory_space<vmem>> -> memref<1x80xi32, #tpu.memory_space<vmem>>
      %dma_start3A_211 = tpu.memref_squeeze %dma_start3A_210 : memref<1x80xi32, #tpu.memory_space<vmem>> -> memref<80xi32, #tpu.memory_space<vmem>>
      %dma_start3A_212 = arith.constant 0 : i32
      %dma_start3A_213 = arith.constant 0 : i32
      %dma_start3A_214 = tpu.memref_slice %arg2[%dma_start3A_212, %dma_start3A_213] : memref<10000x128xf32, #tpu.memory_space<hbm>> -> memref<10000x128xf32, #tpu.memory_space<hbm>>
      tpu.enqueue_indirect_dma source(%dma_start3A_214 : memref<10000x128xf32, #tpu.memory_space<hbm>>) target(%arg15 : memref<80x128xf32, #tpu.memory_space<vmem>>) offsets(%dma_start3A_211 : memref<80xi32, #tpu.memory_space<vmem>>) semaphore(%arg25 : memref<!tpu.dma_semaphore, #tpu.memory_space<semaphore_mem>>)
      %dma_start3A_215 = arith.constant 0 : i32
      %dma_start3A_216 = tpu.memref_slice %arg11[%add3A_208, %dma_start3A_215] : memref<125x80xi32, #tpu.memory_space<vmem>> -> memref<1x80xi32, #tpu.memory_space<vmem>>
      %dma_start3A_217 = tpu.memref_squeeze %dma_start3A_216 : memref<1x80xi32, #tpu.memory_space<vmem>> -> memref<80xi32, #tpu.memory_space<vmem>>
      %dma_start3A_218 = arith.constant 0 : i32
      %dma_start3A_219 = arith.constant 0 : i32
      %dma_start3A_220 = tpu.memref_slice %arg3[%dma_start3A_218, %dma_start3A_219] : memref<10000x128xf32, #tpu.memory_space<hbm>> -> memref<10000x128xf32, #tpu.memory_space<hbm>>
      tpu.enqueue_indirect_dma source(%dma_start3A_220 : memref<10000x128xf32, #tpu.memory_space<hbm>>) target(%arg16 : memref<80x128xf32, #tpu.memory_space<vmem>>) offsets(%dma_start3A_217 : memref<80xi32, #tpu.memory_space<vmem>>) semaphore(%arg26 : memref<!tpu.dma_semaphore, #tpu.memory_space<semaphore_mem>>)
      %dma_wait3A_221 = arith.constant 0 : i32
      %dma_wait3A_222 = arith.constant 0 : i32
      %dma_wait3A_223 = tpu.memref_slice %arg10[%dma_wait3A_221, %dma_wait3A_222] : memref<125x80xi32, #tpu.memory_space<vmem>> -> memref<1x80xi32, #tpu.memory_space<vmem>>
      %dma_wait3A_224 = tpu.memref_squeeze %dma_wait3A_223 : memref<1x80xi32, #tpu.memory_space<vmem>> -> memref<80xi32, #tpu.memory_space<vmem>>
      %dma_wait3A_225 = arith.constant 0 : i32
      %dma_wait3A_226 = arith.constant 0 : i32
      %dma_wait3A_227 = tpu.memref_slice %arg2[%dma_wait3A_225, %dma_wait3A_226] : memref<10000x128xf32, #tpu.memory_space<hbm>> -> memref<10000x128xf32, #tpu.memory_space<hbm>>
      tpu.wait_indirect_dma semaphore(%arg23 : memref<!tpu.dma_semaphore, #tpu.memory_space<semaphore_mem>>) src(%dma_wait3A_227 : memref<10000x128xf32, #tpu.memory_space<hbm>>) dst(%arg12 : memref<80x128xf32, #tpu.memory_space<vmem>>)
      %dma_wait3A_228 = arith.constant 0 : i32
      %dma_wait3A_229 = arith.constant 0 : i32
      %dma_wait3A_230 = tpu.memref_slice %arg11[%dma_wait3A_228, %dma_wait3A_229] : memref<125x80xi32, #tpu.memory_space<vmem>> -> memref<1x80xi32, #tpu.memory_space<vmem>>
      %dma_wait3A_231 = tpu.memref_squeeze %dma_wait3A_230 : memref<1x80xi32, #tpu.memory_space<vmem>> -> memref<80xi32, #tpu.memory_space<vmem>>
      %dma_wait3A_232 = arith.constant 0 : i32
      %dma_wait3A_233 = arith.constant 0 : i32
      %dma_wait3A_234 = tpu.memref_slice %arg3[%dma_wait3A_232, %dma_wait3A_233] : memref<10000x128xf32, #tpu.memory_space<hbm>> -> memref<10000x128xf32, #tpu.memory_space<hbm>>
      tpu.wait_indirect_dma semaphore(%arg24 : memref<!tpu.dma_semaphore, #tpu.memory_space<semaphore_mem>>) src(%dma_wait3A_234 : memref<10000x128xf32, #tpu.memory_space<hbm>>) dst(%arg13 : memref<80x128xf32, #tpu.memory_space<vmem>>)
      %mul3A_235 = arith.constant 2 : i32
      %mul3A_236 = arith.muli %mul3A_235, %scan3A_188 : i32
      %dma_start3A_237 = arith.constant 0 : i32
      %dma_start3A_238 = tpu.memref_slice %arg11[%mul3A_236, %dma_start3A_237] : memref<125x80xi32, #tpu.memory_space<vmem>> -> memref<1x80xi32, #tpu.memory_space<vmem>>
      %dma_start3A_239 = tpu.memref_squeeze %dma_start3A_238 : memref<1x80xi32, #tpu.memory_space<vmem>> -> memref<80xi32, #tpu.memory_space<vmem>>
      %dma_start3A_240 = arith.constant 0 : i32
      %dma_start3A_241 = tpu.memref_slice %arg22[%dma_start3A_240] : memref<10240xf32, #tpu.memory_space<vmem_shared>> -> memref<10240xf32, #tpu.memory_space<vmem_shared>>
      tpu.enqueue_indirect_dma source(%arg18 : memref<80xf32, #tpu.memory_space<vmem>>) target(%dma_start3A_241 : memref<10240xf32, #tpu.memory_space<vmem_shared>>) offsets(%dma_start3A_239 : memref<80xi32, #tpu.memory_space<vmem>>) semaphore(%arg29 : memref<!tpu.dma_semaphore, #tpu.memory_space<semaphore_mem>>) {add = true}
      %gt3A = arith.constant 0 : i32
      %gt3A_242 = arith.cmpi sgt, %scan3A_188, %gt3A : i32
      %convert_element_type3A = arith.extui %gt3A_242 : i1 to i32
      %cond3A = arith.constant 0 : i32
      %cond3A_243 = arith.cmpi ne, %convert_element_type3A, %cond3A : i32
      scf.if %cond3A_243 {
        %dma_wait3A_320 = arith.constant 0 : i32
        %dma_wait3A_321 = arith.constant 0 : i32
        %dma_wait3A_322 = tpu.memref_slice %arg6[%dma_wait3A_320, %dma_wait3A_321] : memref<320000x128xf32, #tpu.memory_space<hbm>> -> memref<80x128xf32, #tpu.memory_space<hbm>>
        %dma_wait3A_323 = arith.constant 0 : i32
        %dma_wait3A_324 = arith.constant 0 : i32
        %dma_wait3A_325 = tpu.memref_slice %arg6[%dma_wait3A_323, %dma_wait3A_324] : memref<320000x128xf32, #tpu.memory_space<hbm>> -> memref<80x128xf32, #tpu.memory_space<hbm>>
        tpu.wait_dma2 semaphore(%arg27 : memref<!tpu.dma_semaphore, #tpu.memory_space<semaphore_mem>>) src(%arg14 : memref<80x128xf32, #tpu.memory_space<vmem>>) dst(%dma_wait3A_325 : memref<80x128xf32, #tpu.memory_space<hbm>>)
      } else {
      }
      %scan3A_244 = arith.constant 0 : i32
      %scan3A_245 = arith.constant 40 : i32
      %scan3A_246 = arith.addi %scan3A_244, %scan3A_245 : i32
      %scan3A_247 = arith.constant 1 : i32
      %scan3A_248:16 = scf.for %scan3A_320 = %scan3A_244 to %scan3A_246 step %scan3A_247 iter_args(%scan3A_321 = %scan3A_189, %scan3A_322 = %scan3A_190, %scan3A_323 = %scan3A_191, %scan3A_324 = %scan3A_192, %scan3A_325 = %scan3A_193, %scan3A_326 = %scan3A_194, %scan3A_327 = %scan3A_195, %scan3A_328 = %scan3A_196, %scan3A_329 = %scan3A_197, %scan3A_330 = %scan3A_198, %scan3A_331 = %scan3A_199, %scan3A_332 = %scan3A_200, %scan3A_333 = %scan3A_201, %scan3A_334 = %scan3A_202, %scan3A_335 = %scan3A_203, %scan3A_336 = %scan3A_204) -> (vector<16xf32>, vector<16xf32>, vector<16xf32>, vector<16xf32>, vector<16xf32>, vector<16xf32>, vector<16xf32>, vector<16xf32>, vector<16xf32>, vector<16xf32>, vector<16xf32>, vector<16xf32>, vector<16xf32>, vector<16xf32>, vector<16xf32>, vector<16xf32>)  : i32 {
        %mul3A_337 = arith.constant 2 : i32
        %mul3A_338 = arith.muli %mul3A_337, %scan3A_320 : i32
        %add3A_339 = arith.constant 0 : i32
        %add3A_340 = arith.addi %mul3A_338, %add3A_339 : i32
        %get3A = arith.index_cast %add3A_340 : i32 to index
        %get3A_341 = arith.constant 0 : index
        %get3A_342 = tpu.vector_load %arg12[%get3A, %get3A_341] {strides = array<i32>} : memref<80x128xf32, #tpu.memory_space<vmem>>, vector<1x16xf32>,
        %get3A_343 = vector.shape_cast %get3A_342 : vector<1x16xf32> to vector<16xf32>
        %get3A_344 = arith.index_cast %add3A_340 : i32 to index
        %get3A_345 = arith.constant 0 : index
        %get3A_346 = tpu.vector_load %arg13[%get3A_344, %get3A_345] {strides = array<i32>} : memref<80x128xf32, #tpu.memory_space<vmem>>, vector<1x16xf32>,
        %get3A_347 = vector.shape_cast %get3A_346 : vector<1x16xf32> to vector<16xf32>
        %add3A_348 = arith.addf %get3A_343, %get3A_347 : vector<16xf32>
        %swap3A_349 = arith.index_cast %add3A_340 : i32 to index
        %swap3A_350 = arith.constant 0 : index
        %swap3A_351 = tpu.vector_load %arg14[%swap3A_349, %swap3A_350] {strides = array<i32>} : memref<80x128xf32, #tpu.memory_space<vmem>>, vector<1x16xf32>,
        %swap3A_352 = vector.shape_cast %swap3A_351 : vector<1x16xf32> to vector<16xf32>
        %swap3A_353 = vector.shape_cast %add3A_348 : vector<16xf32> to vector<1x16xf32>
        tpu.vector_store %arg14[%swap3A_349, %swap3A_350], %swap3A_353 {strides = array<i32>} : memref<80x128xf32, #tpu.memory_space<vmem>>, vector<1x16xf32>,
        %add3A_354 = arith.addf %scan3A_321, %add3A_348 : vector<16xf32>
        %mul3A_355 = arith.mulf %add3A_348, %add3A_348 : vector<16xf32>
        %add3A_356 = arith.addf %scan3A_329, %mul3A_355 : vector<16xf32>
        %get3A_357 = arith.index_cast %add3A_340 : i32 to index
        %get3A_358 = arith.constant 16 : index
        %get3A_359 = tpu.vector_load %arg12[%get3A_357, %get3A_358] {strides = array<i32>} : memref<80x128xf32, #tpu.memory_space<vmem>>, vector<1x16xf32>,
        %get3A_360 = vector.shape_cast %get3A_359 : vector<1x16xf32> to vector<16xf32>
        %get3A_361 = arith.index_cast %add3A_340 : i32 to index
        %get3A_362 = arith.constant 16 : index
        %get3A_363 = tpu.vector_load %arg13[%get3A_361, %get3A_362] {strides = array<i32>} : memref<80x128xf32, #tpu.memory_space<vmem>>, vector<1x16xf32>,
        %get3A_364 = vector.shape_cast %get3A_363 : vector<1x16xf32> to vector<16xf32>
        %add3A_365 = arith.addf %get3A_360, %get3A_364 : vector<16xf32>
        %swap3A_366 = arith.index_cast %add3A_340 : i32 to index
        %swap3A_367 = arith.constant 16 : index
        %swap3A_368 = tpu.vector_load %arg14[%swap3A_366, %swap3A_367] {strides = array<i32>} : memref<80x128xf32, #tpu.memory_space<vmem>>, vector<1x16xf32>,
        %swap3A_369 = vector.shape_cast %swap3A_368 : vector<1x16xf32> to vector<16xf32>
        %swap3A_370 = vector.shape_cast %add3A_365 : vector<16xf32> to vector<1x16xf32>
        tpu.vector_store %arg14[%swap3A_366, %swap3A_367], %swap3A_370 {strides = array<i32>} : memref<80x128xf32, #tpu.memory_space<vmem>>, vector<1x16xf32>,
        %add3A_371 = arith.addf %scan3A_322, %add3A_365 : vector<16xf32>
        %mul3A_372 = arith.mulf %add3A_365, %add3A_365 : vector<16xf32>
        %add3A_373 = arith.addf %scan3A_330, %mul3A_372 : vector<16xf32>
        %get3A_374 = arith.index_cast %add3A_340 : i32 to index
        %get3A_375 = arith.constant 32 : index
        %get3A_376 = tpu.vector_load %arg12[%get3A_374, %get3A_375] {strides = array<i32>} : memref<80x128xf32, #tpu.memory_space<vmem>>, vector<1x16xf32>,
        %get3A_377 = vector.shape_cast %get3A_376 : vector<1x16xf32> to vector<16xf32>
        %get3A_378 = arith.index_cast %add3A_340 : i32 to index
        %get3A_379 = arith.constant 32 : index
        %get3A_380 = tpu.vector_load %arg13[%get3A_378, %get3A_379] {strides = array<i32>} : memref<80x128xf32, #tpu.memory_space<vmem>>, vector<1x16xf32>,
        %get3A_381 = vector.shape_cast %get3A_380 : vector<1x16xf32> to vector<16xf32>
        %add3A_382 = arith.addf %get3A_377, %get3A_381 : vector<16xf32>
        %swap3A_383 = arith.index_cast %add3A_340 : i32 to index
        %swap3A_384 = arith.constant 32 : index
        %swap3A_385 = tpu.vector_load %arg14[%swap3A_383, %swap3A_384] {strides = array<i32>} : memref<80x128xf32, #tpu.memory_space<vmem>>, vector<1x16xf32>,
        %swap3A_386 = vector.shape_cast %swap3A_385 : vector<1x16xf32> to vector<16xf32>
        %swap3A_387 = vector.shape_cast %add3A_382 : vector<16xf32> to vector<1x16xf32>
        tpu.vector_store %arg14[%swap3A_383, %swap3A_384], %swap3A_387 {strides = array<i32>} : memref<80x128xf32, #tpu.memory_space<vmem>>, vector<1x16xf32>,
        %add3A_388 = arith.addf %scan3A_323, %add3A_382 : vector<16xf32>
        %mul3A_389 = arith.mulf %add3A_382, %add3A_382 : vector<16xf32>
        %add3A_390 = arith.addf %scan3A_331, %mul3A_389 : vector<16xf32>
        %get3A_391 = arith.index_cast %add3A_340 : i32 to index
        %get3A_392 = arith.constant 48 : index
        %get3A_393 = tpu.vector_load %arg12[%get3A_391, %get3A_392] {strides = array<i32>} : memref<80x128xf32, #tpu.memory_space<vmem>>, vector<1x16xf32>,
        %get3A_394 = vector.shape_cast %get3A_393 : vector<1x16xf32> to vector<16xf32>
        %get3A_395 = arith.index_cast %add3A_340 : i32 to index
        %get3A_396 = arith.constant 48 : index
        %get3A_397 = tpu.vector_load %arg13[%get3A_395, %get3A_396] {strides = array<i32>} : memref<80x128xf32, #tpu.memory_space<vmem>>, vector<1x16xf32>,
        %get3A_398 = vector.shape_cast %get3A_397 : vector<1x16xf32> to vector<16xf32>
        %add3A_399 = arith.addf %get3A_394, %get3A_398 : vector<16xf32>
        %swap3A_400 = arith.index_cast %add3A_340 : i32 to index
        %swap3A_401 = arith.constant 48 : index
        %swap3A_402 = tpu.vector_load %arg14[%swap3A_400, %swap3A_401] {strides = array<i32>} : memref<80x128xf32, #tpu.memory_space<vmem>>, vector<1x16xf32>,
        %swap3A_403 = vector.shape_cast %swap3A_402 : vector<1x16xf32> to vector<16xf32>
        %swap3A_404 = vector.shape_cast %add3A_399 : vector<16xf32> to vector<1x16xf32>
        tpu.vector_store %arg14[%swap3A_400, %swap3A_401], %swap3A_404 {strides = array<i32>} : memref<80x128xf32, #tpu.memory_space<vmem>>, vector<1x16xf32>,
        %add3A_405 = arith.addf %scan3A_324, %add3A_399 : vector<16xf32>
        %mul3A_406 = arith.mulf %add3A_399, %add3A_399 : vector<16xf32>
        %add3A_407 = arith.addf %scan3A_332, %mul3A_406 : vector<16xf32>
        %get3A_408 = arith.index_cast %add3A_340 : i32 to index
        %get3A_409 = arith.constant 64 : index
        %get3A_410 = tpu.vector_load %arg12[%get3A_408, %get3A_409] {strides = array<i32>} : memref<80x128xf32, #tpu.memory_space<vmem>>, vector<1x16xf32>,
        %get3A_411 = vector.shape_cast %get3A_410 : vector<1x16xf32> to vector<16xf32>
        %get3A_412 = arith.index_cast %add3A_340 : i32 to index
        %get3A_413 = arith.constant 64 : index
        %get3A_414 = tpu.vector_load %arg13[%get3A_412, %get3A_413] {strides = array<i32>} : memref<80x128xf32, #tpu.memory_space<vmem>>, vector<1x16xf32>,
        %get3A_415 = vector.shape_cast %get3A_414 : vector<1x16xf32> to vector<16xf32>
        %add3A_416 = arith.addf %get3A_411, %get3A_415 : vector<16xf32>
        %swap3A_417 = arith.index_cast %add3A_340 : i32 to index
        %swap3A_418 = arith.constant 64 : index
        %swap3A_419 = tpu.vector_load %arg14[%swap3A_417, %swap3A_418] {strides = array<i32>} : memref<80x128xf32, #tpu.memory_space<vmem>>, vector<1x16xf32>,
        %swap3A_420 = vector.shape_cast %swap3A_419 : vector<1x16xf32> to vector<16xf32>
        %swap3A_421 = vector.shape_cast %add3A_416 : vector<16xf32> to vector<1x16xf32>
        tpu.vector_store %arg14[%swap3A_417, %swap3A_418], %swap3A_421 {strides = array<i32>} : memref<80x128xf32, #tpu.memory_space<vmem>>, vector<1x16xf32>,
        %add3A_422 = arith.addf %scan3A_325, %add3A_416 : vector<16xf32>
        %mul3A_423 = arith.mulf %add3A_416, %add3A_416 : vector<16xf32>
        %add3A_424 = arith.addf %scan3A_333, %mul3A_423 : vector<16xf32>
        %get3A_425 = arith.index_cast %add3A_340 : i32 to index
        %get3A_426 = arith.constant 80 : index
        %get3A_427 = tpu.vector_load %arg12[%get3A_425, %get3A_426] {strides = array<i32>} : memref<80x128xf32, #tpu.memory_space<vmem>>, vector<1x16xf32>,
        %get3A_428 = vector.shape_cast %get3A_427 : vector<1x16xf32> to vector<16xf32>
        %get3A_429 = arith.index_cast %add3A_340 : i32 to index
        %get3A_430 = arith.constant 80 : index
        %get3A_431 = tpu.vector_load %arg13[%get3A_429, %get3A_430] {strides = array<i32>} : memref<80x128xf32, #tpu.memory_space<vmem>>, vector<1x16xf32>,
        %get3A_432 = vector.shape_cast %get3A_431 : vector<1x16xf32> to vector<16xf32>
        %add3A_433 = arith.addf %get3A_428, %get3A_432 : vector<16xf32>
        %swap3A_434 = arith.index_cast %add3A_340 : i32 to index
        %swap3A_435 = arith.constant 80 : index
        %swap3A_436 = tpu.vector_load %arg14[%swap3A_434, %swap3A_435] {strides = array<i32>} : memref<80x128xf32, #tpu.memory_space<vmem>>, vector<1x16xf32>,
        %swap3A_437 = vector.shape_cast %swap3A_436 : vector<1x16xf32> to vector<16xf32>
        %swap3A_438 = vector.shape_cast %add3A_433 : vector<16xf32> to vector<1x16xf32>
        tpu.vector_store %arg14[%swap3A_434, %swap3A_435], %swap3A_438 {strides = array<i32>} : memref<80x128xf32, #tpu.memory_space<vmem>>, vector<1x16xf32>,
        %add3A_439 = arith.addf %scan3A_326, %add3A_433 : vector<16xf32>
        %mul3A_440 = arith.mulf %add3A_433, %add3A_433 : vector<16xf32>
        %add3A_441 = arith.addf %scan3A_334, %mul3A_440 : vector<16xf32>
        %get3A_442 = arith.index_cast %add3A_340 : i32 to index
        %get3A_443 = arith.constant 96 : index
        %get3A_444 = tpu.vector_load %arg12[%get3A_442, %get3A_443] {strides = array<i32>} : memref<80x128xf32, #tpu.memory_space<vmem>>, vector<1x16xf32>,
        %get3A_445 = vector.shape_cast %get3A_444 : vector<1x16xf32> to vector<16xf32>
        %get3A_446 = arith.index_cast %add3A_340 : i32 to index
        %get3A_447 = arith.constant 96 : index
        %get3A_448 = tpu.vector_load %arg13[%get3A_446, %get3A_447] {strides = array<i32>} : memref<80x128xf32, #tpu.memory_space<vmem>>, vector<1x16xf32>,
        %get3A_449 = vector.shape_cast %get3A_448 : vector<1x16xf32> to vector<16xf32>
        %add3A_450 = arith.addf %get3A_445, %get3A_449 : vector<16xf32>
        %swap3A_451 = arith.index_cast %add3A_340 : i32 to index
        %swap3A_452 = arith.constant 96 : index
        %swap3A_453 = tpu.vector_load %arg14[%swap3A_451, %swap3A_452] {strides = array<i32>} : memref<80x128xf32, #tpu.memory_space<vmem>>, vector<1x16xf32>,
        %swap3A_454 = vector.shape_cast %swap3A_453 : vector<1x16xf32> to vector<16xf32>
        %swap3A_455 = vector.shape_cast %add3A_450 : vector<16xf32> to vector<1x16xf32>
        tpu.vector_store %arg14[%swap3A_451, %swap3A_452], %swap3A_455 {strides = array<i32>} : memref<80x128xf32, #tpu.memory_space<vmem>>, vector<1x16xf32>,
        %add3A_456 = arith.addf %scan3A_327, %add3A_450 : vector<16xf32>
        %mul3A_457 = arith.mulf %add3A_450, %add3A_450 : vector<16xf32>
        %add3A_458 = arith.addf %scan3A_335, %mul3A_457 : vector<16xf32>
        %get3A_459 = arith.index_cast %add3A_340 : i32 to index
        %get3A_460 = arith.constant 112 : index
        %get3A_461 = tpu.vector_load %arg12[%get3A_459, %get3A_460] {strides = array<i32>} : memref<80x128xf32, #tpu.memory_space<vmem>>, vector<1x16xf32>,
        %get3A_462 = vector.shape_cast %get3A_461 : vector<1x16xf32> to vector<16xf32>
        %get3A_463 = arith.index_cast %add3A_340 : i32 to index
        %get3A_464 = arith.constant 112 : index
        %get3A_465 = tpu.vector_load %arg13[%get3A_463, %get3A_464] {strides = array<i32>} : memref<80x128xf32, #tpu.memory_space<vmem>>, vector<1x16xf32>,
        %get3A_466 = vector.shape_cast %get3A_465 : vector<1x16xf32> to vector<16xf32>
        %add3A_467 = arith.addf %get3A_462, %get3A_466 : vector<16xf32>
        %swap3A_468 = arith.index_cast %add3A_340 : i32 to index
        %swap3A_469 = arith.constant 112 : index
        %swap3A_470 = tpu.vector_load %arg14[%swap3A_468, %swap3A_469] {strides = array<i32>} : memref<80x128xf32, #tpu.memory_space<vmem>>, vector<1x16xf32>,
        %swap3A_471 = vector.shape_cast %swap3A_470 : vector<1x16xf32> to vector<16xf32>
        %swap3A_472 = vector.shape_cast %add3A_467 : vector<16xf32> to vector<1x16xf32>
        tpu.vector_store %arg14[%swap3A_468, %swap3A_469], %swap3A_472 {strides = array<i32>} : memref<80x128xf32, #tpu.memory_space<vmem>>, vector<1x16xf32>,
        %add3A_473 = arith.addf %scan3A_328, %add3A_467 : vector<16xf32>
        %mul3A_474 = arith.mulf %add3A_467, %add3A_467 : vector<16xf32>
        %add3A_475 = arith.addf %scan3A_336, %mul3A_474 : vector<16xf32>
        %mul3A_476 = arith.constant 2 : i32
        %mul3A_477 = arith.muli %mul3A_476, %scan3A_320 : i32
        %add3A_478 = arith.constant 1 : i32
        %add3A_479 = arith.addi %mul3A_477, %add3A_478 : i32
        %get3A_480 = arith.index_cast %add3A_479 : i32 to index
        %get3A_481 = arith.constant 0 : index
        %get3A_482 = tpu.vector_load %arg12[%get3A_480, %get3A_481] {strides = array<i32>} : memref<80x128xf32, #tpu.memory_space<vmem>>, vector<1x16xf32>,
        %get3A_483 = vector.shape_cast %get3A_482 : vector<1x16xf32> to vector<16xf32>
        %get3A_484 = arith.index_cast %add3A_479 : i32 to index
        %get3A_485 = arith.constant 0 : index
        %get3A_486 = tpu.vector_load %arg13[%get3A_484, %get3A_485] {strides = array<i32>} : memref<80x128xf32, #tpu.memory_space<vmem>>, vector<1x16xf32>,
        %get3A_487 = vector.shape_cast %get3A_486 : vector<1x16xf32> to vector<16xf32>
        %add3A_488 = arith.addf %get3A_483, %get3A_487 : vector<16xf32>
        %swap3A_489 = arith.index_cast %add3A_479 : i32 to index
        %swap3A_490 = arith.constant 0 : index
        %swap3A_491 = tpu.vector_load %arg14[%swap3A_489, %swap3A_490] {strides = array<i32>} : memref<80x128xf32, #tpu.memory_space<vmem>>, vector<1x16xf32>,
        %swap3A_492 = vector.shape_cast %swap3A_491 : vector<1x16xf32> to vector<16xf32>
        %swap3A_493 = vector.shape_cast %add3A_488 : vector<16xf32> to vector<1x16xf32>
        tpu.vector_store %arg14[%swap3A_489, %swap3A_490], %swap3A_493 {strides = array<i32>} : memref<80x128xf32, #tpu.memory_space<vmem>>, vector<1x16xf32>,
        %add3A_494 = arith.addf %add3A_354, %add3A_488 : vector<16xf32>
        %mul3A_495 = arith.mulf %add3A_488, %add3A_488 : vector<16xf32>
        %add3A_496 = arith.addf %add3A_356, %mul3A_495 : vector<16xf32>
        %get3A_497 = arith.index_cast %add3A_479 : i32 to index
        %get3A_498 = arith.constant 16 : index
        %get3A_499 = tpu.vector_load %arg12[%get3A_497, %get3A_498] {strides = array<i32>} : memref<80x128xf32, #tpu.memory_space<vmem>>, vector<1x16xf32>,
        %get3A_500 = vector.shape_cast %get3A_499 : vector<1x16xf32> to vector<16xf32>
        %get3A_501 = arith.index_cast %add3A_479 : i32 to index
        %get3A_502 = arith.constant 16 : index
        %get3A_503 = tpu.vector_load %arg13[%get3A_501, %get3A_502] {strides = array<i32>} : memref<80x128xf32, #tpu.memory_space<vmem>>, vector<1x16xf32>,
        %get3A_504 = vector.shape_cast %get3A_503 : vector<1x16xf32> to vector<16xf32>
        %add3A_505 = arith.addf %get3A_500, %get3A_504 : vector<16xf32>
        %swap3A_506 = arith.index_cast %add3A_479 : i32 to index
        %swap3A_507 = arith.constant 16 : index
        %swap3A_508 = tpu.vector_load %arg14[%swap3A_506, %swap3A_507] {strides = array<i32>} : memref<80x128xf32, #tpu.memory_space<vmem>>, vector<1x16xf32>,
        %swap3A_509 = vector.shape_cast %swap3A_508 : vector<1x16xf32> to vector<16xf32>
        %swap3A_510 = vector.shape_cast %add3A_505 : vector<16xf32> to vector<1x16xf32>
        tpu.vector_store %arg14[%swap3A_506, %swap3A_507], %swap3A_510 {strides = array<i32>} : memref<80x128xf32, #tpu.memory_space<vmem>>, vector<1x16xf32>,
        %add3A_511 = arith.addf %add3A_371, %add3A_505 : vector<16xf32>
        %mul3A_512 = arith.mulf %add3A_505, %add3A_505 : vector<16xf32>
        %add3A_513 = arith.addf %add3A_373, %mul3A_512 : vector<16xf32>
        %get3A_514 = arith.index_cast %add3A_479 : i32 to index
        %get3A_515 = arith.constant 32 : index
        %get3A_516 = tpu.vector_load %arg12[%get3A_514, %get3A_515] {strides = array<i32>} : memref<80x128xf32, #tpu.memory_space<vmem>>, vector<1x16xf32>,
        %get3A_517 = vector.shape_cast %get3A_516 : vector<1x16xf32> to vector<16xf32>
        %get3A_518 = arith.index_cast %add3A_479 : i32 to index
        %get3A_519 = arith.constant 32 : index
        %get3A_520 = tpu.vector_load %arg13[%get3A_518, %get3A_519] {strides = array<i32>} : memref<80x128xf32, #tpu.memory_space<vmem>>, vector<1x16xf32>,
        %get3A_521 = vector.shape_cast %get3A_520 : vector<1x16xf32> to vector<16xf32>
        %add3A_522 = arith.addf %get3A_517, %get3A_521 : vector<16xf32>
        %swap3A_523 = arith.index_cast %add3A_479 : i32 to index
        %swap3A_524 = arith.constant 32 : index
        %swap3A_525 = tpu.vector_load %arg14[%swap3A_523, %swap3A_524] {strides = array<i32>} : memref<80x128xf32, #tpu.memory_space<vmem>>, vector<1x16xf32>,
        %swap3A_526 = vector.shape_cast %swap3A_525 : vector<1x16xf32> to vector<16xf32>
        %swap3A_527 = vector.shape_cast %add3A_522 : vector<16xf32> to vector<1x16xf32>
        tpu.vector_store %arg14[%swap3A_523, %swap3A_524], %swap3A_527 {strides = array<i32>} : memref<80x128xf32, #tpu.memory_space<vmem>>, vector<1x16xf32>,
        %add3A_528 = arith.addf %add3A_388, %add3A_522 : vector<16xf32>
        %mul3A_529 = arith.mulf %add3A_522, %add3A_522 : vector<16xf32>
        %add3A_530 = arith.addf %add3A_390, %mul3A_529 : vector<16xf32>
        %get3A_531 = arith.index_cast %add3A_479 : i32 to index
        %get3A_532 = arith.constant 48 : index
        %get3A_533 = tpu.vector_load %arg12[%get3A_531, %get3A_532] {strides = array<i32>} : memref<80x128xf32, #tpu.memory_space<vmem>>, vector<1x16xf32>,
        %get3A_534 = vector.shape_cast %get3A_533 : vector<1x16xf32> to vector<16xf32>
        %get3A_535 = arith.index_cast %add3A_479 : i32 to index
        %get3A_536 = arith.constant 48 : index
        %get3A_537 = tpu.vector_load %arg13[%get3A_535, %get3A_536] {strides = array<i32>} : memref<80x128xf32, #tpu.memory_space<vmem>>, vector<1x16xf32>,
        %get3A_538 = vector.shape_cast %get3A_537 : vector<1x16xf32> to vector<16xf32>
        %add3A_539 = arith.addf %get3A_534, %get3A_538 : vector<16xf32>
        %swap3A_540 = arith.index_cast %add3A_479 : i32 to index
        %swap3A_541 = arith.constant 48 : index
        %swap3A_542 = tpu.vector_load %arg14[%swap3A_540, %swap3A_541] {strides = array<i32>} : memref<80x128xf32, #tpu.memory_space<vmem>>, vector<1x16xf32>,
        %swap3A_543 = vector.shape_cast %swap3A_542 : vector<1x16xf32> to vector<16xf32>
        %swap3A_544 = vector.shape_cast %add3A_539 : vector<16xf32> to vector<1x16xf32>
        tpu.vector_store %arg14[%swap3A_540, %swap3A_541], %swap3A_544 {strides = array<i32>} : memref<80x128xf32, #tpu.memory_space<vmem>>, vector<1x16xf32>,
        %add3A_545 = arith.addf %add3A_405, %add3A_539 : vector<16xf32>
        %mul3A_546 = arith.mulf %add3A_539, %add3A_539 : vector<16xf32>
        %add3A_547 = arith.addf %add3A_407, %mul3A_546 : vector<16xf32>
        %get3A_548 = arith.index_cast %add3A_479 : i32 to index
        %get3A_549 = arith.constant 64 : index
        %get3A_550 = tpu.vector_load %arg12[%get3A_548, %get3A_549] {strides = array<i32>} : memref<80x128xf32, #tpu.memory_space<vmem>>, vector<1x16xf32>,
        %get3A_551 = vector.shape_cast %get3A_550 : vector<1x16xf32> to vector<16xf32>
        %get3A_552 = arith.index_cast %add3A_479 : i32 to index
        %get3A_553 = arith.constant 64 : index
        %get3A_554 = tpu.vector_load %arg13[%get3A_552, %get3A_553] {strides = array<i32>} : memref<80x128xf32, #tpu.memory_space<vmem>>, vector<1x16xf32>,
        %get3A_555 = vector.shape_cast %get3A_554 : vector<1x16xf32> to vector<16xf32>
        %add3A_556 = arith.addf %get3A_551, %get3A_555 : vector<16xf32>
        %swap3A_557 = arith.index_cast %add3A_479 : i32 to index
        %swap3A_558 = arith.constant 64 : index
        %swap3A_559 = tpu.vector_load %arg14[%swap3A_557, %swap3A_558] {strides = array<i32>} : memref<80x128xf32, #tpu.memory_space<vmem>>, vector<1x16xf32>,
        %swap3A_560 = vector.shape_cast %swap3A_559 : vector<1x16xf32> to vector<16xf32>
        %swap3A_561 = vector.shape_cast %add3A_556 : vector<16xf32> to vector<1x16xf32>
        tpu.vector_store %arg14[%swap3A_557, %swap3A_558], %swap3A_561 {strides = array<i32>} : memref<80x128xf32, #tpu.memory_space<vmem>>, vector<1x16xf32>,
        %add3A_562 = arith.addf %add3A_422, %add3A_556 : vector<16xf32>
        %mul3A_563 = arith.mulf %add3A_556, %add3A_556 : vector<16xf32>
        %add3A_564 = arith.addf %add3A_424, %mul3A_563 : vector<16xf32>
        %get3A_565 = arith.index_cast %add3A_479 : i32 to index
        %get3A_566 = arith.constant 80 : index
        %get3A_567 = tpu.vector_load %arg12[%get3A_565, %get3A_566] {strides = array<i32>} : memref<80x128xf32, #tpu.memory_space<vmem>>, vector<1x16xf32>,
        %get3A_568 = vector.shape_cast %get3A_567 : vector<1x16xf32> to vector<16xf32>
        %get3A_569 = arith.index_cast %add3A_479 : i32 to index
        %get3A_570 = arith.constant 80 : index
        %get3A_571 = tpu.vector_load %arg13[%get3A_569, %get3A_570] {strides = array<i32>} : memref<80x128xf32, #tpu.memory_space<vmem>>, vector<1x16xf32>,
        %get3A_572 = vector.shape_cast %get3A_571 : vector<1x16xf32> to vector<16xf32>
        %add3A_573 = arith.addf %get3A_568, %get3A_572 : vector<16xf32>
        %swap3A_574 = arith.index_cast %add3A_479 : i32 to index
        %swap3A_575 = arith.constant 80 : index
        %swap3A_576 = tpu.vector_load %arg14[%swap3A_574, %swap3A_575] {strides = array<i32>} : memref<80x128xf32, #tpu.memory_space<vmem>>, vector<1x16xf32>,
        %swap3A_577 = vector.shape_cast %swap3A_576 : vector<1x16xf32> to vector<16xf32>
        %swap3A_578 = vector.shape_cast %add3A_573 : vector<16xf32> to vector<1x16xf32>
        tpu.vector_store %arg14[%swap3A_574, %swap3A_575], %swap3A_578 {strides = array<i32>} : memref<80x128xf32, #tpu.memory_space<vmem>>, vector<1x16xf32>,
        %add3A_579 = arith.addf %add3A_439, %add3A_573 : vector<16xf32>
        %mul3A_580 = arith.mulf %add3A_573, %add3A_573 : vector<16xf32>
        %add3A_581 = arith.addf %add3A_441, %mul3A_580 : vector<16xf32>
        %get3A_582 = arith.index_cast %add3A_479 : i32 to index
        %get3A_583 = arith.constant 96 : index
        %get3A_584 = tpu.vector_load %arg12[%get3A_582, %get3A_583] {strides = array<i32>} : memref<80x128xf32, #tpu.memory_space<vmem>>, vector<1x16xf32>,
        %get3A_585 = vector.shape_cast %get3A_584 : vector<1x16xf32> to vector<16xf32>
        %get3A_586 = arith.index_cast %add3A_479 : i32 to index
        %get3A_587 = arith.constant 96 : index
        %get3A_588 = tpu.vector_load %arg13[%get3A_586, %get3A_587] {strides = array<i32>} : memref<80x128xf32, #tpu.memory_space<vmem>>, vector<1x16xf32>,
        %get3A_589 = vector.shape_cast %get3A_588 : vector<1x16xf32> to vector<16xf32>
        %add3A_590 = arith.addf %get3A_585, %get3A_589 : vector<16xf32>
        %swap3A_591 = arith.index_cast %add3A_479 : i32 to index
        %swap3A_592 = arith.constant 96 : index
        %swap3A_593 = tpu.vector_load %arg14[%swap3A_591, %swap3A_592] {strides = array<i32>} : memref<80x128xf32, #tpu.memory_space<vmem>>, vector<1x16xf32>,
        %swap3A_594 = vector.shape_cast %swap3A_593 : vector<1x16xf32> to vector<16xf32>
        %swap3A_595 = vector.shape_cast %add3A_590 : vector<16xf32> to vector<1x16xf32>
        tpu.vector_store %arg14[%swap3A_591, %swap3A_592], %swap3A_595 {strides = array<i32>} : memref<80x128xf32, #tpu.memory_space<vmem>>, vector<1x16xf32>,
        %add3A_596 = arith.addf %add3A_456, %add3A_590 : vector<16xf32>
        %mul3A_597 = arith.mulf %add3A_590, %add3A_590 : vector<16xf32>
        %add3A_598 = arith.addf %add3A_458, %mul3A_597 : vector<16xf32>
        %get3A_599 = arith.index_cast %add3A_479 : i32 to index
        %get3A_600 = arith.constant 112 : index
        %get3A_601 = tpu.vector_load %arg12[%get3A_599, %get3A_600] {strides = array<i32>} : memref<80x128xf32, #tpu.memory_space<vmem>>, vector<1x16xf32>,
        %get3A_602 = vector.shape_cast %get3A_601 : vector<1x16xf32> to vector<16xf32>
        %get3A_603 = arith.index_cast %add3A_479 : i32 to index
        %get3A_604 = arith.constant 112 : index
        %get3A_605 = tpu.vector_load %arg13[%get3A_603, %get3A_604] {strides = array<i32>} : memref<80x128xf32, #tpu.memory_space<vmem>>, vector<1x16xf32>,
        %get3A_606 = vector.shape_cast %get3A_605 : vector<1x16xf32> to vector<16xf32>
        %add3A_607 = arith.addf %get3A_602, %get3A_606 : vector<16xf32>
        %swap3A_608 = arith.index_cast %add3A_479 : i32 to index
        %swap3A_609 = arith.constant 112 : index
        %swap3A_610 = tpu.vector_load %arg14[%swap3A_608, %swap3A_609] {strides = array<i32>} : memref<80x128xf32, #tpu.memory_space<vmem>>, vector<1x16xf32>,
        %swap3A_611 = vector.shape_cast %swap3A_610 : vector<1x16xf32> to vector<16xf32>
        %swap3A_612 = vector.shape_cast %add3A_607 : vector<16xf32> to vector<1x16xf32>
        tpu.vector_store %arg14[%swap3A_608, %swap3A_609], %swap3A_612 {strides = array<i32>} : memref<80x128xf32, #tpu.memory_space<vmem>>, vector<1x16xf32>,
        %add3A_613 = arith.addf %add3A_473, %add3A_607 : vector<16xf32>
        %mul3A_614 = arith.mulf %add3A_607, %add3A_607 : vector<16xf32>
        %add3A_615 = arith.addf %add3A_475, %mul3A_614 : vector<16xf32>
        scf.yield %add3A_494, %add3A_511, %add3A_528, %add3A_545, %add3A_562, %add3A_579, %add3A_596, %add3A_613, %add3A_496, %add3A_513, %add3A_530, %add3A_547, %add3A_564, %add3A_581, %add3A_598, %add3A_615 : vector<16xf32>, vector<16xf32>, vector<16xf32>, vector<16xf32>, vector<16xf32>, vector<16xf32>, vector<16xf32>, vector<16xf32>, vector<16xf32>, vector<16xf32>, vector<16xf32>, vector<16xf32>, vector<16xf32>, vector<16xf32>, vector<16xf32>, vector<16xf32>
      }
      %scan3A_249 = arith.constant 40 : i32
      %mul3A_250 = arith.constant 2 : i32
      %mul3A_251 = arith.muli %mul3A_250, %scan3A_188 : i32
      %mul3A_252 = arith.constant 80 : i32
      %mul3A_253 = arith.muli %mul3A_251, %mul3A_252 : i32
      %add3A_254 = arith.addi %add3A_5, %mul3A_253 : i32
      %dma_start3A_255 = arith.constant 0 : i32
      %dma_start3A_256 = tpu.memref_slice %arg6[%add3A_254, %dma_start3A_255] : memref<320000x128xf32, #tpu.memory_space<hbm>> -> memref<80x128xf32, #tpu.memory_space<hbm>>
      %dma_start3A_257 = arith.constant 0 : i32
      %dma_start3A_258 = tpu.memref_slice %arg6[%add3A_254, %dma_start3A_257] : memref<320000x128xf32, #tpu.memory_space<hbm>> -> memref<80x128xf32, #tpu.memory_space<hbm>>
      tpu.enqueue_dma source(%arg14 : memref<80x128xf32, #tpu.memory_space<vmem>>) target(%dma_start3A_258 : memref<80x128xf32, #tpu.memory_space<hbm>>) target_semaphore(%arg27 : memref<!tpu.dma_semaphore, #tpu.memory_space<semaphore_mem>>)
      %mul3A_259 = arith.constant 2 : i32
      %mul3A_260 = arith.muli %mul3A_259, %scan3A_188 : i32
      %add3A_261 = arith.constant 2 : i32
      %add3A_262 = arith.addi %mul3A_260, %add3A_261 : i32
      %dma_start3A_263 = arith.constant 0 : i32
      %dma_start3A_264 = tpu.memref_slice %arg10[%add3A_262, %dma_start3A_263] : memref<125x80xi32, #tpu.memory_space<vmem>> -> memref<1x80xi32, #tpu.memory_space<vmem>>
      %dma_start3A_265 = tpu.memref_squeeze %dma_start3A_264 : memref<1x80xi32, #tpu.memory_space<vmem>> -> memref<80xi32, #tpu.memory_space<vmem>>
      %dma_start3A_266 = arith.constant 0 : i32
      %dma_start3A_267 = arith.constant 0 : i32
      %dma_start3A_268 = tpu.memref_slice %arg2[%dma_start3A_266, %dma_start3A_267] : memref<10000x128xf32, #tpu.memory_space<hbm>> -> memref<10000x128xf32, #tpu.memory_space<hbm>>
      tpu.enqueue_indirect_dma source(%dma_start3A_268 : memref<10000x128xf32, #tpu.memory_space<hbm>>) target(%arg12 : memref<80x128xf32, #tpu.memory_space<vmem>>) offsets(%dma_start3A_265 : memref<80xi32, #tpu.memory_space<vmem>>) semaphore(%arg23 : memref<!tpu.dma_semaphore, #tpu.memory_space<semaphore_mem>>)
      %dma_start3A_269 = arith.constant 0 : i32
      %dma_start3A_270 = tpu.memref_slice %arg11[%add3A_262, %dma_start3A_269] : memref<125x80xi32, #tpu.memory_space<vmem>> -> memref<1x80xi32, #tpu.memory_space<vmem>>
      %dma_start3A_271 = tpu.memref_squeeze %dma_start3A_270 : memref<1x80xi32, #tpu.memory_space<vmem>> -> memref<80xi32, #tpu.memory_space<vmem>>
      %dma_start3A_272 = arith.constant 0 : i32
      %dma_start3A_273 = arith.constant 0 : i32
      %dma_start3A_274 = tpu.memref_slice %arg3[%dma_start3A_272, %dma_start3A_273] : memref<10000x128xf32, #tpu.memory_space<hbm>> -> memref<10000x128xf32, #tpu.memory_space<hbm>>
      tpu.enqueue_indirect_dma source(%dma_start3A_274 : memref<10000x128xf32, #tpu.memory_space<hbm>>) target(%arg13 : memref<80x128xf32, #tpu.memory_space<vmem>>) offsets(%dma_start3A_271 : memref<80xi32, #tpu.memory_space<vmem>>) semaphore(%arg24 : memref<!tpu.dma_semaphore, #tpu.memory_space<semaphore_mem>>)
      %dma_wait3A_275 = arith.constant 0 : i32
      %dma_wait3A_276 = arith.constant 0 : i32
      %dma_wait3A_277 = tpu.memref_slice %arg10[%dma_wait3A_275, %dma_wait3A_276] : memref<125x80xi32, #tpu.memory_space<vmem>> -> memref<1x80xi32, #tpu.memory_space<vmem>>
      %dma_wait3A_278 = tpu.memref_squeeze %dma_wait3A_277 : memref<1x80xi32, #tpu.memory_space<vmem>> -> memref<80xi32, #tpu.memory_space<vmem>>
      %dma_wait3A_279 = arith.constant 0 : i32
      %dma_wait3A_280 = arith.constant 0 : i32
      %dma_wait3A_281 = tpu.memref_slice %arg2[%dma_wait3A_279, %dma_wait3A_280] : memref<10000x128xf32, #tpu.memory_space<hbm>> -> memref<10000x128xf32, #tpu.memory_space<hbm>>
      tpu.wait_indirect_dma semaphore(%arg25 : memref<!tpu.dma_semaphore, #tpu.memory_space<semaphore_mem>>) src(%dma_wait3A_281 : memref<10000x128xf32, #tpu.memory_space<hbm>>) dst(%arg15 : memref<80x128xf32, #tpu.memory_space<vmem>>)
      %dma_wait3A_282 = arith.constant 0 : i32
      %dma_wait3A_283 = arith.constant 0 : i32
      %dma_wait3A_284 = tpu.memref_slice %arg11[%dma_wait3A_282, %dma_wait3A_283] : memref<125x80xi32, #tpu.memory_space<vmem>> -> memref<1x80xi32, #tpu.memory_space<vmem>>
      %dma_wait3A_285 = tpu.memref_squeeze %dma_wait3A_284 : memref<1x80xi32, #tpu.memory_space<vmem>> -> memref<80xi32, #tpu.memory_space<vmem>>
      %dma_wait3A_286 = arith.constant 0 : i32
      %dma_wait3A_287 = arith.constant 0 : i32
      %dma_wait3A_288 = tpu.memref_slice %arg3[%dma_wait3A_286, %dma_wait3A_287] : memref<10000x128xf32, #tpu.memory_space<hbm>> -> memref<10000x128xf32, #tpu.memory_space<hbm>>
      tpu.wait_indirect_dma semaphore(%arg26 : memref<!tpu.dma_semaphore, #tpu.memory_space<semaphore_mem>>) src(%dma_wait3A_288 : memref<10000x128xf32, #tpu.memory_space<hbm>>) dst(%arg16 : memref<80x128xf32, #tpu.memory_space<vmem>>)
      %mul3A_289 = arith.constant 2 : i32
      %mul3A_290 = arith.muli %mul3A_289, %scan3A_188 : i32
      %add3A_291 = arith.constant 1 : i32
      %add3A_292 = arith.addi %mul3A_290, %add3A_291 : i32
      %dma_start3A_293 = arith.constant 0 : i32
      %dma_start3A_294 = tpu.memref_slice %arg11[%add3A_292, %dma_start3A_293] : memref<125x80xi32, #tpu.memory_space<vmem>> -> memref<1x80xi32, #tpu.memory_space<vmem>>
      %dma_start3A_295 = tpu.memref_squeeze %dma_start3A_294 : memref<1x80xi32, #tpu.memory_space<vmem>> -> memref<80xi32, #tpu.memory_space<vmem>>
      %dma_start3A_296 = arith.constant 0 : i32
      %dma_start3A_297 = tpu.memref_slice %arg22[%dma_start3A_296] : memref<10240xf32, #tpu.memory_space<vmem_shared>> -> memref<10240xf32, #tpu.memory_space<vmem_shared>>
      tpu.enqueue_indirect_dma source(%arg18 : memref<80xf32, #tpu.memory_space<vmem>>) target(%dma_start3A_297 : memref<10240xf32, #tpu.memory_space<vmem_shared>>) offsets(%dma_start3A_295 : memref<80xi32, #tpu.memory_space<vmem>>) semaphore(%arg29 : memref<!tpu.dma_semaphore, #tpu.memory_space<semaphore_mem>>) {add = true}
      %gt3A_298 = arith.constant 0 : i32
      %gt3A_299 = arith.cmpi sgt, %scan3A_188, %gt3A_298 : i32
      %convert_element_type3A_300 = arith.extui %gt3A_299 : i1 to i32
      %cond3A_301 = arith.constant 0 : i32
      %cond3A_302 = arith.cmpi ne, %convert_element_type3A_300, %cond3A_301 : i32
      scf.if %cond3A_302 {
        %dma_wait3A_320 = arith.constant 0 : i32
        %dma_wait3A_321 = arith.constant 0 : i32
        %dma_wait3A_322 = tpu.memref_slice %arg6[%dma_wait3A_320, %dma_wait3A_321] : memref<320000x128xf32, #tpu.memory_space<hbm>> -> memref<80x128xf32, #tpu.memory_space<hbm>>
        %dma_wait3A_323 = arith.constant 0 : i32
        %dma_wait3A_324 = arith.constant 0 : i32
        %dma_wait3A_325 = tpu.memref_slice %arg6[%dma_wait3A_323, %dma_wait3A_324] : memref<320000x128xf32, #tpu.memory_space<hbm>> -> memref<80x128xf32, #tpu.memory_space<hbm>>
        tpu.wait_dma2 semaphore(%arg28 : memref<!tpu.dma_semaphore, #tpu.memory_space<semaphore_mem>>) src(%arg17 : memref<80x128xf32, #tpu.memory_space<vmem>>) dst(%dma_wait3A_325 : memref<80x128xf32, #tpu.memory_space<hbm>>)
      } else {
      }
      %scan3A_303 = arith.constant 0 : i32
      %scan3A_304 = arith.constant 40 : i32
      %scan3A_305 = arith.addi %scan3A_303, %scan3A_304 : i32
      %scan3A_306 = arith.constant 1 : i32
      %scan3A_307:16 = scf.for %scan3A_320 = %scan3A_303 to %scan3A_305 step %scan3A_306 iter_args(%scan3A_321 = %scan3A_248#0, %scan3A_322 = %scan3A_248#1, %scan3A_323 = %scan3A_248#2, %scan3A_324 = %scan3A_248#3, %scan3A_325 = %scan3A_248#4, %scan3A_326 = %scan3A_248#5, %scan3A_327 = %scan3A_248#6, %scan3A_328 = %scan3A_248#7, %scan3A_329 = %scan3A_248#8, %scan3A_330 = %scan3A_248#9, %scan3A_331 = %scan3A_248#10, %scan3A_332 = %scan3A_248#11, %scan3A_333 = %scan3A_248#12, %scan3A_334 = %scan3A_248#13, %scan3A_335 = %scan3A_248#14, %scan3A_336 = %scan3A_248#15) -> (vector<16xf32>, vector<16xf32>, vector<16xf32>, vector<16xf32>, vector<16xf32>, vector<16xf32>, vector<16xf32>, vector<16xf32>, vector<16xf32>, vector<16xf32>, vector<16xf32>, vector<16xf32>, vector<16xf32>, vector<16xf32>, vector<16xf32>, vector<16xf32>)  : i32 {
        %mul3A_337 = arith.constant 2 : i32
        %mul3A_338 = arith.muli %mul3A_337, %scan3A_320 : i32
        %add3A_339 = arith.constant 0 : i32
        %add3A_340 = arith.addi %mul3A_338, %add3A_339 : i32
        %get3A = arith.index_cast %add3A_340 : i32 to index
        %get3A_341 = arith.constant 0 : index
        %get3A_342 = tpu.vector_load %arg15[%get3A, %get3A_341] {strides = array<i32>} : memref<80x128xf32, #tpu.memory_space<vmem>>, vector<1x16xf32>,
        %get3A_343 = vector.shape_cast %get3A_342 : vector<1x16xf32> to vector<16xf32>
        %get3A_344 = arith.index_cast %add3A_340 : i32 to index
        %get3A_345 = arith.constant 0 : index
        %get3A_346 = tpu.vector_load %arg16[%get3A_344, %get3A_345] {strides = array<i32>} : memref<80x128xf32, #tpu.memory_space<vmem>>, vector<1x16xf32>,
        %get3A_347 = vector.shape_cast %get3A_346 : vector<1x16xf32> to vector<16xf32>
        %add3A_348 = arith.addf %get3A_343, %get3A_347 : vector<16xf32>
        %swap3A_349 = arith.index_cast %add3A_340 : i32 to index
        %swap3A_350 = arith.constant 0 : index
        %swap3A_351 = tpu.vector_load %arg17[%swap3A_349, %swap3A_350] {strides = array<i32>} : memref<80x128xf32, #tpu.memory_space<vmem>>, vector<1x16xf32>,
        %swap3A_352 = vector.shape_cast %swap3A_351 : vector<1x16xf32> to vector<16xf32>
        %swap3A_353 = vector.shape_cast %add3A_348 : vector<16xf32> to vector<1x16xf32>
        tpu.vector_store %arg17[%swap3A_349, %swap3A_350], %swap3A_353 {strides = array<i32>} : memref<80x128xf32, #tpu.memory_space<vmem>>, vector<1x16xf32>,
        %add3A_354 = arith.addf %scan3A_321, %add3A_348 : vector<16xf32>
        %mul3A_355 = arith.mulf %add3A_348, %add3A_348 : vector<16xf32>
        %add3A_356 = arith.addf %scan3A_329, %mul3A_355 : vector<16xf32>
        %get3A_357 = arith.index_cast %add3A_340 : i32 to index
        %get3A_358 = arith.constant 16 : index
        %get3A_359 = tpu.vector_load %arg15[%get3A_357, %get3A_358] {strides = array<i32>} : memref<80x128xf32, #tpu.memory_space<vmem>>, vector<1x16xf32>,
        %get3A_360 = vector.shape_cast %get3A_359 : vector<1x16xf32> to vector<16xf32>
        %get3A_361 = arith.index_cast %add3A_340 : i32 to index
        %get3A_362 = arith.constant 16 : index
        %get3A_363 = tpu.vector_load %arg16[%get3A_361, %get3A_362] {strides = array<i32>} : memref<80x128xf32, #tpu.memory_space<vmem>>, vector<1x16xf32>,
        %get3A_364 = vector.shape_cast %get3A_363 : vector<1x16xf32> to vector<16xf32>
        %add3A_365 = arith.addf %get3A_360, %get3A_364 : vector<16xf32>
        %swap3A_366 = arith.index_cast %add3A_340 : i32 to index
        %swap3A_367 = arith.constant 16 : index
        %swap3A_368 = tpu.vector_load %arg17[%swap3A_366, %swap3A_367] {strides = array<i32>} : memref<80x128xf32, #tpu.memory_space<vmem>>, vector<1x16xf32>,
        %swap3A_369 = vector.shape_cast %swap3A_368 : vector<1x16xf32> to vector<16xf32>
        %swap3A_370 = vector.shape_cast %add3A_365 : vector<16xf32> to vector<1x16xf32>
        tpu.vector_store %arg17[%swap3A_366, %swap3A_367], %swap3A_370 {strides = array<i32>} : memref<80x128xf32, #tpu.memory_space<vmem>>, vector<1x16xf32>,
        %add3A_371 = arith.addf %scan3A_322, %add3A_365 : vector<16xf32>
        %mul3A_372 = arith.mulf %add3A_365, %add3A_365 : vector<16xf32>
        %add3A_373 = arith.addf %scan3A_330, %mul3A_372 : vector<16xf32>
        %get3A_374 = arith.index_cast %add3A_340 : i32 to index
        %get3A_375 = arith.constant 32 : index
        %get3A_376 = tpu.vector_load %arg15[%get3A_374, %get3A_375] {strides = array<i32>} : memref<80x128xf32, #tpu.memory_space<vmem>>, vector<1x16xf32>,
        %get3A_377 = vector.shape_cast %get3A_376 : vector<1x16xf32> to vector<16xf32>
        %get3A_378 = arith.index_cast %add3A_340 : i32 to index
        %get3A_379 = arith.constant 32 : index
        %get3A_380 = tpu.vector_load %arg16[%get3A_378, %get3A_379] {strides = array<i32>} : memref<80x128xf32, #tpu.memory_space<vmem>>, vector<1x16xf32>,
        %get3A_381 = vector.shape_cast %get3A_380 : vector<1x16xf32> to vector<16xf32>
        %add3A_382 = arith.addf %get3A_377, %get3A_381 : vector<16xf32>
        %swap3A_383 = arith.index_cast %add3A_340 : i32 to index
        %swap3A_384 = arith.constant 32 : index
        %swap3A_385 = tpu.vector_load %arg17[%swap3A_383, %swap3A_384] {strides = array<i32>} : memref<80x128xf32, #tpu.memory_space<vmem>>, vector<1x16xf32>,
        %swap3A_386 = vector.shape_cast %swap3A_385 : vector<1x16xf32> to vector<16xf32>
        %swap3A_387 = vector.shape_cast %add3A_382 : vector<16xf32> to vector<1x16xf32>
        tpu.vector_store %arg17[%swap3A_383, %swap3A_384], %swap3A_387 {strides = array<i32>} : memref<80x128xf32, #tpu.memory_space<vmem>>, vector<1x16xf32>,
        %add3A_388 = arith.addf %scan3A_323, %add3A_382 : vector<16xf32>
        %mul3A_389 = arith.mulf %add3A_382, %add3A_382 : vector<16xf32>
        %add3A_390 = arith.addf %scan3A_331, %mul3A_389 : vector<16xf32>
        %get3A_391 = arith.index_cast %add3A_340 : i32 to index
        %get3A_392 = arith.constant 48 : index
        %get3A_393 = tpu.vector_load %arg15[%get3A_391, %get3A_392] {strides = array<i32>} : memref<80x128xf32, #tpu.memory_space<vmem>>, vector<1x16xf32>,
        %get3A_394 = vector.shape_cast %get3A_393 : vector<1x16xf32> to vector<16xf32>
        %get3A_395 = arith.index_cast %add3A_340 : i32 to index
        %get3A_396 = arith.constant 48 : index
        %get3A_397 = tpu.vector_load %arg16[%get3A_395, %get3A_396] {strides = array<i32>} : memref<80x128xf32, #tpu.memory_space<vmem>>, vector<1x16xf32>,
        %get3A_398 = vector.shape_cast %get3A_397 : vector<1x16xf32> to vector<16xf32>
        %add3A_399 = arith.addf %get3A_394, %get3A_398 : vector<16xf32>
        %swap3A_400 = arith.index_cast %add3A_340 : i32 to index
        %swap3A_401 = arith.constant 48 : index
        %swap3A_402 = tpu.vector_load %arg17[%swap3A_400, %swap3A_401] {strides = array<i32>} : memref<80x128xf32, #tpu.memory_space<vmem>>, vector<1x16xf32>,
        %swap3A_403 = vector.shape_cast %swap3A_402 : vector<1x16xf32> to vector<16xf32>
        %swap3A_404 = vector.shape_cast %add3A_399 : vector<16xf32> to vector<1x16xf32>
        tpu.vector_store %arg17[%swap3A_400, %swap3A_401], %swap3A_404 {strides = array<i32>} : memref<80x128xf32, #tpu.memory_space<vmem>>, vector<1x16xf32>,
        %add3A_405 = arith.addf %scan3A_324, %add3A_399 : vector<16xf32>
        %mul3A_406 = arith.mulf %add3A_399, %add3A_399 : vector<16xf32>
        %add3A_407 = arith.addf %scan3A_332, %mul3A_406 : vector<16xf32>
        %get3A_408 = arith.index_cast %add3A_340 : i32 to index
        %get3A_409 = arith.constant 64 : index
        %get3A_410 = tpu.vector_load %arg15[%get3A_408, %get3A_409] {strides = array<i32>} : memref<80x128xf32, #tpu.memory_space<vmem>>, vector<1x16xf32>,
        %get3A_411 = vector.shape_cast %get3A_410 : vector<1x16xf32> to vector<16xf32>
        %get3A_412 = arith.index_cast %add3A_340 : i32 to index
        %get3A_413 = arith.constant 64 : index
        %get3A_414 = tpu.vector_load %arg16[%get3A_412, %get3A_413] {strides = array<i32>} : memref<80x128xf32, #tpu.memory_space<vmem>>, vector<1x16xf32>,
        %get3A_415 = vector.shape_cast %get3A_414 : vector<1x16xf32> to vector<16xf32>
        %add3A_416 = arith.addf %get3A_411, %get3A_415 : vector<16xf32>
        %swap3A_417 = arith.index_cast %add3A_340 : i32 to index
        %swap3A_418 = arith.constant 64 : index
        %swap3A_419 = tpu.vector_load %arg17[%swap3A_417, %swap3A_418] {strides = array<i32>} : memref<80x128xf32, #tpu.memory_space<vmem>>, vector<1x16xf32>,
        %swap3A_420 = vector.shape_cast %swap3A_419 : vector<1x16xf32> to vector<16xf32>
        %swap3A_421 = vector.shape_cast %add3A_416 : vector<16xf32> to vector<1x16xf32>
        tpu.vector_store %arg17[%swap3A_417, %swap3A_418], %swap3A_421 {strides = array<i32>} : memref<80x128xf32, #tpu.memory_space<vmem>>, vector<1x16xf32>,
        %add3A_422 = arith.addf %scan3A_325, %add3A_416 : vector<16xf32>
        %mul3A_423 = arith.mulf %add3A_416, %add3A_416 : vector<16xf32>
        %add3A_424 = arith.addf %scan3A_333, %mul3A_423 : vector<16xf32>
        %get3A_425 = arith.index_cast %add3A_340 : i32 to index
        %get3A_426 = arith.constant 80 : index
        %get3A_427 = tpu.vector_load %arg15[%get3A_425, %get3A_426] {strides = array<i32>} : memref<80x128xf32, #tpu.memory_space<vmem>>, vector<1x16xf32>,
        %get3A_428 = vector.shape_cast %get3A_427 : vector<1x16xf32> to vector<16xf32>
        %get3A_429 = arith.index_cast %add3A_340 : i32 to index
        %get3A_430 = arith.constant 80 : index
        %get3A_431 = tpu.vector_load %arg16[%get3A_429, %get3A_430] {strides = array<i32>} : memref<80x128xf32, #tpu.memory_space<vmem>>, vector<1x16xf32>,
        %get3A_432 = vector.shape_cast %get3A_431 : vector<1x16xf32> to vector<16xf32>
        %add3A_433 = arith.addf %get3A_428, %get3A_432 : vector<16xf32>
        %swap3A_434 = arith.index_cast %add3A_340 : i32 to index
        %swap3A_435 = arith.constant 80 : index
        %swap3A_436 = tpu.vector_load %arg17[%swap3A_434, %swap3A_435] {strides = array<i32>} : memref<80x128xf32, #tpu.memory_space<vmem>>, vector<1x16xf32>,
        %swap3A_437 = vector.shape_cast %swap3A_436 : vector<1x16xf32> to vector<16xf32>
        %swap3A_438 = vector.shape_cast %add3A_433 : vector<16xf32> to vector<1x16xf32>
        tpu.vector_store %arg17[%swap3A_434, %swap3A_435], %swap3A_438 {strides = array<i32>} : memref<80x128xf32, #tpu.memory_space<vmem>>, vector<1x16xf32>,
        %add3A_439 = arith.addf %scan3A_326, %add3A_433 : vector<16xf32>
        %mul3A_440 = arith.mulf %add3A_433, %add3A_433 : vector<16xf32>
        %add3A_441 = arith.addf %scan3A_334, %mul3A_440 : vector<16xf32>
        %get3A_442 = arith.index_cast %add3A_340 : i32 to index
        %get3A_443 = arith.constant 96 : index
        %get3A_444 = tpu.vector_load %arg15[%get3A_442, %get3A_443] {strides = array<i32>} : memref<80x128xf32, #tpu.memory_space<vmem>>, vector<1x16xf32>,
        %get3A_445 = vector.shape_cast %get3A_444 : vector<1x16xf32> to vector<16xf32>
        %get3A_446 = arith.index_cast %add3A_340 : i32 to index
        %get3A_447 = arith.constant 96 : index
        %get3A_448 = tpu.vector_load %arg16[%get3A_446, %get3A_447] {strides = array<i32>} : memref<80x128xf32, #tpu.memory_space<vmem>>, vector<1x16xf32>,
        %get3A_449 = vector.shape_cast %get3A_448 : vector<1x16xf32> to vector<16xf32>
        %add3A_450 = arith.addf %get3A_445, %get3A_449 : vector<16xf32>
        %swap3A_451 = arith.index_cast %add3A_340 : i32 to index
        %swap3A_452 = arith.constant 96 : index
        %swap3A_453 = tpu.vector_load %arg17[%swap3A_451, %swap3A_452] {strides = array<i32>} : memref<80x128xf32, #tpu.memory_space<vmem>>, vector<1x16xf32>,
        %swap3A_454 = vector.shape_cast %swap3A_453 : vector<1x16xf32> to vector<16xf32>
        %swap3A_455 = vector.shape_cast %add3A_450 : vector<16xf32> to vector<1x16xf32>
        tpu.vector_store %arg17[%swap3A_451, %swap3A_452], %swap3A_455 {strides = array<i32>} : memref<80x128xf32, #tpu.memory_space<vmem>>, vector<1x16xf32>,
        %add3A_456 = arith.addf %scan3A_327, %add3A_450 : vector<16xf32>
        %mul3A_457 = arith.mulf %add3A_450, %add3A_450 : vector<16xf32>
        %add3A_458 = arith.addf %scan3A_335, %mul3A_457 : vector<16xf32>
        %get3A_459 = arith.index_cast %add3A_340 : i32 to index
        %get3A_460 = arith.constant 112 : index
        %get3A_461 = tpu.vector_load %arg15[%get3A_459, %get3A_460] {strides = array<i32>} : memref<80x128xf32, #tpu.memory_space<vmem>>, vector<1x16xf32>,
        %get3A_462 = vector.shape_cast %get3A_461 : vector<1x16xf32> to vector<16xf32>
        %get3A_463 = arith.index_cast %add3A_340 : i32 to index
        %get3A_464 = arith.constant 112 : index
        %get3A_465 = tpu.vector_load %arg16[%get3A_463, %get3A_464] {strides = array<i32>} : memref<80x128xf32, #tpu.memory_space<vmem>>, vector<1x16xf32>,
        %get3A_466 = vector.shape_cast %get3A_465 : vector<1x16xf32> to vector<16xf32>
        %add3A_467 = arith.addf %get3A_462, %get3A_466 : vector<16xf32>
        %swap3A_468 = arith.index_cast %add3A_340 : i32 to index
        %swap3A_469 = arith.constant 112 : index
        %swap3A_470 = tpu.vector_load %arg17[%swap3A_468, %swap3A_469] {strides = array<i32>} : memref<80x128xf32, #tpu.memory_space<vmem>>, vector<1x16xf32>,
        %swap3A_471 = vector.shape_cast %swap3A_470 : vector<1x16xf32> to vector<16xf32>
        %swap3A_472 = vector.shape_cast %add3A_467 : vector<16xf32> to vector<1x16xf32>
        tpu.vector_store %arg17[%swap3A_468, %swap3A_469], %swap3A_472 {strides = array<i32>} : memref<80x128xf32, #tpu.memory_space<vmem>>, vector<1x16xf32>,
        %add3A_473 = arith.addf %scan3A_328, %add3A_467 : vector<16xf32>
        %mul3A_474 = arith.mulf %add3A_467, %add3A_467 : vector<16xf32>
        %add3A_475 = arith.addf %scan3A_336, %mul3A_474 : vector<16xf32>
        %mul3A_476 = arith.constant 2 : i32
        %mul3A_477 = arith.muli %mul3A_476, %scan3A_320 : i32
        %add3A_478 = arith.constant 1 : i32
        %add3A_479 = arith.addi %mul3A_477, %add3A_478 : i32
        %get3A_480 = arith.index_cast %add3A_479 : i32 to index
        %get3A_481 = arith.constant 0 : index
        %get3A_482 = tpu.vector_load %arg15[%get3A_480, %get3A_481] {strides = array<i32>} : memref<80x128xf32, #tpu.memory_space<vmem>>, vector<1x16xf32>,
        %get3A_483 = vector.shape_cast %get3A_482 : vector<1x16xf32> to vector<16xf32>
        %get3A_484 = arith.index_cast %add3A_479 : i32 to index
        %get3A_485 = arith.constant 0 : index
        %get3A_486 = tpu.vector_load %arg16[%get3A_484, %get3A_485] {strides = array<i32>} : memref<80x128xf32, #tpu.memory_space<vmem>>, vector<1x16xf32>,
        %get3A_487 = vector.shape_cast %get3A_486 : vector<1x16xf32> to vector<16xf32>
        %add3A_488 = arith.addf %get3A_483, %get3A_487 : vector<16xf32>
        %swap3A_489 = arith.index_cast %add3A_479 : i32 to index
        %swap3A_490 = arith.constant 0 : index
        %swap3A_491 = tpu.vector_load %arg17[%swap3A_489, %swap3A_490] {strides = array<i32>} : memref<80x128xf32, #tpu.memory_space<vmem>>, vector<1x16xf32>,
        %swap3A_492 = vector.shape_cast %swap3A_491 : vector<1x16xf32> to vector<16xf32>
        %swap3A_493 = vector.shape_cast %add3A_488 : vector<16xf32> to vector<1x16xf32>
        tpu.vector_store %arg17[%swap3A_489, %swap3A_490], %swap3A_493 {strides = array<i32>} : memref<80x128xf32, #tpu.memory_space<vmem>>, vector<1x16xf32>,
        %add3A_494 = arith.addf %add3A_354, %add3A_488 : vector<16xf32>
        %mul3A_495 = arith.mulf %add3A_488, %add3A_488 : vector<16xf32>
        %add3A_496 = arith.addf %add3A_356, %mul3A_495 : vector<16xf32>
        %get3A_497 = arith.index_cast %add3A_479 : i32 to index
        %get3A_498 = arith.constant 16 : index
        %get3A_499 = tpu.vector_load %arg15[%get3A_497, %get3A_498] {strides = array<i32>} : memref<80x128xf32, #tpu.memory_space<vmem>>, vector<1x16xf32>,
        %get3A_500 = vector.shape_cast %get3A_499 : vector<1x16xf32> to vector<16xf32>
        %get3A_501 = arith.index_cast %add3A_479 : i32 to index
        %get3A_502 = arith.constant 16 : index
        %get3A_503 = tpu.vector_load %arg16[%get3A_501, %get3A_502] {strides = array<i32>} : memref<80x128xf32, #tpu.memory_space<vmem>>, vector<1x16xf32>,
        %get3A_504 = vector.shape_cast %get3A_503 : vector<1x16xf32> to vector<16xf32>
        %add3A_505 = arith.addf %get3A_500, %get3A_504 : vector<16xf32>
        %swap3A_506 = arith.index_cast %add3A_479 : i32 to index
        %swap3A_507 = arith.constant 16 : index
        %swap3A_508 = tpu.vector_load %arg17[%swap3A_506, %swap3A_507] {strides = array<i32>} : memref<80x128xf32, #tpu.memory_space<vmem>>, vector<1x16xf32>,
        %swap3A_509 = vector.shape_cast %swap3A_508 : vector<1x16xf32> to vector<16xf32>
        %swap3A_510 = vector.shape_cast %add3A_505 : vector<16xf32> to vector<1x16xf32>
        tpu.vector_store %arg17[%swap3A_506, %swap3A_507], %swap3A_510 {strides = array<i32>} : memref<80x128xf32, #tpu.memory_space<vmem>>, vector<1x16xf32>,
        %add3A_511 = arith.addf %add3A_371, %add3A_505 : vector<16xf32>
        %mul3A_512 = arith.mulf %add3A_505, %add3A_505 : vector<16xf32>
        %add3A_513 = arith.addf %add3A_373, %mul3A_512 : vector<16xf32>
        %get3A_514 = arith.index_cast %add3A_479 : i32 to index
        %get3A_515 = arith.constant 32 : index
        %get3A_516 = tpu.vector_load %arg15[%get3A_514, %get3A_515] {strides = array<i32>} : memref<80x128xf32, #tpu.memory_space<vmem>>, vector<1x16xf32>,
        %get3A_517 = vector.shape_cast %get3A_516 : vector<1x16xf32> to vector<16xf32>
        %get3A_518 = arith.index_cast %add3A_479 : i32 to index
        %get3A_519 = arith.constant 32 : index
        %get3A_520 = tpu.vector_load %arg16[%get3A_518, %get3A_519] {strides = array<i32>} : memref<80x128xf32, #tpu.memory_space<vmem>>, vector<1x16xf32>,
        %get3A_521 = vector.shape_cast %get3A_520 : vector<1x16xf32> to vector<16xf32>
        %add3A_522 = arith.addf %get3A_517, %get3A_521 : vector<16xf32>
        %swap3A_523 = arith.index_cast %add3A_479 : i32 to index
        %swap3A_524 = arith.constant 32 : index
        %swap3A_525 = tpu.vector_load %arg17[%swap3A_523, %swap3A_524] {strides = array<i32>} : memref<80x128xf32, #tpu.memory_space<vmem>>, vector<1x16xf32>,
        %swap3A_526 = vector.shape_cast %swap3A_525 : vector<1x16xf32> to vector<16xf32>
        %swap3A_527 = vector.shape_cast %add3A_522 : vector<16xf32> to vector<1x16xf32>
        tpu.vector_store %arg17[%swap3A_523, %swap3A_524], %swap3A_527 {strides = array<i32>} : memref<80x128xf32, #tpu.memory_space<vmem>>, vector<1x16xf32>,
        %add3A_528 = arith.addf %add3A_388, %add3A_522 : vector<16xf32>
        %mul3A_529 = arith.mulf %add3A_522, %add3A_522 : vector<16xf32>
        %add3A_530 = arith.addf %add3A_390, %mul3A_529 : vector<16xf32>
        %get3A_531 = arith.index_cast %add3A_479 : i32 to index
        %get3A_532 = arith.constant 48 : index
        %get3A_533 = tpu.vector_load %arg15[%get3A_531, %get3A_532] {strides = array<i32>} : memref<80x128xf32, #tpu.memory_space<vmem>>, vector<1x16xf32>,
        %get3A_534 = vector.shape_cast %get3A_533 : vector<1x16xf32> to vector<16xf32>
        %get3A_535 = arith.index_cast %add3A_479 : i32 to index
        %get3A_536 = arith.constant 48 : index
        %get3A_537 = tpu.vector_load %arg16[%get3A_535, %get3A_536] {strides = array<i32>} : memref<80x128xf32, #tpu.memory_space<vmem>>, vector<1x16xf32>,
        %get3A_538 = vector.shape_cast %get3A_537 : vector<1x16xf32> to vector<16xf32>
        %add3A_539 = arith.addf %get3A_534, %get3A_538 : vector<16xf32>
        %swap3A_540 = arith.index_cast %add3A_479 : i32 to index
        %swap3A_541 = arith.constant 48 : index
        %swap3A_542 = tpu.vector_load %arg17[%swap3A_540, %swap3A_541] {strides = array<i32>} : memref<80x128xf32, #tpu.memory_space<vmem>>, vector<1x16xf32>,
        %swap3A_543 = vector.shape_cast %swap3A_542 : vector<1x16xf32> to vector<16xf32>
        %swap3A_544 = vector.shape_cast %add3A_539 : vector<16xf32> to vector<1x16xf32>
        tpu.vector_store %arg17[%swap3A_540, %swap3A_541], %swap3A_544 {strides = array<i32>} : memref<80x128xf32, #tpu.memory_space<vmem>>, vector<1x16xf32>,
        %add3A_545 = arith.addf %add3A_405, %add3A_539 : vector<16xf32>
        %mul3A_546 = arith.mulf %add3A_539, %add3A_539 : vector<16xf32>
        %add3A_547 = arith.addf %add3A_407, %mul3A_546 : vector<16xf32>
        %get3A_548 = arith.index_cast %add3A_479 : i32 to index
        %get3A_549 = arith.constant 64 : index
        %get3A_550 = tpu.vector_load %arg15[%get3A_548, %get3A_549] {strides = array<i32>} : memref<80x128xf32, #tpu.memory_space<vmem>>, vector<1x16xf32>,
        %get3A_551 = vector.shape_cast %get3A_550 : vector<1x16xf32> to vector<16xf32>
        %get3A_552 = arith.index_cast %add3A_479 : i32 to index
        %get3A_553 = arith.constant 64 : index
        %get3A_554 = tpu.vector_load %arg16[%get3A_552, %get3A_553] {strides = array<i32>} : memref<80x128xf32, #tpu.memory_space<vmem>>, vector<1x16xf32>,
        %get3A_555 = vector.shape_cast %get3A_554 : vector<1x16xf32> to vector<16xf32>
        %add3A_556 = arith.addf %get3A_551, %get3A_555 : vector<16xf32>
        %swap3A_557 = arith.index_cast %add3A_479 : i32 to index
        %swap3A_558 = arith.constant 64 : index
        %swap3A_559 = tpu.vector_load %arg17[%swap3A_557, %swap3A_558] {strides = array<i32>} : memref<80x128xf32, #tpu.memory_space<vmem>>, vector<1x16xf32>,
        %swap3A_560 = vector.shape_cast %swap3A_559 : vector<1x16xf32> to vector<16xf32>
        %swap3A_561 = vector.shape_cast %add3A_556 : vector<16xf32> to vector<1x16xf32>
        tpu.vector_store %arg17[%swap3A_557, %swap3A_558], %swap3A_561 {strides = array<i32>} : memref<80x128xf32, #tpu.memory_space<vmem>>, vector<1x16xf32>,
        %add3A_562 = arith.addf %add3A_422, %add3A_556 : vector<16xf32>
        %mul3A_563 = arith.mulf %add3A_556, %add3A_556 : vector<16xf32>
        %add3A_564 = arith.addf %add3A_424, %mul3A_563 : vector<16xf32>
        %get3A_565 = arith.index_cast %add3A_479 : i32 to index
        %get3A_566 = arith.constant 80 : index
        %get3A_567 = tpu.vector_load %arg15[%get3A_565, %get3A_566] {strides = array<i32>} : memref<80x128xf32, #tpu.memory_space<vmem>>, vector<1x16xf32>,
        %get3A_568 = vector.shape_cast %get3A_567 : vector<1x16xf32> to vector<16xf32>
        %get3A_569 = arith.index_cast %add3A_479 : i32 to index
        %get3A_570 = arith.constant 80 : index
        %get3A_571 = tpu.vector_load %arg16[%get3A_569, %get3A_570] {strides = array<i32>} : memref<80x128xf32, #tpu.memory_space<vmem>>, vector<1x16xf32>,
        %get3A_572 = vector.shape_cast %get3A_571 : vector<1x16xf32> to vector<16xf32>
        %add3A_573 = arith.addf %get3A_568, %get3A_572 : vector<16xf32>
        %swap3A_574 = arith.index_cast %add3A_479 : i32 to index
        %swap3A_575 = arith.constant 80 : index
        %swap3A_576 = tpu.vector_load %arg17[%swap3A_574, %swap3A_575] {strides = array<i32>} : memref<80x128xf32, #tpu.memory_space<vmem>>, vector<1x16xf32>,
        %swap3A_577 = vector.shape_cast %swap3A_576 : vector<1x16xf32> to vector<16xf32>
        %swap3A_578 = vector.shape_cast %add3A_573 : vector<16xf32> to vector<1x16xf32>
        tpu.vector_store %arg17[%swap3A_574, %swap3A_575], %swap3A_578 {strides = array<i32>} : memref<80x128xf32, #tpu.memory_space<vmem>>, vector<1x16xf32>,
        %add3A_579 = arith.addf %add3A_439, %add3A_573 : vector<16xf32>
        %mul3A_580 = arith.mulf %add3A_573, %add3A_573 : vector<16xf32>
        %add3A_581 = arith.addf %add3A_441, %mul3A_580 : vector<16xf32>
        %get3A_582 = arith.index_cast %add3A_479 : i32 to index
        %get3A_583 = arith.constant 96 : index
        %get3A_584 = tpu.vector_load %arg15[%get3A_582, %get3A_583] {strides = array<i32>} : memref<80x128xf32, #tpu.memory_space<vmem>>, vector<1x16xf32>,
        %get3A_585 = vector.shape_cast %get3A_584 : vector<1x16xf32> to vector<16xf32>
        %get3A_586 = arith.index_cast %add3A_479 : i32 to index
        %get3A_587 = arith.constant 96 : index
        %get3A_588 = tpu.vector_load %arg16[%get3A_586, %get3A_587] {strides = array<i32>} : memref<80x128xf32, #tpu.memory_space<vmem>>, vector<1x16xf32>,
        %get3A_589 = vector.shape_cast %get3A_588 : vector<1x16xf32> to vector<16xf32>
        %add3A_590 = arith.addf %get3A_585, %get3A_589 : vector<16xf32>
        %swap3A_591 = arith.index_cast %add3A_479 : i32 to index
        %swap3A_592 = arith.constant 96 : index
        %swap3A_593 = tpu.vector_load %arg17[%swap3A_591, %swap3A_592] {strides = array<i32>} : memref<80x128xf32, #tpu.memory_space<vmem>>, vector<1x16xf32>,
        %swap3A_594 = vector.shape_cast %swap3A_593 : vector<1x16xf32> to vector<16xf32>
        %swap3A_595 = vector.shape_cast %add3A_590 : vector<16xf32> to vector<1x16xf32>
        tpu.vector_store %arg17[%swap3A_591, %swap3A_592], %swap3A_595 {strides = array<i32>} : memref<80x128xf32, #tpu.memory_space<vmem>>, vector<1x16xf32>,
        %add3A_596 = arith.addf %add3A_456, %add3A_590 : vector<16xf32>
        %mul3A_597 = arith.mulf %add3A_590, %add3A_590 : vector<16xf32>
        %add3A_598 = arith.addf %add3A_458, %mul3A_597 : vector<16xf32>
        %get3A_599 = arith.index_cast %add3A_479 : i32 to index
        %get3A_600 = arith.constant 112 : index
        %get3A_601 = tpu.vector_load %arg15[%get3A_599, %get3A_600] {strides = array<i32>} : memref<80x128xf32, #tpu.memory_space<vmem>>, vector<1x16xf32>,
        %get3A_602 = vector.shape_cast %get3A_601 : vector<1x16xf32> to vector<16xf32>
        %get3A_603 = arith.index_cast %add3A_479 : i32 to index
        %get3A_604 = arith.constant 112 : index
        %get3A_605 = tpu.vector_load %arg16[%get3A_603, %get3A_604] {strides = array<i32>} : memref<80x128xf32, #tpu.memory_space<vmem>>, vector<1x16xf32>,
        %get3A_606 = vector.shape_cast %get3A_605 : vector<1x16xf32> to vector<16xf32>
        %add3A_607 = arith.addf %get3A_602, %get3A_606 : vector<16xf32>
        %swap3A_608 = arith.index_cast %add3A_479 : i32 to index
        %swap3A_609 = arith.constant 112 : index
        %swap3A_610 = tpu.vector_load %arg17[%swap3A_608, %swap3A_609] {strides = array<i32>} : memref<80x128xf32, #tpu.memory_space<vmem>>, vector<1x16xf32>,
        %swap3A_611 = vector.shape_cast %swap3A_610 : vector<1x16xf32> to vector<16xf32>
        %swap3A_612 = vector.shape_cast %add3A_607 : vector<16xf32> to vector<1x16xf32>
        tpu.vector_store %arg17[%swap3A_608, %swap3A_609], %swap3A_612 {strides = array<i32>} : memref<80x128xf32, #tpu.memory_space<vmem>>, vector<1x16xf32>,
        %add3A_613 = arith.addf %add3A_473, %add3A_607 : vector<16xf32>
        %mul3A_614 = arith.mulf %add3A_607, %add3A_607 : vector<16xf32>
        %add3A_615 = arith.addf %add3A_475, %mul3A_614 : vector<16xf32>
        scf.yield %add3A_494, %add3A_511, %add3A_528, %add3A_545, %add3A_562, %add3A_579, %add3A_596, %add3A_613, %add3A_496, %add3A_513, %add3A_530, %add3A_547, %add3A_564, %add3A_581, %add3A_598, %add3A_615 : vector<16xf32>, vector<16xf32>, vector<16xf32>, vector<16xf32>, vector<16xf32>, vector<16xf32>, vector<16xf32>, vector<16xf32>, vector<16xf32>, vector<16xf32>, vector<16xf32>, vector<16xf32>, vector<16xf32>, vector<16xf32>, vector<16xf32>, vector<16xf32>
      }
      %scan3A_308 = arith.constant 40 : i32
      %mul3A_309 = arith.constant 2 : i32
      %mul3A_310 = arith.muli %mul3A_309, %scan3A_188 : i32
      %add3A_311 = arith.constant 1 : i32
      %add3A_312 = arith.addi %mul3A_310, %add3A_311 : i32
      %mul3A_313 = arith.constant 80 : i32
      %mul3A_314 = arith.muli %add3A_312, %mul3A_313 : i32
      %add3A_315 = arith.addi %add3A_5, %mul3A_314 : i32
      %dma_start3A_316 = arith.constant 0 : i32
      %dma_start3A_317 = tpu.memref_slice %arg6[%add3A_315, %dma_start3A_316] : memref<320000x128xf32, #tpu.memory_space<hbm>> -> memref<80x128xf32, #tpu.memory_space<hbm>>
      %dma_start3A_318 = arith.constant 0 : i32
      %dma_start3A_319 = tpu.memref_slice %arg6[%add3A_315, %dma_start3A_318] : memref<320000x128xf32, #tpu.memory_space<hbm>> -> memref<80x128xf32, #tpu.memory_space<hbm>>
      tpu.enqueue_dma source(%arg17 : memref<80x128xf32, #tpu.memory_space<vmem>>) target(%dma_start3A_319 : memref<80x128xf32, #tpu.memory_space<hbm>>) target_semaphore(%arg28 : memref<!tpu.dma_semaphore, #tpu.memory_space<semaphore_mem>>)
      scf.yield %scan3A_307#0, %scan3A_307#1, %scan3A_307#2, %scan3A_307#3, %scan3A_307#4, %scan3A_307#5, %scan3A_307#6, %scan3A_307#7, %scan3A_307#8, %scan3A_307#9, %scan3A_307#10, %scan3A_307#11, %scan3A_307#12, %scan3A_307#13, %scan3A_307#14, %scan3A_307#15 : vector<16xf32>, vector<16xf32>, vector<16xf32>, vector<16xf32>, vector<16xf32>, vector<16xf32>, vector<16xf32>, vector<16xf32>, vector<16xf32>, vector<16xf32>, vector<16xf32>, vector<16xf32>, vector<16xf32>, vector<16xf32>, vector<16xf32>, vector<16xf32>
    }
    %scan3A_62 = arith.constant 62 : i32
    %dma_wait3A = arith.constant 0 : i32
    %dma_wait3A_63 = arith.constant 0 : i32
    %dma_wait3A_64 = tpu.memref_slice %arg10[%dma_wait3A, %dma_wait3A_63] : memref<125x80xi32, #tpu.memory_space<vmem>> -> memref<1x80xi32, #tpu.memory_space<vmem>>
    %dma_wait3A_65 = tpu.memref_squeeze %dma_wait3A_64 : memref<1x80xi32, #tpu.memory_space<vmem>> -> memref<80xi32, #tpu.memory_space<vmem>>
    %dma_wait3A_66 = arith.constant 0 : i32
    %dma_wait3A_67 = arith.constant 0 : i32
    %dma_wait3A_68 = tpu.memref_slice %arg2[%dma_wait3A_66, %dma_wait3A_67] : memref<10000x128xf32, #tpu.memory_space<hbm>> -> memref<10000x128xf32, #tpu.memory_space<hbm>>
    tpu.wait_indirect_dma semaphore(%arg23 : memref<!tpu.dma_semaphore, #tpu.memory_space<semaphore_mem>>) src(%dma_wait3A_68 : memref<10000x128xf32, #tpu.memory_space<hbm>>) dst(%arg12 : memref<80x128xf32, #tpu.memory_space<vmem>>)
    %dma_wait3A_69 = arith.constant 0 : i32
    %dma_wait3A_70 = arith.constant 0 : i32
    %dma_wait3A_71 = tpu.memref_slice %arg11[%dma_wait3A_69, %dma_wait3A_70] : memref<125x80xi32, #tpu.memory_space<vmem>> -> memref<1x80xi32, #tpu.memory_space<vmem>>
    %dma_wait3A_72 = tpu.memref_squeeze %dma_wait3A_71 : memref<1x80xi32, #tpu.memory_space<vmem>> -> memref<80xi32, #tpu.memory_space<vmem>>
    %dma_wait3A_73 = arith.constant 0 : i32
    %dma_wait3A_74 = arith.constant 0 : i32
    %dma_wait3A_75 = tpu.memref_slice %arg3[%dma_wait3A_73, %dma_wait3A_74] : memref<10000x128xf32, #tpu.memory_space<hbm>> -> memref<10000x128xf32, #tpu.memory_space<hbm>>
    tpu.wait_indirect_dma semaphore(%arg24 : memref<!tpu.dma_semaphore, #tpu.memory_space<semaphore_mem>>) src(%dma_wait3A_75 : memref<10000x128xf32, #tpu.memory_space<hbm>>) dst(%arg13 : memref<80x128xf32, #tpu.memory_space<vmem>>)
    %dma_start3A_76 = arith.constant 124 : i32
    %dma_start3A_77 = arith.constant 0 : i32
    %dma_start3A_78 = tpu.memref_slice %arg11[%dma_start3A_76, %dma_start3A_77] : memref<125x80xi32, #tpu.memory_space<vmem>> -> memref<1x80xi32, #tpu.memory_space<vmem>>
    %dma_start3A_79 = tpu.memref_squeeze %dma_start3A_78 : memref<1x80xi32, #tpu.memory_space<vmem>> -> memref<80xi32, #tpu.memory_space<vmem>>
    %dma_start3A_80 = arith.constant 0 : i32
    %dma_start3A_81 = tpu.memref_slice %arg22[%dma_start3A_80] : memref<10240xf32, #tpu.memory_space<vmem_shared>> -> memref<10240xf32, #tpu.memory_space<vmem_shared>>
    tpu.enqueue_indirect_dma source(%arg18 : memref<80xf32, #tpu.memory_space<vmem>>) target(%dma_start3A_81 : memref<10240xf32, #tpu.memory_space<vmem_shared>>) offsets(%dma_start3A_79 : memref<80xi32, #tpu.memory_space<vmem>>) semaphore(%arg29 : memref<!tpu.dma_semaphore, #tpu.memory_space<semaphore_mem>>) {add = true}
    %dma_wait3A_82 = arith.constant 0 : i32
    %dma_wait3A_83 = arith.constant 0 : i32
    %dma_wait3A_84 = tpu.memref_slice %arg6[%dma_wait3A_82, %dma_wait3A_83] : memref<320000x128xf32, #tpu.memory_space<hbm>> -> memref<80x128xf32, #tpu.memory_space<hbm>>
    %dma_wait3A_85 = arith.constant 0 : i32
    %dma_wait3A_86 = arith.constant 0 : i32
    %dma_wait3A_87 = tpu.memref_slice %arg6[%dma_wait3A_85, %dma_wait3A_86] : memref<320000x128xf32, #tpu.memory_space<hbm>> -> memref<80x128xf32, #tpu.memory_space<hbm>>
    tpu.wait_dma2 semaphore(%arg27 : memref<!tpu.dma_semaphore, #tpu.memory_space<semaphore_mem>>) src(%arg14 : memref<80x128xf32, #tpu.memory_space<vmem>>) dst(%dma_wait3A_87 : memref<80x128xf32, #tpu.memory_space<hbm>>)
    %scan3A_88 = arith.constant 0 : i32
    %scan3A_89 = arith.constant 40 : i32
    %scan3A_90 = arith.addi %scan3A_88, %scan3A_89 : i32
    %scan3A_91 = arith.constant 1 : i32
    %scan3A_92:16 = scf.for %scan3A_188 = %scan3A_88 to %scan3A_90 step %scan3A_91 iter_args(%scan3A_189 = %scan3A_61#0, %scan3A_190 = %scan3A_61#1, %scan3A_191 = %scan3A_61#2, %scan3A_192 = %scan3A_61#3, %scan3A_193 = %scan3A_61#4, %scan3A_194 = %scan3A_61#5, %scan3A_195 = %scan3A_61#6, %scan3A_196 = %scan3A_61#7, %scan3A_197 = %scan3A_61#8, %scan3A_198 = %scan3A_61#9, %scan3A_199 = %scan3A_61#10, %scan3A_200 = %scan3A_61#11, %scan3A_201 = %scan3A_61#12, %scan3A_202 = %scan3A_61#13, %scan3A_203 = %scan3A_61#14, %scan3A_204 = %scan3A_61#15) -> (vector<16xf32>, vector<16xf32>, vector<16xf32>, vector<16xf32>, vector<16xf32>, vector<16xf32>, vector<16xf32>, vector<16xf32>, vector<16xf32>, vector<16xf32>, vector<16xf32>, vector<16xf32>, vector<16xf32>, vector<16xf32>, vector<16xf32>, vector<16xf32>)  : i32 {
      %mul3A_205 = arith.constant 2 : i32
      %mul3A_206 = arith.muli %mul3A_205, %scan3A_188 : i32
      %add3A_207 = arith.constant 0 : i32
      %add3A_208 = arith.addi %mul3A_206, %add3A_207 : i32
      %get3A = arith.index_cast %add3A_208 : i32 to index
      %get3A_209 = arith.constant 0 : index
      %get3A_210 = tpu.vector_load %arg12[%get3A, %get3A_209] {strides = array<i32>} : memref<80x128xf32, #tpu.memory_space<vmem>>, vector<1x16xf32>,
      %get3A_211 = vector.shape_cast %get3A_210 : vector<1x16xf32> to vector<16xf32>
      %get3A_212 = arith.index_cast %add3A_208 : i32 to index
      %get3A_213 = arith.constant 0 : index
      %get3A_214 = tpu.vector_load %arg13[%get3A_212, %get3A_213] {strides = array<i32>} : memref<80x128xf32, #tpu.memory_space<vmem>>, vector<1x16xf32>,
      %get3A_215 = vector.shape_cast %get3A_214 : vector<1x16xf32> to vector<16xf32>
      %add3A_216 = arith.addf %get3A_211, %get3A_215 : vector<16xf32>
      %swap3A_217 = arith.index_cast %add3A_208 : i32 to index
      %swap3A_218 = arith.constant 0 : index
      %swap3A_219 = tpu.vector_load %arg14[%swap3A_217, %swap3A_218] {strides = array<i32>} : memref<80x128xf32, #tpu.memory_space<vmem>>, vector<1x16xf32>,
      %swap3A_220 = vector.shape_cast %swap3A_219 : vector<1x16xf32> to vector<16xf32>
      %swap3A_221 = vector.shape_cast %add3A_216 : vector<16xf32> to vector<1x16xf32>
      tpu.vector_store %arg14[%swap3A_217, %swap3A_218], %swap3A_221 {strides = array<i32>} : memref<80x128xf32, #tpu.memory_space<vmem>>, vector<1x16xf32>,
      %add3A_222 = arith.addf %scan3A_189, %add3A_216 : vector<16xf32>
      %mul3A_223 = arith.mulf %add3A_216, %add3A_216 : vector<16xf32>
      %add3A_224 = arith.addf %scan3A_197, %mul3A_223 : vector<16xf32>
      %get3A_225 = arith.index_cast %add3A_208 : i32 to index
      %get3A_226 = arith.constant 16 : index
      %get3A_227 = tpu.vector_load %arg12[%get3A_225, %get3A_226] {strides = array<i32>} : memref<80x128xf32, #tpu.memory_space<vmem>>, vector<1x16xf32>,
      %get3A_228 = vector.shape_cast %get3A_227 : vector<1x16xf32> to vector<16xf32>
      %get3A_229 = arith.index_cast %add3A_208 : i32 to index
      %get3A_230 = arith.constant 16 : index
      %get3A_231 = tpu.vector_load %arg13[%get3A_229, %get3A_230] {strides = array<i32>} : memref<80x128xf32, #tpu.memory_space<vmem>>, vector<1x16xf32>,
      %get3A_232 = vector.shape_cast %get3A_231 : vector<1x16xf32> to vector<16xf32>
      %add3A_233 = arith.addf %get3A_228, %get3A_232 : vector<16xf32>
      %swap3A_234 = arith.index_cast %add3A_208 : i32 to index
      %swap3A_235 = arith.constant 16 : index
      %swap3A_236 = tpu.vector_load %arg14[%swap3A_234, %swap3A_235] {strides = array<i32>} : memref<80x128xf32, #tpu.memory_space<vmem>>, vector<1x16xf32>,
      %swap3A_237 = vector.shape_cast %swap3A_236 : vector<1x16xf32> to vector<16xf32>
      %swap3A_238 = vector.shape_cast %add3A_233 : vector<16xf32> to vector<1x16xf32>
      tpu.vector_store %arg14[%swap3A_234, %swap3A_235], %swap3A_238 {strides = array<i32>} : memref<80x128xf32, #tpu.memory_space<vmem>>, vector<1x16xf32>,
      %add3A_239 = arith.addf %scan3A_190, %add3A_233 : vector<16xf32>
      %mul3A_240 = arith.mulf %add3A_233, %add3A_233 : vector<16xf32>
      %add3A_241 = arith.addf %scan3A_198, %mul3A_240 : vector<16xf32>
      %get3A_242 = arith.index_cast %add3A_208 : i32 to index
      %get3A_243 = arith.constant 32 : index
      %get3A_244 = tpu.vector_load %arg12[%get3A_242, %get3A_243] {strides = array<i32>} : memref<80x128xf32, #tpu.memory_space<vmem>>, vector<1x16xf32>,
      %get3A_245 = vector.shape_cast %get3A_244 : vector<1x16xf32> to vector<16xf32>
      %get3A_246 = arith.index_cast %add3A_208 : i32 to index
      %get3A_247 = arith.constant 32 : index
      %get3A_248 = tpu.vector_load %arg13[%get3A_246, %get3A_247] {strides = array<i32>} : memref<80x128xf32, #tpu.memory_space<vmem>>, vector<1x16xf32>,
      %get3A_249 = vector.shape_cast %get3A_248 : vector<1x16xf32> to vector<16xf32>
      %add3A_250 = arith.addf %get3A_245, %get3A_249 : vector<16xf32>
      %swap3A_251 = arith.index_cast %add3A_208 : i32 to index
      %swap3A_252 = arith.constant 32 : index
      %swap3A_253 = tpu.vector_load %arg14[%swap3A_251, %swap3A_252] {strides = array<i32>} : memref<80x128xf32, #tpu.memory_space<vmem>>, vector<1x16xf32>,
      %swap3A_254 = vector.shape_cast %swap3A_253 : vector<1x16xf32> to vector<16xf32>
      %swap3A_255 = vector.shape_cast %add3A_250 : vector<16xf32> to vector<1x16xf32>
      tpu.vector_store %arg14[%swap3A_251, %swap3A_252], %swap3A_255 {strides = array<i32>} : memref<80x128xf32, #tpu.memory_space<vmem>>, vector<1x16xf32>,
      %add3A_256 = arith.addf %scan3A_191, %add3A_250 : vector<16xf32>
      %mul3A_257 = arith.mulf %add3A_250, %add3A_250 : vector<16xf32>
      %add3A_258 = arith.addf %scan3A_199, %mul3A_257 : vector<16xf32>
      %get3A_259 = arith.index_cast %add3A_208 : i32 to index
      %get3A_260 = arith.constant 48 : index
      %get3A_261 = tpu.vector_load %arg12[%get3A_259, %get3A_260] {strides = array<i32>} : memref<80x128xf32, #tpu.memory_space<vmem>>, vector<1x16xf32>,
      %get3A_262 = vector.shape_cast %get3A_261 : vector<1x16xf32> to vector<16xf32>
      %get3A_263 = arith.index_cast %add3A_208 : i32 to index
      %get3A_264 = arith.constant 48 : index
      %get3A_265 = tpu.vector_load %arg13[%get3A_263, %get3A_264] {strides = array<i32>} : memref<80x128xf32, #tpu.memory_space<vmem>>, vector<1x16xf32>,
      %get3A_266 = vector.shape_cast %get3A_265 : vector<1x16xf32> to vector<16xf32>
      %add3A_267 = arith.addf %get3A_262, %get3A_266 : vector<16xf32>
      %swap3A_268 = arith.index_cast %add3A_208 : i32 to index
      %swap3A_269 = arith.constant 48 : index
      %swap3A_270 = tpu.vector_load %arg14[%swap3A_268, %swap3A_269] {strides = array<i32>} : memref<80x128xf32, #tpu.memory_space<vmem>>, vector<1x16xf32>,
      %swap3A_271 = vector.shape_cast %swap3A_270 : vector<1x16xf32> to vector<16xf32>
      %swap3A_272 = vector.shape_cast %add3A_267 : vector<16xf32> to vector<1x16xf32>
      tpu.vector_store %arg14[%swap3A_268, %swap3A_269], %swap3A_272 {strides = array<i32>} : memref<80x128xf32, #tpu.memory_space<vmem>>, vector<1x16xf32>,
      %add3A_273 = arith.addf %scan3A_192, %add3A_267 : vector<16xf32>
      %mul3A_274 = arith.mulf %add3A_267, %add3A_267 : vector<16xf32>
      %add3A_275 = arith.addf %scan3A_200, %mul3A_274 : vector<16xf32>
      %get3A_276 = arith.index_cast %add3A_208 : i32 to index
      %get3A_277 = arith.constant 64 : index
      %get3A_278 = tpu.vector_load %arg12[%get3A_276, %get3A_277] {strides = array<i32>} : memref<80x128xf32, #tpu.memory_space<vmem>>, vector<1x16xf32>,
      %get3A_279 = vector.shape_cast %get3A_278 : vector<1x16xf32> to vector<16xf32>
      %get3A_280 = arith.index_cast %add3A_208 : i32 to index
      %get3A_281 = arith.constant 64 : index
      %get3A_282 = tpu.vector_load %arg13[%get3A_280, %get3A_281] {strides = array<i32>} : memref<80x128xf32, #tpu.memory_space<vmem>>, vector<1x16xf32>,
      %get3A_283 = vector.shape_cast %get3A_282 : vector<1x16xf32> to vector<16xf32>
      %add3A_284 = arith.addf %get3A_279, %get3A_283 : vector<16xf32>
      %swap3A_285 = arith.index_cast %add3A_208 : i32 to index
      %swap3A_286 = arith.constant 64 : index
      %swap3A_287 = tpu.vector_load %arg14[%swap3A_285, %swap3A_286] {strides = array<i32>} : memref<80x128xf32, #tpu.memory_space<vmem>>, vector<1x16xf32>,
      %swap3A_288 = vector.shape_cast %swap3A_287 : vector<1x16xf32> to vector<16xf32>
      %swap3A_289 = vector.shape_cast %add3A_284 : vector<16xf32> to vector<1x16xf32>
      tpu.vector_store %arg14[%swap3A_285, %swap3A_286], %swap3A_289 {strides = array<i32>} : memref<80x128xf32, #tpu.memory_space<vmem>>, vector<1x16xf32>,
      %add3A_290 = arith.addf %scan3A_193, %add3A_284 : vector<16xf32>
      %mul3A_291 = arith.mulf %add3A_284, %add3A_284 : vector<16xf32>
      %add3A_292 = arith.addf %scan3A_201, %mul3A_291 : vector<16xf32>
      %get3A_293 = arith.index_cast %add3A_208 : i32 to index
      %get3A_294 = arith.constant 80 : index
      %get3A_295 = tpu.vector_load %arg12[%get3A_293, %get3A_294] {strides = array<i32>} : memref<80x128xf32, #tpu.memory_space<vmem>>, vector<1x16xf32>,
      %get3A_296 = vector.shape_cast %get3A_295 : vector<1x16xf32> to vector<16xf32>
      %get3A_297 = arith.index_cast %add3A_208 : i32 to index
      %get3A_298 = arith.constant 80 : index
      %get3A_299 = tpu.vector_load %arg13[%get3A_297, %get3A_298] {strides = array<i32>} : memref<80x128xf32, #tpu.memory_space<vmem>>, vector<1x16xf32>,
      %get3A_300 = vector.shape_cast %get3A_299 : vector<1x16xf32> to vector<16xf32>
      %add3A_301 = arith.addf %get3A_296, %get3A_300 : vector<16xf32>
      %swap3A_302 = arith.index_cast %add3A_208 : i32 to index
      %swap3A_303 = arith.constant 80 : index
      %swap3A_304 = tpu.vector_load %arg14[%swap3A_302, %swap3A_303] {strides = array<i32>} : memref<80x128xf32, #tpu.memory_space<vmem>>, vector<1x16xf32>,
      %swap3A_305 = vector.shape_cast %swap3A_304 : vector<1x16xf32> to vector<16xf32>
      %swap3A_306 = vector.shape_cast %add3A_301 : vector<16xf32> to vector<1x16xf32>
      tpu.vector_store %arg14[%swap3A_302, %swap3A_303], %swap3A_306 {strides = array<i32>} : memref<80x128xf32, #tpu.memory_space<vmem>>, vector<1x16xf32>,
      %add3A_307 = arith.addf %scan3A_194, %add3A_301 : vector<16xf32>
      %mul3A_308 = arith.mulf %add3A_301, %add3A_301 : vector<16xf32>
      %add3A_309 = arith.addf %scan3A_202, %mul3A_308 : vector<16xf32>
      %get3A_310 = arith.index_cast %add3A_208 : i32 to index
      %get3A_311 = arith.constant 96 : index
      %get3A_312 = tpu.vector_load %arg12[%get3A_310, %get3A_311] {strides = array<i32>} : memref<80x128xf32, #tpu.memory_space<vmem>>, vector<1x16xf32>,
      %get3A_313 = vector.shape_cast %get3A_312 : vector<1x16xf32> to vector<16xf32>
      %get3A_314 = arith.index_cast %add3A_208 : i32 to index
      %get3A_315 = arith.constant 96 : index
      %get3A_316 = tpu.vector_load %arg13[%get3A_314, %get3A_315] {strides = array<i32>} : memref<80x128xf32, #tpu.memory_space<vmem>>, vector<1x16xf32>,
      %get3A_317 = vector.shape_cast %get3A_316 : vector<1x16xf32> to vector<16xf32>
      %add3A_318 = arith.addf %get3A_313, %get3A_317 : vector<16xf32>
      %swap3A_319 = arith.index_cast %add3A_208 : i32 to index
      %swap3A_320 = arith.constant 96 : index
      %swap3A_321 = tpu.vector_load %arg14[%swap3A_319, %swap3A_320] {strides = array<i32>} : memref<80x128xf32, #tpu.memory_space<vmem>>, vector<1x16xf32>,
      %swap3A_322 = vector.shape_cast %swap3A_321 : vector<1x16xf32> to vector<16xf32>
      %swap3A_323 = vector.shape_cast %add3A_318 : vector<16xf32> to vector<1x16xf32>
      tpu.vector_store %arg14[%swap3A_319, %swap3A_320], %swap3A_323 {strides = array<i32>} : memref<80x128xf32, #tpu.memory_space<vmem>>, vector<1x16xf32>,
      %add3A_324 = arith.addf %scan3A_195, %add3A_318 : vector<16xf32>
      %mul3A_325 = arith.mulf %add3A_318, %add3A_318 : vector<16xf32>
      %add3A_326 = arith.addf %scan3A_203, %mul3A_325 : vector<16xf32>
      %get3A_327 = arith.index_cast %add3A_208 : i32 to index
      %get3A_328 = arith.constant 112 : index
      %get3A_329 = tpu.vector_load %arg12[%get3A_327, %get3A_328] {strides = array<i32>} : memref<80x128xf32, #tpu.memory_space<vmem>>, vector<1x16xf32>,
      %get3A_330 = vector.shape_cast %get3A_329 : vector<1x16xf32> to vector<16xf32>
      %get3A_331 = arith.index_cast %add3A_208 : i32 to index
      %get3A_332 = arith.constant 112 : index
      %get3A_333 = tpu.vector_load %arg13[%get3A_331, %get3A_332] {strides = array<i32>} : memref<80x128xf32, #tpu.memory_space<vmem>>, vector<1x16xf32>,
      %get3A_334 = vector.shape_cast %get3A_333 : vector<1x16xf32> to vector<16xf32>
      %add3A_335 = arith.addf %get3A_330, %get3A_334 : vector<16xf32>
      %swap3A_336 = arith.index_cast %add3A_208 : i32 to index
      %swap3A_337 = arith.constant 112 : index
      %swap3A_338 = tpu.vector_load %arg14[%swap3A_336, %swap3A_337] {strides = array<i32>} : memref<80x128xf32, #tpu.memory_space<vmem>>, vector<1x16xf32>,
      %swap3A_339 = vector.shape_cast %swap3A_338 : vector<1x16xf32> to vector<16xf32>
      %swap3A_340 = vector.shape_cast %add3A_335 : vector<16xf32> to vector<1x16xf32>
      tpu.vector_store %arg14[%swap3A_336, %swap3A_337], %swap3A_340 {strides = array<i32>} : memref<80x128xf32, #tpu.memory_space<vmem>>, vector<1x16xf32>,
      %add3A_341 = arith.addf %scan3A_196, %add3A_335 : vector<16xf32>
      %mul3A_342 = arith.mulf %add3A_335, %add3A_335 : vector<16xf32>
      %add3A_343 = arith.addf %scan3A_204, %mul3A_342 : vector<16xf32>
      %mul3A_344 = arith.constant 2 : i32
      %mul3A_345 = arith.muli %mul3A_344, %scan3A_188 : i32
      %add3A_346 = arith.constant 1 : i32
      %add3A_347 = arith.addi %mul3A_345, %add3A_346 : i32
      %get3A_348 = arith.index_cast %add3A_347 : i32 to index
      %get3A_349 = arith.constant 0 : index
      %get3A_350 = tpu.vector_load %arg12[%get3A_348, %get3A_349] {strides = array<i32>} : memref<80x128xf32, #tpu.memory_space<vmem>>, vector<1x16xf32>,
      %get3A_351 = vector.shape_cast %get3A_350 : vector<1x16xf32> to vector<16xf32>
      %get3A_352 = arith.index_cast %add3A_347 : i32 to index
      %get3A_353 = arith.constant 0 : index
      %get3A_354 = tpu.vector_load %arg13[%get3A_352, %get3A_353] {strides = array<i32>} : memref<80x128xf32, #tpu.memory_space<vmem>>, vector<1x16xf32>,
      %get3A_355 = vector.shape_cast %get3A_354 : vector<1x16xf32> to vector<16xf32>
      %add3A_356 = arith.addf %get3A_351, %get3A_355 : vector<16xf32>
      %swap3A_357 = arith.index_cast %add3A_347 : i32 to index
      %swap3A_358 = arith.constant 0 : index
      %swap3A_359 = tpu.vector_load %arg14[%swap3A_357, %swap3A_358] {strides = array<i32>} : memref<80x128xf32, #tpu.memory_space<vmem>>, vector<1x16xf32>,
      %swap3A_360 = vector.shape_cast %swap3A_359 : vector<1x16xf32> to vector<16xf32>
      %swap3A_361 = vector.shape_cast %add3A_356 : vector<16xf32> to vector<1x16xf32>
      tpu.vector_store %arg14[%swap3A_357, %swap3A_358], %swap3A_361 {strides = array<i32>} : memref<80x128xf32, #tpu.memory_space<vmem>>, vector<1x16xf32>,
      %add3A_362 = arith.addf %add3A_222, %add3A_356 : vector<16xf32>
      %mul3A_363 = arith.mulf %add3A_356, %add3A_356 : vector<16xf32>
      %add3A_364 = arith.addf %add3A_224, %mul3A_363 : vector<16xf32>
      %get3A_365 = arith.index_cast %add3A_347 : i32 to index
      %get3A_366 = arith.constant 16 : index
      %get3A_367 = tpu.vector_load %arg12[%get3A_365, %get3A_366] {strides = array<i32>} : memref<80x128xf32, #tpu.memory_space<vmem>>, vector<1x16xf32>,
      %get3A_368 = vector.shape_cast %get3A_367 : vector<1x16xf32> to vector<16xf32>
      %get3A_369 = arith.index_cast %add3A_347 : i32 to index
      %get3A_370 = arith.constant 16 : index
      %get3A_371 = tpu.vector_load %arg13[%get3A_369, %get3A_370] {strides = array<i32>} : memref<80x128xf32, #tpu.memory_space<vmem>>, vector<1x16xf32>,
      %get3A_372 = vector.shape_cast %get3A_371 : vector<1x16xf32> to vector<16xf32>
      %add3A_373 = arith.addf %get3A_368, %get3A_372 : vector<16xf32>
      %swap3A_374 = arith.index_cast %add3A_347 : i32 to index
      %swap3A_375 = arith.constant 16 : index
      %swap3A_376 = tpu.vector_load %arg14[%swap3A_374, %swap3A_375] {strides = array<i32>} : memref<80x128xf32, #tpu.memory_space<vmem>>, vector<1x16xf32>,
      %swap3A_377 = vector.shape_cast %swap3A_376 : vector<1x16xf32> to vector<16xf32>
      %swap3A_378 = vector.shape_cast %add3A_373 : vector<16xf32> to vector<1x16xf32>
      tpu.vector_store %arg14[%swap3A_374, %swap3A_375], %swap3A_378 {strides = array<i32>} : memref<80x128xf32, #tpu.memory_space<vmem>>, vector<1x16xf32>,
      %add3A_379 = arith.addf %add3A_239, %add3A_373 : vector<16xf32>
      %mul3A_380 = arith.mulf %add3A_373, %add3A_373 : vector<16xf32>
      %add3A_381 = arith.addf %add3A_241, %mul3A_380 : vector<16xf32>
      %get3A_382 = arith.index_cast %add3A_347 : i32 to index
      %get3A_383 = arith.constant 32 : index
      %get3A_384 = tpu.vector_load %arg12[%get3A_382, %get3A_383] {strides = array<i32>} : memref<80x128xf32, #tpu.memory_space<vmem>>, vector<1x16xf32>,
      %get3A_385 = vector.shape_cast %get3A_384 : vector<1x16xf32> to vector<16xf32>
      %get3A_386 = arith.index_cast %add3A_347 : i32 to index
      %get3A_387 = arith.constant 32 : index
      %get3A_388 = tpu.vector_load %arg13[%get3A_386, %get3A_387] {strides = array<i32>} : memref<80x128xf32, #tpu.memory_space<vmem>>, vector<1x16xf32>,
      %get3A_389 = vector.shape_cast %get3A_388 : vector<1x16xf32> to vector<16xf32>
      %add3A_390 = arith.addf %get3A_385, %get3A_389 : vector<16xf32>
      %swap3A_391 = arith.index_cast %add3A_347 : i32 to index
      %swap3A_392 = arith.constant 32 : index
      %swap3A_393 = tpu.vector_load %arg14[%swap3A_391, %swap3A_392] {strides = array<i32>} : memref<80x128xf32, #tpu.memory_space<vmem>>, vector<1x16xf32>,
      %swap3A_394 = vector.shape_cast %swap3A_393 : vector<1x16xf32> to vector<16xf32>
      %swap3A_395 = vector.shape_cast %add3A_390 : vector<16xf32> to vector<1x16xf32>
      tpu.vector_store %arg14[%swap3A_391, %swap3A_392], %swap3A_395 {strides = array<i32>} : memref<80x128xf32, #tpu.memory_space<vmem>>, vector<1x16xf32>,
      %add3A_396 = arith.addf %add3A_256, %add3A_390 : vector<16xf32>
      %mul3A_397 = arith.mulf %add3A_390, %add3A_390 : vector<16xf32>
      %add3A_398 = arith.addf %add3A_258, %mul3A_397 : vector<16xf32>
      %get3A_399 = arith.index_cast %add3A_347 : i32 to index
      %get3A_400 = arith.constant 48 : index
      %get3A_401 = tpu.vector_load %arg12[%get3A_399, %get3A_400] {strides = array<i32>} : memref<80x128xf32, #tpu.memory_space<vmem>>, vector<1x16xf32>,
      %get3A_402 = vector.shape_cast %get3A_401 : vector<1x16xf32> to vector<16xf32>
      %get3A_403 = arith.index_cast %add3A_347 : i32 to index
      %get3A_404 = arith.constant 48 : index
      %get3A_405 = tpu.vector_load %arg13[%get3A_403, %get3A_404] {strides = array<i32>} : memref<80x128xf32, #tpu.memory_space<vmem>>, vector<1x16xf32>,
      %get3A_406 = vector.shape_cast %get3A_405 : vector<1x16xf32> to vector<16xf32>
      %add3A_407 = arith.addf %get3A_402, %get3A_406 : vector<16xf32>
      %swap3A_408 = arith.index_cast %add3A_347 : i32 to index
      %swap3A_409 = arith.constant 48 : index
      %swap3A_410 = tpu.vector_load %arg14[%swap3A_408, %swap3A_409] {strides = array<i32>} : memref<80x128xf32, #tpu.memory_space<vmem>>, vector<1x16xf32>,
      %swap3A_411 = vector.shape_cast %swap3A_410 : vector<1x16xf32> to vector<16xf32>
      %swap3A_412 = vector.shape_cast %add3A_407 : vector<16xf32> to vector<1x16xf32>
      tpu.vector_store %arg14[%swap3A_408, %swap3A_409], %swap3A_412 {strides = array<i32>} : memref<80x128xf32, #tpu.memory_space<vmem>>, vector<1x16xf32>,
      %add3A_413 = arith.addf %add3A_273, %add3A_407 : vector<16xf32>
      %mul3A_414 = arith.mulf %add3A_407, %add3A_407 : vector<16xf32>
      %add3A_415 = arith.addf %add3A_275, %mul3A_414 : vector<16xf32>
      %get3A_416 = arith.index_cast %add3A_347 : i32 to index
      %get3A_417 = arith.constant 64 : index
      %get3A_418 = tpu.vector_load %arg12[%get3A_416, %get3A_417] {strides = array<i32>} : memref<80x128xf32, #tpu.memory_space<vmem>>, vector<1x16xf32>,
      %get3A_419 = vector.shape_cast %get3A_418 : vector<1x16xf32> to vector<16xf32>
      %get3A_420 = arith.index_cast %add3A_347 : i32 to index
      %get3A_421 = arith.constant 64 : index
      %get3A_422 = tpu.vector_load %arg13[%get3A_420, %get3A_421] {strides = array<i32>} : memref<80x128xf32, #tpu.memory_space<vmem>>, vector<1x16xf32>,
      %get3A_423 = vector.shape_cast %get3A_422 : vector<1x16xf32> to vector<16xf32>
      %add3A_424 = arith.addf %get3A_419, %get3A_423 : vector<16xf32>
      %swap3A_425 = arith.index_cast %add3A_347 : i32 to index
      %swap3A_426 = arith.constant 64 : index
      %swap3A_427 = tpu.vector_load %arg14[%swap3A_425, %swap3A_426] {strides = array<i32>} : memref<80x128xf32, #tpu.memory_space<vmem>>, vector<1x16xf32>,
      %swap3A_428 = vector.shape_cast %swap3A_427 : vector<1x16xf32> to vector<16xf32>
      %swap3A_429 = vector.shape_cast %add3A_424 : vector<16xf32> to vector<1x16xf32>
      tpu.vector_store %arg14[%swap3A_425, %swap3A_426], %swap3A_429 {strides = array<i32>} : memref<80x128xf32, #tpu.memory_space<vmem>>, vector<1x16xf32>,
      %add3A_430 = arith.addf %add3A_290, %add3A_424 : vector<16xf32>
      %mul3A_431 = arith.mulf %add3A_424, %add3A_424 : vector<16xf32>
      %add3A_432 = arith.addf %add3A_292, %mul3A_431 : vector<16xf32>
      %get3A_433 = arith.index_cast %add3A_347 : i32 to index
      %get3A_434 = arith.constant 80 : index
      %get3A_435 = tpu.vector_load %arg12[%get3A_433, %get3A_434] {strides = array<i32>} : memref<80x128xf32, #tpu.memory_space<vmem>>, vector<1x16xf32>,
      %get3A_436 = vector.shape_cast %get3A_435 : vector<1x16xf32> to vector<16xf32>
      %get3A_437 = arith.index_cast %add3A_347 : i32 to index
      %get3A_438 = arith.constant 80 : index
      %get3A_439 = tpu.vector_load %arg13[%get3A_437, %get3A_438] {strides = array<i32>} : memref<80x128xf32, #tpu.memory_space<vmem>>, vector<1x16xf32>,
      %get3A_440 = vector.shape_cast %get3A_439 : vector<1x16xf32> to vector<16xf32>
      %add3A_441 = arith.addf %get3A_436, %get3A_440 : vector<16xf32>
      %swap3A_442 = arith.index_cast %add3A_347 : i32 to index
      %swap3A_443 = arith.constant 80 : index
      %swap3A_444 = tpu.vector_load %arg14[%swap3A_442, %swap3A_443] {strides = array<i32>} : memref<80x128xf32, #tpu.memory_space<vmem>>, vector<1x16xf32>,
      %swap3A_445 = vector.shape_cast %swap3A_444 : vector<1x16xf32> to vector<16xf32>
      %swap3A_446 = vector.shape_cast %add3A_441 : vector<16xf32> to vector<1x16xf32>
      tpu.vector_store %arg14[%swap3A_442, %swap3A_443], %swap3A_446 {strides = array<i32>} : memref<80x128xf32, #tpu.memory_space<vmem>>, vector<1x16xf32>,
      %add3A_447 = arith.addf %add3A_307, %add3A_441 : vector<16xf32>
      %mul3A_448 = arith.mulf %add3A_441, %add3A_441 : vector<16xf32>
      %add3A_449 = arith.addf %add3A_309, %mul3A_448 : vector<16xf32>
      %get3A_450 = arith.index_cast %add3A_347 : i32 to index
      %get3A_451 = arith.constant 96 : index
      %get3A_452 = tpu.vector_load %arg12[%get3A_450, %get3A_451] {strides = array<i32>} : memref<80x128xf32, #tpu.memory_space<vmem>>, vector<1x16xf32>,
      %get3A_453 = vector.shape_cast %get3A_452 : vector<1x16xf32> to vector<16xf32>
      %get3A_454 = arith.index_cast %add3A_347 : i32 to index
      %get3A_455 = arith.constant 96 : index
      %get3A_456 = tpu.vector_load %arg13[%get3A_454, %get3A_455] {strides = array<i32>} : memref<80x128xf32, #tpu.memory_space<vmem>>, vector<1x16xf32>,
      %get3A_457 = vector.shape_cast %get3A_456 : vector<1x16xf32> to vector<16xf32>
      %add3A_458 = arith.addf %get3A_453, %get3A_457 : vector<16xf32>
      %swap3A_459 = arith.index_cast %add3A_347 : i32 to index
      %swap3A_460 = arith.constant 96 : index
      %swap3A_461 = tpu.vector_load %arg14[%swap3A_459, %swap3A_460] {strides = array<i32>} : memref<80x128xf32, #tpu.memory_space<vmem>>, vector<1x16xf32>,
      %swap3A_462 = vector.shape_cast %swap3A_461 : vector<1x16xf32> to vector<16xf32>
      %swap3A_463 = vector.shape_cast %add3A_458 : vector<16xf32> to vector<1x16xf32>
      tpu.vector_store %arg14[%swap3A_459, %swap3A_460], %swap3A_463 {strides = array<i32>} : memref<80x128xf32, #tpu.memory_space<vmem>>, vector<1x16xf32>,
      %add3A_464 = arith.addf %add3A_324, %add3A_458 : vector<16xf32>
      %mul3A_465 = arith.mulf %add3A_458, %add3A_458 : vector<16xf32>
      %add3A_466 = arith.addf %add3A_326, %mul3A_465 : vector<16xf32>
      %get3A_467 = arith.index_cast %add3A_347 : i32 to index
      %get3A_468 = arith.constant 112 : index
      %get3A_469 = tpu.vector_load %arg12[%get3A_467, %get3A_468] {strides = array<i32>} : memref<80x128xf32, #tpu.memory_space<vmem>>, vector<1x16xf32>,
      %get3A_470 = vector.shape_cast %get3A_469 : vector<1x16xf32> to vector<16xf32>
      %get3A_471 = arith.index_cast %add3A_347 : i32 to index
      %get3A_472 = arith.constant 112 : index
      %get3A_473 = tpu.vector_load %arg13[%get3A_471, %get3A_472] {strides = array<i32>} : memref<80x128xf32, #tpu.memory_space<vmem>>, vector<1x16xf32>,
      %get3A_474 = vector.shape_cast %get3A_473 : vector<1x16xf32> to vector<16xf32>
      %add3A_475 = arith.addf %get3A_470, %get3A_474 : vector<16xf32>
      %swap3A_476 = arith.index_cast %add3A_347 : i32 to index
      %swap3A_477 = arith.constant 112 : index
      %swap3A_478 = tpu.vector_load %arg14[%swap3A_476, %swap3A_477] {strides = array<i32>} : memref<80x128xf32, #tpu.memory_space<vmem>>, vector<1x16xf32>,
      %swap3A_479 = vector.shape_cast %swap3A_478 : vector<1x16xf32> to vector<16xf32>
      %swap3A_480 = vector.shape_cast %add3A_475 : vector<16xf32> to vector<1x16xf32>
      tpu.vector_store %arg14[%swap3A_476, %swap3A_477], %swap3A_480 {strides = array<i32>} : memref<80x128xf32, #tpu.memory_space<vmem>>, vector<1x16xf32>,
      %add3A_481 = arith.addf %add3A_341, %add3A_475 : vector<16xf32>
      %mul3A_482 = arith.mulf %add3A_475, %add3A_475 : vector<16xf32>
      %add3A_483 = arith.addf %add3A_343, %mul3A_482 : vector<16xf32>
      scf.yield %add3A_362, %add3A_379, %add3A_396, %add3A_413, %add3A_430, %add3A_447, %add3A_464, %add3A_481, %add3A_364, %add3A_381, %add3A_398, %add3A_415, %add3A_432, %add3A_449, %add3A_466, %add3A_483 : vector<16xf32>, vector<16xf32>, vector<16xf32>, vector<16xf32>, vector<16xf32>, vector<16xf32>, vector<16xf32>, vector<16xf32>, vector<16xf32>, vector<16xf32>, vector<16xf32>, vector<16xf32>, vector<16xf32>, vector<16xf32>, vector<16xf32>, vector<16xf32>
    }
    %scan3A_93 = arith.constant 40 : i32
    %add3A_94 = arith.constant 9920 : i32
    %add3A_95 = arith.addi %add3A_5, %add3A_94 : i32
    %dma_start3A_96 = arith.constant 0 : i32
    %dma_start3A_97 = tpu.memref_slice %arg6[%add3A_95, %dma_start3A_96] : memref<320000x128xf32, #tpu.memory_space<hbm>> -> memref<80x128xf32, #tpu.memory_space<hbm>>
    %dma_start3A_98 = arith.constant 0 : i32
    %dma_start3A_99 = tpu.memref_slice %arg6[%add3A_95, %dma_start3A_98] : memref<320000x128xf32, #tpu.memory_space<hbm>> -> memref<80x128xf32, #tpu.memory_space<hbm>>
    tpu.enqueue_dma source(%arg14 : memref<80x128xf32, #tpu.memory_space<vmem>>) target(%dma_start3A_99 : memref<80x128xf32, #tpu.memory_space<hbm>>) target_semaphore(%arg27 : memref<!tpu.dma_semaphore, #tpu.memory_space<semaphore_mem>>)
    %dma_wait3A_100 = arith.constant 0 : i32
    %dma_wait3A_101 = arith.constant 0 : i32
    %dma_wait3A_102 = tpu.memref_slice %arg6[%dma_wait3A_100, %dma_wait3A_101] : memref<320000x128xf32, #tpu.memory_space<hbm>> -> memref<80x128xf32, #tpu.memory_space<hbm>>
    %dma_wait3A_103 = arith.constant 0 : i32
    %dma_wait3A_104 = arith.constant 0 : i32
    %dma_wait3A_105 = tpu.memref_slice %arg6[%dma_wait3A_103, %dma_wait3A_104] : memref<320000x128xf32, #tpu.memory_space<hbm>> -> memref<80x128xf32, #tpu.memory_space<hbm>>
    tpu.wait_dma2 semaphore(%arg27 : memref<!tpu.dma_semaphore, #tpu.memory_space<semaphore_mem>>) src(%arg14 : memref<80x128xf32, #tpu.memory_space<vmem>>) dst(%dma_wait3A_105 : memref<80x128xf32, #tpu.memory_space<hbm>>)
    %dma_wait3A_106 = arith.constant 0 : i32
    %dma_wait3A_107 = arith.constant 0 : i32
    %dma_wait3A_108 = tpu.memref_slice %arg6[%dma_wait3A_106, %dma_wait3A_107] : memref<320000x128xf32, #tpu.memory_space<hbm>> -> memref<80x128xf32, #tpu.memory_space<hbm>>
    %dma_wait3A_109 = arith.constant 0 : i32
    %dma_wait3A_110 = arith.constant 0 : i32
    %dma_wait3A_111 = tpu.memref_slice %arg6[%dma_wait3A_109, %dma_wait3A_110] : memref<320000x128xf32, #tpu.memory_space<hbm>> -> memref<80x128xf32, #tpu.memory_space<hbm>>
    tpu.wait_dma2 semaphore(%arg28 : memref<!tpu.dma_semaphore, #tpu.memory_space<semaphore_mem>>) src(%arg17 : memref<80x128xf32, #tpu.memory_space<vmem>>) dst(%dma_wait3A_111 : memref<80x128xf32, #tpu.memory_space<hbm>>)
    %swap3A_112 = arith.constant 0 : index
    %swap3A_113 = tpu.vector_load %arg20[%swap3A_112] {strides = array<i32>} : memref<128xf32, #tpu.memory_space<vmem>>, vector<16xf32>,
    %swap3A_114 = vector.shape_cast %swap3A_113 : vector<16xf32> to vector<16xf32>
    %swap3A_115 = vector.shape_cast %scan3A_92#0 : vector<16xf32> to vector<16xf32>
    tpu.vector_store %arg20[%swap3A_112], %swap3A_115 {strides = array<i32>} : memref<128xf32, #tpu.memory_space<vmem>>, vector<16xf32>,
    %swap3A_116 = arith.constant 0 : index
    %swap3A_117 = tpu.vector_load %arg21[%swap3A_116] {strides = array<i32>} : memref<128xf32, #tpu.memory_space<vmem>>, vector<16xf32>,
    %swap3A_118 = vector.shape_cast %swap3A_117 : vector<16xf32> to vector<16xf32>
    %swap3A_119 = vector.shape_cast %scan3A_92#8 : vector<16xf32> to vector<16xf32>
    tpu.vector_store %arg21[%swap3A_116], %swap3A_119 {strides = array<i32>} : memref<128xf32, #tpu.memory_space<vmem>>, vector<16xf32>,
    %swap3A_120 = arith.constant 16 : index
    %swap3A_121 = tpu.vector_load %arg20[%swap3A_120] {strides = array<i32>} : memref<128xf32, #tpu.memory_space<vmem>>, vector<16xf32>,
    %swap3A_122 = vector.shape_cast %swap3A_121 : vector<16xf32> to vector<16xf32>
    %swap3A_123 = vector.shape_cast %scan3A_92#1 : vector<16xf32> to vector<16xf32>
    tpu.vector_store %arg20[%swap3A_120], %swap3A_123 {strides = array<i32>} : memref<128xf32, #tpu.memory_space<vmem>>, vector<16xf32>,
    %swap3A_124 = arith.constant 16 : index
    %swap3A_125 = tpu.vector_load %arg21[%swap3A_124] {strides = array<i32>} : memref<128xf32, #tpu.memory_space<vmem>>, vector<16xf32>,
    %swap3A_126 = vector.shape_cast %swap3A_125 : vector<16xf32> to vector<16xf32>
    %swap3A_127 = vector.shape_cast %scan3A_92#9 : vector<16xf32> to vector<16xf32>
    tpu.vector_store %arg21[%swap3A_124], %swap3A_127 {strides = array<i32>} : memref<128xf32, #tpu.memory_space<vmem>>, vector<16xf32>,
    %swap3A_128 = arith.constant 32 : index
    %swap3A_129 = tpu.vector_load %arg20[%swap3A_128] {strides = array<i32>} : memref<128xf32, #tpu.memory_space<vmem>>, vector<16xf32>,
    %swap3A_130 = vector.shape_cast %swap3A_129 : vector<16xf32> to vector<16xf32>
    %swap3A_131 = vector.shape_cast %scan3A_92#2 : vector<16xf32> to vector<16xf32>
    tpu.vector_store %arg20[%swap3A_128], %swap3A_131 {strides = array<i32>} : memref<128xf32, #tpu.memory_space<vmem>>, vector<16xf32>,
    %swap3A_132 = arith.constant 32 : index
    %swap3A_133 = tpu.vector_load %arg21[%swap3A_132] {strides = array<i32>} : memref<128xf32, #tpu.memory_space<vmem>>, vector<16xf32>,
    %swap3A_134 = vector.shape_cast %swap3A_133 : vector<16xf32> to vector<16xf32>
    %swap3A_135 = vector.shape_cast %scan3A_92#10 : vector<16xf32> to vector<16xf32>
    tpu.vector_store %arg21[%swap3A_132], %swap3A_135 {strides = array<i32>} : memref<128xf32, #tpu.memory_space<vmem>>, vector<16xf32>,
    %swap3A_136 = arith.constant 48 : index
    %swap3A_137 = tpu.vector_load %arg20[%swap3A_136] {strides = array<i32>} : memref<128xf32, #tpu.memory_space<vmem>>, vector<16xf32>,
    %swap3A_138 = vector.shape_cast %swap3A_137 : vector<16xf32> to vector<16xf32>
    %swap3A_139 = vector.shape_cast %scan3A_92#3 : vector<16xf32> to vector<16xf32>
    tpu.vector_store %arg20[%swap3A_136], %swap3A_139 {strides = array<i32>} : memref<128xf32, #tpu.memory_space<vmem>>, vector<16xf32>,
    %swap3A_140 = arith.constant 48 : index
    %swap3A_141 = tpu.vector_load %arg21[%swap3A_140] {strides = array<i32>} : memref<128xf32, #tpu.memory_space<vmem>>, vector<16xf32>,
    %swap3A_142 = vector.shape_cast %swap3A_141 : vector<16xf32> to vector<16xf32>
    %swap3A_143 = vector.shape_cast %scan3A_92#11 : vector<16xf32> to vector<16xf32>
    tpu.vector_store %arg21[%swap3A_140], %swap3A_143 {strides = array<i32>} : memref<128xf32, #tpu.memory_space<vmem>>, vector<16xf32>,
    %swap3A_144 = arith.constant 64 : index
    %swap3A_145 = tpu.vector_load %arg20[%swap3A_144] {strides = array<i32>} : memref<128xf32, #tpu.memory_space<vmem>>, vector<16xf32>,
    %swap3A_146 = vector.shape_cast %swap3A_145 : vector<16xf32> to vector<16xf32>
    %swap3A_147 = vector.shape_cast %scan3A_92#4 : vector<16xf32> to vector<16xf32>
    tpu.vector_store %arg20[%swap3A_144], %swap3A_147 {strides = array<i32>} : memref<128xf32, #tpu.memory_space<vmem>>, vector<16xf32>,
    %swap3A_148 = arith.constant 64 : index
    %swap3A_149 = tpu.vector_load %arg21[%swap3A_148] {strides = array<i32>} : memref<128xf32, #tpu.memory_space<vmem>>, vector<16xf32>,
    %swap3A_150 = vector.shape_cast %swap3A_149 : vector<16xf32> to vector<16xf32>
    %swap3A_151 = vector.shape_cast %scan3A_92#12 : vector<16xf32> to vector<16xf32>
    tpu.vector_store %arg21[%swap3A_148], %swap3A_151 {strides = array<i32>} : memref<128xf32, #tpu.memory_space<vmem>>, vector<16xf32>,
    %swap3A_152 = arith.constant 80 : index
    %swap3A_153 = tpu.vector_load %arg20[%swap3A_152] {strides = array<i32>} : memref<128xf32, #tpu.memory_space<vmem>>, vector<16xf32>,
    %swap3A_154 = vector.shape_cast %swap3A_153 : vector<16xf32> to vector<16xf32>
    %swap3A_155 = vector.shape_cast %scan3A_92#5 : vector<16xf32> to vector<16xf32>
    tpu.vector_store %arg20[%swap3A_152], %swap3A_155 {strides = array<i32>} : memref<128xf32, #tpu.memory_space<vmem>>, vector<16xf32>,
    %swap3A_156 = arith.constant 80 : index
    %swap3A_157 = tpu.vector_load %arg21[%swap3A_156] {strides = array<i32>} : memref<128xf32, #tpu.memory_space<vmem>>, vector<16xf32>,
    %swap3A_158 = vector.shape_cast %swap3A_157 : vector<16xf32> to vector<16xf32>
    %swap3A_159 = vector.shape_cast %scan3A_92#13 : vector<16xf32> to vector<16xf32>
    tpu.vector_store %arg21[%swap3A_156], %swap3A_159 {strides = array<i32>} : memref<128xf32, #tpu.memory_space<vmem>>, vector<16xf32>,
    %swap3A_160 = arith.constant 96 : index
    %swap3A_161 = tpu.vector_load %arg20[%swap3A_160] {strides = array<i32>} : memref<128xf32, #tpu.memory_space<vmem>>, vector<16xf32>,
    %swap3A_162 = vector.shape_cast %swap3A_161 : vector<16xf32> to vector<16xf32>
    %swap3A_163 = vector.shape_cast %scan3A_92#6 : vector<16xf32> to vector<16xf32>
    tpu.vector_store %arg20[%swap3A_160], %swap3A_163 {strides = array<i32>} : memref<128xf32, #tpu.memory_space<vmem>>, vector<16xf32>,
    %swap3A_164 = arith.constant 96 : index
    %swap3A_165 = tpu.vector_load %arg21[%swap3A_164] {strides = array<i32>} : memref<128xf32, #tpu.memory_space<vmem>>, vector<16xf32>,
    %swap3A_166 = vector.shape_cast %swap3A_165 : vector<16xf32> to vector<16xf32>
    %swap3A_167 = vector.shape_cast %scan3A_92#14 : vector<16xf32> to vector<16xf32>
    tpu.vector_store %arg21[%swap3A_164], %swap3A_167 {strides = array<i32>} : memref<128xf32, #tpu.memory_space<vmem>>, vector<16xf32>,
    %swap3A_168 = arith.constant 112 : index
    %swap3A_169 = tpu.vector_load %arg20[%swap3A_168] {strides = array<i32>} : memref<128xf32, #tpu.memory_space<vmem>>, vector<16xf32>,
    %swap3A_170 = vector.shape_cast %swap3A_169 : vector<16xf32> to vector<16xf32>
    %swap3A_171 = vector.shape_cast %scan3A_92#7 : vector<16xf32> to vector<16xf32>
    tpu.vector_store %arg20[%swap3A_168], %swap3A_171 {strides = array<i32>} : memref<128xf32, #tpu.memory_space<vmem>>, vector<16xf32>,
    %swap3A_172 = arith.constant 112 : index
    %swap3A_173 = tpu.vector_load %arg21[%swap3A_172] {strides = array<i32>} : memref<128xf32, #tpu.memory_space<vmem>>, vector<16xf32>,
    %swap3A_174 = vector.shape_cast %swap3A_173 : vector<16xf32> to vector<16xf32>
    %swap3A_175 = vector.shape_cast %scan3A_92#15 : vector<16xf32> to vector<16xf32>
    tpu.vector_store %arg21[%swap3A_172], %swap3A_175 {strides = array<i32>} : memref<128xf32, #tpu.memory_space<vmem>>, vector<16xf32>,
    "tpu.region"() ({
      %run_scoped3A = tpu.sem_alloc : memref<!tpu.dma_semaphore, #tpu.memory_space<semaphore_mem>>
      %dma_start3A_188 = arith.constant 0 : i32
      %dma_start3A_189 = tpu.memref_slice %arg7[%add3A, %dma_start3A_188] : memref<32x128xf32, #tpu.memory_space<hbm>> -> memref<1x128xf32, #tpu.memory_space<hbm>>
      %dma_start3A_190 = tpu.memref_squeeze %dma_start3A_189 : memref<1x128xf32, #tpu.memory_space<hbm>> -> memref<128xf32, #tpu.memory_space<hbm>>
      %dma_start3A_191 = arith.constant 0 : i32
      %dma_start3A_192 = tpu.memref_slice %arg7[%add3A, %dma_start3A_191] : memref<32x128xf32, #tpu.memory_space<hbm>> -> memref<1x128xf32, #tpu.memory_space<hbm>>
      %dma_start3A_193 = tpu.memref_squeeze %dma_start3A_192 : memref<1x128xf32, #tpu.memory_space<hbm>> -> memref<128xf32, #tpu.memory_space<hbm>>
      tpu.enqueue_dma source(%arg20 : memref<128xf32, #tpu.memory_space<vmem>>) target(%dma_start3A_193 : memref<128xf32, #tpu.memory_space<hbm>>) target_semaphore(%run_scoped3A : memref<!tpu.dma_semaphore, #tpu.memory_space<semaphore_mem>>)
      %dma_wait3A_194 = arith.constant 0 : i32
      %dma_wait3A_195 = tpu.memref_slice %arg7[%add3A, %dma_wait3A_194] : memref<32x128xf32, #tpu.memory_space<hbm>> -> memref<1x128xf32, #tpu.memory_space<hbm>>
      %dma_wait3A_196 = tpu.memref_squeeze %dma_wait3A_195 : memref<1x128xf32, #tpu.memory_space<hbm>> -> memref<128xf32, #tpu.memory_space<hbm>>
      %dma_wait3A_197 = arith.constant 0 : i32
      %dma_wait3A_198 = tpu.memref_slice %arg7[%add3A, %dma_wait3A_197] : memref<32x128xf32, #tpu.memory_space<hbm>> -> memref<1x128xf32, #tpu.memory_space<hbm>>
      %dma_wait3A_199 = tpu.memref_squeeze %dma_wait3A_198 : memref<1x128xf32, #tpu.memory_space<hbm>> -> memref<128xf32, #tpu.memory_space<hbm>>
      tpu.wait_dma2 semaphore(%run_scoped3A : memref<!tpu.dma_semaphore, #tpu.memory_space<semaphore_mem>>) src(%arg20 : memref<128xf32, #tpu.memory_space<vmem>>) dst(%dma_wait3A_199 : memref<128xf32, #tpu.memory_space<hbm>>)
      tpu.yield
    }) : () -> ()
    "tpu.region"() ({
      %run_scoped3A = tpu.sem_alloc : memref<!tpu.dma_semaphore, #tpu.memory_space<semaphore_mem>>
      %dma_start3A_188 = arith.constant 0 : i32
      %dma_start3A_189 = tpu.memref_slice %arg8[%add3A, %dma_start3A_188] : memref<32x128xf32, #tpu.memory_space<hbm>> -> memref<1x128xf32, #tpu.memory_space<hbm>>
      %dma_start3A_190 = tpu.memref_squeeze %dma_start3A_189 : memref<1x128xf32, #tpu.memory_space<hbm>> -> memref<128xf32, #tpu.memory_space<hbm>>
      %dma_start3A_191 = arith.constant 0 : i32
      %dma_start3A_192 = tpu.memref_slice %arg8[%add3A, %dma_start3A_191] : memref<32x128xf32, #tpu.memory_space<hbm>> -> memref<1x128xf32, #tpu.memory_space<hbm>>
      %dma_start3A_193 = tpu.memref_squeeze %dma_start3A_192 : memref<1x128xf32, #tpu.memory_space<hbm>> -> memref<128xf32, #tpu.memory_space<hbm>>
      tpu.enqueue_dma source(%arg21 : memref<128xf32, #tpu.memory_space<vmem>>) target(%dma_start3A_193 : memref<128xf32, #tpu.memory_space<hbm>>) target_semaphore(%run_scoped3A : memref<!tpu.dma_semaphore, #tpu.memory_space<semaphore_mem>>)
      %dma_wait3A_194 = arith.constant 0 : i32
      %dma_wait3A_195 = tpu.memref_slice %arg8[%add3A, %dma_wait3A_194] : memref<32x128xf32, #tpu.memory_space<hbm>> -> memref<1x128xf32, #tpu.memory_space<hbm>>
      %dma_wait3A_196 = tpu.memref_squeeze %dma_wait3A_195 : memref<1x128xf32, #tpu.memory_space<hbm>> -> memref<128xf32, #tpu.memory_space<hbm>>
      %dma_wait3A_197 = arith.constant 0 : i32
      %dma_wait3A_198 = tpu.memref_slice %arg8[%add3A, %dma_wait3A_197] : memref<32x128xf32, #tpu.memory_space<hbm>> -> memref<1x128xf32, #tpu.memory_space<hbm>>
      %dma_wait3A_199 = tpu.memref_squeeze %dma_wait3A_198 : memref<1x128xf32, #tpu.memory_space<hbm>> -> memref<128xf32, #tpu.memory_space<hbm>>
      tpu.wait_dma2 semaphore(%run_scoped3A : memref<!tpu.dma_semaphore, #tpu.memory_space<semaphore_mem>>) src(%arg21 : memref<128xf32, #tpu.memory_space<vmem>>) dst(%dma_wait3A_199 : memref<128xf32, #tpu.memory_space<hbm>>)
      tpu.yield
    }) : () -> ()
    %scan3A_176 = arith.constant 0 : i32
    %scan3A_177 = arith.constant 0 : i32
    %scan3A_178 = arith.constant 125 : i32
    %scan3A_179 = arith.addi %scan3A_177, %scan3A_178 : i32
    %scan3A_180 = arith.constant 1 : i32
    %scan3A_181 = scf.for %scan3A_188 = %scan3A_177 to %scan3A_179 step %scan3A_180 iter_args(%scan3A_189 = %scan3A_176) -> (i32)  : i32 {
      %dma_wait3A_190 = arith.constant 0 : i32
      %dma_wait3A_191 = arith.constant 0 : i32
      %dma_wait3A_192 = tpu.memref_slice %arg11[%dma_wait3A_190, %dma_wait3A_191] : memref<125x80xi32, #tpu.memory_space<vmem>> -> memref<1x80xi32, #tpu.memory_space<vmem>>
      %dma_wait3A_193 = tpu.memref_squeeze %dma_wait3A_192 : memref<1x80xi32, #tpu.memory_space<vmem>> -> memref<80xi32, #tpu.memory_space<vmem>>
      %dma_wait3A_194 = arith.constant 0 : i32
      %dma_wait3A_195 = tpu.memref_slice %arg22[%dma_wait3A_194] : memref<10240xf32, #tpu.memory_space<vmem_shared>> -> memref<10240xf32, #tpu.memory_space<vmem_shared>>
      tpu.wait_indirect_dma semaphore(%arg29 : memref<!tpu.dma_semaphore, #tpu.memory_space<semaphore_mem>>) src(%arg18 : memref<80xf32, #tpu.memory_space<vmem>>) dst(%dma_wait3A_195 : memref<10240xf32, #tpu.memory_space<vmem_shared>>)
      %scan3A_196 = arith.constant 0 : i32
      scf.yield %scan3A_196 : i32
    }
    %scan3A_182 = arith.constant 125 : i32
    %barrier3A_183 = arith.constant 0 : index
    tpu.barrier barrier_id(%barrier3A_183)
    %mul3A_184 = arith.constant 640 : i32
    %mul3A_185 = arith.muli %arg1, %mul3A_184 : i32
    %mul3A_186 = arith.constant 640 : i32
    %mul3A_187 = arith.muli %arg1, %mul3A_186 : i32
    "tpu.region"() ({
      %run_scoped3A = tpu.sem_alloc : memref<!tpu.dma_semaphore, #tpu.memory_space<semaphore_mem>>
      %dma_start3A_188 = tpu.memref_slice %arg9[%arg0, %mul3A_187] : memref<2x10240xf32, #tpu.memory_space<hbm>> -> memref<1x640xf32, #tpu.memory_space<hbm>>
      %dma_start3A_189 = tpu.memref_squeeze %dma_start3A_188 : memref<1x640xf32, #tpu.memory_space<hbm>> -> memref<640xf32, #tpu.memory_space<hbm>>
      %dma_start3A_190 = tpu.memref_slice %arg22[%mul3A_185] : memref<10240xf32, #tpu.memory_space<vmem_shared>> -> memref<640xf32, #tpu.memory_space<vmem_shared>>
      tpu.enqueue_dma source(%dma_start3A_190 : memref<640xf32, #tpu.memory_space<vmem_shared>>) target(%dma_start3A_189 : memref<640xf32, #tpu.memory_space<hbm>>) target_semaphore(%run_scoped3A : memref<!tpu.dma_semaphore, #tpu.memory_space<semaphore_mem>>)
      %dma_wait3A_191 = tpu.memref_slice %arg9[%arg0, %mul3A_187] : memref<2x10240xf32, #tpu.memory_space<hbm>> -> memref<1x640xf32, #tpu.memory_space<hbm>>
      %dma_wait3A_192 = tpu.memref_squeeze %dma_wait3A_191 : memref<1x640xf32, #tpu.memory_space<hbm>> -> memref<640xf32, #tpu.memory_space<hbm>>
      %dma_wait3A_193 = tpu.memref_slice %arg22[%mul3A_185] : memref<10240xf32, #tpu.memory_space<vmem_shared>> -> memref<640xf32, #tpu.memory_space<vmem_shared>>
      tpu.wait_dma2 semaphore(%run_scoped3A : memref<!tpu.dma_semaphore, #tpu.memory_space<semaphore_mem>>) src(%dma_wait3A_193 : memref<640xf32, #tpu.memory_space<vmem_shared>>) dst(%dma_wait3A_192 : memref<640xf32, #tpu.memory_space<hbm>>)
      tpu.yield
    }) : () -> ()
    return
  }
}

#map = affine_map<(d0, d1) -> (0, 0)>
#map1 = affine_map<(d0, d1) -> (0, 0, 0)>
module attributes {stable_mosaic.version = 14 : i64} {
  func.func @_sc_scatter_agg(%arg0: i32, %arg1: i32, %arg2: memref<10000x128xf32, #tpu.memory_space<hbm>>, %arg3: memref<32x125x80xi32, #tpu.memory_space<hbm>>, %arg4: memref<32x125x80xi32, #tpu.memory_space<hbm>>, %arg5: memref<2x10240x128xf32, #tpu.memory_space<hbm>>, %arg6: memref<1x80xi32, #tpu.memory_space<vmem>>, %arg7: memref<1x80xi32, #tpu.memory_space<vmem>>, %arg8: memref<1x80xi32, #tpu.memory_space<vmem>>, %arg9: memref<1x80xi32, #tpu.memory_space<vmem>>, %arg10: memref<1x80xi32, #tpu.memory_space<vmem>>, %arg11: memref<1x80xi32, #tpu.memory_space<vmem>>, %arg12: memref<1x80xi32, #tpu.memory_space<vmem>>, %arg13: memref<1x80xi32, #tpu.memory_space<vmem>>, %arg14: memref<80x128xf32, #tpu.memory_space<vmem>>, %arg15: memref<80x128xf32, #tpu.memory_space<vmem>>, %arg16: memref<128x128xf32, #tpu.memory_space<vmem>>, %arg17: memref<10240x128xf32, #tpu.memory_space<vmem_shared>>, %arg18: memref<!tpu.dma_semaphore, #tpu.memory_space<semaphore_mem>>, %arg19: memref<!tpu.dma_semaphore, #tpu.memory_space<semaphore_mem>>, %arg20: memref<!tpu.dma_semaphore, #tpu.memory_space<semaphore_mem>>, %arg21: memref<!tpu.dma_semaphore, #tpu.memory_space<semaphore_mem>>, %arg22: memref<!tpu.dma_semaphore, #tpu.memory_space<semaphore_mem>>, %arg23: memref<!tpu.dma_semaphore, #tpu.memory_space<semaphore_mem>>, %arg24: memref<!tpu.dma_semaphore, #tpu.memory_space<semaphore_mem>>, %arg25: memref<!tpu.dma_semaphore, #tpu.memory_space<semaphore_mem>>) attributes {dimension_semantics = [#tpu.dimension_semantics<core_parallel>, #tpu.dimension_semantics<subcore_parallel>], iteration_bounds = array<i64: 2, 16>, scalar_prefetch = 0 : i64, scratch_operands = 20 : i64, tpu.core_type = #tpu.core_type<sc_vector_subcore>, window_params = [{transform_indices = #map}, {transform_indices = #map1}, {transform_indices = #map1}, {transform_indices = #map1}]} {
    %mul3A = arith.constant 16 : i32
    %mul3A_0 = arith.muli %arg0, %mul3A : i32
    %add3A = arith.addi %mul3A_0, %arg1 : i32
    %scan3A = arith.constant 0 : i32
    %scan3A_1 = arith.constant 0 : i32
    %scan3A_2 = arith.constant 128 : i32
    %scan3A_3 = arith.addi %scan3A_1, %scan3A_2 : i32
    %scan3A_4 = arith.constant 1 : i32
    %scan3A_5 = scf.for %scan3A_373 = %scan3A_1 to %scan3A_3 step %scan3A_4 iter_args(%scan3A_374 = %scan3A) -> (i32)  : i32 {
      %broadcast_in_dim3A = arith.constant 0.000000e+00 : f32
      %broadcast_in_dim3A_375 = vector.broadcast %broadcast_in_dim3A : f32 to vector<16xf32>
      %swap3A = arith.index_cast %scan3A_373 : i32 to index
      %swap3A_376 = arith.constant 0 : index
      %swap3A_377 = tpu.vector_load %arg16[%swap3A, %swap3A_376] {strides = array<i32>} : memref<128x128xf32, #tpu.memory_space<vmem>>, vector<1x16xf32>,
      %swap3A_378 = vector.shape_cast %swap3A_377 : vector<1x16xf32> to vector<16xf32>
      %swap3A_379 = vector.shape_cast %broadcast_in_dim3A_375 : vector<16xf32> to vector<1x16xf32>
      tpu.vector_store %arg16[%swap3A, %swap3A_376], %swap3A_379 {strides = array<i32>} : memref<128x128xf32, #tpu.memory_space<vmem>>, vector<1x16xf32>,
      %broadcast_in_dim3A_380 = arith.constant 0.000000e+00 : f32
      %broadcast_in_dim3A_381 = vector.broadcast %broadcast_in_dim3A_380 : f32 to vector<16xf32>
      %swap3A_382 = arith.index_cast %scan3A_373 : i32 to index
      %swap3A_383 = arith.constant 16 : index
      %swap3A_384 = tpu.vector_load %arg16[%swap3A_382, %swap3A_383] {strides = array<i32>} : memref<128x128xf32, #tpu.memory_space<vmem>>, vector<1x16xf32>,
      %swap3A_385 = vector.shape_cast %swap3A_384 : vector<1x16xf32> to vector<16xf32>
      %swap3A_386 = vector.shape_cast %broadcast_in_dim3A_381 : vector<16xf32> to vector<1x16xf32>
      tpu.vector_store %arg16[%swap3A_382, %swap3A_383], %swap3A_386 {strides = array<i32>} : memref<128x128xf32, #tpu.memory_space<vmem>>, vector<1x16xf32>,
      %broadcast_in_dim3A_387 = arith.constant 0.000000e+00 : f32
      %broadcast_in_dim3A_388 = vector.broadcast %broadcast_in_dim3A_387 : f32 to vector<16xf32>
      %swap3A_389 = arith.index_cast %scan3A_373 : i32 to index
      %swap3A_390 = arith.constant 32 : index
      %swap3A_391 = tpu.vector_load %arg16[%swap3A_389, %swap3A_390] {strides = array<i32>} : memref<128x128xf32, #tpu.memory_space<vmem>>, vector<1x16xf32>,
      %swap3A_392 = vector.shape_cast %swap3A_391 : vector<1x16xf32> to vector<16xf32>
      %swap3A_393 = vector.shape_cast %broadcast_in_dim3A_388 : vector<16xf32> to vector<1x16xf32>
      tpu.vector_store %arg16[%swap3A_389, %swap3A_390], %swap3A_393 {strides = array<i32>} : memref<128x128xf32, #tpu.memory_space<vmem>>, vector<1x16xf32>,
      %broadcast_in_dim3A_394 = arith.constant 0.000000e+00 : f32
      %broadcast_in_dim3A_395 = vector.broadcast %broadcast_in_dim3A_394 : f32 to vector<16xf32>
      %swap3A_396 = arith.index_cast %scan3A_373 : i32 to index
      %swap3A_397 = arith.constant 48 : index
      %swap3A_398 = tpu.vector_load %arg16[%swap3A_396, %swap3A_397] {strides = array<i32>} : memref<128x128xf32, #tpu.memory_space<vmem>>, vector<1x16xf32>,
      %swap3A_399 = vector.shape_cast %swap3A_398 : vector<1x16xf32> to vector<16xf32>
      %swap3A_400 = vector.shape_cast %broadcast_in_dim3A_395 : vector<16xf32> to vector<1x16xf32>
      tpu.vector_store %arg16[%swap3A_396, %swap3A_397], %swap3A_400 {strides = array<i32>} : memref<128x128xf32, #tpu.memory_space<vmem>>, vector<1x16xf32>,
      %broadcast_in_dim3A_401 = arith.constant 0.000000e+00 : f32
      %broadcast_in_dim3A_402 = vector.broadcast %broadcast_in_dim3A_401 : f32 to vector<16xf32>
      %swap3A_403 = arith.index_cast %scan3A_373 : i32 to index
      %swap3A_404 = arith.constant 64 : index
      %swap3A_405 = tpu.vector_load %arg16[%swap3A_403, %swap3A_404] {strides = array<i32>} : memref<128x128xf32, #tpu.memory_space<vmem>>, vector<1x16xf32>,
      %swap3A_406 = vector.shape_cast %swap3A_405 : vector<1x16xf32> to vector<16xf32>
      %swap3A_407 = vector.shape_cast %broadcast_in_dim3A_402 : vector<16xf32> to vector<1x16xf32>
      tpu.vector_store %arg16[%swap3A_403, %swap3A_404], %swap3A_407 {strides = array<i32>} : memref<128x128xf32, #tpu.memory_space<vmem>>, vector<1x16xf32>,
      %broadcast_in_dim3A_408 = arith.constant 0.000000e+00 : f32
      %broadcast_in_dim3A_409 = vector.broadcast %broadcast_in_dim3A_408 : f32 to vector<16xf32>
      %swap3A_410 = arith.index_cast %scan3A_373 : i32 to index
      %swap3A_411 = arith.constant 80 : index
      %swap3A_412 = tpu.vector_load %arg16[%swap3A_410, %swap3A_411] {strides = array<i32>} : memref<128x128xf32, #tpu.memory_space<vmem>>, vector<1x16xf32>,
      %swap3A_413 = vector.shape_cast %swap3A_412 : vector<1x16xf32> to vector<16xf32>
      %swap3A_414 = vector.shape_cast %broadcast_in_dim3A_409 : vector<16xf32> to vector<1x16xf32>
      tpu.vector_store %arg16[%swap3A_410, %swap3A_411], %swap3A_414 {strides = array<i32>} : memref<128x128xf32, #tpu.memory_space<vmem>>, vector<1x16xf32>,
      %broadcast_in_dim3A_415 = arith.constant 0.000000e+00 : f32
      %broadcast_in_dim3A_416 = vector.broadcast %broadcast_in_dim3A_415 : f32 to vector<16xf32>
      %swap3A_417 = arith.index_cast %scan3A_373 : i32 to index
      %swap3A_418 = arith.constant 96 : index
      %swap3A_419 = tpu.vector_load %arg16[%swap3A_417, %swap3A_418] {strides = array<i32>} : memref<128x128xf32, #tpu.memory_space<vmem>>, vector<1x16xf32>,
      %swap3A_420 = vector.shape_cast %swap3A_419 : vector<1x16xf32> to vector<16xf32>
      %swap3A_421 = vector.shape_cast %broadcast_in_dim3A_416 : vector<16xf32> to vector<1x16xf32>
      tpu.vector_store %arg16[%swap3A_417, %swap3A_418], %swap3A_421 {strides = array<i32>} : memref<128x128xf32, #tpu.memory_space<vmem>>, vector<1x16xf32>,
      %broadcast_in_dim3A_422 = arith.constant 0.000000e+00 : f32
      %broadcast_in_dim3A_423 = vector.broadcast %broadcast_in_dim3A_422 : f32 to vector<16xf32>
      %swap3A_424 = arith.index_cast %scan3A_373 : i32 to index
      %swap3A_425 = arith.constant 112 : index
      %swap3A_426 = tpu.vector_load %arg16[%swap3A_424, %swap3A_425] {strides = array<i32>} : memref<128x128xf32, #tpu.memory_space<vmem>>, vector<1x16xf32>,
      %swap3A_427 = vector.shape_cast %swap3A_426 : vector<1x16xf32> to vector<16xf32>
      %swap3A_428 = vector.shape_cast %broadcast_in_dim3A_423 : vector<16xf32> to vector<1x16xf32>
      tpu.vector_store %arg16[%swap3A_424, %swap3A_425], %swap3A_428 {strides = array<i32>} : memref<128x128xf32, #tpu.memory_space<vmem>>, vector<1x16xf32>,
      %scan3A_429 = arith.constant 0 : i32
      scf.yield %scan3A_429 : i32
    }
    %scan3A_6 = arith.constant 128 : i32
    %mul3A_7 = arith.constant 640 : i32
    %mul3A_8 = arith.muli %arg1, %mul3A_7 : i32
    %add3A_9 = arith.constant 0 : i32
    %add3A_10 = arith.addi %mul3A_8, %add3A_9 : i32
    "tpu.region"() ({
      %run_scoped3A = tpu.sem_alloc : memref<!tpu.dma_semaphore, #tpu.memory_space<semaphore_mem>>
      %dma_start3A_373 = arith.constant 0 : i32
      %dma_start3A_374 = tpu.memref_slice %arg17[%add3A_10, %dma_start3A_373] : memref<10240x128xf32, #tpu.memory_space<vmem_shared>> -> memref<128x128xf32, #tpu.memory_space<vmem_shared>>
      %dma_start3A_375 = arith.constant 0 : i32
      %dma_start3A_376 = tpu.memref_slice %arg17[%add3A_10, %dma_start3A_375] : memref<10240x128xf32, #tpu.memory_space<vmem_shared>> -> memref<128x128xf32, #tpu.memory_space<vmem_shared>>
      tpu.enqueue_dma source(%arg16 : memref<128x128xf32, #tpu.memory_space<vmem>>) target(%dma_start3A_376 : memref<128x128xf32, #tpu.memory_space<vmem_shared>>) target_semaphore(%run_scoped3A : memref<!tpu.dma_semaphore, #tpu.memory_space<semaphore_mem>>)
      %dma_wait3A_377 = arith.constant 0 : i32
      %dma_wait3A_378 = tpu.memref_slice %arg17[%add3A_10, %dma_wait3A_377] : memref<10240x128xf32, #tpu.memory_space<vmem_shared>> -> memref<128x128xf32, #tpu.memory_space<vmem_shared>>
      %dma_wait3A_379 = arith.constant 0 : i32
      %dma_wait3A_380 = tpu.memref_slice %arg17[%add3A_10, %dma_wait3A_379] : memref<10240x128xf32, #tpu.memory_space<vmem_shared>> -> memref<128x128xf32, #tpu.memory_space<vmem_shared>>
      tpu.wait_dma2 semaphore(%run_scoped3A : memref<!tpu.dma_semaphore, #tpu.memory_space<semaphore_mem>>) src(%arg16 : memref<128x128xf32, #tpu.memory_space<vmem>>) dst(%dma_wait3A_380 : memref<128x128xf32, #tpu.memory_space<vmem_shared>>)
      tpu.yield
    }) : () -> ()
    %mul3A_11 = arith.constant 640 : i32
    %mul3A_12 = arith.muli %arg1, %mul3A_11 : i32
    %add3A_13 = arith.constant 128 : i32
    %add3A_14 = arith.addi %mul3A_12, %add3A_13 : i32
    "tpu.region"() ({
      %run_scoped3A = tpu.sem_alloc : memref<!tpu.dma_semaphore, #tpu.memory_space<semaphore_mem>>
      %dma_start3A_373 = arith.constant 0 : i32
      %dma_start3A_374 = tpu.memref_slice %arg17[%add3A_14, %dma_start3A_373] : memref<10240x128xf32, #tpu.memory_space<vmem_shared>> -> memref<128x128xf32, #tpu.memory_space<vmem_shared>>
      %dma_start3A_375 = arith.constant 0 : i32
      %dma_start3A_376 = tpu.memref_slice %arg17[%add3A_14, %dma_start3A_375] : memref<10240x128xf32, #tpu.memory_space<vmem_shared>> -> memref<128x128xf32, #tpu.memory_space<vmem_shared>>
      tpu.enqueue_dma source(%arg16 : memref<128x128xf32, #tpu.memory_space<vmem>>) target(%dma_start3A_376 : memref<128x128xf32, #tpu.memory_space<vmem_shared>>) target_semaphore(%run_scoped3A : memref<!tpu.dma_semaphore, #tpu.memory_space<semaphore_mem>>)
      %dma_wait3A_377 = arith.constant 0 : i32
      %dma_wait3A_378 = tpu.memref_slice %arg17[%add3A_14, %dma_wait3A_377] : memref<10240x128xf32, #tpu.memory_space<vmem_shared>> -> memref<128x128xf32, #tpu.memory_space<vmem_shared>>
      %dma_wait3A_379 = arith.constant 0 : i32
      %dma_wait3A_380 = tpu.memref_slice %arg17[%add3A_14, %dma_wait3A_379] : memref<10240x128xf32, #tpu.memory_space<vmem_shared>> -> memref<128x128xf32, #tpu.memory_space<vmem_shared>>
      tpu.wait_dma2 semaphore(%run_scoped3A : memref<!tpu.dma_semaphore, #tpu.memory_space<semaphore_mem>>) src(%arg16 : memref<128x128xf32, #tpu.memory_space<vmem>>) dst(%dma_wait3A_380 : memref<128x128xf32, #tpu.memory_space<vmem_shared>>)
      tpu.yield
    }) : () -> ()
    %mul3A_15 = arith.constant 640 : i32
    %mul3A_16 = arith.muli %arg1, %mul3A_15 : i32
    %add3A_17 = arith.constant 256 : i32
    %add3A_18 = arith.addi %mul3A_16, %add3A_17 : i32
    "tpu.region"() ({
      %run_scoped3A = tpu.sem_alloc : memref<!tpu.dma_semaphore, #tpu.memory_space<semaphore_mem>>
      %dma_start3A_373 = arith.constant 0 : i32
      %dma_start3A_374 = tpu.memref_slice %arg17[%add3A_18, %dma_start3A_373] : memref<10240x128xf32, #tpu.memory_space<vmem_shared>> -> memref<128x128xf32, #tpu.memory_space<vmem_shared>>
      %dma_start3A_375 = arith.constant 0 : i32
      %dma_start3A_376 = tpu.memref_slice %arg17[%add3A_18, %dma_start3A_375] : memref<10240x128xf32, #tpu.memory_space<vmem_shared>> -> memref<128x128xf32, #tpu.memory_space<vmem_shared>>
      tpu.enqueue_dma source(%arg16 : memref<128x128xf32, #tpu.memory_space<vmem>>) target(%dma_start3A_376 : memref<128x128xf32, #tpu.memory_space<vmem_shared>>) target_semaphore(%run_scoped3A : memref<!tpu.dma_semaphore, #tpu.memory_space<semaphore_mem>>)
      %dma_wait3A_377 = arith.constant 0 : i32
      %dma_wait3A_378 = tpu.memref_slice %arg17[%add3A_18, %dma_wait3A_377] : memref<10240x128xf32, #tpu.memory_space<vmem_shared>> -> memref<128x128xf32, #tpu.memory_space<vmem_shared>>
      %dma_wait3A_379 = arith.constant 0 : i32
      %dma_wait3A_380 = tpu.memref_slice %arg17[%add3A_18, %dma_wait3A_379] : memref<10240x128xf32, #tpu.memory_space<vmem_shared>> -> memref<128x128xf32, #tpu.memory_space<vmem_shared>>
      tpu.wait_dma2 semaphore(%run_scoped3A : memref<!tpu.dma_semaphore, #tpu.memory_space<semaphore_mem>>) src(%arg16 : memref<128x128xf32, #tpu.memory_space<vmem>>) dst(%dma_wait3A_380 : memref<128x128xf32, #tpu.memory_space<vmem_shared>>)
      tpu.yield
    }) : () -> ()
    %mul3A_19 = arith.constant 640 : i32
    %mul3A_20 = arith.muli %arg1, %mul3A_19 : i32
    %add3A_21 = arith.constant 384 : i32
    %add3A_22 = arith.addi %mul3A_20, %add3A_21 : i32
    "tpu.region"() ({
      %run_scoped3A = tpu.sem_alloc : memref<!tpu.dma_semaphore, #tpu.memory_space<semaphore_mem>>
      %dma_start3A_373 = arith.constant 0 : i32
      %dma_start3A_374 = tpu.memref_slice %arg17[%add3A_22, %dma_start3A_373] : memref<10240x128xf32, #tpu.memory_space<vmem_shared>> -> memref<128x128xf32, #tpu.memory_space<vmem_shared>>
      %dma_start3A_375 = arith.constant 0 : i32
      %dma_start3A_376 = tpu.memref_slice %arg17[%add3A_22, %dma_start3A_375] : memref<10240x128xf32, #tpu.memory_space<vmem_shared>> -> memref<128x128xf32, #tpu.memory_space<vmem_shared>>
      tpu.enqueue_dma source(%arg16 : memref<128x128xf32, #tpu.memory_space<vmem>>) target(%dma_start3A_376 : memref<128x128xf32, #tpu.memory_space<vmem_shared>>) target_semaphore(%run_scoped3A : memref<!tpu.dma_semaphore, #tpu.memory_space<semaphore_mem>>)
      %dma_wait3A_377 = arith.constant 0 : i32
      %dma_wait3A_378 = tpu.memref_slice %arg17[%add3A_22, %dma_wait3A_377] : memref<10240x128xf32, #tpu.memory_space<vmem_shared>> -> memref<128x128xf32, #tpu.memory_space<vmem_shared>>
      %dma_wait3A_379 = arith.constant 0 : i32
      %dma_wait3A_380 = tpu.memref_slice %arg17[%add3A_22, %dma_wait3A_379] : memref<10240x128xf32, #tpu.memory_space<vmem_shared>> -> memref<128x128xf32, #tpu.memory_space<vmem_shared>>
      tpu.wait_dma2 semaphore(%run_scoped3A : memref<!tpu.dma_semaphore, #tpu.memory_space<semaphore_mem>>) src(%arg16 : memref<128x128xf32, #tpu.memory_space<vmem>>) dst(%dma_wait3A_380 : memref<128x128xf32, #tpu.memory_space<vmem_shared>>)
      tpu.yield
    }) : () -> ()
    %mul3A_23 = arith.constant 640 : i32
    %mul3A_24 = arith.muli %arg1, %mul3A_23 : i32
    %add3A_25 = arith.constant 512 : i32
    %add3A_26 = arith.addi %mul3A_24, %add3A_25 : i32
    "tpu.region"() ({
      %run_scoped3A = tpu.sem_alloc : memref<!tpu.dma_semaphore, #tpu.memory_space<semaphore_mem>>
      %dma_start3A_373 = arith.constant 0 : i32
      %dma_start3A_374 = tpu.memref_slice %arg17[%add3A_26, %dma_start3A_373] : memref<10240x128xf32, #tpu.memory_space<vmem_shared>> -> memref<128x128xf32, #tpu.memory_space<vmem_shared>>
      %dma_start3A_375 = arith.constant 0 : i32
      %dma_start3A_376 = tpu.memref_slice %arg17[%add3A_26, %dma_start3A_375] : memref<10240x128xf32, #tpu.memory_space<vmem_shared>> -> memref<128x128xf32, #tpu.memory_space<vmem_shared>>
      tpu.enqueue_dma source(%arg16 : memref<128x128xf32, #tpu.memory_space<vmem>>) target(%dma_start3A_376 : memref<128x128xf32, #tpu.memory_space<vmem_shared>>) target_semaphore(%run_scoped3A : memref<!tpu.dma_semaphore, #tpu.memory_space<semaphore_mem>>)
      %dma_wait3A_377 = arith.constant 0 : i32
      %dma_wait3A_378 = tpu.memref_slice %arg17[%add3A_26, %dma_wait3A_377] : memref<10240x128xf32, #tpu.memory_space<vmem_shared>> -> memref<128x128xf32, #tpu.memory_space<vmem_shared>>
      %dma_wait3A_379 = arith.constant 0 : i32
      %dma_wait3A_380 = tpu.memref_slice %arg17[%add3A_26, %dma_wait3A_379] : memref<10240x128xf32, #tpu.memory_space<vmem_shared>> -> memref<128x128xf32, #tpu.memory_space<vmem_shared>>
      tpu.wait_dma2 semaphore(%run_scoped3A : memref<!tpu.dma_semaphore, #tpu.memory_space<semaphore_mem>>) src(%arg16 : memref<128x128xf32, #tpu.memory_space<vmem>>) dst(%dma_wait3A_380 : memref<128x128xf32, #tpu.memory_space<vmem_shared>>)
      tpu.yield
    }) : () -> ()
    %barrier3A = arith.constant 0 : index
    tpu.barrier barrier_id(%barrier3A)
    %dma_start3A = arith.constant 0 : i32
    %dma_start3A_27 = arith.constant 0 : i32
    %dma_start3A_28 = tpu.memref_slice %arg3[%add3A, %dma_start3A, %dma_start3A_27] : memref<32x125x80xi32, #tpu.memory_space<hbm>> -> memref<1x1x80xi32, #tpu.memory_space<hbm>>
    %dma_start3A_29 = tpu.memref_squeeze %dma_start3A_28 : memref<1x1x80xi32, #tpu.memory_space<hbm>> -> memref<1x80xi32, #tpu.memory_space<hbm>>
    %dma_start3A_30 = arith.constant 0 : i32
    %dma_start3A_31 = arith.constant 0 : i32
    %dma_start3A_32 = tpu.memref_slice %arg3[%add3A, %dma_start3A_30, %dma_start3A_31] : memref<32x125x80xi32, #tpu.memory_space<hbm>> -> memref<1x1x80xi32, #tpu.memory_space<hbm>>
    %dma_start3A_33 = tpu.memref_squeeze %dma_start3A_32 : memref<1x1x80xi32, #tpu.memory_space<hbm>> -> memref<1x80xi32, #tpu.memory_space<hbm>>
    tpu.enqueue_dma source(%dma_start3A_33 : memref<1x80xi32, #tpu.memory_space<hbm>>) target(%arg6 : memref<1x80xi32, #tpu.memory_space<vmem>>) target_semaphore(%arg18 : memref<!tpu.dma_semaphore, #tpu.memory_space<semaphore_mem>>)
    %dma_start3A_34 = arith.constant 0 : i32
    %dma_start3A_35 = arith.constant 0 : i32
    %dma_start3A_36 = tpu.memref_slice %arg4[%add3A, %dma_start3A_34, %dma_start3A_35] : memref<32x125x80xi32, #tpu.memory_space<hbm>> -> memref<1x1x80xi32, #tpu.memory_space<hbm>>
    %dma_start3A_37 = tpu.memref_squeeze %dma_start3A_36 : memref<1x1x80xi32, #tpu.memory_space<hbm>> -> memref<1x80xi32, #tpu.memory_space<hbm>>
    %dma_start3A_38 = arith.constant 0 : i32
    %dma_start3A_39 = arith.constant 0 : i32
    %dma_start3A_40 = tpu.memref_slice %arg4[%add3A, %dma_start3A_38, %dma_start3A_39] : memref<32x125x80xi32, #tpu.memory_space<hbm>> -> memref<1x1x80xi32, #tpu.memory_space<hbm>>
    %dma_start3A_41 = tpu.memref_squeeze %dma_start3A_40 : memref<1x1x80xi32, #tpu.memory_space<hbm>> -> memref<1x80xi32, #tpu.memory_space<hbm>>
    tpu.enqueue_dma source(%dma_start3A_41 : memref<1x80xi32, #tpu.memory_space<hbm>>) target(%arg10 : memref<1x80xi32, #tpu.memory_space<vmem>>) target_semaphore(%arg18 : memref<!tpu.dma_semaphore, #tpu.memory_space<semaphore_mem>>)
    %dma_start3A_42 = arith.constant 1 : i32
    %dma_start3A_43 = arith.constant 0 : i32
    %dma_start3A_44 = tpu.memref_slice %arg3[%add3A, %dma_start3A_42, %dma_start3A_43] : memref<32x125x80xi32, #tpu.memory_space<hbm>> -> memref<1x1x80xi32, #tpu.memory_space<hbm>>
    %dma_start3A_45 = tpu.memref_squeeze %dma_start3A_44 : memref<1x1x80xi32, #tpu.memory_space<hbm>> -> memref<1x80xi32, #tpu.memory_space<hbm>>
    %dma_start3A_46 = arith.constant 1 : i32
    %dma_start3A_47 = arith.constant 0 : i32
    %dma_start3A_48 = tpu.memref_slice %arg3[%add3A, %dma_start3A_46, %dma_start3A_47] : memref<32x125x80xi32, #tpu.memory_space<hbm>> -> memref<1x1x80xi32, #tpu.memory_space<hbm>>
    %dma_start3A_49 = tpu.memref_squeeze %dma_start3A_48 : memref<1x1x80xi32, #tpu.memory_space<hbm>> -> memref<1x80xi32, #tpu.memory_space<hbm>>
    tpu.enqueue_dma source(%dma_start3A_49 : memref<1x80xi32, #tpu.memory_space<hbm>>) target(%arg7 : memref<1x80xi32, #tpu.memory_space<vmem>>) target_semaphore(%arg19 : memref<!tpu.dma_semaphore, #tpu.memory_space<semaphore_mem>>)
    %dma_start3A_50 = arith.constant 1 : i32
    %dma_start3A_51 = arith.constant 0 : i32
    %dma_start3A_52 = tpu.memref_slice %arg4[%add3A, %dma_start3A_50, %dma_start3A_51] : memref<32x125x80xi32, #tpu.memory_space<hbm>> -> memref<1x1x80xi32, #tpu.memory_space<hbm>>
    %dma_start3A_53 = tpu.memref_squeeze %dma_start3A_52 : memref<1x1x80xi32, #tpu.memory_space<hbm>> -> memref<1x80xi32, #tpu.memory_space<hbm>>
    %dma_start3A_54 = arith.constant 1 : i32
    %dma_start3A_55 = arith.constant 0 : i32
    %dma_start3A_56 = tpu.memref_slice %arg4[%add3A, %dma_start3A_54, %dma_start3A_55] : memref<32x125x80xi32, #tpu.memory_space<hbm>> -> memref<1x1x80xi32, #tpu.memory_space<hbm>>
    %dma_start3A_57 = tpu.memref_squeeze %dma_start3A_56 : memref<1x1x80xi32, #tpu.memory_space<hbm>> -> memref<1x80xi32, #tpu.memory_space<hbm>>
    tpu.enqueue_dma source(%dma_start3A_57 : memref<1x80xi32, #tpu.memory_space<hbm>>) target(%arg11 : memref<1x80xi32, #tpu.memory_space<vmem>>) target_semaphore(%arg19 : memref<!tpu.dma_semaphore, #tpu.memory_space<semaphore_mem>>)
    %dma_start3A_58 = arith.constant 2 : i32
    %dma_start3A_59 = arith.constant 0 : i32
    %dma_start3A_60 = tpu.memref_slice %arg3[%add3A, %dma_start3A_58, %dma_start3A_59] : memref<32x125x80xi32, #tpu.memory_space<hbm>> -> memref<1x1x80xi32, #tpu.memory_space<hbm>>
    %dma_start3A_61 = tpu.memref_squeeze %dma_start3A_60 : memref<1x1x80xi32, #tpu.memory_space<hbm>> -> memref<1x80xi32, #tpu.memory_space<hbm>>
    %dma_start3A_62 = arith.constant 2 : i32
    %dma_start3A_63 = arith.constant 0 : i32
    %dma_start3A_64 = tpu.memref_slice %arg3[%add3A, %dma_start3A_62, %dma_start3A_63] : memref<32x125x80xi32, #tpu.memory_space<hbm>> -> memref<1x1x80xi32, #tpu.memory_space<hbm>>
    %dma_start3A_65 = tpu.memref_squeeze %dma_start3A_64 : memref<1x1x80xi32, #tpu.memory_space<hbm>> -> memref<1x80xi32, #tpu.memory_space<hbm>>
    tpu.enqueue_dma source(%dma_start3A_65 : memref<1x80xi32, #tpu.memory_space<hbm>>) target(%arg8 : memref<1x80xi32, #tpu.memory_space<vmem>>) target_semaphore(%arg20 : memref<!tpu.dma_semaphore, #tpu.memory_space<semaphore_mem>>)
    %dma_start3A_66 = arith.constant 2 : i32
    %dma_start3A_67 = arith.constant 0 : i32
    %dma_start3A_68 = tpu.memref_slice %arg4[%add3A, %dma_start3A_66, %dma_start3A_67] : memref<32x125x80xi32, #tpu.memory_space<hbm>> -> memref<1x1x80xi32, #tpu.memory_space<hbm>>
    %dma_start3A_69 = tpu.memref_squeeze %dma_start3A_68 : memref<1x1x80xi32, #tpu.memory_space<hbm>> -> memref<1x80xi32, #tpu.memory_space<hbm>>
    %dma_start3A_70 = arith.constant 2 : i32
    %dma_start3A_71 = arith.constant 0 : i32
    %dma_start3A_72 = tpu.memref_slice %arg4[%add3A, %dma_start3A_70, %dma_start3A_71] : memref<32x125x80xi32, #tpu.memory_space<hbm>> -> memref<1x1x80xi32, #tpu.memory_space<hbm>>
    %dma_start3A_73 = tpu.memref_squeeze %dma_start3A_72 : memref<1x1x80xi32, #tpu.memory_space<hbm>> -> memref<1x80xi32, #tpu.memory_space<hbm>>
    tpu.enqueue_dma source(%dma_start3A_73 : memref<1x80xi32, #tpu.memory_space<hbm>>) target(%arg12 : memref<1x80xi32, #tpu.memory_space<vmem>>) target_semaphore(%arg20 : memref<!tpu.dma_semaphore, #tpu.memory_space<semaphore_mem>>)
    %dma_start3A_74 = arith.constant 3 : i32
    %dma_start3A_75 = arith.constant 0 : i32
    %dma_start3A_76 = tpu.memref_slice %arg3[%add3A, %dma_start3A_74, %dma_start3A_75] : memref<32x125x80xi32, #tpu.memory_space<hbm>> -> memref<1x1x80xi32, #tpu.memory_space<hbm>>
    %dma_start3A_77 = tpu.memref_squeeze %dma_start3A_76 : memref<1x1x80xi32, #tpu.memory_space<hbm>> -> memref<1x80xi32, #tpu.memory_space<hbm>>
    %dma_start3A_78 = arith.constant 3 : i32
    %dma_start3A_79 = arith.constant 0 : i32
    %dma_start3A_80 = tpu.memref_slice %arg3[%add3A, %dma_start3A_78, %dma_start3A_79] : memref<32x125x80xi32, #tpu.memory_space<hbm>> -> memref<1x1x80xi32, #tpu.memory_space<hbm>>
    %dma_start3A_81 = tpu.memref_squeeze %dma_start3A_80 : memref<1x1x80xi32, #tpu.memory_space<hbm>> -> memref<1x80xi32, #tpu.memory_space<hbm>>
    tpu.enqueue_dma source(%dma_start3A_81 : memref<1x80xi32, #tpu.memory_space<hbm>>) target(%arg9 : memref<1x80xi32, #tpu.memory_space<vmem>>) target_semaphore(%arg21 : memref<!tpu.dma_semaphore, #tpu.memory_space<semaphore_mem>>)
    %dma_start3A_82 = arith.constant 3 : i32
    %dma_start3A_83 = arith.constant 0 : i32
    %dma_start3A_84 = tpu.memref_slice %arg4[%add3A, %dma_start3A_82, %dma_start3A_83] : memref<32x125x80xi32, #tpu.memory_space<hbm>> -> memref<1x1x80xi32, #tpu.memory_space<hbm>>
    %dma_start3A_85 = tpu.memref_squeeze %dma_start3A_84 : memref<1x1x80xi32, #tpu.memory_space<hbm>> -> memref<1x80xi32, #tpu.memory_space<hbm>>
    %dma_start3A_86 = arith.constant 3 : i32
    %dma_start3A_87 = arith.constant 0 : i32
    %dma_start3A_88 = tpu.memref_slice %arg4[%add3A, %dma_start3A_86, %dma_start3A_87] : memref<32x125x80xi32, #tpu.memory_space<hbm>> -> memref<1x1x80xi32, #tpu.memory_space<hbm>>
    %dma_start3A_89 = tpu.memref_squeeze %dma_start3A_88 : memref<1x1x80xi32, #tpu.memory_space<hbm>> -> memref<1x80xi32, #tpu.memory_space<hbm>>
    tpu.enqueue_dma source(%dma_start3A_89 : memref<1x80xi32, #tpu.memory_space<hbm>>) target(%arg13 : memref<1x80xi32, #tpu.memory_space<vmem>>) target_semaphore(%arg21 : memref<!tpu.dma_semaphore, #tpu.memory_space<semaphore_mem>>)
    %dma_wait3A = arith.constant 0 : i32
    %dma_wait3A_90 = arith.constant 0 : i32
    %dma_wait3A_91 = tpu.memref_slice %arg3[%add3A, %dma_wait3A, %dma_wait3A_90] : memref<32x125x80xi32, #tpu.memory_space<hbm>> -> memref<1x1x80xi32, #tpu.memory_space<hbm>>
    %dma_wait3A_92 = tpu.memref_squeeze %dma_wait3A_91 : memref<1x1x80xi32, #tpu.memory_space<hbm>> -> memref<1x80xi32, #tpu.memory_space<hbm>>
    %dma_wait3A_93 = arith.constant 0 : i32
    %dma_wait3A_94 = arith.constant 0 : i32
    %dma_wait3A_95 = tpu.memref_slice %arg3[%add3A, %dma_wait3A_93, %dma_wait3A_94] : memref<32x125x80xi32, #tpu.memory_space<hbm>> -> memref<1x1x80xi32, #tpu.memory_space<hbm>>
    %dma_wait3A_96 = tpu.memref_squeeze %dma_wait3A_95 : memref<1x1x80xi32, #tpu.memory_space<hbm>> -> memref<1x80xi32, #tpu.memory_space<hbm>>
    tpu.wait_dma2 semaphore(%arg18 : memref<!tpu.dma_semaphore, #tpu.memory_space<semaphore_mem>>) src(%dma_wait3A_96 : memref<1x80xi32, #tpu.memory_space<hbm>>) dst(%arg6 : memref<1x80xi32, #tpu.memory_space<vmem>>)
    %dma_wait3A_97 = arith.constant 0 : i32
    %dma_wait3A_98 = arith.constant 0 : i32
    %dma_wait3A_99 = tpu.memref_slice %arg4[%add3A, %dma_wait3A_97, %dma_wait3A_98] : memref<32x125x80xi32, #tpu.memory_space<hbm>> -> memref<1x1x80xi32, #tpu.memory_space<hbm>>
    %dma_wait3A_100 = tpu.memref_squeeze %dma_wait3A_99 : memref<1x1x80xi32, #tpu.memory_space<hbm>> -> memref<1x80xi32, #tpu.memory_space<hbm>>
    %dma_wait3A_101 = arith.constant 0 : i32
    %dma_wait3A_102 = arith.constant 0 : i32
    %dma_wait3A_103 = tpu.memref_slice %arg4[%add3A, %dma_wait3A_101, %dma_wait3A_102] : memref<32x125x80xi32, #tpu.memory_space<hbm>> -> memref<1x1x80xi32, #tpu.memory_space<hbm>>
    %dma_wait3A_104 = tpu.memref_squeeze %dma_wait3A_103 : memref<1x1x80xi32, #tpu.memory_space<hbm>> -> memref<1x80xi32, #tpu.memory_space<hbm>>
    tpu.wait_dma2 semaphore(%arg18 : memref<!tpu.dma_semaphore, #tpu.memory_space<semaphore_mem>>) src(%dma_wait3A_104 : memref<1x80xi32, #tpu.memory_space<hbm>>) dst(%arg10 : memref<1x80xi32, #tpu.memory_space<vmem>>)
    %dma_start3A_105 = arith.constant 0 : i32
    %dma_start3A_106 = arith.constant 0 : i32
    %dma_start3A_107 = tpu.memref_slice %arg6[%dma_start3A_105, %dma_start3A_106] : memref<1x80xi32, #tpu.memory_space<vmem>> -> memref<1x80xi32, #tpu.memory_space<vmem>>
    %dma_start3A_108 = tpu.memref_squeeze %dma_start3A_107 : memref<1x80xi32, #tpu.memory_space<vmem>> -> memref<80xi32, #tpu.memory_space<vmem>>
    %dma_start3A_109 = arith.constant 0 : i32
    %dma_start3A_110 = arith.constant 0 : i32
    %dma_start3A_111 = tpu.memref_slice %arg2[%dma_start3A_109, %dma_start3A_110] : memref<10000x128xf32, #tpu.memory_space<hbm>> -> memref<10000x128xf32, #tpu.memory_space<hbm>>
    tpu.enqueue_indirect_dma source(%dma_start3A_111 : memref<10000x128xf32, #tpu.memory_space<hbm>>) target(%arg14 : memref<80x128xf32, #tpu.memory_space<vmem>>) offsets(%dma_start3A_108 : memref<80xi32, #tpu.memory_space<vmem>>) semaphore(%arg22 : memref<!tpu.dma_semaphore, #tpu.memory_space<semaphore_mem>>)
    %dma_wait3A_112 = arith.constant 0 : i32
    %dma_wait3A_113 = arith.constant 0 : i32
    %dma_wait3A_114 = tpu.memref_slice %arg3[%add3A, %dma_wait3A_112, %dma_wait3A_113] : memref<32x125x80xi32, #tpu.memory_space<hbm>> -> memref<1x1x80xi32, #tpu.memory_space<hbm>>
    %dma_wait3A_115 = tpu.memref_squeeze %dma_wait3A_114 : memref<1x1x80xi32, #tpu.memory_space<hbm>> -> memref<1x80xi32, #tpu.memory_space<hbm>>
    %dma_wait3A_116 = arith.constant 0 : i32
    %dma_wait3A_117 = arith.constant 0 : i32
    %dma_wait3A_118 = tpu.memref_slice %arg3[%add3A, %dma_wait3A_116, %dma_wait3A_117] : memref<32x125x80xi32, #tpu.memory_space<hbm>> -> memref<1x1x80xi32, #tpu.memory_space<hbm>>
    %dma_wait3A_119 = tpu.memref_squeeze %dma_wait3A_118 : memref<1x1x80xi32, #tpu.memory_space<hbm>> -> memref<1x80xi32, #tpu.memory_space<hbm>>
    tpu.wait_dma2 semaphore(%arg19 : memref<!tpu.dma_semaphore, #tpu.memory_space<semaphore_mem>>) src(%dma_wait3A_119 : memref<1x80xi32, #tpu.memory_space<hbm>>) dst(%arg7 : memref<1x80xi32, #tpu.memory_space<vmem>>)
    %dma_wait3A_120 = arith.constant 0 : i32
    %dma_wait3A_121 = arith.constant 0 : i32
    %dma_wait3A_122 = tpu.memref_slice %arg4[%add3A, %dma_wait3A_120, %dma_wait3A_121] : memref<32x125x80xi32, #tpu.memory_space<hbm>> -> memref<1x1x80xi32, #tpu.memory_space<hbm>>
    %dma_wait3A_123 = tpu.memref_squeeze %dma_wait3A_122 : memref<1x1x80xi32, #tpu.memory_space<hbm>> -> memref<1x80xi32, #tpu.memory_space<hbm>>
    %dma_wait3A_124 = arith.constant 0 : i32
    %dma_wait3A_125 = arith.constant 0 : i32
    %dma_wait3A_126 = tpu.memref_slice %arg4[%add3A, %dma_wait3A_124, %dma_wait3A_125] : memref<32x125x80xi32, #tpu.memory_space<hbm>> -> memref<1x1x80xi32, #tpu.memory_space<hbm>>
    %dma_wait3A_127 = tpu.memref_squeeze %dma_wait3A_126 : memref<1x1x80xi32, #tpu.memory_space<hbm>> -> memref<1x80xi32, #tpu.memory_space<hbm>>
    tpu.wait_dma2 semaphore(%arg19 : memref<!tpu.dma_semaphore, #tpu.memory_space<semaphore_mem>>) src(%dma_wait3A_127 : memref<1x80xi32, #tpu.memory_space<hbm>>) dst(%arg11 : memref<1x80xi32, #tpu.memory_space<vmem>>)
    %dma_start3A_128 = arith.constant 0 : i32
    %dma_start3A_129 = arith.constant 0 : i32
    %dma_start3A_130 = tpu.memref_slice %arg7[%dma_start3A_128, %dma_start3A_129] : memref<1x80xi32, #tpu.memory_space<vmem>> -> memref<1x80xi32, #tpu.memory_space<vmem>>
    %dma_start3A_131 = tpu.memref_squeeze %dma_start3A_130 : memref<1x80xi32, #tpu.memory_space<vmem>> -> memref<80xi32, #tpu.memory_space<vmem>>
    %dma_start3A_132 = arith.constant 0 : i32
    %dma_start3A_133 = arith.constant 0 : i32
    %dma_start3A_134 = tpu.memref_slice %arg2[%dma_start3A_132, %dma_start3A_133] : memref<10000x128xf32, #tpu.memory_space<hbm>> -> memref<10000x128xf32, #tpu.memory_space<hbm>>
    tpu.enqueue_indirect_dma source(%dma_start3A_134 : memref<10000x128xf32, #tpu.memory_space<hbm>>) target(%arg15 : memref<80x128xf32, #tpu.memory_space<vmem>>) offsets(%dma_start3A_131 : memref<80xi32, #tpu.memory_space<vmem>>) semaphore(%arg23 : memref<!tpu.dma_semaphore, #tpu.memory_space<semaphore_mem>>)
    %scan3A_135 = arith.constant 0 : i32
    %scan3A_136 = arith.constant 0 : i32
    %scan3A_137 = arith.constant 30 : i32
    %scan3A_138 = arith.addi %scan3A_136, %scan3A_137 : i32
    %scan3A_139 = arith.constant 1 : i32
    %scan3A_140 = scf.for %scan3A_373 = %scan3A_136 to %scan3A_138 step %scan3A_139 iter_args(%scan3A_374 = %scan3A_135) -> (i32)  : i32 {
      %mul3A_375 = arith.constant 4 : i32
      %mul3A_376 = arith.muli %mul3A_375, %scan3A_373 : i32
      %dma_wait3A_377 = arith.constant 0 : i32
      %dma_wait3A_378 = arith.constant 0 : i32
      %dma_wait3A_379 = tpu.memref_slice %arg6[%dma_wait3A_377, %dma_wait3A_378] : memref<1x80xi32, #tpu.memory_space<vmem>> -> memref<1x80xi32, #tpu.memory_space<vmem>>
      %dma_wait3A_380 = tpu.memref_squeeze %dma_wait3A_379 : memref<1x80xi32, #tpu.memory_space<vmem>> -> memref<80xi32, #tpu.memory_space<vmem>>
      %dma_wait3A_381 = arith.constant 0 : i32
      %dma_wait3A_382 = arith.constant 0 : i32
      %dma_wait3A_383 = tpu.memref_slice %arg2[%dma_wait3A_381, %dma_wait3A_382] : memref<10000x128xf32, #tpu.memory_space<hbm>> -> memref<10000x128xf32, #tpu.memory_space<hbm>>
      tpu.wait_indirect_dma semaphore(%arg22 : memref<!tpu.dma_semaphore, #tpu.memory_space<semaphore_mem>>) src(%dma_wait3A_383 : memref<10000x128xf32, #tpu.memory_space<hbm>>) dst(%arg14 : memref<80x128xf32, #tpu.memory_space<vmem>>)
      %dma_start3A_384 = arith.constant 0 : i32
      %dma_start3A_385 = arith.constant 0 : i32
      %dma_start3A_386 = tpu.memref_slice %arg10[%dma_start3A_384, %dma_start3A_385] : memref<1x80xi32, #tpu.memory_space<vmem>> -> memref<1x80xi32, #tpu.memory_space<vmem>>
      %dma_start3A_387 = tpu.memref_squeeze %dma_start3A_386 : memref<1x80xi32, #tpu.memory_space<vmem>> -> memref<80xi32, #tpu.memory_space<vmem>>
      %dma_start3A_388 = arith.constant 0 : i32
      %dma_start3A_389 = arith.constant 0 : i32
      %dma_start3A_390 = tpu.memref_slice %arg17[%dma_start3A_388, %dma_start3A_389] : memref<10240x128xf32, #tpu.memory_space<vmem_shared>> -> memref<10240x128xf32, #tpu.memory_space<vmem_shared>>
      tpu.enqueue_indirect_dma source(%arg14 : memref<80x128xf32, #tpu.memory_space<vmem>>) target(%dma_start3A_390 : memref<10240x128xf32, #tpu.memory_space<vmem_shared>>) offsets(%dma_start3A_387 : memref<80xi32, #tpu.memory_space<vmem>>) semaphore(%arg24 : memref<!tpu.dma_semaphore, #tpu.memory_space<semaphore_mem>>) {add = true}
      %dma_wait3A_391 = arith.constant 0 : i32
      %dma_wait3A_392 = arith.constant 0 : i32
      %dma_wait3A_393 = tpu.memref_slice %arg10[%dma_wait3A_391, %dma_wait3A_392] : memref<1x80xi32, #tpu.memory_space<vmem>> -> memref<1x80xi32, #tpu.memory_space<vmem>>
      %dma_wait3A_394 = tpu.memref_squeeze %dma_wait3A_393 : memref<1x80xi32, #tpu.memory_space<vmem>> -> memref<80xi32, #tpu.memory_space<vmem>>
      %dma_wait3A_395 = arith.constant 0 : i32
      %dma_wait3A_396 = arith.constant 0 : i32
      %dma_wait3A_397 = tpu.memref_slice %arg17[%dma_wait3A_395, %dma_wait3A_396] : memref<10240x128xf32, #tpu.memory_space<vmem_shared>> -> memref<10240x128xf32, #tpu.memory_space<vmem_shared>>
      tpu.wait_indirect_dma semaphore(%arg24 : memref<!tpu.dma_semaphore, #tpu.memory_space<semaphore_mem>>) src(%arg14 : memref<80x128xf32, #tpu.memory_space<vmem>>) dst(%dma_wait3A_397 : memref<10240x128xf32, #tpu.memory_space<vmem_shared>>)
      %add3A_398 = arith.constant 4 : i32
      %add3A_399 = arith.addi %mul3A_376, %add3A_398 : i32
      %dma_start3A_400 = arith.constant 0 : i32
      %dma_start3A_401 = tpu.memref_slice %arg3[%add3A, %add3A_399, %dma_start3A_400] : memref<32x125x80xi32, #tpu.memory_space<hbm>> -> memref<1x1x80xi32, #tpu.memory_space<hbm>>
      %dma_start3A_402 = tpu.memref_squeeze %dma_start3A_401 : memref<1x1x80xi32, #tpu.memory_space<hbm>> -> memref<1x80xi32, #tpu.memory_space<hbm>>
      %dma_start3A_403 = arith.constant 0 : i32
      %dma_start3A_404 = tpu.memref_slice %arg3[%add3A, %add3A_399, %dma_start3A_403] : memref<32x125x80xi32, #tpu.memory_space<hbm>> -> memref<1x1x80xi32, #tpu.memory_space<hbm>>
      %dma_start3A_405 = tpu.memref_squeeze %dma_start3A_404 : memref<1x1x80xi32, #tpu.memory_space<hbm>> -> memref<1x80xi32, #tpu.memory_space<hbm>>
      tpu.enqueue_dma source(%dma_start3A_405 : memref<1x80xi32, #tpu.memory_space<hbm>>) target(%arg6 : memref<1x80xi32, #tpu.memory_space<vmem>>) target_semaphore(%arg18 : memref<!tpu.dma_semaphore, #tpu.memory_space<semaphore_mem>>)
      %dma_start3A_406 = arith.constant 0 : i32
      %dma_start3A_407 = tpu.memref_slice %arg4[%add3A, %add3A_399, %dma_start3A_406] : memref<32x125x80xi32, #tpu.memory_space<hbm>> -> memref<1x1x80xi32, #tpu.memory_space<hbm>>
      %dma_start3A_408 = tpu.memref_squeeze %dma_start3A_407 : memref<1x1x80xi32, #tpu.memory_space<hbm>> -> memref<1x80xi32, #tpu.memory_space<hbm>>
      %dma_start3A_409 = arith.constant 0 : i32
      %dma_start3A_410 = tpu.memref_slice %arg4[%add3A, %add3A_399, %dma_start3A_409] : memref<32x125x80xi32, #tpu.memory_space<hbm>> -> memref<1x1x80xi32, #tpu.memory_space<hbm>>
      %dma_start3A_411 = tpu.memref_squeeze %dma_start3A_410 : memref<1x1x80xi32, #tpu.memory_space<hbm>> -> memref<1x80xi32, #tpu.memory_space<hbm>>
      tpu.enqueue_dma source(%dma_start3A_411 : memref<1x80xi32, #tpu.memory_space<hbm>>) target(%arg10 : memref<1x80xi32, #tpu.memory_space<vmem>>) target_semaphore(%arg18 : memref<!tpu.dma_semaphore, #tpu.memory_space<semaphore_mem>>)
      %dma_wait3A_412 = arith.constant 0 : i32
      %dma_wait3A_413 = arith.constant 0 : i32
      %dma_wait3A_414 = tpu.memref_slice %arg3[%add3A, %dma_wait3A_412, %dma_wait3A_413] : memref<32x125x80xi32, #tpu.memory_space<hbm>> -> memref<1x1x80xi32, #tpu.memory_space<hbm>>
      %dma_wait3A_415 = tpu.memref_squeeze %dma_wait3A_414 : memref<1x1x80xi32, #tpu.memory_space<hbm>> -> memref<1x80xi32, #tpu.memory_space<hbm>>
      %dma_wait3A_416 = arith.constant 0 : i32
      %dma_wait3A_417 = arith.constant 0 : i32
      %dma_wait3A_418 = tpu.memref_slice %arg3[%add3A, %dma_wait3A_416, %dma_wait3A_417] : memref<32x125x80xi32, #tpu.memory_space<hbm>> -> memref<1x1x80xi32, #tpu.memory_space<hbm>>
      %dma_wait3A_419 = tpu.memref_squeeze %dma_wait3A_418 : memref<1x1x80xi32, #tpu.memory_space<hbm>> -> memref<1x80xi32, #tpu.memory_space<hbm>>
      tpu.wait_dma2 semaphore(%arg20 : memref<!tpu.dma_semaphore, #tpu.memory_space<semaphore_mem>>) src(%dma_wait3A_419 : memref<1x80xi32, #tpu.memory_space<hbm>>) dst(%arg8 : memref<1x80xi32, #tpu.memory_space<vmem>>)
      %dma_wait3A_420 = arith.constant 0 : i32
      %dma_wait3A_421 = arith.constant 0 : i32
      %dma_wait3A_422 = tpu.memref_slice %arg4[%add3A, %dma_wait3A_420, %dma_wait3A_421] : memref<32x125x80xi32, #tpu.memory_space<hbm>> -> memref<1x1x80xi32, #tpu.memory_space<hbm>>
      %dma_wait3A_423 = tpu.memref_squeeze %dma_wait3A_422 : memref<1x1x80xi32, #tpu.memory_space<hbm>> -> memref<1x80xi32, #tpu.memory_space<hbm>>
      %dma_wait3A_424 = arith.constant 0 : i32
      %dma_wait3A_425 = arith.constant 0 : i32
      %dma_wait3A_426 = tpu.memref_slice %arg4[%add3A, %dma_wait3A_424, %dma_wait3A_425] : memref<32x125x80xi32, #tpu.memory_space<hbm>> -> memref<1x1x80xi32, #tpu.memory_space<hbm>>
      %dma_wait3A_427 = tpu.memref_squeeze %dma_wait3A_426 : memref<1x1x80xi32, #tpu.memory_space<hbm>> -> memref<1x80xi32, #tpu.memory_space<hbm>>
      tpu.wait_dma2 semaphore(%arg20 : memref<!tpu.dma_semaphore, #tpu.memory_space<semaphore_mem>>) src(%dma_wait3A_427 : memref<1x80xi32, #tpu.memory_space<hbm>>) dst(%arg12 : memref<1x80xi32, #tpu.memory_space<vmem>>)
      %dma_start3A_428 = arith.constant 0 : i32
      %dma_start3A_429 = arith.constant 0 : i32
      %dma_start3A_430 = tpu.memref_slice %arg8[%dma_start3A_428, %dma_start3A_429] : memref<1x80xi32, #tpu.memory_space<vmem>> -> memref<1x80xi32, #tpu.memory_space<vmem>>
      %dma_start3A_431 = tpu.memref_squeeze %dma_start3A_430 : memref<1x80xi32, #tpu.memory_space<vmem>> -> memref<80xi32, #tpu.memory_space<vmem>>
      %dma_start3A_432 = arith.constant 0 : i32
      %dma_start3A_433 = arith.constant 0 : i32
      %dma_start3A_434 = tpu.memref_slice %arg2[%dma_start3A_432, %dma_start3A_433] : memref<10000x128xf32, #tpu.memory_space<hbm>> -> memref<10000x128xf32, #tpu.memory_space<hbm>>
      tpu.enqueue_indirect_dma source(%dma_start3A_434 : memref<10000x128xf32, #tpu.memory_space<hbm>>) target(%arg14 : memref<80x128xf32, #tpu.memory_space<vmem>>) offsets(%dma_start3A_431 : memref<80xi32, #tpu.memory_space<vmem>>) semaphore(%arg22 : memref<!tpu.dma_semaphore, #tpu.memory_space<semaphore_mem>>)
      %add3A_435 = arith.constant 1 : i32
      %add3A_436 = arith.addi %mul3A_376, %add3A_435 : i32
      %dma_wait3A_437 = arith.constant 0 : i32
      %dma_wait3A_438 = arith.constant 0 : i32
      %dma_wait3A_439 = tpu.memref_slice %arg7[%dma_wait3A_437, %dma_wait3A_438] : memref<1x80xi32, #tpu.memory_space<vmem>> -> memref<1x80xi32, #tpu.memory_space<vmem>>
      %dma_wait3A_440 = tpu.memref_squeeze %dma_wait3A_439 : memref<1x80xi32, #tpu.memory_space<vmem>> -> memref<80xi32, #tpu.memory_space<vmem>>
      %dma_wait3A_441 = arith.constant 0 : i32
      %dma_wait3A_442 = arith.constant 0 : i32
      %dma_wait3A_443 = tpu.memref_slice %arg2[%dma_wait3A_441, %dma_wait3A_442] : memref<10000x128xf32, #tpu.memory_space<hbm>> -> memref<10000x128xf32, #tpu.memory_space<hbm>>
      tpu.wait_indirect_dma semaphore(%arg23 : memref<!tpu.dma_semaphore, #tpu.memory_space<semaphore_mem>>) src(%dma_wait3A_443 : memref<10000x128xf32, #tpu.memory_space<hbm>>) dst(%arg15 : memref<80x128xf32, #tpu.memory_space<vmem>>)
      %dma_start3A_444 = arith.constant 0 : i32
      %dma_start3A_445 = arith.constant 0 : i32
      %dma_start3A_446 = tpu.memref_slice %arg11[%dma_start3A_444, %dma_start3A_445] : memref<1x80xi32, #tpu.memory_space<vmem>> -> memref<1x80xi32, #tpu.memory_space<vmem>>
      %dma_start3A_447 = tpu.memref_squeeze %dma_start3A_446 : memref<1x80xi32, #tpu.memory_space<vmem>> -> memref<80xi32, #tpu.memory_space<vmem>>
      %dma_start3A_448 = arith.constant 0 : i32
      %dma_start3A_449 = arith.constant 0 : i32
      %dma_start3A_450 = tpu.memref_slice %arg17[%dma_start3A_448, %dma_start3A_449] : memref<10240x128xf32, #tpu.memory_space<vmem_shared>> -> memref<10240x128xf32, #tpu.memory_space<vmem_shared>>
      tpu.enqueue_indirect_dma source(%arg15 : memref<80x128xf32, #tpu.memory_space<vmem>>) target(%dma_start3A_450 : memref<10240x128xf32, #tpu.memory_space<vmem_shared>>) offsets(%dma_start3A_447 : memref<80xi32, #tpu.memory_space<vmem>>) semaphore(%arg25 : memref<!tpu.dma_semaphore, #tpu.memory_space<semaphore_mem>>) {add = true}
      %dma_wait3A_451 = arith.constant 0 : i32
      %dma_wait3A_452 = arith.constant 0 : i32
      %dma_wait3A_453 = tpu.memref_slice %arg11[%dma_wait3A_451, %dma_wait3A_452] : memref<1x80xi32, #tpu.memory_space<vmem>> -> memref<1x80xi32, #tpu.memory_space<vmem>>
      %dma_wait3A_454 = tpu.memref_squeeze %dma_wait3A_453 : memref<1x80xi32, #tpu.memory_space<vmem>> -> memref<80xi32, #tpu.memory_space<vmem>>
      %dma_wait3A_455 = arith.constant 0 : i32
      %dma_wait3A_456 = arith.constant 0 : i32
      %dma_wait3A_457 = tpu.memref_slice %arg17[%dma_wait3A_455, %dma_wait3A_456] : memref<10240x128xf32, #tpu.memory_space<vmem_shared>> -> memref<10240x128xf32, #tpu.memory_space<vmem_shared>>
      tpu.wait_indirect_dma semaphore(%arg25 : memref<!tpu.dma_semaphore, #tpu.memory_space<semaphore_mem>>) src(%arg15 : memref<80x128xf32, #tpu.memory_space<vmem>>) dst(%dma_wait3A_457 : memref<10240x128xf32, #tpu.memory_space<vmem_shared>>)
      %add3A_458 = arith.constant 4 : i32
      %add3A_459 = arith.addi %add3A_436, %add3A_458 : i32
      %dma_start3A_460 = arith.constant 0 : i32
      %dma_start3A_461 = tpu.memref_slice %arg3[%add3A, %add3A_459, %dma_start3A_460] : memref<32x125x80xi32, #tpu.memory_space<hbm>> -> memref<1x1x80xi32, #tpu.memory_space<hbm>>
      %dma_start3A_462 = tpu.memref_squeeze %dma_start3A_461 : memref<1x1x80xi32, #tpu.memory_space<hbm>> -> memref<1x80xi32, #tpu.memory_space<hbm>>
      %dma_start3A_463 = arith.constant 0 : i32
      %dma_start3A_464 = tpu.memref_slice %arg3[%add3A, %add3A_459, %dma_start3A_463] : memref<32x125x80xi32, #tpu.memory_space<hbm>> -> memref<1x1x80xi32, #tpu.memory_space<hbm>>
      %dma_start3A_465 = tpu.memref_squeeze %dma_start3A_464 : memref<1x1x80xi32, #tpu.memory_space<hbm>> -> memref<1x80xi32, #tpu.memory_space<hbm>>
      tpu.enqueue_dma source(%dma_start3A_465 : memref<1x80xi32, #tpu.memory_space<hbm>>) target(%arg7 : memref<1x80xi32, #tpu.memory_space<vmem>>) target_semaphore(%arg19 : memref<!tpu.dma_semaphore, #tpu.memory_space<semaphore_mem>>)
      %dma_start3A_466 = arith.constant 0 : i32
      %dma_start3A_467 = tpu.memref_slice %arg4[%add3A, %add3A_459, %dma_start3A_466] : memref<32x125x80xi32, #tpu.memory_space<hbm>> -> memref<1x1x80xi32, #tpu.memory_space<hbm>>
      %dma_start3A_468 = tpu.memref_squeeze %dma_start3A_467 : memref<1x1x80xi32, #tpu.memory_space<hbm>> -> memref<1x80xi32, #tpu.memory_space<hbm>>
      %dma_start3A_469 = arith.constant 0 : i32
      %dma_start3A_470 = tpu.memref_slice %arg4[%add3A, %add3A_459, %dma_start3A_469] : memref<32x125x80xi32, #tpu.memory_space<hbm>> -> memref<1x1x80xi32, #tpu.memory_space<hbm>>
      %dma_start3A_471 = tpu.memref_squeeze %dma_start3A_470 : memref<1x1x80xi32, #tpu.memory_space<hbm>> -> memref<1x80xi32, #tpu.memory_space<hbm>>
      tpu.enqueue_dma source(%dma_start3A_471 : memref<1x80xi32, #tpu.memory_space<hbm>>) target(%arg11 : memref<1x80xi32, #tpu.memory_space<vmem>>) target_semaphore(%arg19 : memref<!tpu.dma_semaphore, #tpu.memory_space<semaphore_mem>>)
      %dma_wait3A_472 = arith.constant 0 : i32
      %dma_wait3A_473 = arith.constant 0 : i32
      %dma_wait3A_474 = tpu.memref_slice %arg3[%add3A, %dma_wait3A_472, %dma_wait3A_473] : memref<32x125x80xi32, #tpu.memory_space<hbm>> -> memref<1x1x80xi32, #tpu.memory_space<hbm>>
      %dma_wait3A_475 = tpu.memref_squeeze %dma_wait3A_474 : memref<1x1x80xi32, #tpu.memory_space<hbm>> -> memref<1x80xi32, #tpu.memory_space<hbm>>
      %dma_wait3A_476 = arith.constant 0 : i32
      %dma_wait3A_477 = arith.constant 0 : i32
      %dma_wait3A_478 = tpu.memref_slice %arg3[%add3A, %dma_wait3A_476, %dma_wait3A_477] : memref<32x125x80xi32, #tpu.memory_space<hbm>> -> memref<1x1x80xi32, #tpu.memory_space<hbm>>
      %dma_wait3A_479 = tpu.memref_squeeze %dma_wait3A_478 : memref<1x1x80xi32, #tpu.memory_space<hbm>> -> memref<1x80xi32, #tpu.memory_space<hbm>>
      tpu.wait_dma2 semaphore(%arg21 : memref<!tpu.dma_semaphore, #tpu.memory_space<semaphore_mem>>) src(%dma_wait3A_479 : memref<1x80xi32, #tpu.memory_space<hbm>>) dst(%arg9 : memref<1x80xi32, #tpu.memory_space<vmem>>)
      %dma_wait3A_480 = arith.constant 0 : i32
      %dma_wait3A_481 = arith.constant 0 : i32
      %dma_wait3A_482 = tpu.memref_slice %arg4[%add3A, %dma_wait3A_480, %dma_wait3A_481] : memref<32x125x80xi32, #tpu.memory_space<hbm>> -> memref<1x1x80xi32, #tpu.memory_space<hbm>>
      %dma_wait3A_483 = tpu.memref_squeeze %dma_wait3A_482 : memref<1x1x80xi32, #tpu.memory_space<hbm>> -> memref<1x80xi32, #tpu.memory_space<hbm>>
      %dma_wait3A_484 = arith.constant 0 : i32
      %dma_wait3A_485 = arith.constant 0 : i32
      %dma_wait3A_486 = tpu.memref_slice %arg4[%add3A, %dma_wait3A_484, %dma_wait3A_485] : memref<32x125x80xi32, #tpu.memory_space<hbm>> -> memref<1x1x80xi32, #tpu.memory_space<hbm>>
      %dma_wait3A_487 = tpu.memref_squeeze %dma_wait3A_486 : memref<1x1x80xi32, #tpu.memory_space<hbm>> -> memref<1x80xi32, #tpu.memory_space<hbm>>
      tpu.wait_dma2 semaphore(%arg21 : memref<!tpu.dma_semaphore, #tpu.memory_space<semaphore_mem>>) src(%dma_wait3A_487 : memref<1x80xi32, #tpu.memory_space<hbm>>) dst(%arg13 : memref<1x80xi32, #tpu.memory_space<vmem>>)
      %dma_start3A_488 = arith.constant 0 : i32
      %dma_start3A_489 = arith.constant 0 : i32
      %dma_start3A_490 = tpu.memref_slice %arg9[%dma_start3A_488, %dma_start3A_489] : memref<1x80xi32, #tpu.memory_space<vmem>> -> memref<1x80xi32, #tpu.memory_space<vmem>>
      %dma_start3A_491 = tpu.memref_squeeze %dma_start3A_490 : memref<1x80xi32, #tpu.memory_space<vmem>> -> memref<80xi32, #tpu.memory_space<vmem>>
      %dma_start3A_492 = arith.constant 0 : i32
      %dma_start3A_493 = arith.constant 0 : i32
      %dma_start3A_494 = tpu.memref_slice %arg2[%dma_start3A_492, %dma_start3A_493] : memref<10000x128xf32, #tpu.memory_space<hbm>> -> memref<10000x128xf32, #tpu.memory_space<hbm>>
      tpu.enqueue_indirect_dma source(%dma_start3A_494 : memref<10000x128xf32, #tpu.memory_space<hbm>>) target(%arg15 : memref<80x128xf32, #tpu.memory_space<vmem>>) offsets(%dma_start3A_491 : memref<80xi32, #tpu.memory_space<vmem>>) semaphore(%arg23 : memref<!tpu.dma_semaphore, #tpu.memory_space<semaphore_mem>>)
      %add3A_495 = arith.constant 2 : i32
      %add3A_496 = arith.addi %mul3A_376, %add3A_495 : i32
      %dma_wait3A_497 = arith.constant 0 : i32
      %dma_wait3A_498 = arith.constant 0 : i32
      %dma_wait3A_499 = tpu.memref_slice %arg8[%dma_wait3A_497, %dma_wait3A_498] : memref<1x80xi32, #tpu.memory_space<vmem>> -> memref<1x80xi32, #tpu.memory_space<vmem>>
      %dma_wait3A_500 = tpu.memref_squeeze %dma_wait3A_499 : memref<1x80xi32, #tpu.memory_space<vmem>> -> memref<80xi32, #tpu.memory_space<vmem>>
      %dma_wait3A_501 = arith.constant 0 : i32
      %dma_wait3A_502 = arith.constant 0 : i32
      %dma_wait3A_503 = tpu.memref_slice %arg2[%dma_wait3A_501, %dma_wait3A_502] : memref<10000x128xf32, #tpu.memory_space<hbm>> -> memref<10000x128xf32, #tpu.memory_space<hbm>>
      tpu.wait_indirect_dma semaphore(%arg22 : memref<!tpu.dma_semaphore, #tpu.memory_space<semaphore_mem>>) src(%dma_wait3A_503 : memref<10000x128xf32, #tpu.memory_space<hbm>>) dst(%arg14 : memref<80x128xf32, #tpu.memory_space<vmem>>)
      %dma_start3A_504 = arith.constant 0 : i32
      %dma_start3A_505 = arith.constant 0 : i32
      %dma_start3A_506 = tpu.memref_slice %arg12[%dma_start3A_504, %dma_start3A_505] : memref<1x80xi32, #tpu.memory_space<vmem>> -> memref<1x80xi32, #tpu.memory_space<vmem>>
      %dma_start3A_507 = tpu.memref_squeeze %dma_start3A_506 : memref<1x80xi32, #tpu.memory_space<vmem>> -> memref<80xi32, #tpu.memory_space<vmem>>
      %dma_start3A_508 = arith.constant 0 : i32
      %dma_start3A_509 = arith.constant 0 : i32
      %dma_start3A_510 = tpu.memref_slice %arg17[%dma_start3A_508, %dma_start3A_509] : memref<10240x128xf32, #tpu.memory_space<vmem_shared>> -> memref<10240x128xf32, #tpu.memory_space<vmem_shared>>
      tpu.enqueue_indirect_dma source(%arg14 : memref<80x128xf32, #tpu.memory_space<vmem>>) target(%dma_start3A_510 : memref<10240x128xf32, #tpu.memory_space<vmem_shared>>) offsets(%dma_start3A_507 : memref<80xi32, #tpu.memory_space<vmem>>) semaphore(%arg24 : memref<!tpu.dma_semaphore, #tpu.memory_space<semaphore_mem>>) {add = true}
      %dma_wait3A_511 = arith.constant 0 : i32
      %dma_wait3A_512 = arith.constant 0 : i32
      %dma_wait3A_513 = tpu.memref_slice %arg12[%dma_wait3A_511, %dma_wait3A_512] : memref<1x80xi32, #tpu.memory_space<vmem>> -> memref<1x80xi32, #tpu.memory_space<vmem>>
      %dma_wait3A_514 = tpu.memref_squeeze %dma_wait3A_513 : memref<1x80xi32, #tpu.memory_space<vmem>> -> memref<80xi32, #tpu.memory_space<vmem>>
      %dma_wait3A_515 = arith.constant 0 : i32
      %dma_wait3A_516 = arith.constant 0 : i32
      %dma_wait3A_517 = tpu.memref_slice %arg17[%dma_wait3A_515, %dma_wait3A_516] : memref<10240x128xf32, #tpu.memory_space<vmem_shared>> -> memref<10240x128xf32, #tpu.memory_space<vmem_shared>>
      tpu.wait_indirect_dma semaphore(%arg24 : memref<!tpu.dma_semaphore, #tpu.memory_space<semaphore_mem>>) src(%arg14 : memref<80x128xf32, #tpu.memory_space<vmem>>) dst(%dma_wait3A_517 : memref<10240x128xf32, #tpu.memory_space<vmem_shared>>)
      %add3A_518 = arith.constant 4 : i32
      %add3A_519 = arith.addi %add3A_496, %add3A_518 : i32
      %dma_start3A_520 = arith.constant 0 : i32
      %dma_start3A_521 = tpu.memref_slice %arg3[%add3A, %add3A_519, %dma_start3A_520] : memref<32x125x80xi32, #tpu.memory_space<hbm>> -> memref<1x1x80xi32, #tpu.memory_space<hbm>>
      %dma_start3A_522 = tpu.memref_squeeze %dma_start3A_521 : memref<1x1x80xi32, #tpu.memory_space<hbm>> -> memref<1x80xi32, #tpu.memory_space<hbm>>
      %dma_start3A_523 = arith.constant 0 : i32
      %dma_start3A_524 = tpu.memref_slice %arg3[%add3A, %add3A_519, %dma_start3A_523] : memref<32x125x80xi32, #tpu.memory_space<hbm>> -> memref<1x1x80xi32, #tpu.memory_space<hbm>>
      %dma_start3A_525 = tpu.memref_squeeze %dma_start3A_524 : memref<1x1x80xi32, #tpu.memory_space<hbm>> -> memref<1x80xi32, #tpu.memory_space<hbm>>
      tpu.enqueue_dma source(%dma_start3A_525 : memref<1x80xi32, #tpu.memory_space<hbm>>) target(%arg8 : memref<1x80xi32, #tpu.memory_space<vmem>>) target_semaphore(%arg20 : memref<!tpu.dma_semaphore, #tpu.memory_space<semaphore_mem>>)
      %dma_start3A_526 = arith.constant 0 : i32
      %dma_start3A_527 = tpu.memref_slice %arg4[%add3A, %add3A_519, %dma_start3A_526] : memref<32x125x80xi32, #tpu.memory_space<hbm>> -> memref<1x1x80xi32, #tpu.memory_space<hbm>>
      %dma_start3A_528 = tpu.memref_squeeze %dma_start3A_527 : memref<1x1x80xi32, #tpu.memory_space<hbm>> -> memref<1x80xi32, #tpu.memory_space<hbm>>
      %dma_start3A_529 = arith.constant 0 : i32
      %dma_start3A_530 = tpu.memref_slice %arg4[%add3A, %add3A_519, %dma_start3A_529] : memref<32x125x80xi32, #tpu.memory_space<hbm>> -> memref<1x1x80xi32, #tpu.memory_space<hbm>>
      %dma_start3A_531 = tpu.memref_squeeze %dma_start3A_530 : memref<1x1x80xi32, #tpu.memory_space<hbm>> -> memref<1x80xi32, #tpu.memory_space<hbm>>
      tpu.enqueue_dma source(%dma_start3A_531 : memref<1x80xi32, #tpu.memory_space<hbm>>) target(%arg12 : memref<1x80xi32, #tpu.memory_space<vmem>>) target_semaphore(%arg20 : memref<!tpu.dma_semaphore, #tpu.memory_space<semaphore_mem>>)
      %dma_wait3A_532 = arith.constant 0 : i32
      %dma_wait3A_533 = arith.constant 0 : i32
      %dma_wait3A_534 = tpu.memref_slice %arg3[%add3A, %dma_wait3A_532, %dma_wait3A_533] : memref<32x125x80xi32, #tpu.memory_space<hbm>> -> memref<1x1x80xi32, #tpu.memory_space<hbm>>
      %dma_wait3A_535 = tpu.memref_squeeze %dma_wait3A_534 : memref<1x1x80xi32, #tpu.memory_space<hbm>> -> memref<1x80xi32, #tpu.memory_space<hbm>>
      %dma_wait3A_536 = arith.constant 0 : i32
      %dma_wait3A_537 = arith.constant 0 : i32
      %dma_wait3A_538 = tpu.memref_slice %arg3[%add3A, %dma_wait3A_536, %dma_wait3A_537] : memref<32x125x80xi32, #tpu.memory_space<hbm>> -> memref<1x1x80xi32, #tpu.memory_space<hbm>>
      %dma_wait3A_539 = tpu.memref_squeeze %dma_wait3A_538 : memref<1x1x80xi32, #tpu.memory_space<hbm>> -> memref<1x80xi32, #tpu.memory_space<hbm>>
      tpu.wait_dma2 semaphore(%arg18 : memref<!tpu.dma_semaphore, #tpu.memory_space<semaphore_mem>>) src(%dma_wait3A_539 : memref<1x80xi32, #tpu.memory_space<hbm>>) dst(%arg6 : memref<1x80xi32, #tpu.memory_space<vmem>>)
      %dma_wait3A_540 = arith.constant 0 : i32
      %dma_wait3A_541 = arith.constant 0 : i32
      %dma_wait3A_542 = tpu.memref_slice %arg4[%add3A, %dma_wait3A_540, %dma_wait3A_541] : memref<32x125x80xi32, #tpu.memory_space<hbm>> -> memref<1x1x80xi32, #tpu.memory_space<hbm>>
      %dma_wait3A_543 = tpu.memref_squeeze %dma_wait3A_542 : memref<1x1x80xi32, #tpu.memory_space<hbm>> -> memref<1x80xi32, #tpu.memory_space<hbm>>
      %dma_wait3A_544 = arith.constant 0 : i32
      %dma_wait3A_545 = arith.constant 0 : i32
      %dma_wait3A_546 = tpu.memref_slice %arg4[%add3A, %dma_wait3A_544, %dma_wait3A_545] : memref<32x125x80xi32, #tpu.memory_space<hbm>> -> memref<1x1x80xi32, #tpu.memory_space<hbm>>
      %dma_wait3A_547 = tpu.memref_squeeze %dma_wait3A_546 : memref<1x1x80xi32, #tpu.memory_space<hbm>> -> memref<1x80xi32, #tpu.memory_space<hbm>>
      tpu.wait_dma2 semaphore(%arg18 : memref<!tpu.dma_semaphore, #tpu.memory_space<semaphore_mem>>) src(%dma_wait3A_547 : memref<1x80xi32, #tpu.memory_space<hbm>>) dst(%arg10 : memref<1x80xi32, #tpu.memory_space<vmem>>)
      %dma_start3A_548 = arith.constant 0 : i32
      %dma_start3A_549 = arith.constant 0 : i32
      %dma_start3A_550 = tpu.memref_slice %arg6[%dma_start3A_548, %dma_start3A_549] : memref<1x80xi32, #tpu.memory_space<vmem>> -> memref<1x80xi32, #tpu.memory_space<vmem>>
      %dma_start3A_551 = tpu.memref_squeeze %dma_start3A_550 : memref<1x80xi32, #tpu.memory_space<vmem>> -> memref<80xi32, #tpu.memory_space<vmem>>
      %dma_start3A_552 = arith.constant 0 : i32
      %dma_start3A_553 = arith.constant 0 : i32
      %dma_start3A_554 = tpu.memref_slice %arg2[%dma_start3A_552, %dma_start3A_553] : memref<10000x128xf32, #tpu.memory_space<hbm>> -> memref<10000x128xf32, #tpu.memory_space<hbm>>
      tpu.enqueue_indirect_dma source(%dma_start3A_554 : memref<10000x128xf32, #tpu.memory_space<hbm>>) target(%arg14 : memref<80x128xf32, #tpu.memory_space<vmem>>) offsets(%dma_start3A_551 : memref<80xi32, #tpu.memory_space<vmem>>) semaphore(%arg22 : memref<!tpu.dma_semaphore, #tpu.memory_space<semaphore_mem>>)
      %add3A_555 = arith.constant 3 : i32
      %add3A_556 = arith.addi %mul3A_376, %add3A_555 : i32
      %dma_wait3A_557 = arith.constant 0 : i32
      %dma_wait3A_558 = arith.constant 0 : i32
      %dma_wait3A_559 = tpu.memref_slice %arg9[%dma_wait3A_557, %dma_wait3A_558] : memref<1x80xi32, #tpu.memory_space<vmem>> -> memref<1x80xi32, #tpu.memory_space<vmem>>
      %dma_wait3A_560 = tpu.memref_squeeze %dma_wait3A_559 : memref<1x80xi32, #tpu.memory_space<vmem>> -> memref<80xi32, #tpu.memory_space<vmem>>
      %dma_wait3A_561 = arith.constant 0 : i32
      %dma_wait3A_562 = arith.constant 0 : i32
      %dma_wait3A_563 = tpu.memref_slice %arg2[%dma_wait3A_561, %dma_wait3A_562] : memref<10000x128xf32, #tpu.memory_space<hbm>> -> memref<10000x128xf32, #tpu.memory_space<hbm>>
      tpu.wait_indirect_dma semaphore(%arg23 : memref<!tpu.dma_semaphore, #tpu.memory_space<semaphore_mem>>) src(%dma_wait3A_563 : memref<10000x128xf32, #tpu.memory_space<hbm>>) dst(%arg15 : memref<80x128xf32, #tpu.memory_space<vmem>>)
      %dma_start3A_564 = arith.constant 0 : i32
      %dma_start3A_565 = arith.constant 0 : i32
      %dma_start3A_566 = tpu.memref_slice %arg13[%dma_start3A_564, %dma_start3A_565] : memref<1x80xi32, #tpu.memory_space<vmem>> -> memref<1x80xi32, #tpu.memory_space<vmem>>
      %dma_start3A_567 = tpu.memref_squeeze %dma_start3A_566 : memref<1x80xi32, #tpu.memory_space<vmem>> -> memref<80xi32, #tpu.memory_space<vmem>>
      %dma_start3A_568 = arith.constant 0 : i32
      %dma_start3A_569 = arith.constant 0 : i32
      %dma_start3A_570 = tpu.memref_slice %arg17[%dma_start3A_568, %dma_start3A_569] : memref<10240x128xf32, #tpu.memory_space<vmem_shared>> -> memref<10240x128xf32, #tpu.memory_space<vmem_shared>>
      tpu.enqueue_indirect_dma source(%arg15 : memref<80x128xf32, #tpu.memory_space<vmem>>) target(%dma_start3A_570 : memref<10240x128xf32, #tpu.memory_space<vmem_shared>>) offsets(%dma_start3A_567 : memref<80xi32, #tpu.memory_space<vmem>>) semaphore(%arg25 : memref<!tpu.dma_semaphore, #tpu.memory_space<semaphore_mem>>) {add = true}
      %dma_wait3A_571 = arith.constant 0 : i32
      %dma_wait3A_572 = arith.constant 0 : i32
      %dma_wait3A_573 = tpu.memref_slice %arg13[%dma_wait3A_571, %dma_wait3A_572] : memref<1x80xi32, #tpu.memory_space<vmem>> -> memref<1x80xi32, #tpu.memory_space<vmem>>
      %dma_wait3A_574 = tpu.memref_squeeze %dma_wait3A_573 : memref<1x80xi32, #tpu.memory_space<vmem>> -> memref<80xi32, #tpu.memory_space<vmem>>
      %dma_wait3A_575 = arith.constant 0 : i32
      %dma_wait3A_576 = arith.constant 0 : i32
      %dma_wait3A_577 = tpu.memref_slice %arg17[%dma_wait3A_575, %dma_wait3A_576] : memref<10240x128xf32, #tpu.memory_space<vmem_shared>> -> memref<10240x128xf32, #tpu.memory_space<vmem_shared>>
      tpu.wait_indirect_dma semaphore(%arg25 : memref<!tpu.dma_semaphore, #tpu.memory_space<semaphore_mem>>) src(%arg15 : memref<80x128xf32, #tpu.memory_space<vmem>>) dst(%dma_wait3A_577 : memref<10240x128xf32, #tpu.memory_space<vmem_shared>>)
      %add3A_578 = arith.constant 4 : i32
      %add3A_579 = arith.addi %add3A_556, %add3A_578 : i32
      %dma_start3A_580 = arith.constant 0 : i32
      %dma_start3A_581 = tpu.memref_slice %arg3[%add3A, %add3A_579, %dma_start3A_580] : memref<32x125x80xi32, #tpu.memory_space<hbm>> -> memref<1x1x80xi32, #tpu.memory_space<hbm>>
      %dma_start3A_582 = tpu.memref_squeeze %dma_start3A_581 : memref<1x1x80xi32, #tpu.memory_space<hbm>> -> memref<1x80xi32, #tpu.memory_space<hbm>>
      %dma_start3A_583 = arith.constant 0 : i32
      %dma_start3A_584 = tpu.memref_slice %arg3[%add3A, %add3A_579, %dma_start3A_583] : memref<32x125x80xi32, #tpu.memory_space<hbm>> -> memref<1x1x80xi32, #tpu.memory_space<hbm>>
      %dma_start3A_585 = tpu.memref_squeeze %dma_start3A_584 : memref<1x1x80xi32, #tpu.memory_space<hbm>> -> memref<1x80xi32, #tpu.memory_space<hbm>>
      tpu.enqueue_dma source(%dma_start3A_585 : memref<1x80xi32, #tpu.memory_space<hbm>>) target(%arg9 : memref<1x80xi32, #tpu.memory_space<vmem>>) target_semaphore(%arg21 : memref<!tpu.dma_semaphore, #tpu.memory_space<semaphore_mem>>)
      %dma_start3A_586 = arith.constant 0 : i32
      %dma_start3A_587 = tpu.memref_slice %arg4[%add3A, %add3A_579, %dma_start3A_586] : memref<32x125x80xi32, #tpu.memory_space<hbm>> -> memref<1x1x80xi32, #tpu.memory_space<hbm>>
      %dma_start3A_588 = tpu.memref_squeeze %dma_start3A_587 : memref<1x1x80xi32, #tpu.memory_space<hbm>> -> memref<1x80xi32, #tpu.memory_space<hbm>>
      %dma_start3A_589 = arith.constant 0 : i32
      %dma_start3A_590 = tpu.memref_slice %arg4[%add3A, %add3A_579, %dma_start3A_589] : memref<32x125x80xi32, #tpu.memory_space<hbm>> -> memref<1x1x80xi32, #tpu.memory_space<hbm>>
      %dma_start3A_591 = tpu.memref_squeeze %dma_start3A_590 : memref<1x1x80xi32, #tpu.memory_space<hbm>> -> memref<1x80xi32, #tpu.memory_space<hbm>>
      tpu.enqueue_dma source(%dma_start3A_591 : memref<1x80xi32, #tpu.memory_space<hbm>>) target(%arg13 : memref<1x80xi32, #tpu.memory_space<vmem>>) target_semaphore(%arg21 : memref<!tpu.dma_semaphore, #tpu.memory_space<semaphore_mem>>)
      %dma_wait3A_592 = arith.constant 0 : i32
      %dma_wait3A_593 = arith.constant 0 : i32
      %dma_wait3A_594 = tpu.memref_slice %arg3[%add3A, %dma_wait3A_592, %dma_wait3A_593] : memref<32x125x80xi32, #tpu.memory_space<hbm>> -> memref<1x1x80xi32, #tpu.memory_space<hbm>>
      %dma_wait3A_595 = tpu.memref_squeeze %dma_wait3A_594 : memref<1x1x80xi32, #tpu.memory_space<hbm>> -> memref<1x80xi32, #tpu.memory_space<hbm>>
      %dma_wait3A_596 = arith.constant 0 : i32
      %dma_wait3A_597 = arith.constant 0 : i32
      %dma_wait3A_598 = tpu.memref_slice %arg3[%add3A, %dma_wait3A_596, %dma_wait3A_597] : memref<32x125x80xi32, #tpu.memory_space<hbm>> -> memref<1x1x80xi32, #tpu.memory_space<hbm>>
      %dma_wait3A_599 = tpu.memref_squeeze %dma_wait3A_598 : memref<1x1x80xi32, #tpu.memory_space<hbm>> -> memref<1x80xi32, #tpu.memory_space<hbm>>
      tpu.wait_dma2 semaphore(%arg19 : memref<!tpu.dma_semaphore, #tpu.memory_space<semaphore_mem>>) src(%dma_wait3A_599 : memref<1x80xi32, #tpu.memory_space<hbm>>) dst(%arg7 : memref<1x80xi32, #tpu.memory_space<vmem>>)
      %dma_wait3A_600 = arith.constant 0 : i32
      %dma_wait3A_601 = arith.constant 0 : i32
      %dma_wait3A_602 = tpu.memref_slice %arg4[%add3A, %dma_wait3A_600, %dma_wait3A_601] : memref<32x125x80xi32, #tpu.memory_space<hbm>> -> memref<1x1x80xi32, #tpu.memory_space<hbm>>
      %dma_wait3A_603 = tpu.memref_squeeze %dma_wait3A_602 : memref<1x1x80xi32, #tpu.memory_space<hbm>> -> memref<1x80xi32, #tpu.memory_space<hbm>>
      %dma_wait3A_604 = arith.constant 0 : i32
      %dma_wait3A_605 = arith.constant 0 : i32
      %dma_wait3A_606 = tpu.memref_slice %arg4[%add3A, %dma_wait3A_604, %dma_wait3A_605] : memref<32x125x80xi32, #tpu.memory_space<hbm>> -> memref<1x1x80xi32, #tpu.memory_space<hbm>>
      %dma_wait3A_607 = tpu.memref_squeeze %dma_wait3A_606 : memref<1x1x80xi32, #tpu.memory_space<hbm>> -> memref<1x80xi32, #tpu.memory_space<hbm>>
      tpu.wait_dma2 semaphore(%arg19 : memref<!tpu.dma_semaphore, #tpu.memory_space<semaphore_mem>>) src(%dma_wait3A_607 : memref<1x80xi32, #tpu.memory_space<hbm>>) dst(%arg11 : memref<1x80xi32, #tpu.memory_space<vmem>>)
      %dma_start3A_608 = arith.constant 0 : i32
      %dma_start3A_609 = arith.constant 0 : i32
      %dma_start3A_610 = tpu.memref_slice %arg7[%dma_start3A_608, %dma_start3A_609] : memref<1x80xi32, #tpu.memory_space<vmem>> -> memref<1x80xi32, #tpu.memory_space<vmem>>
      %dma_start3A_611 = tpu.memref_squeeze %dma_start3A_610 : memref<1x80xi32, #tpu.memory_space<vmem>> -> memref<80xi32, #tpu.memory_space<vmem>>
      %dma_start3A_612 = arith.constant 0 : i32
      %dma_start3A_613 = arith.constant 0 : i32
      %dma_start3A_614 = tpu.memref_slice %arg2[%dma_start3A_612, %dma_start3A_613] : memref<10000x128xf32, #tpu.memory_space<hbm>> -> memref<10000x128xf32, #tpu.memory_space<hbm>>
      tpu.enqueue_indirect_dma source(%dma_start3A_614 : memref<10000x128xf32, #tpu.memory_space<hbm>>) target(%arg15 : memref<80x128xf32, #tpu.memory_space<vmem>>) offsets(%dma_start3A_611 : memref<80xi32, #tpu.memory_space<vmem>>) semaphore(%arg23 : memref<!tpu.dma_semaphore, #tpu.memory_space<semaphore_mem>>)
      %scan3A_615 = arith.constant 0 : i32
      scf.yield %scan3A_615 : i32
    }
    %scan3A_141 = arith.constant 30 : i32
    %dma_wait3A_142 = arith.constant 0 : i32
    %dma_wait3A_143 = arith.constant 0 : i32
    %dma_wait3A_144 = tpu.memref_slice %arg6[%dma_wait3A_142, %dma_wait3A_143] : memref<1x80xi32, #tpu.memory_space<vmem>> -> memref<1x80xi32, #tpu.memory_space<vmem>>
    %dma_wait3A_145 = tpu.memref_squeeze %dma_wait3A_144 : memref<1x80xi32, #tpu.memory_space<vmem>> -> memref<80xi32, #tpu.memory_space<vmem>>
    %dma_wait3A_146 = arith.constant 0 : i32
    %dma_wait3A_147 = arith.constant 0 : i32
    %dma_wait3A_148 = tpu.memref_slice %arg2[%dma_wait3A_146, %dma_wait3A_147] : memref<10000x128xf32, #tpu.memory_space<hbm>> -> memref<10000x128xf32, #tpu.memory_space<hbm>>
    tpu.wait_indirect_dma semaphore(%arg22 : memref<!tpu.dma_semaphore, #tpu.memory_space<semaphore_mem>>) src(%dma_wait3A_148 : memref<10000x128xf32, #tpu.memory_space<hbm>>) dst(%arg14 : memref<80x128xf32, #tpu.memory_space<vmem>>)
    %dma_start3A_149 = arith.constant 0 : i32
    %dma_start3A_150 = arith.constant 0 : i32
    %dma_start3A_151 = tpu.memref_slice %arg10[%dma_start3A_149, %dma_start3A_150] : memref<1x80xi32, #tpu.memory_space<vmem>> -> memref<1x80xi32, #tpu.memory_space<vmem>>
    %dma_start3A_152 = tpu.memref_squeeze %dma_start3A_151 : memref<1x80xi32, #tpu.memory_space<vmem>> -> memref<80xi32, #tpu.memory_space<vmem>>
    %dma_start3A_153 = arith.constant 0 : i32
    %dma_start3A_154 = arith.constant 0 : i32
    %dma_start3A_155 = tpu.memref_slice %arg17[%dma_start3A_153, %dma_start3A_154] : memref<10240x128xf32, #tpu.memory_space<vmem_shared>> -> memref<10240x128xf32, #tpu.memory_space<vmem_shared>>
    tpu.enqueue_indirect_dma source(%arg14 : memref<80x128xf32, #tpu.memory_space<vmem>>) target(%dma_start3A_155 : memref<10240x128xf32, #tpu.memory_space<vmem_shared>>) offsets(%dma_start3A_152 : memref<80xi32, #tpu.memory_space<vmem>>) semaphore(%arg24 : memref<!tpu.dma_semaphore, #tpu.memory_space<semaphore_mem>>) {add = true}
    %dma_wait3A_156 = arith.constant 0 : i32
    %dma_wait3A_157 = arith.constant 0 : i32
    %dma_wait3A_158 = tpu.memref_slice %arg10[%dma_wait3A_156, %dma_wait3A_157] : memref<1x80xi32, #tpu.memory_space<vmem>> -> memref<1x80xi32, #tpu.memory_space<vmem>>
    %dma_wait3A_159 = tpu.memref_squeeze %dma_wait3A_158 : memref<1x80xi32, #tpu.memory_space<vmem>> -> memref<80xi32, #tpu.memory_space<vmem>>
    %dma_wait3A_160 = arith.constant 0 : i32
    %dma_wait3A_161 = arith.constant 0 : i32
    %dma_wait3A_162 = tpu.memref_slice %arg17[%dma_wait3A_160, %dma_wait3A_161] : memref<10240x128xf32, #tpu.memory_space<vmem_shared>> -> memref<10240x128xf32, #tpu.memory_space<vmem_shared>>
    tpu.wait_indirect_dma semaphore(%arg24 : memref<!tpu.dma_semaphore, #tpu.memory_space<semaphore_mem>>) src(%arg14 : memref<80x128xf32, #tpu.memory_space<vmem>>) dst(%dma_wait3A_162 : memref<10240x128xf32, #tpu.memory_space<vmem_shared>>)
    %dma_start3A_163 = arith.constant 124 : i32
    %dma_start3A_164 = arith.constant 0 : i32
    %dma_start3A_165 = tpu.memref_slice %arg3[%add3A, %dma_start3A_163, %dma_start3A_164] : memref<32x125x80xi32, #tpu.memory_space<hbm>> -> memref<1x1x80xi32, #tpu.memory_space<hbm>>
    %dma_start3A_166 = tpu.memref_squeeze %dma_start3A_165 : memref<1x1x80xi32, #tpu.memory_space<hbm>> -> memref<1x80xi32, #tpu.memory_space<hbm>>
    %dma_start3A_167 = arith.constant 124 : i32
    %dma_start3A_168 = arith.constant 0 : i32
    %dma_start3A_169 = tpu.memref_slice %arg3[%add3A, %dma_start3A_167, %dma_start3A_168] : memref<32x125x80xi32, #tpu.memory_space<hbm>> -> memref<1x1x80xi32, #tpu.memory_space<hbm>>
    %dma_start3A_170 = tpu.memref_squeeze %dma_start3A_169 : memref<1x1x80xi32, #tpu.memory_space<hbm>> -> memref<1x80xi32, #tpu.memory_space<hbm>>
    tpu.enqueue_dma source(%dma_start3A_170 : memref<1x80xi32, #tpu.memory_space<hbm>>) target(%arg6 : memref<1x80xi32, #tpu.memory_space<vmem>>) target_semaphore(%arg18 : memref<!tpu.dma_semaphore, #tpu.memory_space<semaphore_mem>>)
    %dma_start3A_171 = arith.constant 124 : i32
    %dma_start3A_172 = arith.constant 0 : i32
    %dma_start3A_173 = tpu.memref_slice %arg4[%add3A, %dma_start3A_171, %dma_start3A_172] : memref<32x125x80xi32, #tpu.memory_space<hbm>> -> memref<1x1x80xi32, #tpu.memory_space<hbm>>
    %dma_start3A_174 = tpu.memref_squeeze %dma_start3A_173 : memref<1x1x80xi32, #tpu.memory_space<hbm>> -> memref<1x80xi32, #tpu.memory_space<hbm>>
    %dma_start3A_175 = arith.constant 124 : i32
    %dma_start3A_176 = arith.constant 0 : i32
    %dma_start3A_177 = tpu.memref_slice %arg4[%add3A, %dma_start3A_175, %dma_start3A_176] : memref<32x125x80xi32, #tpu.memory_space<hbm>> -> memref<1x1x80xi32, #tpu.memory_space<hbm>>
    %dma_start3A_178 = tpu.memref_squeeze %dma_start3A_177 : memref<1x1x80xi32, #tpu.memory_space<hbm>> -> memref<1x80xi32, #tpu.memory_space<hbm>>
    tpu.enqueue_dma source(%dma_start3A_178 : memref<1x80xi32, #tpu.memory_space<hbm>>) target(%arg10 : memref<1x80xi32, #tpu.memory_space<vmem>>) target_semaphore(%arg18 : memref<!tpu.dma_semaphore, #tpu.memory_space<semaphore_mem>>)
    %dma_wait3A_179 = arith.constant 0 : i32
    %dma_wait3A_180 = arith.constant 0 : i32
    %dma_wait3A_181 = tpu.memref_slice %arg3[%add3A, %dma_wait3A_179, %dma_wait3A_180] : memref<32x125x80xi32, #tpu.memory_space<hbm>> -> memref<1x1x80xi32, #tpu.memory_space<hbm>>
    %dma_wait3A_182 = tpu.memref_squeeze %dma_wait3A_181 : memref<1x1x80xi32, #tpu.memory_space<hbm>> -> memref<1x80xi32, #tpu.memory_space<hbm>>
    %dma_wait3A_183 = arith.constant 0 : i32
    %dma_wait3A_184 = arith.constant 0 : i32
    %dma_wait3A_185 = tpu.memref_slice %arg3[%add3A, %dma_wait3A_183, %dma_wait3A_184] : memref<32x125x80xi32, #tpu.memory_space<hbm>> -> memref<1x1x80xi32, #tpu.memory_space<hbm>>
    %dma_wait3A_186 = tpu.memref_squeeze %dma_wait3A_185 : memref<1x1x80xi32, #tpu.memory_space<hbm>> -> memref<1x80xi32, #tpu.memory_space<hbm>>
    tpu.wait_dma2 semaphore(%arg20 : memref<!tpu.dma_semaphore, #tpu.memory_space<semaphore_mem>>) src(%dma_wait3A_186 : memref<1x80xi32, #tpu.memory_space<hbm>>) dst(%arg8 : memref<1x80xi32, #tpu.memory_space<vmem>>)
    %dma_wait3A_187 = arith.constant 0 : i32
    %dma_wait3A_188 = arith.constant 0 : i32
    %dma_wait3A_189 = tpu.memref_slice %arg4[%add3A, %dma_wait3A_187, %dma_wait3A_188] : memref<32x125x80xi32, #tpu.memory_space<hbm>> -> memref<1x1x80xi32, #tpu.memory_space<hbm>>
    %dma_wait3A_190 = tpu.memref_squeeze %dma_wait3A_189 : memref<1x1x80xi32, #tpu.memory_space<hbm>> -> memref<1x80xi32, #tpu.memory_space<hbm>>
    %dma_wait3A_191 = arith.constant 0 : i32
    %dma_wait3A_192 = arith.constant 0 : i32
    %dma_wait3A_193 = tpu.memref_slice %arg4[%add3A, %dma_wait3A_191, %dma_wait3A_192] : memref<32x125x80xi32, #tpu.memory_space<hbm>> -> memref<1x1x80xi32, #tpu.memory_space<hbm>>
    %dma_wait3A_194 = tpu.memref_squeeze %dma_wait3A_193 : memref<1x1x80xi32, #tpu.memory_space<hbm>> -> memref<1x80xi32, #tpu.memory_space<hbm>>
    tpu.wait_dma2 semaphore(%arg20 : memref<!tpu.dma_semaphore, #tpu.memory_space<semaphore_mem>>) src(%dma_wait3A_194 : memref<1x80xi32, #tpu.memory_space<hbm>>) dst(%arg12 : memref<1x80xi32, #tpu.memory_space<vmem>>)
    %dma_start3A_195 = arith.constant 0 : i32
    %dma_start3A_196 = arith.constant 0 : i32
    %dma_start3A_197 = tpu.memref_slice %arg8[%dma_start3A_195, %dma_start3A_196] : memref<1x80xi32, #tpu.memory_space<vmem>> -> memref<1x80xi32, #tpu.memory_space<vmem>>
    %dma_start3A_198 = tpu.memref_squeeze %dma_start3A_197 : memref<1x80xi32, #tpu.memory_space<vmem>> -> memref<80xi32, #tpu.memory_space<vmem>>
    %dma_start3A_199 = arith.constant 0 : i32
    %dma_start3A_200 = arith.constant 0 : i32
    %dma_start3A_201 = tpu.memref_slice %arg2[%dma_start3A_199, %dma_start3A_200] : memref<10000x128xf32, #tpu.memory_space<hbm>> -> memref<10000x128xf32, #tpu.memory_space<hbm>>
    tpu.enqueue_indirect_dma source(%dma_start3A_201 : memref<10000x128xf32, #tpu.memory_space<hbm>>) target(%arg14 : memref<80x128xf32, #tpu.memory_space<vmem>>) offsets(%dma_start3A_198 : memref<80xi32, #tpu.memory_space<vmem>>) semaphore(%arg22 : memref<!tpu.dma_semaphore, #tpu.memory_space<semaphore_mem>>)
    %dma_wait3A_202 = arith.constant 0 : i32
    %dma_wait3A_203 = arith.constant 0 : i32
    %dma_wait3A_204 = tpu.memref_slice %arg7[%dma_wait3A_202, %dma_wait3A_203] : memref<1x80xi32, #tpu.memory_space<vmem>> -> memref<1x80xi32, #tpu.memory_space<vmem>>
    %dma_wait3A_205 = tpu.memref_squeeze %dma_wait3A_204 : memref<1x80xi32, #tpu.memory_space<vmem>> -> memref<80xi32, #tpu.memory_space<vmem>>
    %dma_wait3A_206 = arith.constant 0 : i32
    %dma_wait3A_207 = arith.constant 0 : i32
    %dma_wait3A_208 = tpu.memref_slice %arg2[%dma_wait3A_206, %dma_wait3A_207] : memref<10000x128xf32, #tpu.memory_space<hbm>> -> memref<10000x128xf32, #tpu.memory_space<hbm>>
    tpu.wait_indirect_dma semaphore(%arg23 : memref<!tpu.dma_semaphore, #tpu.memory_space<semaphore_mem>>) src(%dma_wait3A_208 : memref<10000x128xf32, #tpu.memory_space<hbm>>) dst(%arg15 : memref<80x128xf32, #tpu.memory_space<vmem>>)
    %dma_start3A_209 = arith.constant 0 : i32
    %dma_start3A_210 = arith.constant 0 : i32
    %dma_start3A_211 = tpu.memref_slice %arg11[%dma_start3A_209, %dma_start3A_210] : memref<1x80xi32, #tpu.memory_space<vmem>> -> memref<1x80xi32, #tpu.memory_space<vmem>>
    %dma_start3A_212 = tpu.memref_squeeze %dma_start3A_211 : memref<1x80xi32, #tpu.memory_space<vmem>> -> memref<80xi32, #tpu.memory_space<vmem>>
    %dma_start3A_213 = arith.constant 0 : i32
    %dma_start3A_214 = arith.constant 0 : i32
    %dma_start3A_215 = tpu.memref_slice %arg17[%dma_start3A_213, %dma_start3A_214] : memref<10240x128xf32, #tpu.memory_space<vmem_shared>> -> memref<10240x128xf32, #tpu.memory_space<vmem_shared>>
    tpu.enqueue_indirect_dma source(%arg15 : memref<80x128xf32, #tpu.memory_space<vmem>>) target(%dma_start3A_215 : memref<10240x128xf32, #tpu.memory_space<vmem_shared>>) offsets(%dma_start3A_212 : memref<80xi32, #tpu.memory_space<vmem>>) semaphore(%arg25 : memref<!tpu.dma_semaphore, #tpu.memory_space<semaphore_mem>>) {add = true}
    %dma_wait3A_216 = arith.constant 0 : i32
    %dma_wait3A_217 = arith.constant 0 : i32
    %dma_wait3A_218 = tpu.memref_slice %arg11[%dma_wait3A_216, %dma_wait3A_217] : memref<1x80xi32, #tpu.memory_space<vmem>> -> memref<1x80xi32, #tpu.memory_space<vmem>>
    %dma_wait3A_219 = tpu.memref_squeeze %dma_wait3A_218 : memref<1x80xi32, #tpu.memory_space<vmem>> -> memref<80xi32, #tpu.memory_space<vmem>>
    %dma_wait3A_220 = arith.constant 0 : i32
    %dma_wait3A_221 = arith.constant 0 : i32
    %dma_wait3A_222 = tpu.memref_slice %arg17[%dma_wait3A_220, %dma_wait3A_221] : memref<10240x128xf32, #tpu.memory_space<vmem_shared>> -> memref<10240x128xf32, #tpu.memory_space<vmem_shared>>
    tpu.wait_indirect_dma semaphore(%arg25 : memref<!tpu.dma_semaphore, #tpu.memory_space<semaphore_mem>>) src(%arg15 : memref<80x128xf32, #tpu.memory_space<vmem>>) dst(%dma_wait3A_222 : memref<10240x128xf32, #tpu.memory_space<vmem_shared>>)
    %dma_wait3A_223 = arith.constant 0 : i32
    %dma_wait3A_224 = arith.constant 0 : i32
    %dma_wait3A_225 = tpu.memref_slice %arg3[%add3A, %dma_wait3A_223, %dma_wait3A_224] : memref<32x125x80xi32, #tpu.memory_space<hbm>> -> memref<1x1x80xi32, #tpu.memory_space<hbm>>
    %dma_wait3A_226 = tpu.memref_squeeze %dma_wait3A_225 : memref<1x1x80xi32, #tpu.memory_space<hbm>> -> memref<1x80xi32, #tpu.memory_space<hbm>>
    %dma_wait3A_227 = arith.constant 0 : i32
    %dma_wait3A_228 = arith.constant 0 : i32
    %dma_wait3A_229 = tpu.memref_slice %arg3[%add3A, %dma_wait3A_227, %dma_wait3A_228] : memref<32x125x80xi32, #tpu.memory_space<hbm>> -> memref<1x1x80xi32, #tpu.memory_space<hbm>>
    %dma_wait3A_230 = tpu.memref_squeeze %dma_wait3A_229 : memref<1x1x80xi32, #tpu.memory_space<hbm>> -> memref<1x80xi32, #tpu.memory_space<hbm>>
    tpu.wait_dma2 semaphore(%arg21 : memref<!tpu.dma_semaphore, #tpu.memory_space<semaphore_mem>>) src(%dma_wait3A_230 : memref<1x80xi32, #tpu.memory_space<hbm>>) dst(%arg9 : memref<1x80xi32, #tpu.memory_space<vmem>>)
    %dma_wait3A_231 = arith.constant 0 : i32
    %dma_wait3A_232 = arith.constant 0 : i32
    %dma_wait3A_233 = tpu.memref_slice %arg4[%add3A, %dma_wait3A_231, %dma_wait3A_232] : memref<32x125x80xi32, #tpu.memory_space<hbm>> -> memref<1x1x80xi32, #tpu.memory_space<hbm>>
    %dma_wait3A_234 = tpu.memref_squeeze %dma_wait3A_233 : memref<1x1x80xi32, #tpu.memory_space<hbm>> -> memref<1x80xi32, #tpu.memory_space<hbm>>
    %dma_wait3A_235 = arith.constant 0 : i32
    %dma_wait3A_236 = arith.constant 0 : i32
    %dma_wait3A_237 = tpu.memref_slice %arg4[%add3A, %dma_wait3A_235, %dma_wait3A_236] : memref<32x125x80xi32, #tpu.memory_space<hbm>> -> memref<1x1x80xi32, #tpu.memory_space<hbm>>
    %dma_wait3A_238 = tpu.memref_squeeze %dma_wait3A_237 : memref<1x1x80xi32, #tpu.memory_space<hbm>> -> memref<1x80xi32, #tpu.memory_space<hbm>>
    tpu.wait_dma2 semaphore(%arg21 : memref<!tpu.dma_semaphore, #tpu.memory_space<semaphore_mem>>) src(%dma_wait3A_238 : memref<1x80xi32, #tpu.memory_space<hbm>>) dst(%arg13 : memref<1x80xi32, #tpu.memory_space<vmem>>)
    %dma_start3A_239 = arith.constant 0 : i32
    %dma_start3A_240 = arith.constant 0 : i32
    %dma_start3A_241 = tpu.memref_slice %arg9[%dma_start3A_239, %dma_start3A_240] : memref<1x80xi32, #tpu.memory_space<vmem>> -> memref<1x80xi32, #tpu.memory_space<vmem>>
    %dma_start3A_242 = tpu.memref_squeeze %dma_start3A_241 : memref<1x80xi32, #tpu.memory_space<vmem>> -> memref<80xi32, #tpu.memory_space<vmem>>
    %dma_start3A_243 = arith.constant 0 : i32
    %dma_start3A_244 = arith.constant 0 : i32
    %dma_start3A_245 = tpu.memref_slice %arg2[%dma_start3A_243, %dma_start3A_244] : memref<10000x128xf32, #tpu.memory_space<hbm>> -> memref<10000x128xf32, #tpu.memory_space<hbm>>
    tpu.enqueue_indirect_dma source(%dma_start3A_245 : memref<10000x128xf32, #tpu.memory_space<hbm>>) target(%arg15 : memref<80x128xf32, #tpu.memory_space<vmem>>) offsets(%dma_start3A_242 : memref<80xi32, #tpu.memory_space<vmem>>) semaphore(%arg23 : memref<!tpu.dma_semaphore, #tpu.memory_space<semaphore_mem>>)
    %dma_wait3A_246 = arith.constant 0 : i32
    %dma_wait3A_247 = arith.constant 0 : i32
    %dma_wait3A_248 = tpu.memref_slice %arg8[%dma_wait3A_246, %dma_wait3A_247] : memref<1x80xi32, #tpu.memory_space<vmem>> -> memref<1x80xi32, #tpu.memory_space<vmem>>
    %dma_wait3A_249 = tpu.memref_squeeze %dma_wait3A_248 : memref<1x80xi32, #tpu.memory_space<vmem>> -> memref<80xi32, #tpu.memory_space<vmem>>
    %dma_wait3A_250 = arith.constant 0 : i32
    %dma_wait3A_251 = arith.constant 0 : i32
    %dma_wait3A_252 = tpu.memref_slice %arg2[%dma_wait3A_250, %dma_wait3A_251] : memref<10000x128xf32, #tpu.memory_space<hbm>> -> memref<10000x128xf32, #tpu.memory_space<hbm>>
    tpu.wait_indirect_dma semaphore(%arg22 : memref<!tpu.dma_semaphore, #tpu.memory_space<semaphore_mem>>) src(%dma_wait3A_252 : memref<10000x128xf32, #tpu.memory_space<hbm>>) dst(%arg14 : memref<80x128xf32, #tpu.memory_space<vmem>>)
    %dma_start3A_253 = arith.constant 0 : i32
    %dma_start3A_254 = arith.constant 0 : i32
    %dma_start3A_255 = tpu.memref_slice %arg12[%dma_start3A_253, %dma_start3A_254] : memref<1x80xi32, #tpu.memory_space<vmem>> -> memref<1x80xi32, #tpu.memory_space<vmem>>
    %dma_start3A_256 = tpu.memref_squeeze %dma_start3A_255 : memref<1x80xi32, #tpu.memory_space<vmem>> -> memref<80xi32, #tpu.memory_space<vmem>>
    %dma_start3A_257 = arith.constant 0 : i32
    %dma_start3A_258 = arith.constant 0 : i32
    %dma_start3A_259 = tpu.memref_slice %arg17[%dma_start3A_257, %dma_start3A_258] : memref<10240x128xf32, #tpu.memory_space<vmem_shared>> -> memref<10240x128xf32, #tpu.memory_space<vmem_shared>>
    tpu.enqueue_indirect_dma source(%arg14 : memref<80x128xf32, #tpu.memory_space<vmem>>) target(%dma_start3A_259 : memref<10240x128xf32, #tpu.memory_space<vmem_shared>>) offsets(%dma_start3A_256 : memref<80xi32, #tpu.memory_space<vmem>>) semaphore(%arg24 : memref<!tpu.dma_semaphore, #tpu.memory_space<semaphore_mem>>) {add = true}
    %dma_wait3A_260 = arith.constant 0 : i32
    %dma_wait3A_261 = arith.constant 0 : i32
    %dma_wait3A_262 = tpu.memref_slice %arg12[%dma_wait3A_260, %dma_wait3A_261] : memref<1x80xi32, #tpu.memory_space<vmem>> -> memref<1x80xi32, #tpu.memory_space<vmem>>
    %dma_wait3A_263 = tpu.memref_squeeze %dma_wait3A_262 : memref<1x80xi32, #tpu.memory_space<vmem>> -> memref<80xi32, #tpu.memory_space<vmem>>
    %dma_wait3A_264 = arith.constant 0 : i32
    %dma_wait3A_265 = arith.constant 0 : i32
    %dma_wait3A_266 = tpu.memref_slice %arg17[%dma_wait3A_264, %dma_wait3A_265] : memref<10240x128xf32, #tpu.memory_space<vmem_shared>> -> memref<10240x128xf32, #tpu.memory_space<vmem_shared>>
    tpu.wait_indirect_dma semaphore(%arg24 : memref<!tpu.dma_semaphore, #tpu.memory_space<semaphore_mem>>) src(%arg14 : memref<80x128xf32, #tpu.memory_space<vmem>>) dst(%dma_wait3A_266 : memref<10240x128xf32, #tpu.memory_space<vmem_shared>>)
    %dma_wait3A_267 = arith.constant 0 : i32
    %dma_wait3A_268 = arith.constant 0 : i32
    %dma_wait3A_269 = tpu.memref_slice %arg3[%add3A, %dma_wait3A_267, %dma_wait3A_268] : memref<32x125x80xi32, #tpu.memory_space<hbm>> -> memref<1x1x80xi32, #tpu.memory_space<hbm>>
    %dma_wait3A_270 = tpu.memref_squeeze %dma_wait3A_269 : memref<1x1x80xi32, #tpu.memory_space<hbm>> -> memref<1x80xi32, #tpu.memory_space<hbm>>
    %dma_wait3A_271 = arith.constant 0 : i32
    %dma_wait3A_272 = arith.constant 0 : i32
    %dma_wait3A_273 = tpu.memref_slice %arg3[%add3A, %dma_wait3A_271, %dma_wait3A_272] : memref<32x125x80xi32, #tpu.memory_space<hbm>> -> memref<1x1x80xi32, #tpu.memory_space<hbm>>
    %dma_wait3A_274 = tpu.memref_squeeze %dma_wait3A_273 : memref<1x1x80xi32, #tpu.memory_space<hbm>> -> memref<1x80xi32, #tpu.memory_space<hbm>>
    tpu.wait_dma2 semaphore(%arg18 : memref<!tpu.dma_semaphore, #tpu.memory_space<semaphore_mem>>) src(%dma_wait3A_274 : memref<1x80xi32, #tpu.memory_space<hbm>>) dst(%arg6 : memref<1x80xi32, #tpu.memory_space<vmem>>)
    %dma_wait3A_275 = arith.constant 0 : i32
    %dma_wait3A_276 = arith.constant 0 : i32
    %dma_wait3A_277 = tpu.memref_slice %arg4[%add3A, %dma_wait3A_275, %dma_wait3A_276] : memref<32x125x80xi32, #tpu.memory_space<hbm>> -> memref<1x1x80xi32, #tpu.memory_space<hbm>>
    %dma_wait3A_278 = tpu.memref_squeeze %dma_wait3A_277 : memref<1x1x80xi32, #tpu.memory_space<hbm>> -> memref<1x80xi32, #tpu.memory_space<hbm>>
    %dma_wait3A_279 = arith.constant 0 : i32
    %dma_wait3A_280 = arith.constant 0 : i32
    %dma_wait3A_281 = tpu.memref_slice %arg4[%add3A, %dma_wait3A_279, %dma_wait3A_280] : memref<32x125x80xi32, #tpu.memory_space<hbm>> -> memref<1x1x80xi32, #tpu.memory_space<hbm>>
    %dma_wait3A_282 = tpu.memref_squeeze %dma_wait3A_281 : memref<1x1x80xi32, #tpu.memory_space<hbm>> -> memref<1x80xi32, #tpu.memory_space<hbm>>
    tpu.wait_dma2 semaphore(%arg18 : memref<!tpu.dma_semaphore, #tpu.memory_space<semaphore_mem>>) src(%dma_wait3A_282 : memref<1x80xi32, #tpu.memory_space<hbm>>) dst(%arg10 : memref<1x80xi32, #tpu.memory_space<vmem>>)
    %dma_start3A_283 = arith.constant 0 : i32
    %dma_start3A_284 = arith.constant 0 : i32
    %dma_start3A_285 = tpu.memref_slice %arg6[%dma_start3A_283, %dma_start3A_284] : memref<1x80xi32, #tpu.memory_space<vmem>> -> memref<1x80xi32, #tpu.memory_space<vmem>>
    %dma_start3A_286 = tpu.memref_squeeze %dma_start3A_285 : memref<1x80xi32, #tpu.memory_space<vmem>> -> memref<80xi32, #tpu.memory_space<vmem>>
    %dma_start3A_287 = arith.constant 0 : i32
    %dma_start3A_288 = arith.constant 0 : i32
    %dma_start3A_289 = tpu.memref_slice %arg2[%dma_start3A_287, %dma_start3A_288] : memref<10000x128xf32, #tpu.memory_space<hbm>> -> memref<10000x128xf32, #tpu.memory_space<hbm>>
    tpu.enqueue_indirect_dma source(%dma_start3A_289 : memref<10000x128xf32, #tpu.memory_space<hbm>>) target(%arg14 : memref<80x128xf32, #tpu.memory_space<vmem>>) offsets(%dma_start3A_286 : memref<80xi32, #tpu.memory_space<vmem>>) semaphore(%arg22 : memref<!tpu.dma_semaphore, #tpu.memory_space<semaphore_mem>>)
    %dma_wait3A_290 = arith.constant 0 : i32
    %dma_wait3A_291 = arith.constant 0 : i32
    %dma_wait3A_292 = tpu.memref_slice %arg9[%dma_wait3A_290, %dma_wait3A_291] : memref<1x80xi32, #tpu.memory_space<vmem>> -> memref<1x80xi32, #tpu.memory_space<vmem>>
    %dma_wait3A_293 = tpu.memref_squeeze %dma_wait3A_292 : memref<1x80xi32, #tpu.memory_space<vmem>> -> memref<80xi32, #tpu.memory_space<vmem>>
    %dma_wait3A_294 = arith.constant 0 : i32
    %dma_wait3A_295 = arith.constant 0 : i32
    %dma_wait3A_296 = tpu.memref_slice %arg2[%dma_wait3A_294, %dma_wait3A_295] : memref<10000x128xf32, #tpu.memory_space<hbm>> -> memref<10000x128xf32, #tpu.memory_space<hbm>>
    tpu.wait_indirect_dma semaphore(%arg23 : memref<!tpu.dma_semaphore, #tpu.memory_space<semaphore_mem>>) src(%dma_wait3A_296 : memref<10000x128xf32, #tpu.memory_space<hbm>>) dst(%arg15 : memref<80x128xf32, #tpu.memory_space<vmem>>)
    %dma_start3A_297 = arith.constant 0 : i32
    %dma_start3A_298 = arith.constant 0 : i32
    %dma_start3A_299 = tpu.memref_slice %arg13[%dma_start3A_297, %dma_start3A_298] : memref<1x80xi32, #tpu.memory_space<vmem>> -> memref<1x80xi32, #tpu.memory_space<vmem>>
    %dma_start3A_300 = tpu.memref_squeeze %dma_start3A_299 : memref<1x80xi32, #tpu.memory_space<vmem>> -> memref<80xi32, #tpu.memory_space<vmem>>
    %dma_start3A_301 = arith.constant 0 : i32
    %dma_start3A_302 = arith.constant 0 : i32
    %dma_start3A_303 = tpu.memref_slice %arg17[%dma_start3A_301, %dma_start3A_302] : memref<10240x128xf32, #tpu.memory_space<vmem_shared>> -> memref<10240x128xf32, #tpu.memory_space<vmem_shared>>
    tpu.enqueue_indirect_dma source(%arg15 : memref<80x128xf32, #tpu.memory_space<vmem>>) target(%dma_start3A_303 : memref<10240x128xf32, #tpu.memory_space<vmem_shared>>) offsets(%dma_start3A_300 : memref<80xi32, #tpu.memory_space<vmem>>) semaphore(%arg25 : memref<!tpu.dma_semaphore, #tpu.memory_space<semaphore_mem>>) {add = true}
    %dma_wait3A_304 = arith.constant 0 : i32
    %dma_wait3A_305 = arith.constant 0 : i32
    %dma_wait3A_306 = tpu.memref_slice %arg13[%dma_wait3A_304, %dma_wait3A_305] : memref<1x80xi32, #tpu.memory_space<vmem>> -> memref<1x80xi32, #tpu.memory_space<vmem>>
    %dma_wait3A_307 = tpu.memref_squeeze %dma_wait3A_306 : memref<1x80xi32, #tpu.memory_space<vmem>> -> memref<80xi32, #tpu.memory_space<vmem>>
    %dma_wait3A_308 = arith.constant 0 : i32
    %dma_wait3A_309 = arith.constant 0 : i32
    %dma_wait3A_310 = tpu.memref_slice %arg17[%dma_wait3A_308, %dma_wait3A_309] : memref<10240x128xf32, #tpu.memory_space<vmem_shared>> -> memref<10240x128xf32, #tpu.memory_space<vmem_shared>>
    tpu.wait_indirect_dma semaphore(%arg25 : memref<!tpu.dma_semaphore, #tpu.memory_space<semaphore_mem>>) src(%arg15 : memref<80x128xf32, #tpu.memory_space<vmem>>) dst(%dma_wait3A_310 : memref<10240x128xf32, #tpu.memory_space<vmem_shared>>)
    %dma_wait3A_311 = arith.constant 0 : i32
    %dma_wait3A_312 = arith.constant 0 : i32
    %dma_wait3A_313 = tpu.memref_slice %arg6[%dma_wait3A_311, %dma_wait3A_312] : memref<1x80xi32, #tpu.memory_space<vmem>> -> memref<1x80xi32, #tpu.memory_space<vmem>>
    %dma_wait3A_314 = tpu.memref_squeeze %dma_wait3A_313 : memref<1x80xi32, #tpu.memory_space<vmem>> -> memref<80xi32, #tpu.memory_space<vmem>>
    %dma_wait3A_315 = arith.constant 0 : i32
    %dma_wait3A_316 = arith.constant 0 : i32
    %dma_wait3A_317 = tpu.memref_slice %arg2[%dma_wait3A_315, %dma_wait3A_316] : memref<10000x128xf32, #tpu.memory_space<hbm>> -> memref<10000x128xf32, #tpu.memory_space<hbm>>
    tpu.wait_indirect_dma semaphore(%arg22 : memref<!tpu.dma_semaphore, #tpu.memory_space<semaphore_mem>>) src(%dma_wait3A_317 : memref<10000x128xf32, #tpu.memory_space<hbm>>) dst(%arg14 : memref<80x128xf32, #tpu.memory_space<vmem>>)
    %dma_start3A_318 = arith.constant 0 : i32
    %dma_start3A_319 = arith.constant 0 : i32
    %dma_start3A_320 = tpu.memref_slice %arg10[%dma_start3A_318, %dma_start3A_319] : memref<1x80xi32, #tpu.memory_space<vmem>> -> memref<1x80xi32, #tpu.memory_space<vmem>>
    %dma_start3A_321 = tpu.memref_squeeze %dma_start3A_320 : memref<1x80xi32, #tpu.memory_space<vmem>> -> memref<80xi32, #tpu.memory_space<vmem>>
    %dma_start3A_322 = arith.constant 0 : i32
    %dma_start3A_323 = arith.constant 0 : i32
    %dma_start3A_324 = tpu.memref_slice %arg17[%dma_start3A_322, %dma_start3A_323] : memref<10240x128xf32, #tpu.memory_space<vmem_shared>> -> memref<10240x128xf32, #tpu.memory_space<vmem_shared>>
    tpu.enqueue_indirect_dma source(%arg14 : memref<80x128xf32, #tpu.memory_space<vmem>>) target(%dma_start3A_324 : memref<10240x128xf32, #tpu.memory_space<vmem_shared>>) offsets(%dma_start3A_321 : memref<80xi32, #tpu.memory_space<vmem>>) semaphore(%arg24 : memref<!tpu.dma_semaphore, #tpu.memory_space<semaphore_mem>>) {add = true}
    %dma_wait3A_325 = arith.constant 0 : i32
    %dma_wait3A_326 = arith.constant 0 : i32
    %dma_wait3A_327 = tpu.memref_slice %arg10[%dma_wait3A_325, %dma_wait3A_326] : memref<1x80xi32, #tpu.memory_space<vmem>> -> memref<1x80xi32, #tpu.memory_space<vmem>>
    %dma_wait3A_328 = tpu.memref_squeeze %dma_wait3A_327 : memref<1x80xi32, #tpu.memory_space<vmem>> -> memref<80xi32, #tpu.memory_space<vmem>>
    %dma_wait3A_329 = arith.constant 0 : i32
    %dma_wait3A_330 = arith.constant 0 : i32
    %dma_wait3A_331 = tpu.memref_slice %arg17[%dma_wait3A_329, %dma_wait3A_330] : memref<10240x128xf32, #tpu.memory_space<vmem_shared>> -> memref<10240x128xf32, #tpu.memory_space<vmem_shared>>
    tpu.wait_indirect_dma semaphore(%arg24 : memref<!tpu.dma_semaphore, #tpu.memory_space<semaphore_mem>>) src(%arg14 : memref<80x128xf32, #tpu.memory_space<vmem>>) dst(%dma_wait3A_331 : memref<10240x128xf32, #tpu.memory_space<vmem_shared>>)
    %barrier3A_332 = arith.constant 0 : index
    tpu.barrier barrier_id(%barrier3A_332)
    %mul3A_333 = arith.constant 640 : i32
    %mul3A_334 = arith.muli %arg1, %mul3A_333 : i32
    %add3A_335 = arith.constant 0 : i32
    %add3A_336 = arith.addi %mul3A_334, %add3A_335 : i32
    %mul3A_337 = arith.constant 640 : i32
    %mul3A_338 = arith.muli %arg1, %mul3A_337 : i32
    %add3A_339 = arith.constant 0 : i32
    %add3A_340 = arith.addi %mul3A_338, %add3A_339 : i32
    "tpu.region"() ({
      %run_scoped3A = tpu.sem_alloc : memref<!tpu.dma_semaphore, #tpu.memory_space<semaphore_mem>>
      %dma_start3A_373 = arith.constant 0 : i32
      %dma_start3A_374 = tpu.memref_slice %arg5[%arg0, %add3A_340, %dma_start3A_373] : memref<2x10240x128xf32, #tpu.memory_space<hbm>> -> memref<1x128x128xf32, #tpu.memory_space<hbm>>
      %dma_start3A_375 = tpu.memref_squeeze %dma_start3A_374 : memref<1x128x128xf32, #tpu.memory_space<hbm>> -> memref<128x128xf32, #tpu.memory_space<hbm>>
      %dma_start3A_376 = arith.constant 0 : i32
      %dma_start3A_377 = tpu.memref_slice %arg17[%add3A_336, %dma_start3A_376] : memref<10240x128xf32, #tpu.memory_space<vmem_shared>> -> memref<128x128xf32, #tpu.memory_space<vmem_shared>>
      tpu.enqueue_dma source(%dma_start3A_377 : memref<128x128xf32, #tpu.memory_space<vmem_shared>>) target(%dma_start3A_375 : memref<128x128xf32, #tpu.memory_space<hbm>>) target_semaphore(%run_scoped3A : memref<!tpu.dma_semaphore, #tpu.memory_space<semaphore_mem>>)
      %dma_wait3A_378 = arith.constant 0 : i32
      %dma_wait3A_379 = tpu.memref_slice %arg5[%arg0, %add3A_340, %dma_wait3A_378] : memref<2x10240x128xf32, #tpu.memory_space<hbm>> -> memref<1x128x128xf32, #tpu.memory_space<hbm>>
      %dma_wait3A_380 = tpu.memref_squeeze %dma_wait3A_379 : memref<1x128x128xf32, #tpu.memory_space<hbm>> -> memref<128x128xf32, #tpu.memory_space<hbm>>
      %dma_wait3A_381 = arith.constant 0 : i32
      %dma_wait3A_382 = tpu.memref_slice %arg17[%add3A_336, %dma_wait3A_381] : memref<10240x128xf32, #tpu.memory_space<vmem_shared>> -> memref<128x128xf32, #tpu.memory_space<vmem_shared>>
      tpu.wait_dma2 semaphore(%run_scoped3A : memref<!tpu.dma_semaphore, #tpu.memory_space<semaphore_mem>>) src(%dma_wait3A_382 : memref<128x128xf32, #tpu.memory_space<vmem_shared>>) dst(%dma_wait3A_380 : memref<128x128xf32, #tpu.memory_space<hbm>>)
      tpu.yield
    }) : () -> ()
    %mul3A_341 = arith.constant 640 : i32
    %mul3A_342 = arith.muli %arg1, %mul3A_341 : i32
    %add3A_343 = arith.constant 128 : i32
    %add3A_344 = arith.addi %mul3A_342, %add3A_343 : i32
    %mul3A_345 = arith.constant 640 : i32
    %mul3A_346 = arith.muli %arg1, %mul3A_345 : i32
    %add3A_347 = arith.constant 128 : i32
    %add3A_348 = arith.addi %mul3A_346, %add3A_347 : i32
    "tpu.region"() ({
      %run_scoped3A = tpu.sem_alloc : memref<!tpu.dma_semaphore, #tpu.memory_space<semaphore_mem>>
      %dma_start3A_373 = arith.constant 0 : i32
      %dma_start3A_374 = tpu.memref_slice %arg5[%arg0, %add3A_348, %dma_start3A_373] : memref<2x10240x128xf32, #tpu.memory_space<hbm>> -> memref<1x128x128xf32, #tpu.memory_space<hbm>>
      %dma_start3A_375 = tpu.memref_squeeze %dma_start3A_374 : memref<1x128x128xf32, #tpu.memory_space<hbm>> -> memref<128x128xf32, #tpu.memory_space<hbm>>
      %dma_start3A_376 = arith.constant 0 : i32
      %dma_start3A_377 = tpu.memref_slice %arg17[%add3A_344, %dma_start3A_376] : memref<10240x128xf32, #tpu.memory_space<vmem_shared>> -> memref<128x128xf32, #tpu.memory_space<vmem_shared>>
      tpu.enqueue_dma source(%dma_start3A_377 : memref<128x128xf32, #tpu.memory_space<vmem_shared>>) target(%dma_start3A_375 : memref<128x128xf32, #tpu.memory_space<hbm>>) target_semaphore(%run_scoped3A : memref<!tpu.dma_semaphore, #tpu.memory_space<semaphore_mem>>)
      %dma_wait3A_378 = arith.constant 0 : i32
      %dma_wait3A_379 = tpu.memref_slice %arg5[%arg0, %add3A_348, %dma_wait3A_378] : memref<2x10240x128xf32, #tpu.memory_space<hbm>> -> memref<1x128x128xf32, #tpu.memory_space<hbm>>
      %dma_wait3A_380 = tpu.memref_squeeze %dma_wait3A_379 : memref<1x128x128xf32, #tpu.memory_space<hbm>> -> memref<128x128xf32, #tpu.memory_space<hbm>>
      %dma_wait3A_381 = arith.constant 0 : i32
      %dma_wait3A_382 = tpu.memref_slice %arg17[%add3A_344, %dma_wait3A_381] : memref<10240x128xf32, #tpu.memory_space<vmem_shared>> -> memref<128x128xf32, #tpu.memory_space<vmem_shared>>
      tpu.wait_dma2 semaphore(%run_scoped3A : memref<!tpu.dma_semaphore, #tpu.memory_space<semaphore_mem>>) src(%dma_wait3A_382 : memref<128x128xf32, #tpu.memory_space<vmem_shared>>) dst(%dma_wait3A_380 : memref<128x128xf32, #tpu.memory_space<hbm>>)
      tpu.yield
    }) : () -> ()
    %mul3A_349 = arith.constant 640 : i32
    %mul3A_350 = arith.muli %arg1, %mul3A_349 : i32
    %add3A_351 = arith.constant 256 : i32
    %add3A_352 = arith.addi %mul3A_350, %add3A_351 : i32
    %mul3A_353 = arith.constant 640 : i32
    %mul3A_354 = arith.muli %arg1, %mul3A_353 : i32
    %add3A_355 = arith.constant 256 : i32
    %add3A_356 = arith.addi %mul3A_354, %add3A_355 : i32
    "tpu.region"() ({
      %run_scoped3A = tpu.sem_alloc : memref<!tpu.dma_semaphore, #tpu.memory_space<semaphore_mem>>
      %dma_start3A_373 = arith.constant 0 : i32
      %dma_start3A_374 = tpu.memref_slice %arg5[%arg0, %add3A_356, %dma_start3A_373] : memref<2x10240x128xf32, #tpu.memory_space<hbm>> -> memref<1x128x128xf32, #tpu.memory_space<hbm>>
      %dma_start3A_375 = tpu.memref_squeeze %dma_start3A_374 : memref<1x128x128xf32, #tpu.memory_space<hbm>> -> memref<128x128xf32, #tpu.memory_space<hbm>>
      %dma_start3A_376 = arith.constant 0 : i32
      %dma_start3A_377 = tpu.memref_slice %arg17[%add3A_352, %dma_start3A_376] : memref<10240x128xf32, #tpu.memory_space<vmem_shared>> -> memref<128x128xf32, #tpu.memory_space<vmem_shared>>
      tpu.enqueue_dma source(%dma_start3A_377 : memref<128x128xf32, #tpu.memory_space<vmem_shared>>) target(%dma_start3A_375 : memref<128x128xf32, #tpu.memory_space<hbm>>) target_semaphore(%run_scoped3A : memref<!tpu.dma_semaphore, #tpu.memory_space<semaphore_mem>>)
      %dma_wait3A_378 = arith.constant 0 : i32
      %dma_wait3A_379 = tpu.memref_slice %arg5[%arg0, %add3A_356, %dma_wait3A_378] : memref<2x10240x128xf32, #tpu.memory_space<hbm>> -> memref<1x128x128xf32, #tpu.memory_space<hbm>>
      %dma_wait3A_380 = tpu.memref_squeeze %dma_wait3A_379 : memref<1x128x128xf32, #tpu.memory_space<hbm>> -> memref<128x128xf32, #tpu.memory_space<hbm>>
      %dma_wait3A_381 = arith.constant 0 : i32
      %dma_wait3A_382 = tpu.memref_slice %arg17[%add3A_352, %dma_wait3A_381] : memref<10240x128xf32, #tpu.memory_space<vmem_shared>> -> memref<128x128xf32, #tpu.memory_space<vmem_shared>>
      tpu.wait_dma2 semaphore(%run_scoped3A : memref<!tpu.dma_semaphore, #tpu.memory_space<semaphore_mem>>) src(%dma_wait3A_382 : memref<128x128xf32, #tpu.memory_space<vmem_shared>>) dst(%dma_wait3A_380 : memref<128x128xf32, #tpu.memory_space<hbm>>)
      tpu.yield
    }) : () -> ()
    %mul3A_357 = arith.constant 640 : i32
    %mul3A_358 = arith.muli %arg1, %mul3A_357 : i32
    %add3A_359 = arith.constant 384 : i32
    %add3A_360 = arith.addi %mul3A_358, %add3A_359 : i32
    %mul3A_361 = arith.constant 640 : i32
    %mul3A_362 = arith.muli %arg1, %mul3A_361 : i32
    %add3A_363 = arith.constant 384 : i32
    %add3A_364 = arith.addi %mul3A_362, %add3A_363 : i32
    "tpu.region"() ({
      %run_scoped3A = tpu.sem_alloc : memref<!tpu.dma_semaphore, #tpu.memory_space<semaphore_mem>>
      %dma_start3A_373 = arith.constant 0 : i32
      %dma_start3A_374 = tpu.memref_slice %arg5[%arg0, %add3A_364, %dma_start3A_373] : memref<2x10240x128xf32, #tpu.memory_space<hbm>> -> memref<1x128x128xf32, #tpu.memory_space<hbm>>
      %dma_start3A_375 = tpu.memref_squeeze %dma_start3A_374 : memref<1x128x128xf32, #tpu.memory_space<hbm>> -> memref<128x128xf32, #tpu.memory_space<hbm>>
      %dma_start3A_376 = arith.constant 0 : i32
      %dma_start3A_377 = tpu.memref_slice %arg17[%add3A_360, %dma_start3A_376] : memref<10240x128xf32, #tpu.memory_space<vmem_shared>> -> memref<128x128xf32, #tpu.memory_space<vmem_shared>>
      tpu.enqueue_dma source(%dma_start3A_377 : memref<128x128xf32, #tpu.memory_space<vmem_shared>>) target(%dma_start3A_375 : memref<128x128xf32, #tpu.memory_space<hbm>>) target_semaphore(%run_scoped3A : memref<!tpu.dma_semaphore, #tpu.memory_space<semaphore_mem>>)
      %dma_wait3A_378 = arith.constant 0 : i32
      %dma_wait3A_379 = tpu.memref_slice %arg5[%arg0, %add3A_364, %dma_wait3A_378] : memref<2x10240x128xf32, #tpu.memory_space<hbm>> -> memref<1x128x128xf32, #tpu.memory_space<hbm>>
      %dma_wait3A_380 = tpu.memref_squeeze %dma_wait3A_379 : memref<1x128x128xf32, #tpu.memory_space<hbm>> -> memref<128x128xf32, #tpu.memory_space<hbm>>
      %dma_wait3A_381 = arith.constant 0 : i32
      %dma_wait3A_382 = tpu.memref_slice %arg17[%add3A_360, %dma_wait3A_381] : memref<10240x128xf32, #tpu.memory_space<vmem_shared>> -> memref<128x128xf32, #tpu.memory_space<vmem_shared>>
      tpu.wait_dma2 semaphore(%run_scoped3A : memref<!tpu.dma_semaphore, #tpu.memory_space<semaphore_mem>>) src(%dma_wait3A_382 : memref<128x128xf32, #tpu.memory_space<vmem_shared>>) dst(%dma_wait3A_380 : memref<128x128xf32, #tpu.memory_space<hbm>>)
      tpu.yield
    }) : () -> ()
    %mul3A_365 = arith.constant 640 : i32
    %mul3A_366 = arith.muli %arg1, %mul3A_365 : i32
    %add3A_367 = arith.constant 512 : i32
    %add3A_368 = arith.addi %mul3A_366, %add3A_367 : i32
    %mul3A_369 = arith.constant 640 : i32
    %mul3A_370 = arith.muli %arg1, %mul3A_369 : i32
    %add3A_371 = arith.constant 512 : i32
    %add3A_372 = arith.addi %mul3A_370, %add3A_371 : i32
    "tpu.region"() ({
      %run_scoped3A = tpu.sem_alloc : memref<!tpu.dma_semaphore, #tpu.memory_space<semaphore_mem>>
      %dma_start3A_373 = arith.constant 0 : i32
      %dma_start3A_374 = tpu.memref_slice %arg5[%arg0, %add3A_372, %dma_start3A_373] : memref<2x10240x128xf32, #tpu.memory_space<hbm>> -> memref<1x128x128xf32, #tpu.memory_space<hbm>>
      %dma_start3A_375 = tpu.memref_squeeze %dma_start3A_374 : memref<1x128x128xf32, #tpu.memory_space<hbm>> -> memref<128x128xf32, #tpu.memory_space<hbm>>
      %dma_start3A_376 = arith.constant 0 : i32
      %dma_start3A_377 = tpu.memref_slice %arg17[%add3A_368, %dma_start3A_376] : memref<10240x128xf32, #tpu.memory_space<vmem_shared>> -> memref<128x128xf32, #tpu.memory_space<vmem_shared>>
      tpu.enqueue_dma source(%dma_start3A_377 : memref<128x128xf32, #tpu.memory_space<vmem_shared>>) target(%dma_start3A_375 : memref<128x128xf32, #tpu.memory_space<hbm>>) target_semaphore(%run_scoped3A : memref<!tpu.dma_semaphore, #tpu.memory_space<semaphore_mem>>)
      %dma_wait3A_378 = arith.constant 0 : i32
      %dma_wait3A_379 = tpu.memref_slice %arg5[%arg0, %add3A_372, %dma_wait3A_378] : memref<2x10240x128xf32, #tpu.memory_space<hbm>> -> memref<1x128x128xf32, #tpu.memory_space<hbm>>
      %dma_wait3A_380 = tpu.memref_squeeze %dma_wait3A_379 : memref<1x128x128xf32, #tpu.memory_space<hbm>> -> memref<128x128xf32, #tpu.memory_space<hbm>>
      %dma_wait3A_381 = arith.constant 0 : i32
      %dma_wait3A_382 = tpu.memref_slice %arg17[%add3A_368, %dma_wait3A_381] : memref<10240x128xf32, #tpu.memory_space<vmem_shared>> -> memref<128x128xf32, #tpu.memory_space<vmem_shared>>
      tpu.wait_dma2 semaphore(%run_scoped3A : memref<!tpu.dma_semaphore, #tpu.memory_space<semaphore_mem>>) src(%dma_wait3A_382 : memref<128x128xf32, #tpu.memory_space<vmem_shared>>) dst(%dma_wait3A_380 : memref<128x128xf32, #tpu.memory_space<hbm>>)
      tpu.yield
    }) : () -> ()
    return
  }
}

module attributes {stable_mosaic.version = 14 : i64} {
  func.func @body(%arg0: memref<10000x128xf32, #tpu.memory_space<vmem>>, %arg1: memref<128x256xf32, #tpu.memory_space<vmem>>, %arg2: memref<10000x256xf32, #tpu.memory_space<vmem>>) attributes {dimension_semantics = [], scalar_prefetch = 0 : i64, scratch_operands = 0 : i64, tpu.core_type = #tpu.core_type<tc>} {
    %get3A = arith.constant 0 : index
    %get3A_0 = arith.constant 0 : index
    %get3A_1 = vector.load %arg0[%get3A, %get3A_0] : memref<10000x128xf32, #tpu.memory_space<vmem>>, vector<10000x128xf32>
    %get3A_2 = arith.constant 0 : index
    %get3A_3 = arith.constant 0 : index
    %get3A_4 = vector.load %arg1[%get3A_2, %get3A_3] : memref<128x256xf32, #tpu.memory_space<vmem>>, vector<128x256xf32>
    %dot_general3A = arith.constant dense<0.000000e+00> : vector<10000x256xf32>
    %dot_general3A_5 = tpu.matmul %get3A_1, %get3A_4, %dot_general3A {dimension_numbers = #tpu.dot_dimension_numbers<[1], [0], [0], [1], [0, 0, 1, 1], [], []>, transpose_lhs_hint = false} : vector<10000x128xf32>, vector<128x256xf32>, vector<10000x256xf32> -> vector<10000x256xf32>
    %swap3A = arith.constant 0 : index
    %swap3A_6 = arith.constant 0 : index
    %swap3A_7 = vector.load %arg2[%swap3A, %swap3A_6] : memref<10000x256xf32, #tpu.memory_space<vmem>>, vector<10000x256xf32>
    tpu.vector_store %arg2[%swap3A, %swap3A_6], %dot_general3A_5 {strides = array<i32>} : memref<10000x256xf32, #tpu.memory_space<vmem>>, vector<10000x256xf32>,
    return
  }
}

module attributes {stable_mosaic.version = 14 : i64} {
  func.func @body(%arg0: i32, %arg1: memref<10000x128xf32, #tpu.memory_space<vmem>>, %arg2: memref<10000x1xf32, #tpu.memory_space<vmem>>, %arg3: memref<10000x128xf32, #tpu.memory_space<vmem>>) attributes {dimension_semantics = [#tpu.dimension_semantics<arbitrary>], iteration_bounds = array<i64: 1>, scalar_prefetch = 0 : i64, scratch_operands = 0 : i64, tpu.core_type = #tpu.core_type<tc>, window_params = [{pipeline_mode = #tpu.pipeline_mode<synchronous>, transform_indices = @transform_0, window_bounds = array<i64: 10000, 128>}, {pipeline_mode = #tpu.pipeline_mode<synchronous>, transform_indices = @transform_1, window_bounds = array<i64: 10000, 1>}, {pipeline_mode = #tpu.pipeline_mode<synchronous>, transform_indices = @transform_2, window_bounds = array<i64: 10000, 128>}]} {
    %get3A = arith.constant 0 : index
    %get3A_0 = arith.constant 0 : index
    %get3A_1 = vector.load %arg1[%get3A, %get3A_0] : memref<10000x128xf32, #tpu.memory_space<vmem>>, vector<10000x128xf32>
    %get3A_2 = arith.constant 0 : index
    %get3A_3 = arith.constant 0 : index
    %get3A_4 = vector.load %arg2[%get3A_2, %get3A_3] : memref<10000x1xf32, #tpu.memory_space<vmem>>, vector<10000x1xf32>
    %mul3A = vector.broadcast %get3A_4 : vector<10000x1xf32> to vector<10000x128xf32>
    %mul3A_5 = arith.mulf %get3A_1, %mul3A : vector<10000x128xf32>
    %swap3A = arith.constant 0 : index
    %swap3A_6 = arith.constant 0 : index
    %swap3A_7 = vector.load %arg3[%swap3A, %swap3A_6] : memref<10000x128xf32, #tpu.memory_space<vmem>>, vector<10000x128xf32>
    tpu.vector_store %arg3[%swap3A, %swap3A_6], %mul3A_5 {strides = array<i32>} : memref<10000x128xf32, #tpu.memory_space<vmem>>, vector<10000x128xf32>,
    return
  }
  func.func @transform_0(%arg0: i32) -> (i32, i32) {
    %c0_i32 = arith.constant 0 : i32
    %c0_i32_0 = arith.constant 0 : i32
    %c0_i32_1 = arith.constant 0 : i32
    return %c0_i32, %c0_i32_0 : i32, i32
  }
  func.func @transform_1(%arg0: i32) -> (i32, i32) {
    %c0_i32 = arith.constant 0 : i32
    %c0_i32_0 = arith.constant 0 : i32
    %c0_i32_1 = arith.constant 0 : i32
    return %c0_i32, %c0_i32_0 : i32, i32
  }
  func.func @transform_2(%arg0: i32) -> (i32, i32) {
    %c0_i32 = arith.constant 0 : i32
    %c0_i32_0 = arith.constant 0 : i32
    %c0_i32_1 = arith.constant 0 : i32
    return %c0_i32, %c0_i32_0 : i32, i32
  }
}

module attributes {stable_mosaic.version = 14 : i64} {
  func.func @body(%arg0: i32, %arg1: memref<2x10240x128xf32, #tpu.memory_space<vmem>>, %arg2: memref<10000x128xf32, #tpu.memory_space<vmem>>, %arg3: memref<10000x1xf32, #tpu.memory_space<vmem>>, %arg4: memref<10000x1xf32, #tpu.memory_space<vmem>>, %arg5: memref<1x128xf32, #tpu.memory_space<vmem>>, %arg6: memref<10000x128xf32, #tpu.memory_space<vmem>>, %arg7: memref<1x128xf32, #tpu.memory_space<vmem>>, %arg8: memref<1x128xf32, #tpu.memory_space<vmem>>, %arg9: memref<1x128xf32, #tpu.memory_space<vmem>>) attributes {dimension_semantics = [#tpu.dimension_semantics<arbitrary>], iteration_bounds = array<i64: 1>, scalar_prefetch = 0 : i64, scratch_operands = 0 : i64, tpu.core_type = #tpu.core_type<tc>, window_params = [{pipeline_mode = #tpu.pipeline_mode<synchronous>, transform_indices = @transform_0, window_bounds = array<i64: 2, 10240, 128>}, {pipeline_mode = #tpu.pipeline_mode<synchronous>, transform_indices = @transform_1, window_bounds = array<i64: 10000, 128>}, {pipeline_mode = #tpu.pipeline_mode<synchronous>, transform_indices = @transform_2, window_bounds = array<i64: 10000, 1>}, {pipeline_mode = #tpu.pipeline_mode<synchronous>, transform_indices = @transform_3, window_bounds = array<i64: 10000, 1>}, {pipeline_mode = #tpu.pipeline_mode<synchronous>, transform_indices = @transform_4, window_bounds = array<i64: 1, 128>}, {pipeline_mode = #tpu.pipeline_mode<synchronous>, transform_indices = @transform_5, window_bounds = array<i64: 10000, 128>}, {pipeline_mode = #tpu.pipeline_mode<synchronous>, transform_indices = @transform_6, window_bounds = array<i64: 1, 128>}, {pipeline_mode = #tpu.pipeline_mode<synchronous>, transform_indices = @transform_7, window_bounds = array<i64: 1, 128>}, {pipeline_mode = #tpu.pipeline_mode<synchronous>, transform_indices = @transform_8, window_bounds = array<i64: 1, 128>}]} {
    %get3A = arith.constant 0 : index
    %get3A_0 = arith.constant 0 : index
    %get3A_1 = arith.constant 0 : index
    %get3A_2 = vector.load %arg1[%get3A, %get3A_0, %get3A_1] : memref<2x10240x128xf32, #tpu.memory_space<vmem>>, vector<1x10000x128xf32>
    %get3A_3 = vector.shape_cast %get3A_2 : vector<1x10000x128xf32> to vector<10000x128xf32>
    %get3A_4 = arith.constant 1 : index
    %get3A_5 = arith.constant 0 : index
    %get3A_6 = arith.constant 0 : index
    %get3A_7 = vector.load %arg1[%get3A_4, %get3A_5, %get3A_6] : memref<2x10240x128xf32, #tpu.memory_space<vmem>>, vector<1x10000x128xf32>
    %get3A_8 = vector.shape_cast %get3A_7 : vector<1x10000x128xf32> to vector<10000x128xf32>
    %add3A = arith.addf %get3A_3, %get3A_8 : vector<10000x128xf32>
    %get3A_9 = arith.constant 0 : index
    %get3A_10 = arith.constant 0 : index
    %get3A_11 = vector.load %arg3[%get3A_9, %get3A_10] : memref<10000x1xf32, #tpu.memory_space<vmem>>, vector<10000x1xf32>
    %mul3A = vector.broadcast %get3A_11 : vector<10000x1xf32> to vector<10000x128xf32>
    %mul3A_12 = arith.mulf %add3A, %mul3A : vector<10000x128xf32>
    %swap3A = arith.constant 0 : index
    %swap3A_13 = arith.constant 0 : index
    %swap3A_14 = vector.load %arg6[%swap3A, %swap3A_13] : memref<10000x128xf32, #tpu.memory_space<vmem>>, vector<10000x128xf32>
    tpu.vector_store %arg6[%swap3A, %swap3A_13], %mul3A_12 {strides = array<i32>} : memref<10000x128xf32, #tpu.memory_space<vmem>>, vector<10000x128xf32>,
    %get3A_15 = arith.constant 0 : index
    %get3A_16 = arith.constant 0 : index
    %get3A_17 = vector.load %arg2[%get3A_15, %get3A_16] : memref<10000x128xf32, #tpu.memory_space<vmem>>, vector<10000x128xf32>
    %get3A_18 = arith.constant 0 : index
    %get3A_19 = arith.constant 0 : index
    %get3A_20 = vector.load %arg4[%get3A_18, %get3A_19] : memref<10000x1xf32, #tpu.memory_space<vmem>>, vector<10000x1xf32>
    %mul3A_21 = vector.broadcast %get3A_20 : vector<10000x1xf32> to vector<10000x128xf32>
    %mul3A_22 = arith.mulf %get3A_17, %mul3A_21 : vector<10000x128xf32>
    %get3A_23 = arith.constant 0 : index
    %get3A_24 = arith.constant 0 : index
    %get3A_25 = vector.load %arg5[%get3A_23, %get3A_24] : memref<1x128xf32, #tpu.memory_space<vmem>>, vector<1x128xf32>
    %add3A_26 = vector.broadcast %get3A_25 : vector<1x128xf32> to vector<10000x128xf32>
    %add3A_27 = arith.addf %mul3A_22, %add3A_26 : vector<10000x128xf32>
    %sub3A = arith.subf %mul3A_22, %get3A_17 : vector<10000x128xf32>
    %reduce_sum3A = arith.constant dense<0.000000e+00> : vector<128xf32>
    %reduce_sum3A_28 = vector.multi_reduction <add>, %sub3A, %reduce_sum3A [0] : vector<10000x128xf32> to vector<128xf32>
    %broadcast_in_dim3A = vector.shape_cast %reduce_sum3A_28 : vector<128xf32> to vector<1x128xf32>
    %swap3A_29 = arith.constant 0 : index
    %swap3A_30 = arith.constant 0 : index
    %swap3A_31 = vector.load %arg7[%swap3A_29, %swap3A_30] : memref<1x128xf32, #tpu.memory_space<vmem>>, vector<1x128xf32>
    tpu.vector_store %arg7[%swap3A_29, %swap3A_30], %broadcast_in_dim3A {strides = array<i32>} : memref<1x128xf32, #tpu.memory_space<vmem>>, vector<1x128xf32>,
    %reduce_sum3A_32 = arith.constant dense<0.000000e+00> : vector<128xf32>
    %reduce_sum3A_33 = vector.multi_reduction <add>, %mul3A_12, %reduce_sum3A_32 [0] : vector<10000x128xf32> to vector<128xf32>
    %broadcast_in_dim3A_34 = vector.shape_cast %reduce_sum3A_33 : vector<128xf32> to vector<1x128xf32>
    %swap3A_35 = arith.constant 0 : index
    %swap3A_36 = arith.constant 0 : index
    %swap3A_37 = vector.load %arg8[%swap3A_35, %swap3A_36] : memref<1x128xf32, #tpu.memory_space<vmem>>, vector<1x128xf32>
    tpu.vector_store %arg8[%swap3A_35, %swap3A_36], %broadcast_in_dim3A_34 {strides = array<i32>} : memref<1x128xf32, #tpu.memory_space<vmem>>, vector<1x128xf32>,
    %mul3A_38 = arith.mulf %mul3A_22, %mul3A_22 : vector<10000x128xf32>
    %mul3A_39 = arith.mulf %get3A_17, %get3A_17 : vector<10000x128xf32>
    %sub3A_40 = arith.subf %mul3A_38, %mul3A_39 : vector<10000x128xf32>
    %mul3A_41 = arith.constant 2.000000e+00 : f32
    %mul3A_42 = vector.broadcast %mul3A_41 : f32 to vector<10000x128xf32>
    %mul3A_43 = arith.mulf %mul3A_42, %add3A_27 : vector<10000x128xf32>
    %add3A_44 = arith.addf %mul3A_43, %mul3A_12 : vector<10000x128xf32>
    %mul3A_45 = arith.mulf %add3A_44, %mul3A_12 : vector<10000x128xf32>
    %add3A_46 = arith.addf %sub3A_40, %mul3A_45 : vector<10000x128xf32>
    %reduce_sum3A_47 = arith.constant dense<0.000000e+00> : vector<128xf32>
    %reduce_sum3A_48 = vector.multi_reduction <add>, %add3A_46, %reduce_sum3A_47 [0] : vector<10000x128xf32> to vector<128xf32>
    %broadcast_in_dim3A_49 = vector.shape_cast %reduce_sum3A_48 : vector<128xf32> to vector<1x128xf32>
    %swap3A_50 = arith.constant 0 : index
    %swap3A_51 = arith.constant 0 : index
    %swap3A_52 = vector.load %arg9[%swap3A_50, %swap3A_51] : memref<1x128xf32, #tpu.memory_space<vmem>>, vector<1x128xf32>
    tpu.vector_store %arg9[%swap3A_50, %swap3A_51], %broadcast_in_dim3A_49 {strides = array<i32>} : memref<1x128xf32, #tpu.memory_space<vmem>>, vector<1x128xf32>,
    return
  }
  func.func @transform_0(%arg0: i32) -> (i32, i32, i32) {
    %c0_i32 = arith.constant 0 : i32
    %c0_i32_0 = arith.constant 0 : i32
    %c0_i32_1 = arith.constant 0 : i32
    %c0_i32_2 = arith.constant 0 : i32
    return %c0_i32, %c0_i32_0, %c0_i32_1 : i32, i32, i32
  }
  func.func @transform_1(%arg0: i32) -> (i32, i32) {
    %c0_i32 = arith.constant 0 : i32
    %c0_i32_0 = arith.constant 0 : i32
    %c0_i32_1 = arith.constant 0 : i32
    return %c0_i32, %c0_i32_0 : i32, i32
  }
  func.func @transform_2(%arg0: i32) -> (i32, i32) {
    %c0_i32 = arith.constant 0 : i32
    %c0_i32_0 = arith.constant 0 : i32
    %c0_i32_1 = arith.constant 0 : i32
    return %c0_i32, %c0_i32_0 : i32, i32
  }
  func.func @transform_3(%arg0: i32) -> (i32, i32) {
    %c0_i32 = arith.constant 0 : i32
    %c0_i32_0 = arith.constant 0 : i32
    %c0_i32_1 = arith.constant 0 : i32
    return %c0_i32, %c0_i32_0 : i32, i32
  }
  func.func @transform_4(%arg0: i32) -> (i32, i32) {
    %c0_i32 = arith.constant 0 : i32
    %c0_i32_0 = arith.constant 0 : i32
    %c0_i32_1 = arith.constant 0 : i32
    return %c0_i32, %c0_i32_0 : i32, i32
  }
  func.func @transform_5(%arg0: i32) -> (i32, i32) {
    %c0_i32 = arith.constant 0 : i32
    %c0_i32_0 = arith.constant 0 : i32
    %c0_i32_1 = arith.constant 0 : i32
    return %c0_i32, %c0_i32_0 : i32, i32
  }
  func.func @transform_6(%arg0: i32) -> (i32, i32) {
    %c0_i32 = arith.constant 0 : i32
    %c0_i32_0 = arith.constant 0 : i32
    %c0_i32_1 = arith.constant 0 : i32
    return %c0_i32, %c0_i32_0 : i32, i32
  }
  func.func @transform_7(%arg0: i32) -> (i32, i32) {
    %c0_i32 = arith.constant 0 : i32
    %c0_i32_0 = arith.constant 0 : i32
    %c0_i32_1 = arith.constant 0 : i32
    return %c0_i32, %c0_i32_0 : i32, i32
  }
  func.func @transform_8(%arg0: i32) -> (i32, i32) {
    %c0_i32 = arith.constant 0 : i32
    %c0_i32_0 = arith.constant 0 : i32
    %c0_i32_1 = arith.constant 0 : i32
    return %c0_i32, %c0_i32_0 : i32, i32
  }
}

module attributes {stable_mosaic.version = 14 : i64} {
  func.func @body(%arg0: i32, %arg1: memref<10000x128xf32, #tpu.memory_space<vmem>>, %arg2: memref<10000x128xf32, #tpu.memory_space<vmem>>, %arg3: memref<10000x1xf32, #tpu.memory_space<vmem>>, %arg4: memref<10000x1xf32, #tpu.memory_space<vmem>>, %arg5: memref<1x128xf32, #tpu.memory_space<vmem>>, %arg6: memref<1x128xf32, #tpu.memory_space<vmem>>, %arg7: memref<1x128xf32, #tpu.memory_space<vmem>>, %arg8: memref<128x128xf32, #tpu.memory_space<vmem>>, %arg9: memref<10000x128xf32, #tpu.memory_space<vmem>>) attributes {dimension_semantics = [#tpu.dimension_semantics<arbitrary>], iteration_bounds = array<i64: 1>, scalar_prefetch = 0 : i64, scratch_operands = 0 : i64, tpu.core_type = #tpu.core_type<tc>, window_params = [{pipeline_mode = #tpu.pipeline_mode<synchronous>, transform_indices = @transform_0, window_bounds = array<i64: 10000, 128>}, {pipeline_mode = #tpu.pipeline_mode<synchronous>, transform_indices = @transform_1, window_bounds = array<i64: 10000, 128>}, {pipeline_mode = #tpu.pipeline_mode<synchronous>, transform_indices = @transform_2, window_bounds = array<i64: 10000, 1>}, {pipeline_mode = #tpu.pipeline_mode<synchronous>, transform_indices = @transform_3, window_bounds = array<i64: 10000, 1>}, {pipeline_mode = #tpu.pipeline_mode<synchronous>, transform_indices = @transform_4, window_bounds = array<i64: 1, 128>}, {pipeline_mode = #tpu.pipeline_mode<synchronous>, transform_indices = @transform_5, window_bounds = array<i64: 1, 128>}, {pipeline_mode = #tpu.pipeline_mode<synchronous>, transform_indices = @transform_6, window_bounds = array<i64: 1, 128>}, {pipeline_mode = #tpu.pipeline_mode<synchronous>, transform_indices = @transform_7, window_bounds = array<i64: 128, 128>}, {pipeline_mode = #tpu.pipeline_mode<synchronous>, transform_indices = @transform_8, window_bounds = array<i64: 10000, 128>}]} {
    %get3A = arith.constant 0 : index
    %get3A_0 = arith.constant 0 : index
    %get3A_1 = vector.load %arg1[%get3A, %get3A_0] : memref<10000x128xf32, #tpu.memory_space<vmem>>, vector<10000x128xf32>
    %get3A_2 = arith.constant 0 : index
    %get3A_3 = arith.constant 0 : index
    %get3A_4 = vector.load %arg4[%get3A_2, %get3A_3] : memref<10000x1xf32, #tpu.memory_space<vmem>>, vector<10000x1xf32>
    %mul3A = vector.broadcast %get3A_4 : vector<10000x1xf32> to vector<10000x128xf32>
    %mul3A_5 = arith.mulf %get3A_1, %mul3A : vector<10000x128xf32>
    %get3A_6 = arith.constant 0 : index
    %get3A_7 = arith.constant 0 : index
    %get3A_8 = vector.load %arg5[%get3A_6, %get3A_7] : memref<1x128xf32, #tpu.memory_space<vmem>>, vector<1x128xf32>
    %add3A = vector.broadcast %get3A_8 : vector<1x128xf32> to vector<10000x128xf32>
    %add3A_9 = arith.addf %mul3A_5, %add3A : vector<10000x128xf32>
    %get3A_10 = arith.constant 0 : index
    %get3A_11 = arith.constant 0 : index
    %get3A_12 = vector.load %arg2[%get3A_10, %get3A_11] : memref<10000x128xf32, #tpu.memory_space<vmem>>, vector<10000x128xf32>
    %add3A_13 = arith.addf %add3A_9, %get3A_12 : vector<10000x128xf32>
    %get3A_14 = arith.constant 0 : index
    %get3A_15 = arith.constant 0 : index
    %get3A_16 = vector.load %arg6[%get3A_14, %get3A_15] : memref<1x128xf32, #tpu.memory_space<vmem>>, vector<1x128xf32>
    %mul3A_17 = vector.broadcast %get3A_16 : vector<1x128xf32> to vector<10000x128xf32>
    %mul3A_18 = arith.mulf %add3A_13, %mul3A_17 : vector<10000x128xf32>
    %get3A_19 = arith.constant 0 : index
    %get3A_20 = arith.constant 0 : index
    %get3A_21 = vector.load %arg7[%get3A_19, %get3A_20] : memref<1x128xf32, #tpu.memory_space<vmem>>, vector<1x128xf32>
    %add3A_22 = vector.broadcast %get3A_21 : vector<1x128xf32> to vector<10000x128xf32>
    %add3A_23 = arith.addf %mul3A_18, %add3A_22 : vector<10000x128xf32>
    %max3A = arith.constant 0.000000e+00 : f32
    %max3A_24 = vector.broadcast %max3A : f32 to vector<10000x128xf32>
    %max3A_25 = arith.maximumf %add3A_23, %max3A_24 : vector<10000x128xf32>
    %get3A_26 = arith.constant 0 : index
    %get3A_27 = arith.constant 0 : index
    %get3A_28 = vector.load %arg3[%get3A_26, %get3A_27] : memref<10000x1xf32, #tpu.memory_space<vmem>>, vector<10000x1xf32>
    %mul3A_29 = vector.broadcast %get3A_28 : vector<10000x1xf32> to vector<10000x128xf32>
    %mul3A_30 = arith.mulf %max3A_25, %mul3A_29 : vector<10000x128xf32>
    %get3A_31 = arith.constant 0 : index
    %get3A_32 = arith.constant 0 : index
    %get3A_33 = vector.load %arg8[%get3A_31, %get3A_32] : memref<128x128xf32, #tpu.memory_space<vmem>>, vector<128x128xf32>
    %dot_general3A = arith.constant dense<0.000000e+00> : vector<10000x128xf32>
    %dot_general3A_34 = tpu.matmul %mul3A_30, %get3A_33, %dot_general3A {dimension_numbers = #tpu.dot_dimension_numbers<[1], [0], [0], [1], [0, 0, 1, 1], [], []>, transpose_lhs_hint = false} : vector<10000x128xf32>, vector<128x128xf32>, vector<10000x128xf32> -> vector<10000x128xf32>
    %swap3A = arith.constant 0 : index
    %swap3A_35 = arith.constant 0 : index
    %swap3A_36 = vector.load %arg9[%swap3A, %swap3A_35] : memref<10000x128xf32, #tpu.memory_space<vmem>>, vector<10000x128xf32>
    tpu.vector_store %arg9[%swap3A, %swap3A_35], %dot_general3A_34 {strides = array<i32>} : memref<10000x128xf32, #tpu.memory_space<vmem>>, vector<10000x128xf32>,
    return
  }
  func.func @transform_0(%arg0: i32) -> (i32, i32) {
    %c0_i32 = arith.constant 0 : i32
    %c0_i32_0 = arith.constant 0 : i32
    %c0_i32_1 = arith.constant 0 : i32
    return %c0_i32, %c0_i32_0 : i32, i32
  }
  func.func @transform_1(%arg0: i32) -> (i32, i32) {
    %c0_i32 = arith.constant 0 : i32
    %c0_i32_0 = arith.constant 0 : i32
    %c0_i32_1 = arith.constant 0 : i32
    return %c0_i32, %c0_i32_0 : i32, i32
  }
  func.func @transform_2(%arg0: i32) -> (i32, i32) {
    %c0_i32 = arith.constant 0 : i32
    %c0_i32_0 = arith.constant 0 : i32
    %c0_i32_1 = arith.constant 0 : i32
    return %c0_i32, %c0_i32_0 : i32, i32
  }
  func.func @transform_3(%arg0: i32) -> (i32, i32) {
    %c0_i32 = arith.constant 0 : i32
    %c0_i32_0 = arith.constant 0 : i32
    %c0_i32_1 = arith.constant 0 : i32
    return %c0_i32, %c0_i32_0 : i32, i32
  }
  func.func @transform_4(%arg0: i32) -> (i32, i32) {
    %c0_i32 = arith.constant 0 : i32
    %c0_i32_0 = arith.constant 0 : i32
    %c0_i32_1 = arith.constant 0 : i32
    return %c0_i32, %c0_i32_0 : i32, i32
  }
  func.func @transform_5(%arg0: i32) -> (i32, i32) {
    %c0_i32 = arith.constant 0 : i32
    %c0_i32_0 = arith.constant 0 : i32
    %c0_i32_1 = arith.constant 0 : i32
    return %c0_i32, %c0_i32_0 : i32, i32
  }
  func.func @transform_6(%arg0: i32) -> (i32, i32) {
    %c0_i32 = arith.constant 0 : i32
    %c0_i32_0 = arith.constant 0 : i32
    %c0_i32_1 = arith.constant 0 : i32
    return %c0_i32, %c0_i32_0 : i32, i32
  }
  func.func @transform_7(%arg0: i32) -> (i32, i32) {
    %c0_i32 = arith.constant 0 : i32
    %c0_i32_0 = arith.constant 0 : i32
    %c0_i32_1 = arith.constant 0 : i32
    return %c0_i32, %c0_i32_0 : i32, i32
  }
  func.func @transform_8(%arg0: i32) -> (i32, i32) {
    %c0_i32 = arith.constant 0 : i32
    %c0_i32_0 = arith.constant 0 : i32
    %c0_i32_1 = arith.constant 0 : i32
    return %c0_i32, %c0_i32_0 : i32, i32
  }
}

module attributes {stable_mosaic.version = 14 : i64} {
  func.func @body(%arg0: i32, %arg1: memref<2000x128xf32, #tpu.memory_space<vmem>>, %arg2: memref<1x128xf32, #tpu.memory_space<vmem>>, %arg3: memref<1x128xf32, #tpu.memory_space<vmem>>, %arg4: memref<1x128xf32, #tpu.memory_space<vmem>>, %arg5: memref<128x128xf32, #tpu.memory_space<vmem>>, %arg6: memref<128x1xf32, #tpu.memory_space<vmem>>, %arg7: memref<128x1xf32, #tpu.memory_space<vmem>>, %arg8: memref<1x1xf32, #tpu.memory_space<vmem>>, %arg9: memref<1x128xf32, #tpu.memory_space<vmem>>, %arg10: memref<1x128xf32, #tpu.memory_space<vmem>>, %arg11: memref<128x1xf32, #tpu.memory_space<vmem>>, %arg12: memref<2000x1xf32, #tpu.memory_space<vmem>>) attributes {dimension_semantics = [#tpu.dimension_semantics<arbitrary>], iteration_bounds = array<i64: 155>, scalar_prefetch = 0 : i64, scratch_operands = 0 : i64, tpu.core_type = #tpu.core_type<tc>, window_params = [{transform_indices = @transform_0, window_bounds = array<i64: 2000, 128>}, {pipeline_mode = #tpu.pipeline_mode<synchronous>, transform_indices = @transform_1, window_bounds = array<i64: 1, 128>}, {pipeline_mode = #tpu.pipeline_mode<synchronous>, transform_indices = @transform_2, window_bounds = array<i64: 1, 128>}, {pipeline_mode = #tpu.pipeline_mode<synchronous>, transform_indices = @transform_3, window_bounds = array<i64: 1, 128>}, {pipeline_mode = #tpu.pipeline_mode<synchronous>, transform_indices = @transform_4, window_bounds = array<i64: 128, 128>}, {pipeline_mode = #tpu.pipeline_mode<synchronous>, transform_indices = @transform_5, window_bounds = array<i64: 128, 1>}, {pipeline_mode = #tpu.pipeline_mode<synchronous>, transform_indices = @transform_6, window_bounds = array<i64: 128, 1>}, {pipeline_mode = #tpu.pipeline_mode<synchronous>, transform_indices = @transform_7, window_bounds = array<i64: 1, 1>}, {pipeline_mode = #tpu.pipeline_mode<synchronous>, transform_indices = @transform_8, window_bounds = array<i64: 1, 128>}, {pipeline_mode = #tpu.pipeline_mode<synchronous>, transform_indices = @transform_9, window_bounds = array<i64: 1, 128>}, {pipeline_mode = #tpu.pipeline_mode<synchronous>, transform_indices = @transform_10, window_bounds = array<i64: 128, 1>}, {transform_indices = @transform_11, window_bounds = array<i64: 2000, 1>}]} {
    %get3A = arith.constant 0 : index
    %get3A_0 = arith.constant 0 : index
    %get3A_1 = vector.load %arg1[%get3A, %get3A_0] : memref<2000x128xf32, #tpu.memory_space<vmem>>, vector<2000x128xf32>
    %get3A_2 = arith.constant 0 : index
    %get3A_3 = arith.constant 0 : index
    %get3A_4 = vector.load %arg2[%get3A_2, %get3A_3] : memref<1x128xf32, #tpu.memory_space<vmem>>, vector<1x128xf32>
    %mul3A = vector.broadcast %get3A_4 : vector<1x128xf32> to vector<2000x128xf32>
    %mul3A_5 = arith.mulf %get3A_1, %mul3A : vector<2000x128xf32>
    %get3A_6 = arith.constant 0 : index
    %get3A_7 = arith.constant 0 : index
    %get3A_8 = vector.load %arg3[%get3A_6, %get3A_7] : memref<1x128xf32, #tpu.memory_space<vmem>>, vector<1x128xf32>
    %add3A = vector.broadcast %get3A_8 : vector<1x128xf32> to vector<2000x128xf32>
    %add3A_9 = arith.addf %mul3A_5, %add3A : vector<2000x128xf32>
    %max3A = arith.constant 0.000000e+00 : f32
    %max3A_10 = vector.broadcast %max3A : f32 to vector<2000x128xf32>
    %max3A_11 = arith.maximumf %add3A_9, %max3A_10 : vector<2000x128xf32>
    %get3A_12 = arith.constant 0 : index
    %get3A_13 = arith.constant 0 : index
    %get3A_14 = vector.load %arg5[%get3A_12, %get3A_13] : memref<128x128xf32, #tpu.memory_space<vmem>>, vector<128x128xf32>
    %dot_general3A = arith.constant dense<0.000000e+00> : vector<2000x128xf32>
    %dot_general3A_15 = tpu.matmul %max3A_11, %get3A_14, %dot_general3A {dimension_numbers = #tpu.dot_dimension_numbers<[1], [0], [0], [1], [0, 0, 1, 1], [], []>, transpose_lhs_hint = false} : vector<2000x128xf32>, vector<128x128xf32>, vector<2000x128xf32> -> vector<2000x128xf32>
    %get3A_16 = arith.constant 0 : index
    %get3A_17 = arith.constant 0 : index
    %get3A_18 = vector.load %arg4[%get3A_16, %get3A_17] : memref<1x128xf32, #tpu.memory_space<vmem>>, vector<1x128xf32>
    %add3A_19 = vector.broadcast %get3A_18 : vector<1x128xf32> to vector<2000x128xf32>
    %add3A_20 = arith.addf %dot_general3A_15, %add3A_19 : vector<2000x128xf32>
    %get3A_21 = arith.constant 0 : index
    %get3A_22 = arith.constant 0 : index
    %get3A_23 = vector.load %arg6[%get3A_21, %get3A_22] : memref<128x1xf32, #tpu.memory_space<vmem>>, vector<128x1xf32>
    %dot_general3A_24 = arith.constant dense<0.000000e+00> : vector<2000x1xf32>
    %dot_general3A_25 = tpu.matmul %max3A_11, %get3A_23, %dot_general3A_24 {dimension_numbers = #tpu.dot_dimension_numbers<[1], [0], [0], [1], [0, 0, 1, 1], [], []>, transpose_lhs_hint = false} : vector<2000x128xf32>, vector<128x1xf32>, vector<2000x1xf32> -> vector<2000x1xf32>
    %get3A_26 = arith.constant 0 : index
    %get3A_27 = arith.constant 0 : index
    %get3A_28 = vector.load %arg8[%get3A_26, %get3A_27] : memref<1x1xf32, #tpu.memory_space<vmem>>, vector<1x1xf32>
    %add3A_29 = vector.broadcast %get3A_28 : vector<1x1xf32> to vector<2000x1xf32>
    %add3A_30 = arith.addf %dot_general3A_25, %add3A_29 : vector<2000x1xf32>
    %mul3A_31 = arith.mulf %add3A_20, %add3A_20 : vector<2000x128xf32>
    %get3A_32 = arith.constant 0 : index
    %get3A_33 = arith.constant 0 : index
    %get3A_34 = vector.load %arg7[%get3A_32, %get3A_33] : memref<128x1xf32, #tpu.memory_space<vmem>>, vector<128x1xf32>
    %dot_general3A_35 = arith.constant dense<0.000000e+00> : vector<2000x1xf32>
    %dot_general3A_36 = tpu.matmul %mul3A_31, %get3A_34, %dot_general3A_35 {dimension_numbers = #tpu.dot_dimension_numbers<[1], [0], [0], [1], [0, 0, 1, 1], [], []>, transpose_lhs_hint = false} : vector<2000x128xf32>, vector<128x1xf32>, vector<2000x1xf32> -> vector<2000x1xf32>
    %mul3A_37 = arith.mulf %add3A_30, %add3A_30 : vector<2000x1xf32>
    %sub3A = arith.subf %dot_general3A_36, %mul3A_37 : vector<2000x1xf32>
    %sub3A_38 = vector.broadcast %add3A_30 : vector<2000x1xf32> to vector<2000x128xf32>
    %sub3A_39 = arith.subf %add3A_20, %sub3A_38 : vector<2000x128xf32>
    %add3A_40 = arith.constant 9.99999974E-6 : f32
    %add3A_41 = vector.broadcast %add3A_40 : f32 to vector<2000x1xf32>
    %add3A_42 = arith.addf %sub3A, %add3A_41 : vector<2000x1xf32>
    %rsqrt3A = math.rsqrt %add3A_42 : vector<2000x1xf32>
    %mul3A_43 = vector.broadcast %rsqrt3A : vector<2000x1xf32> to vector<2000x128xf32>
    %mul3A_44 = arith.mulf %sub3A_39, %mul3A_43 : vector<2000x128xf32>
    %get3A_45 = arith.constant 0 : index
    %get3A_46 = arith.constant 0 : index
    %get3A_47 = vector.load %arg9[%get3A_45, %get3A_46] : memref<1x128xf32, #tpu.memory_space<vmem>>, vector<1x128xf32>
    %mul3A_48 = vector.broadcast %get3A_47 : vector<1x128xf32> to vector<2000x128xf32>
    %mul3A_49 = arith.mulf %mul3A_44, %mul3A_48 : vector<2000x128xf32>
    %get3A_50 = arith.constant 0 : index
    %get3A_51 = arith.constant 0 : index
    %get3A_52 = vector.load %arg10[%get3A_50, %get3A_51] : memref<1x128xf32, #tpu.memory_space<vmem>>, vector<1x128xf32>
    %add3A_53 = vector.broadcast %get3A_52 : vector<1x128xf32> to vector<2000x128xf32>
    %add3A_54 = arith.addf %mul3A_49, %add3A_53 : vector<2000x128xf32>
    %max3A_55 = arith.constant 0.000000e+00 : f32
    %max3A_56 = vector.broadcast %max3A_55 : f32 to vector<2000x128xf32>
    %max3A_57 = arith.maximumf %add3A_54, %max3A_56 : vector<2000x128xf32>
    %get3A_58 = arith.constant 0 : index
    %get3A_59 = arith.constant 0 : index
    %get3A_60 = vector.load %arg11[%get3A_58, %get3A_59] : memref<128x1xf32, #tpu.memory_space<vmem>>, vector<128x1xf32>
    %dot_general3A_61 = arith.constant dense<0.000000e+00> : vector<2000x1xf32>
    %dot_general3A_62 = tpu.matmul %max3A_57, %get3A_60, %dot_general3A_61 {dimension_numbers = #tpu.dot_dimension_numbers<[1], [0], [0], [1], [0, 0, 1, 1], [], []>, transpose_lhs_hint = false} : vector<2000x128xf32>, vector<128x1xf32>, vector<2000x1xf32> -> vector<2000x1xf32>
    %swap3A = arith.constant 0 : index
    %swap3A_63 = arith.constant 0 : index
    %swap3A_64 = vector.load %arg12[%swap3A, %swap3A_63] : memref<2000x1xf32, #tpu.memory_space<vmem>>, vector<2000x1xf32>
    tpu.vector_store %arg12[%swap3A, %swap3A_63], %dot_general3A_62 {strides = array<i32>} : memref<2000x1xf32, #tpu.memory_space<vmem>>, vector<2000x1xf32>,
    return
  }
  func.func @transform_0(%arg0: i32) -> (i32, i32) {
    %add3A = arith.constant 5 : i32
    %add3A_0 = arith.addi %arg0, %add3A : i32
    %c0_i32 = arith.constant 0 : i32
    %c0_i32_1 = arith.constant 0 : i32
    return %add3A_0, %c0_i32 : i32, i32
  }
  func.func @transform_1(%arg0: i32) -> (i32, i32) {
    %c0_i32 = arith.constant 0 : i32
    %c0_i32_0 = arith.constant 0 : i32
    %c0_i32_1 = arith.constant 0 : i32
    return %c0_i32, %c0_i32_0 : i32, i32
  }
  func.func @transform_2(%arg0: i32) -> (i32, i32) {
    %c0_i32 = arith.constant 0 : i32
    %c0_i32_0 = arith.constant 0 : i32
    %c0_i32_1 = arith.constant 0 : i32
    return %c0_i32, %c0_i32_0 : i32, i32
  }
  func.func @transform_3(%arg0: i32) -> (i32, i32) {
    %c0_i32 = arith.constant 0 : i32
    %c0_i32_0 = arith.constant 0 : i32
    %c0_i32_1 = arith.constant 0 : i32
    return %c0_i32, %c0_i32_0 : i32, i32
  }
  func.func @transform_4(%arg0: i32) -> (i32, i32) {
    %c0_i32 = arith.constant 0 : i32
    %c0_i32_0 = arith.constant 0 : i32
    %c0_i32_1 = arith.constant 0 : i32
    return %c0_i32, %c0_i32_0 : i32, i32
  }
  func.func @transform_5(%arg0: i32) -> (i32, i32) {
    %c0_i32 = arith.constant 0 : i32
    %c0_i32_0 = arith.constant 0 : i32
    %c0_i32_1 = arith.constant 0 : i32
    return %c0_i32, %c0_i32_0 : i32, i32
  }
  func.func @transform_6(%arg0: i32) -> (i32, i32) {
    %c0_i32 = arith.constant 0 : i32
    %c0_i32_0 = arith.constant 0 : i32
    %c0_i32_1 = arith.constant 0 : i32
    return %c0_i32, %c0_i32_0 : i32, i32
  }
  func.func @transform_7(%arg0: i32) -> (i32, i32) {
    %c0_i32 = arith.constant 0 : i32
    %c0_i32_0 = arith.constant 0 : i32
    %c0_i32_1 = arith.constant 0 : i32
    return %c0_i32, %c0_i32_0 : i32, i32
  }
  func.func @transform_8(%arg0: i32) -> (i32, i32) {
    %c0_i32 = arith.constant 0 : i32
    %c0_i32_0 = arith.constant 0 : i32
    %c0_i32_1 = arith.constant 0 : i32
    return %c0_i32, %c0_i32_0 : i32, i32
  }
  func.func @transform_9(%arg0: i32) -> (i32, i32) {
    %c0_i32 = arith.constant 0 : i32
    %c0_i32_0 = arith.constant 0 : i32
    %c0_i32_1 = arith.constant 0 : i32
    return %c0_i32, %c0_i32_0 : i32, i32
  }
  func.func @transform_10(%arg0: i32) -> (i32, i32) {
    %c0_i32 = arith.constant 0 : i32
    %c0_i32_0 = arith.constant 0 : i32
    %c0_i32_1 = arith.constant 0 : i32
    return %c0_i32, %c0_i32_0 : i32, i32
  }
  func.func @transform_11(%arg0: i32) -> (i32, i32) {
    %c0_i32 = arith.constant 0 : i32
    %c0_i32_0 = arith.constant 0 : i32
    return %arg0, %c0_i32 : i32, i32
  }
}

module attributes {stable_mosaic.version = 14 : i64} {
  func.func @body(%arg0: i32, %arg1: memref<2000x128xf32, #tpu.memory_space<vmem>>, %arg2: memref<2000x1xf32, #tpu.memory_space<vmem>>, %arg3: memref<2000x128xf32, #tpu.memory_space<vmem>>, %arg4: memref<2x2000x128xf32, #tpu.memory_space<vmem>>, %arg5: memref<2000x1xf32, #tpu.memory_space<vmem>>, %arg6: memref<1x128xf32, #tpu.memory_space<vmem>>, %arg7: memref<1x128xf32, #tpu.memory_space<vmem>>, %arg8: memref<1x128xf32, #tpu.memory_space<vmem>>, %arg9: memref<1x128xf32, #tpu.memory_space<vmem>>, %arg10: memref<128x128xf32, #tpu.memory_space<vmem>>, %arg11: memref<1x128xf32, #tpu.memory_space<vmem>>, %arg12: memref<1x128xf32, #tpu.memory_space<vmem>>, %arg13: memref<1x128xf32, #tpu.memory_space<vmem>>, %arg14: memref<2000x1xf32, #tpu.memory_space<vmem>>) attributes {dimension_semantics = [#tpu.dimension_semantics<arbitrary>], iteration_bounds = array<i64: 5>, scalar_prefetch = 0 : i64, scratch_operands = 0 : i64, tpu.core_type = #tpu.core_type<tc>, window_params = [{transform_indices = @transform_0, window_bounds = array<i64: 2000, 128>}, {transform_indices = @transform_1, window_bounds = array<i64: 2000, 1>}, {transform_indices = @transform_2, window_bounds = array<i64: 2000, 128>}, {transform_indices = @transform_3, window_bounds = array<i64: 2, 2000, 128>}, {transform_indices = @transform_4, window_bounds = array<i64: 2000, 1>}, {pipeline_mode = #tpu.pipeline_mode<synchronous>, transform_indices = @transform_5, window_bounds = array<i64: 1, 128>}, {pipeline_mode = #tpu.pipeline_mode<synchronous>, transform_indices = @transform_6, window_bounds = array<i64: 1, 128>}, {pipeline_mode = #tpu.pipeline_mode<synchronous>, transform_indices = @transform_7, window_bounds = array<i64: 1, 128>}, {pipeline_mode = #tpu.pipeline_mode<synchronous>, transform_indices = @transform_8, window_bounds = array<i64: 1, 128>}, {pipeline_mode = #tpu.pipeline_mode<synchronous>, transform_indices = @transform_9, window_bounds = array<i64: 128, 128>}, {pipeline_mode = #tpu.pipeline_mode<synchronous>, transform_indices = @transform_10, window_bounds = array<i64: 1, 128>}, {pipeline_mode = #tpu.pipeline_mode<synchronous>, transform_indices = @transform_11, window_bounds = array<i64: 1, 128>}, {pipeline_mode = #tpu.pipeline_mode<synchronous>, transform_indices = @transform_12, window_bounds = array<i64: 1, 128>}, {transform_indices = @transform_13, window_bounds = array<i64: 2000, 1>}]} {
    %get3A = arith.constant 0 : index
    %get3A_0 = arith.constant 0 : index
    %get3A_1 = vector.load %arg1[%get3A, %get3A_0] : memref<2000x128xf32, #tpu.memory_space<vmem>>, vector<2000x128xf32>
    %get3A_2 = arith.constant 0 : index
    %get3A_3 = arith.constant 0 : index
    %get3A_4 = vector.load %arg2[%get3A_2, %get3A_3] : memref<2000x1xf32, #tpu.memory_space<vmem>>, vector<2000x1xf32>
    %mul3A = vector.broadcast %get3A_4 : vector<2000x1xf32> to vector<2000x128xf32>
    %mul3A_5 = arith.mulf %get3A_1, %mul3A : vector<2000x128xf32>
    %get3A_6 = arith.constant 0 : index
    %get3A_7 = arith.constant 0 : index
    %get3A_8 = vector.load %arg8[%get3A_6, %get3A_7] : memref<1x128xf32, #tpu.memory_space<vmem>>, vector<1x128xf32>
    %add3A = vector.broadcast %get3A_8 : vector<1x128xf32> to vector<2000x128xf32>
    %add3A_9 = arith.addf %mul3A_5, %add3A : vector<2000x128xf32>
    %get3A_10 = arith.constant 0 : index
    %get3A_11 = arith.constant 0 : index
    %get3A_12 = vector.load %arg3[%get3A_10, %get3A_11] : memref<2000x128xf32, #tpu.memory_space<vmem>>, vector<2000x128xf32>
    %add3A_13 = arith.addf %add3A_9, %get3A_12 : vector<2000x128xf32>
    %get3A_14 = arith.constant 0 : index
    %get3A_15 = arith.constant 0 : index
    %get3A_16 = vector.load %arg6[%get3A_14, %get3A_15] : memref<1x128xf32, #tpu.memory_space<vmem>>, vector<1x128xf32>
    %mul3A_17 = vector.broadcast %get3A_16 : vector<1x128xf32> to vector<2000x128xf32>
    %mul3A_18 = arith.mulf %add3A_13, %mul3A_17 : vector<2000x128xf32>
    %get3A_19 = arith.constant 0 : index
    %get3A_20 = arith.constant 0 : index
    %get3A_21 = vector.load %arg7[%get3A_19, %get3A_20] : memref<1x128xf32, #tpu.memory_space<vmem>>, vector<1x128xf32>
    %add3A_22 = vector.broadcast %get3A_21 : vector<1x128xf32> to vector<2000x128xf32>
    %add3A_23 = arith.addf %mul3A_18, %add3A_22 : vector<2000x128xf32>
    %max3A = arith.constant 0.000000e+00 : f32
    %max3A_24 = vector.broadcast %max3A : f32 to vector<2000x128xf32>
    %max3A_25 = arith.maximumf %add3A_23, %max3A_24 : vector<2000x128xf32>
    %get3A_26 = arith.constant 0 : index
    %get3A_27 = arith.constant 0 : index
    %get3A_28 = vector.load %arg2[%get3A_26, %get3A_27] : memref<2000x1xf32, #tpu.memory_space<vmem>>, vector<2000x1xf32>
    %mul3A_29 = vector.broadcast %get3A_28 : vector<2000x1xf32> to vector<2000x128xf32>
    %mul3A_30 = arith.mulf %max3A_25, %mul3A_29 : vector<2000x128xf32>
    %get3A_31 = arith.constant 0 : index
    %get3A_32 = arith.constant 0 : index
    %get3A_33 = vector.load %arg10[%get3A_31, %get3A_32] : memref<128x128xf32, #tpu.memory_space<vmem>>, vector<128x128xf32>
    %dot_general3A = arith.constant dense<0.000000e+00> : vector<2000x128xf32>
    %dot_general3A_34 = tpu.matmul %mul3A_30, %get3A_33, %dot_general3A {dimension_numbers = #tpu.dot_dimension_numbers<[1], [0], [0], [1], [0, 0, 1, 1], [], []>, transpose_lhs_hint = false} : vector<2000x128xf32>, vector<128x128xf32>, vector<2000x128xf32> -> vector<2000x128xf32>
    %get3A_35 = arith.constant 0 : index
    %get3A_36 = arith.constant 0 : index
    %get3A_37 = arith.constant 0 : index
    %get3A_38 = vector.load %arg4[%get3A_35, %get3A_36, %get3A_37] : memref<2x2000x128xf32, #tpu.memory_space<vmem>>, vector<1x2000x128xf32>
    %get3A_39 = vector.shape_cast %get3A_38 : vector<1x2000x128xf32> to vector<2000x128xf32>
    %get3A_40 = arith.constant 1 : index
    %get3A_41 = arith.constant 0 : index
    %get3A_42 = arith.constant 0 : index
    %get3A_43 = vector.load %arg4[%get3A_40, %get3A_41, %get3A_42] : memref<2x2000x128xf32, #tpu.memory_space<vmem>>, vector<1x2000x128xf32>
    %get3A_44 = vector.shape_cast %get3A_43 : vector<1x2000x128xf32> to vector<2000x128xf32>
    %add3A_45 = arith.addf %get3A_39, %get3A_44 : vector<2000x128xf32>
    %get3A_46 = arith.constant 0 : index
    %get3A_47 = arith.constant 0 : index
    %get3A_48 = vector.load %arg5[%get3A_46, %get3A_47] : memref<2000x1xf32, #tpu.memory_space<vmem>>, vector<2000x1xf32>
    %mul3A_49 = vector.broadcast %get3A_48 : vector<2000x1xf32> to vector<2000x128xf32>
    %mul3A_50 = arith.mulf %add3A_45, %mul3A_49 : vector<2000x128xf32>
    %get3A_51 = arith.constant 0 : index
    %get3A_52 = arith.constant 0 : index
    %get3A_53 = vector.load %arg9[%get3A_51, %get3A_52] : memref<1x128xf32, #tpu.memory_space<vmem>>, vector<1x128xf32>
    %add3A_54 = vector.broadcast %get3A_53 : vector<1x128xf32> to vector<2000x128xf32>
    %add3A_55 = arith.addf %dot_general3A_34, %add3A_54 : vector<2000x128xf32>
    %add3A_56 = arith.addf %add3A_55, %mul3A_50 : vector<2000x128xf32>
    %reduce_sum3A = arith.constant dense<0.000000e+00> : vector<2000xf32>
    %reduce_sum3A_57 = vector.multi_reduction <add>, %add3A_56, %reduce_sum3A [1] : vector<2000x128xf32> to vector<2000xf32>
    %broadcast_in_dim3A = vector.shape_cast %reduce_sum3A_57 : vector<2000xf32> to vector<2000x1xf32>
    %div3A = arith.constant 1.280000e+02 : f32
    %div3A_58 = vector.broadcast %div3A : f32 to vector<2000x1xf32>
    %div3A_59 = arith.divf %broadcast_in_dim3A, %div3A_58 : vector<2000x1xf32>
    %mul3A_60 = arith.mulf %add3A_56, %add3A_56 : vector<2000x128xf32>
    %reduce_sum3A_61 = arith.constant dense<0.000000e+00> : vector<2000xf32>
    %reduce_sum3A_62 = vector.multi_reduction <add>, %mul3A_60, %reduce_sum3A_61 [1] : vector<2000x128xf32> to vector<2000xf32>
    %broadcast_in_dim3A_63 = vector.shape_cast %reduce_sum3A_62 : vector<2000xf32> to vector<2000x1xf32>
    %div3A_64 = arith.constant 1.280000e+02 : f32
    %div3A_65 = vector.broadcast %div3A_64 : f32 to vector<2000x1xf32>
    %div3A_66 = arith.divf %broadcast_in_dim3A_63, %div3A_65 : vector<2000x1xf32>
    %mul3A_67 = arith.mulf %div3A_59, %div3A_59 : vector<2000x1xf32>
    %sub3A = arith.subf %div3A_66, %mul3A_67 : vector<2000x1xf32>
    %sub3A_68 = vector.broadcast %div3A_59 : vector<2000x1xf32> to vector<2000x128xf32>
    %sub3A_69 = arith.subf %add3A_56, %sub3A_68 : vector<2000x128xf32>
    %add3A_70 = arith.constant 9.99999974E-6 : f32
    %add3A_71 = vector.broadcast %add3A_70 : f32 to vector<2000x1xf32>
    %add3A_72 = arith.addf %sub3A, %add3A_71 : vector<2000x1xf32>
    %rsqrt3A = math.rsqrt %add3A_72 : vector<2000x1xf32>
    %mul3A_73 = vector.broadcast %rsqrt3A : vector<2000x1xf32> to vector<2000x128xf32>
    %mul3A_74 = arith.mulf %sub3A_69, %mul3A_73 : vector<2000x128xf32>
    %get3A_75 = arith.constant 0 : index
    %get3A_76 = arith.constant 0 : index
    %get3A_77 = vector.load %arg11[%get3A_75, %get3A_76] : memref<1x128xf32, #tpu.memory_space<vmem>>, vector<1x128xf32>
    %mul3A_78 = vector.broadcast %get3A_77 : vector<1x128xf32> to vector<2000x128xf32>
    %mul3A_79 = arith.mulf %mul3A_74, %mul3A_78 : vector<2000x128xf32>
    %get3A_80 = arith.constant 0 : index
    %get3A_81 = arith.constant 0 : index
    %get3A_82 = vector.load %arg12[%get3A_80, %get3A_81] : memref<1x128xf32, #tpu.memory_space<vmem>>, vector<1x128xf32>
    %add3A_83 = vector.broadcast %get3A_82 : vector<1x128xf32> to vector<2000x128xf32>
    %add3A_84 = arith.addf %mul3A_79, %add3A_83 : vector<2000x128xf32>
    %max3A_85 = arith.constant 0.000000e+00 : f32
    %max3A_86 = vector.broadcast %max3A_85 : f32 to vector<2000x128xf32>
    %max3A_87 = arith.maximumf %add3A_84, %max3A_86 : vector<2000x128xf32>
    %get3A_88 = arith.constant 0 : index
    %get3A_89 = arith.constant 0 : index
    %get3A_90 = vector.load %arg13[%get3A_88, %get3A_89] : memref<1x128xf32, #tpu.memory_space<vmem>>, vector<1x128xf32>
    %mul3A_91 = vector.broadcast %get3A_90 : vector<1x128xf32> to vector<2000x128xf32>
    %mul3A_92 = arith.mulf %max3A_87, %mul3A_91 : vector<2000x128xf32>
    %reduce_sum3A_93 = arith.constant dense<0.000000e+00> : vector<2000xf32>
    %reduce_sum3A_94 = vector.multi_reduction <add>, %mul3A_92, %reduce_sum3A_93 [1] : vector<2000x128xf32> to vector<2000xf32>
    %broadcast_in_dim3A_95 = vector.shape_cast %reduce_sum3A_94 : vector<2000xf32> to vector<2000x1xf32>
    %swap3A = arith.constant 0 : index
    %swap3A_96 = arith.constant 0 : index
    %swap3A_97 = vector.load %arg14[%swap3A, %swap3A_96] : memref<2000x1xf32, #tpu.memory_space<vmem>>, vector<2000x1xf32>
    tpu.vector_store %arg14[%swap3A, %swap3A_96], %broadcast_in_dim3A_95 {strides = array<i32>} : memref<2000x1xf32, #tpu.memory_space<vmem>>, vector<2000x1xf32>,
    return
  }
  func.func @transform_0(%arg0: i32) -> (i32, i32) {
    %c0_i32 = arith.constant 0 : i32
    %c0_i32_0 = arith.constant 0 : i32
    return %arg0, %c0_i32 : i32, i32
  }
  func.func @transform_1(%arg0: i32) -> (i32, i32) {
    %c0_i32 = arith.constant 0 : i32
    %c0_i32_0 = arith.constant 0 : i32
    return %arg0, %c0_i32 : i32, i32
  }
  func.func @transform_2(%arg0: i32) -> (i32, i32) {
    %c0_i32 = arith.constant 0 : i32
    %c0_i32_0 = arith.constant 0 : i32
    return %arg0, %c0_i32 : i32, i32
  }
  func.func @transform_3(%arg0: i32) -> (i32, i32, i32) {
    %c0_i32 = arith.constant 0 : i32
    %c0_i32_0 = arith.constant 0 : i32
    %c0_i32_1 = arith.constant 0 : i32
    return %c0_i32, %arg0, %c0_i32_0 : i32, i32, i32
  }
  func.func @transform_4(%arg0: i32) -> (i32, i32) {
    %c0_i32 = arith.constant 0 : i32
    %c0_i32_0 = arith.constant 0 : i32
    return %arg0, %c0_i32 : i32, i32
  }
  func.func @transform_5(%arg0: i32) -> (i32, i32) {
    %c0_i32 = arith.constant 0 : i32
    %c0_i32_0 = arith.constant 0 : i32
    %c0_i32_1 = arith.constant 0 : i32
    return %c0_i32, %c0_i32_0 : i32, i32
  }
  func.func @transform_6(%arg0: i32) -> (i32, i32) {
    %c0_i32 = arith.constant 0 : i32
    %c0_i32_0 = arith.constant 0 : i32
    %c0_i32_1 = arith.constant 0 : i32
    return %c0_i32, %c0_i32_0 : i32, i32
  }
  func.func @transform_7(%arg0: i32) -> (i32, i32) {
    %c0_i32 = arith.constant 0 : i32
    %c0_i32_0 = arith.constant 0 : i32
    %c0_i32_1 = arith.constant 0 : i32
    return %c0_i32, %c0_i32_0 : i32, i32
  }
  func.func @transform_8(%arg0: i32) -> (i32, i32) {
    %c0_i32 = arith.constant 0 : i32
    %c0_i32_0 = arith.constant 0 : i32
    %c0_i32_1 = arith.constant 0 : i32
    return %c0_i32, %c0_i32_0 : i32, i32
  }
  func.func @transform_9(%arg0: i32) -> (i32, i32) {
    %c0_i32 = arith.constant 0 : i32
    %c0_i32_0 = arith.constant 0 : i32
    %c0_i32_1 = arith.constant 0 : i32
    return %c0_i32, %c0_i32_0 : i32, i32
  }
  func.func @transform_10(%arg0: i32) -> (i32, i32) {
    %c0_i32 = arith.constant 0 : i32
    %c0_i32_0 = arith.constant 0 : i32
    %c0_i32_1 = arith.constant 0 : i32
    return %c0_i32, %c0_i32_0 : i32, i32
  }
  func.func @transform_11(%arg0: i32) -> (i32, i32) {
    %c0_i32 = arith.constant 0 : i32
    %c0_i32_0 = arith.constant 0 : i32
    %c0_i32_1 = arith.constant 0 : i32
    return %c0_i32, %c0_i32_0 : i32, i32
  }
  func.func @transform_12(%arg0: i32) -> (i32, i32) {
    %c0_i32 = arith.constant 0 : i32
    %c0_i32_0 = arith.constant 0 : i32
    %c0_i32_1 = arith.constant 0 : i32
    return %c0_i32, %c0_i32_0 : i32, i32
  }
  func.func @transform_13(%arg0: i32) -> (i32, i32) {
    %c0_i32 = arith.constant 0 : i32
    %c0_i32_0 = arith.constant 0 : i32
    return %arg0, %c0_i32 : i32, i32
  }
}

</mosaic_0001>

<sc_bundles>
// kernel: kernel.11.cloned.1.call-start
scs
__scs_entry_jumppad:
0x0: {  	(pc) =	sbr.rel $0x88, $3  }
0x1: {  	(tag) =	ssettag $0x0;
	lr =	simm.s32 $0x1  }
0x2: {  	[smem:$0x3F95] =	sst lr;
	_ =	strace $0xD0000000  }
0x3: {  	_ = 	snop  }
0x4: {  	_ = 	snop  }
0x5: {  	_ = 	snop  }
0x6: {  	_ = 	snop  }
0x7: {  	_ = 	snop  }
__scs_overlays_trampoline_lowered:
0x8: {  	[smem:$0x3FA4] =	sst s0  }
0x9: {  	[smem:$0x3FA5] =	sst s1  }
0xa: {  	[smem:$0x3FA6] =	sst s2  }
0xb: {  	[smem:$0x3FA7] =	sst s3  }
0xc: {  	[smem:$0x3FA8] =	sst s4  }
0xd: {  	[smem:$0x3FA9] =	sst s5  }
0xe: {  	[smem:$0x3FAA] =	sst s6  }
0xf: {  	[smem:$0x3FAB] =	sst s7  }
0x10: {  	[smem:$0x3FAC] =	sst s8  }
0x11: {  	[smem:$0x3FAD] =	sst s9;
	s0 =	simm.s32 @!p0 $0x0  }
0x12: {  	s1 =	sld [smem:$0x3F93];
	s0 =	simm.s32 @p0 $0x1  }
0x13: {  	[smem:$0x3FAE] =	sst s0;
	s0 =	simm.s32 @!p1 $0x0  }
0x14: {  	s2 =	sld [smem:$0x3F92];
	s0 =	simm.s32 @p1 $0x1  }
0x15: {  	[smem:$0x3FAF] =	sst s0;
	s0 =	simm.s32 @!p2 $0x0  }
0x16: {  	s3 =	sld [smem:$0x3FDB];
	s0 =	simm.s32 @p2 $0x1  }
0x17: {  	s4 =	simm.s32 $0x1BF5;
	[smem:$0x3FB1] =	sst s0  }
0x18: {  	s0 =	sld [smem:$0x3F94];
	_ =	swait.ge [sflag:s4], $0x0  }
0x19: {  	s7 =	sld [smem:$0x3F95]  }
0x1a: {  	s8 =	sadd.s32 $0xFFFFE003, lr  }
0x1b: {  	s9 =	sadd.s32 $0xFFFFFEF7, lr;
	s5 =	simm.s32 $0xFFFFFFFF;
	p2 =	slt.u32 s8, $0xFFFFF086  }
0x1c: {  	p1 =	slt.u32 s9, $0xF7A;
	s5 =	simm.s32 @!p2 $0x0  }
0x1d: {  	s5 =	simm.s32 @p1 $0x1;
	p0 =	seq.s32 s7, s2  }
0x1e: {  	s7 =	smul.u32 @!p0 $0xF7A, s2;
	p2 =	seq.s32 @!p0 s5, $0x0  }
0x1f: {  	s9 =	smul.u32 $0xF7A, s1;
	s8 =	simm.s32 @!p0 $0x1BF5;
	p2 =	por !p2, p0  }
0x20: {  	[sflag:s8] =	ssyncset.s32 @!p0 $0xFFFFF086;
	s6 =	sadd.s32 @!p0 s3, s7;
	s7 =	simm.s32 @!p0 $0x108  }
0x21: {  	s3 =	sadd.s32 s3, s9;
	s6 =	sadd.s32 @!p0 $0x88, s6;
	s7 =	simm.s32 @p2 $0x1082  }
0x22: {  	[simem:s7], [sflag:s8] =	dma.local @!p0 [hbm:s6], $0xF7A  }
0x23: {  	s9 =	sor.u32 $0xD0000000, s2;
	s6 =	simm.s32 $0x108;
	_ =	swait.ge @!p0 [sflag:s8], $0x0  }
0x24: {  	s3 =	sadd.s32 $0x88, s3;
	s6 =	simm.s32 @!p1 $0x1082;
	[sflag:s4] =	ssyncset.s32 $0xFFFFF086  }
0x25: {  	[simem:s6], [sflag:s4] =	dma.local [hbm:s3], $0xF7A  }
0x26: {  	[smem:$0x3F95] =	sst s1;
	(tag) =	ssettag s2;
	_ =	strace s9  }
0x27: {  	s1 =	sld [smem:$0x3FA5]  }
0x28: {  	s2 =	sld [smem:$0x3FA6]  }
0x29: {  	s4 =	sld [smem:$0x3FA8]  }
0x2a: {  	p0 =	seq.s32 s5, $0x0;
	s5 =	sld [smem:$0x3FA9]  }
0x2b: {  	s6 =	sld [smem:$0x3FAA]  }
0x2c: {  	s7 =	sld [smem:$0x3FAB]  }
0x2d: {  	s3 =	simm.s32 $0x108;
	s8 =	sld [smem:$0x3FAC]  }
0x2e: {  	s3 =	simm.s32 @!p0 $0x1082;
	s9 =	sld [smem:$0x3FAD]  }
0x2f: {  	lr =	sadd.s32 s0, s3;
	s0 =	sld [smem:$0x3FA4]  }
0x30: {  	s3 =	sld [smem:$0x3FA7]  }
0x31: {  	[smem:$0x3FB0] =	sst s10  }
0x32: {  	s10 =	sld [smem:$0x3FAE];
	_ =	sdelay $0x3  }
0x33: {  	p0 =	seq.s32 s10, $0x1;
	s10 =	sld [smem:$0x3FB0];
	_ =	sdelay $0x3  }
0x34: {  	[smem:$0x3FB0] =	sst s10  }
0x35: {  	s10 =	sld [smem:$0x3FAF];
	_ =	sdelay $0x3  }
0x36: {  	p1 =	seq.s32 s10, $0x1;
	s10 =	sld [smem:$0x3FB0];
	_ =	sdelay $0x3  }
0x37: {  	[smem:$0x3FB0] =	sst s10  }
0x38: {  	s10 =	sld [smem:$0x3FB1]  }
0x39: {  	_ = 	snop;
	(pc) =	sbr.ind lr, $3  }
0x3a: {  	_ = 	snop  }
0x3b: {  	_ = 	snop  }
0x3c: {  	p2 =	seq.s32 s10, $0x1;
	s10 =	sld [smem:$0x3FB0]  }
0x3d: {  	_ =	shalt  }
0x3e: {  	_ =	shalt  }
0x3f: {  	_ =	shalt  }
0x40: {  	_ =	shalt  }
0x41: {  	_ =	shalt  }
0x42: {  	_ =	shalt  }
0x43: {  	_ =	shalt  }
0x44: {  	_ =	shalt  }
0x45: {  	_ =	shalt  }
0x46: {  	_ =	shalt  }
0x47: {  	_ =	shalt  }
0x48: {  	_ =	shalt  }
0x49: {  	_ =	shalt  }
0x4a: {  	_ =	shalt  }
0x4b: {  	_ =	shalt  }
0x4c: {  	_ =	shalt  }
0x4d: {  	_ =	shalt  }
0x4e: {  	_ =	shalt  }
0x4f: {  	_ =	shalt  }
0x50: {  	_ =	shalt  }
0x51: {  	_ =	shalt  }
0x52: {  	_ =	shalt  }
0x53: {  	_ =	shalt  }
0x54: {  	_ =	shalt  }
0x55: {  	_ =	shalt  }
0x56: {  	_ =	shalt  }
0x57: {  	_ =	shalt  }
0x58: {  	_ =	shalt  }
0x59: {  	_ =	shalt  }
0x5a: {  	_ =	shalt  }
0x5b: {  	_ =	shalt  }
0x5c: {  	_ =	shalt  }
0x5d: {  	_ =	shalt  }
0x5e: {  	_ =	shalt  }
0x5f: {  	_ =	shalt  }
0x60: {  	_ =	shalt  }
0x61: {  	_ =	shalt  }
0x62: {  	_ =	shalt  }
0x63: {  	_ =	shalt  }
0x64: {  	_ =	shalt  }
0x65: {  	_ =	shalt  }
0x66: {  	_ =	shalt  }
0x67: {  	_ =	shalt  }
0x68: {  	_ =	shalt  }
0x69: {  	_ =	shalt  }
0x6a: {  	_ =	shalt  }
0x6b: {  	_ =	shalt  }
0x6c: {  	_ =	shalt  }
0x6d: {  	_ =	shalt  }
0x6e: {  	_ =	shalt  }
0x6f: {  	_ =	shalt  }
0x70: {  	_ =	shalt  }
0x71: {  	_ =	shalt  }
0x72: {  	_ =	shalt  }
0x73: {  	_ =	shalt  }
0x74: {  	_ =	shalt  }
0x75: {  	_ =	shalt  }
0x76: {  	_ =	shalt  }
0x77: {  	_ =	shalt  }
0x78: {  	_ =	shalt  }
0x79: {  	_ =	shalt  }
0x7a: {  	_ =	shalt  }
0x7b: {  	_ =	shalt  }
0x7c: {  	_ =	shalt  }
0x7d: {  	_ =	shalt  }
0x7e: {  	_ =	shalt  }
0x7f: {  	_ =	shalt  }
0x80: {  	_ =	shalt  }
0x81: {  	_ =	shalt  }
0x82: {  	_ =	shalt  }
0x83: {  	_ =	shalt  }
0x84: {  	_ =	shalt  }
0x85: {  	_ =	shalt  }
0x86: {  	_ =	shalt  }
0x87: {  	_ =	shalt  }
.Lfunc_end0:
.L_simem_size_0:
called_computation_lowered:
.L_overlay_start_0:
0x88: {  	s2 =	sld [smem:$0x3FD9]  }
0x89: {  	s3 =	sld [smem:$0x3FFE];
	_ =	sdelay $0x1  }
0x8a: {  	s1 =	srdreg.scid  }
0x8b: {  	s0 =	sand.u32 $0x1, s1  }
0x8c: {  	s17 =	sshll.u32 s0, $0xA;
	s2 =	sadd.s32 s3, s2  }
0x8d: {  	s2 =	sadd.s32 s2, s17  }
0x8e: {  	[smem:$0x3FBC] =	sst s2  }
0x8f: {  	_ = 	snop  }
0x90: {  	s2 =	sld [smem:$0x3FD0];
	(tm) =	ssettm $0x1  }
0x91: {  	s18 =	sld [smem:$0x3FFB];
	_ =	sdelay $0x3  }
0x92: {  	_ =	strace s18  }
0x93: {  	s3 =	sld [smem:$0x3FFC];
	_ =	sdelay $0x3  }
0x94: {  	_ =	strace s3  }
0x95: {  	s3 =	sld [smem:$0x3FFD];
	_ =	sdelay $0x3  }
0x96: {  	_ =	strace s3  }
0x97: {  	_ =	strace $0x8FFFFFFF  }
0x98: {  	s19 =	sld [smem:$0x3FDB];
	_ =	sdelay $0x1  }
0x99: {  	s4 =	simm.s32 $_scs_section_size  }
0x9a: {  	s5 =	simm.s32 $_size__tile_overlayer_lowered;
	s6 =	simm.s32 $_tile_overlayer_lowered  }
0x9b: {  	s22 =	simm.s32 $0x1BFF;
	s21 =	sshll.u32 s6, $0x1;
	s3 =	sadd.s32 s4, s19  }
0x9c: {  	s7 =	simm.s32 $0x0;
	s20 =	sshll.u32 s5, $0x1;
	s5 =	sadd.s32 s21, s3  }
0x9d: {  	[timem:s7], [sflag:s22] =	dma.local [hbm:s5], s20  }
0x9e: {  	_ =	swait.ge [sflag:s22], s20  }
0x9f: {  	s4 =	ssub.s32 $0x0, s20;
	[sflag:s22] =	ssyncset.done $0x0  }
0xa0: {  	[sflag:s22] =	ssyncadd.s32 s4;
	_ =	sdelay $0x1  }
0xa1: {  	s23 =	simm.s32 $0x1B8B  }
0xa2: {  	_ =	swait.ge [sflag:s23], $0x1  }
0xa3: {  	[sflag:s23] =	ssyncset.done $0x0  }
0xa4: {  	s25 =	simm.s32 $0x1B8E;
	s24 =	sld [smem:$0x3FFE];
	[sflag:s23] =	ssyncadd.s32 $0xFFFFFFFF  }
0xa5: {  	s26 =	simm.s32 $execute0_lowered;
	[smem:$0x3FD2] =	sst s25  }
0xa6: {  	s5 =	sshll.u32 s26, $0x1;
	_ =	strace $0x80000046;
	[dreg:$0x1] =	wrdreg $0xFFFFFFFF  }
0xa7: {  	s28 =	simm.s32 $_size_execute0_lowered;
	s3 =	sadd.s32 s3, s5;
	[dreg:$0x0] =	wrdreg $0x0  }
0xa8: {  	s5 =	sshll.u32 s28, $0x1;
	[dreg:$0x2] =	wrdreg s3  }
0xa9: {  	[dreg:$0x3] =	wrdreg s5  }
0xaa: {  	[dreg:$0x4] =	wrdreg $0xC0  }
0xab: {  	_ =	task [dreg:s7], $0x5FFFF  }
0xac: {  	[dreg:$0x1] =	wrdreg $0xFFFFFFFF  }
0xad: {  	[dreg:$0x0] =	wrdreg $0x60  }
0xae: {  	[dreg:$0x2] =	wrdreg s24  }
0xaf: {  	[dreg:$0x3] =	wrdreg s2  }
0xb0: {  	[dreg:$0x4] =	wrdreg $0x174000  }
0xb1: {  	[dreg:$0x5] =	wrdreg $0x9  }
0xb2: {  	_ =	task.clear_ibuf [dreg:s7], $0x6FFFF;
	_ =	strace $0x90000046  }
0xb3: {  	s29 =	simm.s32 $0x9;
	_ =	strace $0x80000048  }
0xb4: {  	_ =	swait.ge [sflag:s29], $0x1  }
0xb5: {  	[sflag:s29] =	ssyncadd.s32 $0xFFFFFFFF  }
0xb6: {  	_ =	strace $0x90000048  }
0xb7: {  	_ =	sfence  }
0xb8: {  	s30 =	sld [smem:$0x0];
	_ =	sdelay $0x2  }
0xb9: {  	s31 =	sshll.u32 s1, $0xD;
	s1 =	sshrl.u32 s1, $0x2  }
0xba: {  	s3 =	sand.u32 $0x4000, s31;
	s1 =	sadd.s32 s1, s30  }
0xbb: {  	s0 =	sor.u32 s3, s0;
	s1 =	sshll.u32 s1, $0x11  }
0xbc: {  	s0 =	sor.u32 s1, s0  }
0xbd: {  	s0 =	sadd.s32 $0x8F2B, s0  }
0xbe: {  	[sflag:s0] =	ssyncadd.remote.s32 $0x1  }
0xbf: {  	_ =	sfence.sel $0xFFFF  }
0xc0: {  	[dreg:$0x0] =	wrdreg $0xFFFFFFFF;
	(pc) =	sbr.abs _section_cstart, $3  }
0xc1: {  	[dreg:$0x1] =	wrdreg $0xFFFFFFFF  }
0xc2: {  	_ =	task.clear_ibuf [dreg:s7], $0x2FFFF;
	_ =	strace $0x9FFFFFFF  }
0xc3: {  	(tm) =	ssettm $0x7FFFFFFF  }
tec
execute0_lowered:
.L_overlay_start_1:
0x0: {  	(tag) =	ssettag $0x1  }
0x1: {  	s0 =	rddreg [dreg:$0x0]  }
0x2: {  	s2 =	rddreg [dreg:$0x1]  }
0x3: {  	s1 =	rddreg [dreg:$0x2];
	s4 =	srdreg.scid;
	s3 =	simm.s32 $0x0  }
0x4: {  	s15 =	stileid.u32;
	s17 =	simm.s32 $0x8;
	s28 =	simm.s32 $0xD000  }
0x5: {  	s29 =	simm.s32 $0x3;
	s30 =	simm.s32 $0x4;
	s31 =	simm.s32 $0x14800  }
0x6: {  	s16 =	simm.s32 $0x5;
	s9 =	sand.u32 $0x1, s4;
	s13 =	smul.u32 $0xA00, s15  }
0x7: {  	[smem:$0x7FF] =	sst s3;
	s5 =	sadd.s32 $0x2400, s0;
	s14 =	smul.u32 $0x2710, s15  }
0x8: {  	s8 =	sshll.u32 s15, $0x4;
	s20 =	smul.u32 $0x500, s15;
	s4 =	sshll.u32 s9, $0x4  }
0x9: {  	_ =	strace $0x80000047;
	s11 =	smul.u32 $0x27100, s9;
	s8 =	sand.u32 $0x70, s8  }
0xa: {  	s12 =	ssub.s32 $0x2, s9;
	s9 =	sshll.u32 s9, $0x7;
	s7 =	sor.u32 s15, s4  }
0xb: {  	s4 =	sadd.s32 $0x29600, s0;
	s18 =	sshrl.u32 s12, $0x1;
	s19 =	sshrl.u32 s13, $0x2  }
0xc: {  	s9 =	sor.u32 s9, s20;
	s20 =	simm.s32 $0x8000;
	s6 =	sshll.u32 s7, $0xB  }
0xd: {  	s7 =	sshll.u32 s7, $0x4;
	s12 =	ssub.s32 s12, s18;
	s9 =	sshrl.u32 s9, $0x3  }
0xe: {  	s18 =	simm.s32 $0x0;
	s10 =	sadd.s32 s6, s0;
	s6 =	sadd.s32 $0x70C00, s0  }
0xf: {  	s7 =	sand.u32 $0x180, s7;
	s25 =	sadd.s32 s2, s9;
	s26 =	smax.u32 s12, $0x1  }
0x10: {  	s2 =	simm.s32 $0x7;
	s7 =	sor.u32 s8, s7;
	s8 =	sadd.s32 s19, s1  }
0x11: {  	s21 =	sadd.s32 $0x50800, s10;
	s10 =	sadd.s32 $0x60800, s10;
	[dreg:$0x9] =	wrdreg s25  }
0x12: {  	[dreg:$0xa] =	wrdreg s26;
	s19 =	simm.s32 $0x50;
	s25 =	simm.s32 $0x2  }
0x13: {  	s26 =	simm.s32 $0x17000;
	s0 =	sadd.s32 s7, s0;
	[dreg:$0x4] =	wrdreg s21  }
0x14: {  	s7 =	sadd.s32 s14, s11;
	[dreg:$0x5] =	wrdreg s10;
	s24 =	sadd.s32 $0x70800, s0  }
0x15: {  	s22 =	sshll.u32 s7, $0x4;
	s0 =	sadd.s32 $0x70A00, s0;
	[dreg:$0x7] =	wrdreg s24  }
0x16: {  	s21 =	simm.s32 $0xA800;
	s23 =	sadd.s32 s22, s6;
	[dreg:$0x8] =	wrdreg s0  }
0x17: {  	s22 =	simm.s32 $0xF800;
	s24 =	simm.s32 $0x1;
	s10 =	sadd.s32 $0x26C00, s23  }
0x18: {  	v0 =	vimm.f32 $1.000000000e+00;
	s0 =	simm.s32 $0x6;
	s23 =	simm.s32 $0x12000;
	[dreg:$0x6] =	wrdreg s10  }
.LBB2_1:
0x19: {  	[tilespmem:$0x17000] =	vst v0  }
0x1a: {  	[tilespmem:$0x17010] =	vst v0  }
0x1b: {  	[tilespmem:$0x17020] =	vst v0  }
0x1c: {  	[tilespmem:$0x17030] =	vst v0  }
0x1d: {  	[tilespmem:$0x17040] =	vst v0;
	v1 =	vimm.f32 $0.0e+00  }
0x1e: {  	[tilespmem:$0x17080] =	vst v1  }
0x1f: {  	[tilespmem:$0x17090] =	vst v1  }
0x20: {  	[tilespmem:$0x170A0] =	vst v1  }
0x21: {  	[tilespmem:$0x170B0] =	vst v1  }
0x22: {  	[tilespmem:$0x170C0] =	vst v1  }
0x23: {  	[tilespmem:$0x170D0] =	vst v1  }
0x24: {  	[tilespmem:$0x170E0] =	vst v1  }
0x25: {  	[tilespmem:$0x170F0] =	vst v1  }
0x26: {  	[tilespmem:$0x17100] =	vst v1  }
0x27: {  	[tilespmem:$0x17110] =	vst v1  }
0x28: {  	[tilespmem:$0x17120] =	vst v1  }
0x29: {  	[tilespmem:$0x17130] =	vst v1  }
0x2a: {  	[tilespmem:$0x17140] =	vst v1  }
0x2b: {  	[tilespmem:$0x17150] =	vst v1  }
0x2c: {  	[tilespmem:$0x17160] =	vst v1  }
0x2d: {  	[tilespmem:$0x17170] =	vst v1  }
0x2e: {  	[tilespmem:$0x17180] =	vst v1  }
0x2f: {  	[tilespmem:$0x17190] =	vst v1  }
0x30: {  	[tilespmem:$0x171A0] =	vst v1  }
0x31: {  	[tilespmem:$0x171B0] =	vst v1  }
0x32: {  	[tilespmem:$0x171C0] =	vst v1  }
0x33: {  	[tilespmem:$0x171D0] =	vst v1  }
0x34: {  	[tilespmem:$0x171E0] =	vst v1  }
0x35: {  	[tilespmem:$0x171F0] =	vst v1  }
0x36: {  	[tilespmem:$0x17200] =	vst v1  }
0x37: {  	[tilespmem:$0x17210] =	vst v1  }
0x38: {  	[tilespmem:$0x17220] =	vst v1  }
0x39: {  	[tilespmem:$0x17230] =	vst v1  }
0x3a: {  	[tilespmem:$0x17240] =	vst v1  }
0x3b: {  	[tilespmem:$0x17250] =	vst v1  }
0x3c: {  	[tilespmem:$0x17260] =	vst v1  }
0x3d: {  	[tilespmem:$0x17270] =	vst v1  }
0x3e: {  	[tilespmem:$0x17280] =	vst v1  }
0x3f: {  	[tilespmem:$0x17290] =	vst v1  }
0x40: {  	[tilespmem:$0x172A0] =	vst v1  }
0x41: {  	[tilespmem:$0x172B0] =	vst v1  }
0x42: {  	[tilespmem:$0x172C0] =	vst v1  }
0x43: {  	[tilespmem:$0x172D0] =	vst v1  }
0x44: {  	[tilespmem:$0x172E0] =	vst v1  }
0x45: {  	s9 =	simm.s32 $0x17080;
	[tilespmem:$0x172F0] =	vst v1  }
0x46: {  	[spmem:s8] =	stream.linear.scatter [tilespmem:s9], [sflag:$0x8], $0x280, $0x38;
	[tilespmem:$0x17680] =	vst v63  }
0x47: {  	_ =	swait.ge [sflag:s17], $0x280  }
0x48: {  	[sflag:s17] =	ssyncset.done $0x0  }
0x49: {  	s14 =	rddreg [dreg:$0x4];
	[sflag:s17] =	ssyncadd.s32 $0xFFFFFD80  }
0x4a: {  	[tilespmem:s3], [sflag:$0x8] =	stream.linear.gather [hbm4b:s14+s3], $0x3E80, $0x38;
	[tilespmem:$0x17680] =	vst v63  }
0x4b: {  	_ =	swait.ge [sflag:s17], $0x3E80  }
0x4c: {  	[sflag:s17] =	ssyncset.done $0x0  }
0x4d: {  	s10 =	simm.s32 $0x4000;
	s15 =	rddreg [dreg:$0x5];
	[sflag:s17] =	ssyncadd.s32 $0xFFFFC180  }
0x4e: {  	[tilespmem:s10], [sflag:$0x8] =	stream.linear.gather [hbm4b:s15+s3], $0x3E80, $0x38;
	[tilespmem:$0x17680] =	vst v63  }
0x4f: {  	_ =	swait.ge [sflag:s17], $0x3E80  }
0x50: {  	[sflag:s17] =	ssyncset.done $0x0  }
0x51: {  	v21 =	vimm.f32 $0.0e+00;
	v10 =	vimm.f32 $0.0e+00;
	v2 =	vimm.f32 $0.0e+00;
	[sflag:s17] =	ssyncadd.s32 $0xFFFFC180  }
0x52: {  	v17 =	vimm.f32 $0.0e+00;
	v3 =	vimm.f32 $0.0e+00;
	v5 =	vimm.f32 $0.0e+00;
	[bflag:$0x0] =	sbarrier.arrive $0xFFFF  }
0x53: {  	v4 =	vimm.f32 $0.0e+00;
	v18 =	vimm.f32 $0.0e+00;
	v11 =	vimm.f32 $0.0e+00;
	[tilespmem:s20], [sflag:$0x1] =	stream.indirect.gather [hbm4b:s4+s19], $0x80, s3, s19, $0xb8;
	[tilespmem:$0x17680] =	vst v63  }
0x54: {  	v19 =	vimm.f32 $0.0e+00;
	v7 =	vimm.f32 $0.0e+00;
	v16 =	vimm.f32 $0.0e+00;
	s9 =	simm.s32 $0x0  }
0x55: {  	v6 =	vimm.f32 $0.0e+00;
	v8 =	vimm.f32 $0.0e+00;
	v9 =	vimm.f32 $0.0e+00;
	[tilespmem:s21], [sflag:$0x2] =	stream.indirect.gather [hbm4b:s5+s19], $0x80, s10, s19, $0xb8;
	[tilespmem:$0x17680] =	vst v63  }
.LBB2_2:
0x56: {  	s10 =	sshllo.u32 s9, $0x1  }
0x57: {  	s11 =	sshll.u32 s10, $0x7  }
0x58: {  	[tilespmem:s22], [sflag:$0x3] =	stream.indirect.gather [hbm4b:s4+s19], $0x80, s11, s19, $0xb8;
	[tilespmem:$0x17680] =	vst v63  }
0x59: {  	s11 =	sadd.s32 $0x4000, s11  }
0x5a: {  	[tilespmem:s23], [sflag:$0x4] =	stream.indirect.gather [hbm4b:s5+s19], $0x80, s11, s19, $0xb8;
	[tilespmem:$0x17680] =	vst v63  }
0x5b: {  	_ =	swait.ge [sflag:s24], $0x2800  }
0x5c: {  	[sflag:s24] =	ssyncset.done $0x0  }
0x5d: {  	[sflag:s24] =	ssyncadd.s32 $0xFFFFD800  }
0x5e: {  	s12 =	sshll.u32 s9, $0x8;
	_ =	swait.ge [sflag:s25], $0x2800  }
0x5f: {  	s13 =	sand.u32 $0x3FFFFF00, s12;
	[sflag:s25] =	ssyncset.done $0x0  }
0x60: {  	p0 =	seq.s32 s9, $0x0;
	s13 =	sadd.s32 $0x4000, s13;
	[sflag:s25] =	ssyncadd.s32 $0xFFFFD800  }
0x61: {  	[spmem:s1] =	stream.indirect.scatter.add.f32 [tilespmem:s26], [sflag:$0x7], $0x1, s13, s19, $0xb8;
	[tilespmem:$0x17680] =	vst v63  }
0x62: {  	s13 =	simm.s32 @!p0 $0x5  }
0x63: {  	_ =	swait.ge @!p0 [sflag:s13], $0x2800  }
0x64: {  	[sflag:s13] =	ssyncset.done @!p0 $0x0  }
0x65: {  	[sflag:s13] =	ssyncadd.s32 @!p0 $0xFFFFD800;
	s13 =	simm.s32 $0xF0  }
0x66: {  	v15 =	vld [tilespmem:s13+$0x7FC0]  }
0x67: {  	v13 =	vld [tilespmem:s13+$0x7FD0]  }
0x68: {  	v22 =	vld [tilespmem:s13+$0xA7B0]  }
0x69: {  	v25 =	vld [tilespmem:s13+$0xA7C0]  }
0x6a: {  	v23 =	vld [tilespmem:s13+$0x7FB0]  }
0x6b: {  	v12 =	vld [tilespmem:s13+$0xA740]  }
0x6c: {  	v20 =	vld [tilespmem:s13+$0xA7A0]  }
0x6d: {  	v14 =	vld [tilespmem:s13+$0xA7E0]  }
0x6e: {  	v26 =	vld [tilespmem:s13+$0x7FA0]  }
0x6f: {  	v24 =	vld [tilespmem:s13+$0x7FE0]  }
0x70: {  	v27 =	vld [tilespmem:s13+$0xA790]  }
0x71: {  	v28 =	vld [tilespmem:s13+$0x7F90]  }
0x72: {  	v29 =	vld [tilespmem:s13+$0xA780]  }
0x73: {  	v30 =	vld [tilespmem:s13+$0x7F40]  }
0x74: {  	v31 =	vld [tilespmem:s13+$0xA770]  }
0x75: {  	v32 =	vld [tilespmem:s13+$0x7F80]  }
0x76: {  	v33 =	vld [tilespmem:s13+$0xA7F0]  }
0x77: {  	v34 =	vld [tilespmem:s13+$0x7F70]  }
0x78: {  	v35 =	vld [tilespmem:s13+$0x7FF0]  }
0x79: {  	v37 =	vld [tilespmem:s13+$0xA760]  }
0x7a: {  	v61 =	vld [tilespmem:s13+$0x7F60];
	v14 =	vadd.f32 v14, v24  }
0x7b: {  	v38 =	vld [tilespmem:s13+$0x7F10];
	v36 =	vadd.f32 v12, v30;
	v29 =	vadd.f32 v29, v32  }
0x7c: {  	v39 =	vld [tilespmem:s13+$0xA710];
	v12 =	vadd.f32 v27, v28;
	v28 =	vadd.f32 v31, v34;
	[tilespmem:s13+$0xCFE0] =	vst v14  }
0x7d: {  	v24 =	vld [tilespmem:s13+$0xA800];
	v20 =	vadd.f32 v20, v26;
	v26 =	vadd.f32 v33, v35;
	[tilespmem:s13+$0xCF40] =	vst v36  }
0x7e: {  	v30 =	vld [tilespmem:s13+$0x7F20];
	v23 =	vadd.f32 v22, v23;
	[tilespmem:s13+$0xCF80] =	vst v29;
	v62 =	vmul.f32 v36, v36;
	v40 =	vmul.f32 v29, v29  }
0x7f: {  	v31 =	vld [tilespmem:s13+$0xA730];
	[tilespmem:s13+$0xCF90] =	vst v12;
	v18 =	vadd.f32 v29, v18;
	v22 =	vmul.f32 v28, v28;
	v27 =	vadd.f32 v36, v16  }
0x80: {  	v34 =	vld [tilespmem:s13+$0xA720];
	[tilespmem:s13+$0xCF70] =	vst v28;
	v16 =	vmul.f32 v12, v12;
	v11 =	vadd.f32 v28, v11;
	v28 =	vadd.f32 v37, v61  }
0x81: {  	v35 =	vld [tilespmem:s13+$0x7F30];
	[tilespmem:s13+$0xCFA0] =	vst v20;
	v29 =	vadd.f32 v25, v15;
	v15 =	vmul.f32 v26, v26;
	v25 =	vadd.f32 v39, v38  }
0x82: {  	[tilespmem:s13+$0xCFF0] =	vst v26;
	v37 =	vld [tilespmem:s13+$0x8000];
	v63 =	vadd.f32 v22, v10;
	v22 =	vmul.f32 v20, v20;
	v21 =	vadd.f32 v40, v21  }
0x83: {  	[tilespmem:s13+$0xCFB0] =	vst v23;
	v36 =	vld [tilespmem:s13+$0x7F50];
	v10 =	vadd.f32 v26, v11;
	v26 =	vmul.f32 v23, v23;
	v33 =	vadd.f32 v62, v17  }
0x84: {  	s14 =	simm.s32 $0x7C0;
	v38 =	vld [tilespmem:s13+$0xA750];
	[tilespmem:s13+$0xCFC0] =	vst v29;
	v32 =	vmul.f32 v29, v29;
	v17 =	vadd.f32 v28, v19;
	v11 =	vadd.f32 v15, v63  }
.LBB2_3:
0x85: {  	s15 =	sshra.s32 s14, $0x2;
	p1 =	sne.s32 s14, $0x9FC0;
	s14 =	sadd.s32 $0x400, s14;
	v19 =	vadd.f32 v34, v30;
	[tilespmem:s13+$0xCF60] =	vst v28;
	v28 =	vmul.f32 v28, v28;
	v27 =	vadd.f32 v29, v27;
	v29 =	vld [tilespmem:s13+$0xA7D0]  }
0x86: {  	v39 =	vld [tilespmem:s15+$0x7FC0];
	v30 =	vadd.f32 v31, v35;
	v15 =	vadd.f32 v32, v33  }
0x87: {  	v17 =	vadd.f32 v14, v17;
	v31 =	vld [tilespmem:s15+$0x7FD0];
	[tilespmem:s13+$0xCF20] =	vst v19;
	v32 =	vmul.f32 v19, v19;
	v24 =	vadd.f32 v24, v37  }
0x88: {  	v8 =	vadd.f32 v19, v8;
	v33 =	vld [tilespmem:s15+$0xA7B0];
	[tilespmem:s13+$0xCF30] =	vst v30;
	v6 =	vadd.f32 v30, v6;
	v19 =	vmul.f32 v30, v30  }
0x89: {  	v9 =	vadd.f32 v25, v9;
	v1 =	vadd.f32 v28, v1;
	v30 =	vmul.f32 v25, v25;
	v37 =	vld [tilespmem:s15+$0xA7C0];
	[tilespmem:s13+$0xD000] =	vst v24  }
0x8a: {  	v28 =	vmul.f32 v24, v24;
	v35 =	vld [tilespmem:s15+$0x7FB0];
	v3 =	vadd.f32 v19, v3;
	v19 =	vadd.f32 v38, v36  }
0x8b: {  	v5 =	vadd.f32 v32, v5;
	v6 =	vadd.f32 v23, v6;
	v34 =	vld [tilespmem:s15+$0xA740]  }
0x8c: {  	v23 =	vld [tilespmem:s15+$0xA7A0];
	[tilespmem:s13+$0xCF50] =	vst v19;
	v32 =	vmul.f32 v19, v19;
	v3 =	vadd.f32 v26, v3;
	v26 =	vadd.f32 v29, v13  }
0x8d: {  	v5 =	vadd.f32 v22, v5;
	v22 =	vmul.f32 v14, v14;
	v7 =	vadd.f32 v19, v7;
	v29 =	vld [tilespmem:s15+$0xA7E0];
	[tilespmem:s13+$0xCF10] =	vst v25  }
0x8e: {  	v8 =	vadd.f32 v20, v8;
	v19 =	vld [tilespmem:s15+$0x7FA0];
	v2 =	vadd.f32 v32, v2;
	[tilespmem:s13+$0xCFD0] =	vst v26;
	v14 =	vmul.f32 v26, v26;
	s13 =	smov.u32 s15  }
0x8f: {  	v18 =	vadd.f32 v24, v18;
	v13 =	vmov v31;
	v1 =	vadd.f32 v22, v1;
	v20 =	vld [tilespmem:s13+$0x7FE0]  }
0x90: {  	v4 =	vadd.f32 v30, v4;
	v22 =	vld [tilespmem:s13+$0xA790];
	v2 =	vadd.f32 v14, v2  }
0x91: {  	v21 =	vadd.f32 v28, v21;
	v7 =	vadd.f32 v26, v7;
	v25 =	vld [tilespmem:s13+$0x7F90]  }
0x92: {  	v9 =	vadd.f32 v12, v9;
	v4 =	vadd.f32 v16, v4;
	v26 =	vld [tilespmem:s13+$0xA780]  }
0x93: {  	v12 =	vld [tilespmem:s13+$0x7F40]  }
0x94: {  	v16 =	vld [tilespmem:s13+$0xA770];
	v14 =	vadd.f32 v29, v20  }
0x95: {  	v20 =	vld [tilespmem:s13+$0x7F80]  }
0x96: {  	[tilespmem:s13+$0xCFE0] =	vst v14;
	v28 =	vld [tilespmem:s13+$0xA7F0]  }
0x97: {  	v29 =	vld [tilespmem:s13+$0x7F70]  }
0x98: {  	v32 =	vadd.f32 v34, v12;
	v30 =	vld [tilespmem:s13+$0x7FF0]  }
0x99: {  	v24 =	vld [tilespmem:s13+$0xA800]  }
0x9a: {  	[tilespmem:s13+$0xCF40] =	vst v32;
	v38 =	vmul.f32 v32, v32;
	v36 =	vld [tilespmem:s13+$0xA760];
	v20 =	vadd.f32 v26, v20  }
0x9b: {  	v26 =	vld [tilespmem:s13+$0x7F60]  }
0x9c: {  	v12 =	vadd.f32 v22, v25;
	v40 =	vld [tilespmem:s13+$0x7F10];
	v29 =	vadd.f32 v16, v29;
	[tilespmem:s13+$0xCF80] =	vst v20;
	v41 =	vmul.f32 v20, v20  }
0x9d: {  	v18 =	vadd.f32 v20, v18;
	v25 =	vld [tilespmem:s13+$0xA710];
	v42 =	vadd.f32 v28, v30  }
0x9e: {  	v16 =	vmul.f32 v12, v12;
	v20 =	vadd.f32 v23, v19;
	v30 =	vld [tilespmem:s13+$0x7F20];
	v43 =	vmul.f32 v29, v29;
	[tilespmem:s13+$0xCF90] =	vst v12  }
0x9f: {  	v27 =	vadd.f32 v32, v27;
	v10 =	vadd.f32 v29, v10;
	v31 =	vld [tilespmem:s13+$0xA730];
	[tilespmem:s13+$0xCF70] =	vst v29  }
.Ltmp0:
0xa0: {  	v23 =	vadd.f32 v33, v35;
	v22 =	vmul.f32 v20, v20;
	v34 =	vld [tilespmem:s13+$0xA720];
	v28 =	vadd.f32 v36, v26;
	[tilespmem:s13+$0xCFA0] =	vst v20;
	(pc) =	sbr.rel @p1 .LBB2_3-.Ltmp0, $4  }
0xa1: {  	v29 =	vadd.f32 v37, v39;
	v19 =	vmul.f32 v42, v42;
	v11 =	vadd.f32 v43, v11;
	v35 =	vld [tilespmem:s13+$0x7F30];
	[tilespmem:s13+$0xCFF0] =	vst v42  }
0xa2: {  	v21 =	vadd.f32 v41, v21;
	v26 =	vmul.f32 v23, v23;
	v10 =	vadd.f32 v42, v10;
	[tilespmem:s13+$0xCFB0] =	vst v23;
	v37 =	vld [tilespmem:s13+$0x8000]  }
0xa3: {  	v32 =	vmul.f32 v29, v29;
	v25 =	vadd.f32 v25, v40;
	v11 =	vadd.f32 v19, v11;
	v36 =	vld [tilespmem:s13+$0x7F50];
	[tilespmem:s13+$0xCFC0] =	vst v29  }
0xa4: {  	v33 =	vadd.f32 v38, v15;
	v17 =	vadd.f32 v28, v17;
	v38 =	vld [tilespmem:s13+$0xA750]  }
0xa5: {  	v15 =	vld [tilespmem:s13+$0xA7D0]  }
0xa6: {  	[tilespmem:s13+$0xCF60] =	vst v28;
	v19 =	vadd.f32 v34, v30  }
0xa7: {  	[tilespmem:s13+$0xCF10] =	vst v25;
	v30 =	vadd.f32 v31, v35  }
0xa8: {  	s14 =	smul.u32 $0xA0, s9;
	[tilespmem:s13+$0xCF20] =	vst v19;
	v31 =	vadd.f32 v24, v37  }
0xa9: {  	[tilespmem:s13+$0xCF30] =	vst v30;
	v62 =	vadd.f32 v38, v36  }
0xaa: {  	s14 =	sadd.s32 s7, s14;
	[tilespmem:s13+$0xD000] =	vst v31;
	v63 =	vadd.f32 v15, v13  }
0xab: {  	s14 =	sshll.u32 s14, $0x4;
	[tilespmem:s13+$0xCF50] =	vst v62  }
0xac: {  	s15 =	sadd.s32 s6, s14;
	[tilespmem:s13+$0xCFD0] =	vst v63  }
0xad: {  	[hbm4b:s15+s3] =	stream.linear.scatter [tilespmem:s28], [sflag:$0x5], $0x2800, $0x38;
	[tilespmem:$0x17680] =	vst v63  }
0xae: {  	s14 =	sadd.s32 $0x100, s12  }
0xaf: {  	[tilespmem:s20], [sflag:$0x1] =	stream.indirect.gather [hbm4b:s4+s19], $0x80, s14, s19, $0xb8;
	[tilespmem:$0x17680] =	vst v63  }
0xb0: {  	s15 =	sadd.s32 $0x4100, s12  }
0xb1: {  	[tilespmem:s21], [sflag:$0x2] =	stream.indirect.gather [hbm4b:s5+s19], $0x80, s15, s19, $0xb8;
	[tilespmem:$0x17680] =	vst v63  }
0xb2: {  	_ =	swait.ge [sflag:s29], $0x2800  }
0xb3: {  	[sflag:s29] =	ssyncset.done $0x0  }
0xb4: {  	[sflag:s29] =	ssyncadd.s32 $0xFFFFD800  }
0xb5: {  	_ =	swait.ge [sflag:s30], $0x2800  }
0xb6: {  	[sflag:s30] =	ssyncset.done $0x0  }
0xb7: {  	[sflag:s30] =	ssyncadd.s32 $0xFFFFD800  }
0xb8: {  	[spmem:s1] =	stream.indirect.scatter.add.f32 [tilespmem:s26], [sflag:$0x7], $0x1, s11, s19, $0xb8;
	[tilespmem:$0x17680] =	vst v63  }
0xb9: {  	s11 =	simm.s32 @!p0 $0x6  }
0xba: {  	_ =	swait.ge @!p0 [sflag:s11], $0x2800  }
0xbb: {  	[sflag:s11] =	ssyncset.done @!p0 $0x0  }
0xbc: {  	[sflag:s11] =	ssyncadd.s32 @!p0 $0xFFFFD800;
	s11 =	simm.s32 $0xF0  }
0xbd: {  	v52 =	vld [tilespmem:s11+$0xF7C0]  }
0xbe: {  	v53 =	vld [tilespmem:s11+$0x11FB0]  }
0xbf: {  	v54 =	vld [tilespmem:s11+$0x11FC0]  }
0xc0: {  	v39 =	vld [tilespmem:s11+$0xF7B0]  }
0xc1: {  	v24 =	vld [tilespmem:s11+$0x11F40]  }
0xc2: {  	v40 =	vld [tilespmem:s11+$0x11FA0]  }
0xc3: {  	v15 =	vld [tilespmem:s11+$0x11FE0]  }
0xc4: {  	v41 =	vld [tilespmem:s11+$0xF7A0]  }
0xc5: {  	v42 =	vld [tilespmem:s11+$0xF7E0]  }
0xc6: {  	v28 =	vmul.f32 v28, v28;
	v49 =	vadd.f32 v29, v27;
	v33 =	vadd.f32 v32, v33;
	v43 =	vld [tilespmem:s11+$0x11F90]  }
0xc7: {  	v17 =	vadd.f32 v14, v17;
	v8 =	vadd.f32 v19, v8;
	v19 =	vmul.f32 v19, v19;
	v44 =	vld [tilespmem:s11+$0xF790]  }
0xc8: {  	v28 =	vadd.f32 v28, v1;
	v29 =	vmul.f32 v30, v30;
	v6 =	vadd.f32 v30, v6;
	v45 =	vld [tilespmem:s11+$0x11F80]  }
0xc9: {  	v8 =	vadd.f32 v20, v8;
	v30 =	vadd.f32 v31, v18;
	v46 =	vld [tilespmem:s11+$0xF740]  }
0xca: {  	v1 =	vadd.f32 v29, v3;
	v3 =	vadd.f32 v19, v5;
	v47 =	vld [tilespmem:s11+$0x11F70]  }
0xcb: {  	v5 =	vadd.f32 v23, v6;
	v23 =	vmul.f32 v31, v31;
	v7 =	vadd.f32 v62, v7;
	v55 =	vld [tilespmem:s11+$0xF780]  }
0xcc: {  	v6 =	vmul.f32 v62, v62;
	v1 =	vadd.f32 v26, v1;
	v3 =	vadd.f32 v22, v3;
	v48 =	vld [tilespmem:s11+$0x11FF0]  }
0xcd: {  	v22 =	vmul.f32 v25, v25;
	v20 =	vmul.f32 v63, v63;
	v21 =	vadd.f32 v23, v21;
	v27 =	vld [tilespmem:s11+$0xF770]  }
0xce: {  	v2 =	vadd.f32 v6, v2;
	v6 =	vmul.f32 v14, v14;
	v14 =	vadd.f32 v25, v9;
	v57 =	vld [tilespmem:s11+$0xF7F0]  }
0xcf: {  	v7 =	vadd.f32 v63, v7;
	v22 =	vadd.f32 v22, v4;
	v50 =	vld [tilespmem:s11+$0x11F60]  }
0xd0: {  	v6 =	vadd.f32 v6, v28;
	v4 =	vadd.f32 v20, v2;
	v58 =	vld [tilespmem:s11+$0xF760]  }
0xd1: {  	v20 =	vadd.f32 v12, v14;
	v2 =	vadd.f32 v16, v22;
	v59 =	vld [tilespmem:s11+$0xF710]  }
0xd2: {  	v25 =	vld [tilespmem:s11+$0x11F10];
	v15 =	vadd.f32 v15, v42;
	v56 =	vadd.f32 v24, v46  }
0xd3: {  	v26 =	vadd.f32 v45, v55;
	v9 =	vadd.f32 v43, v44  }
0xd4: {  	v13 =	vld [tilespmem:s11+$0xF7D0];
	v28 =	vadd.f32 v47, v27;
	v18 =	vadd.f32 v40, v41;
	[tilespmem:s11+$0x147E0] =	vst v15  }
0xd5: {  	v19 =	vld [tilespmem:s11+$0xF720];
	v16 =	vadd.f32 v48, v57;
	v23 =	vadd.f32 v53, v39;
	[tilespmem:s11+$0x14740] =	vst v56  }
0xd6: {  	v29 =	vld [tilespmem:s11+$0x11F20];
	v32 =	vadd.f32 v50, v58;
	v35 =	vadd.f32 v54, v52;
	[tilespmem:s11+$0x14780] =	vst v26  }
0xd7: {  	v31 =	vld [tilespmem:s11+$0xF730];
	v25 =	vadd.f32 v25, v59;
	[tilespmem:s11+$0x14790] =	vst v9;
	v60 =	vmul.f32 v56, v56;
	v61 =	vmul.f32 v26, v26  }
0xd8: {  	v34 =	vld [tilespmem:s11+$0xF800];
	[tilespmem:s11+$0x14770] =	vst v28;
	v14 =	vadd.f32 v26, v30;
	v22 =	vmul.f32 v28, v28;
	v30 =	vadd.f32 v56, v49  }
0xd9: {  	v27 =	vld [tilespmem:s11+$0x11F30];
	[tilespmem:s11+$0x147A0] =	vst v18;
	v12 =	vmul.f32 v9, v9;
	v10 =	vadd.f32 v28, v10;
	v63 =	vmul.f32 v16, v16  }
0xda: {  	v24 =	vld [tilespmem:s11+$0x12000];
	[tilespmem:s11+$0x147F0] =	vst v16;
	v26 =	vmul.f32 v23, v23;
	v37 =	vadd.f32 v32, v17;
	v62 =	vadd.f32 v22, v11  }
0xdb: {  	[tilespmem:s11+$0x147B0] =	vst v23;
	v28 =	vld [tilespmem:s11+$0xF750];
	v36 =	vmul.f32 v35, v35;
	v21 =	vadd.f32 v61, v21;
	v11 =	vadd.f32 v16, v10  }
0xdc: {  	s12 =	simm.s32 $0x7C0;
	[tilespmem:s11+$0x147C0] =	vst v35;
	v22 =	vmul.f32 v18, v18;
	v38 =	vadd.f32 v60, v33;
	v33 =	vld [tilespmem:s11+$0x11F50];
	v10 =	vadd.f32 v63, v62  }
.LBB2_5:
0xdd: {  	s13 =	sshra.s32 s12, $0x2;
	p0 =	sne.s32 s12, $0x9FC0;
	s12 =	sadd.s32 $0x400, s12;
	v19 =	vadd.f32 v29, v19;
	[tilespmem:s11+$0x14760] =	vst v32;
	v29 =	vmul.f32 v32, v32;
	v30 =	vadd.f32 v35, v30;
	v32 =	vld [tilespmem:s11+$0x11FD0]  }
0xde: {  	v35 =	vld [tilespmem:s13+$0xF7C0];
	v27 =	vadd.f32 v27, v31;
	v16 =	vadd.f32 v36, v38  }
0xdf: {  	v17 =	vadd.f32 v15, v37;
	v31 =	vld [tilespmem:s13+$0xF7D0];
	[tilespmem:s11+$0x14720] =	vst v19;
	v36 =	vmul.f32 v19, v19;
	v24 =	vadd.f32 v24, v34  }
0xe0: {  	v8 =	vadd.f32 v19, v8;
	v34 =	vld [tilespmem:s13+$0x11FB0];
	[tilespmem:s11+$0x14730] =	vst v27;
	v5 =	vadd.f32 v27, v5;
	v19 =	vmul.f32 v27, v27  }
0xe1: {  	v20 =	vadd.f32 v25, v20;
	v6 =	vadd.f32 v29, v6;
	v27 =	vmul.f32 v25, v25;
	v37 =	vld [tilespmem:s13+$0x11FC0];
	[tilespmem:s11+$0x14800] =	vst v24  }
0xe2: {  	v38 =	vld [tilespmem:s13+$0xF7B0];
	v1 =	vadd.f32 v19, v1;
	v19 =	vadd.f32 v33, v28;
	v28 =	vmul.f32 v24, v24  }
0xe3: {  	v3 =	vadd.f32 v36, v3;
	v5 =	vadd.f32 v23, v5;
	v29 =	vld [tilespmem:s13+$0x11F40]  }
0xe4: {  	v23 =	vld [tilespmem:s13+$0x11FA0];
	[tilespmem:s11+$0x14750] =	vst v19;
	v33 =	vmul.f32 v19, v19;
	v1 =	vadd.f32 v26, v1;
	v26 =	vadd.f32 v32, v13  }
0xe5: {  	v3 =	vadd.f32 v22, v3;
	v7 =	vadd.f32 v19, v7;
	v19 =	vmul.f32 v15, v15;
	v32 =	vld [tilespmem:s13+$0x11FE0];
	[tilespmem:s11+$0x14710] =	vst v25  }
0xe6: {  	v8 =	vadd.f32 v18, v8;
	v22 =	vld [tilespmem:s13+$0xF7A0];
	v4 =	vadd.f32 v33, v4;
	[tilespmem:s11+$0x147D0] =	vst v26;
	v15 =	vmul.f32 v26, v26;
	s11 =	smov.u32 s13  }
0xe7: {  	v14 =	vadd.f32 v24, v14;
	v13 =	vmov v31;
	v6 =	vadd.f32 v19, v6;
	v18 =	vld [tilespmem:s11+$0xF7E0]  }
0xe8: {  	v2 =	vadd.f32 v27, v2;
	v19 =	vld [tilespmem:s11+$0x11F90];
	v4 =	vadd.f32 v15, v4  }
0xe9: {  	v21 =	vadd.f32 v28, v21;
	v7 =	vadd.f32 v26, v7;
	v25 =	vld [tilespmem:s11+$0xF790]  }
0xea: {  	v20 =	vadd.f32 v9, v20;
	v2 =	vadd.f32 v12, v2;
	v26 =	vld [tilespmem:s11+$0x11F80]  }
0xeb: {  	v9 =	vld [tilespmem:s11+$0xF740]  }
0xec: {  	v12 =	vld [tilespmem:s11+$0x11F70];
	v15 =	vadd.f32 v32, v18  }
0xed: {  	v18 =	vld [tilespmem:s11+$0xF780]  }
0xee: {  	[tilespmem:s11+$0x147E0] =	vst v15;
	v27 =	vld [tilespmem:s11+$0x11FF0]  }
0xef: {  	v28 =	vld [tilespmem:s11+$0xF770]  }
0xf0: {  	v29 =	vadd.f32 v29, v9;
	v31 =	vld [tilespmem:s11+$0xF7F0]  }
0xf1: {  	v24 =	vld [tilespmem:s11+$0x12000]  }
0xf2: {  	[tilespmem:s11+$0x14740] =	vst v29;
	v33 =	vmul.f32 v29, v29;
	v32 =	vld [tilespmem:s11+$0x11F60];
	v18 =	vadd.f32 v26, v18  }
0xf3: {  	v26 =	vld [tilespmem:s11+$0xF760]  }
0xf4: {  	v9 =	vadd.f32 v19, v25;
	v36 =	vld [tilespmem:s11+$0xF710];
	v28 =	vadd.f32 v12, v28;
	[tilespmem:s11+$0x14780] =	vst v18;
	v39 =	vmul.f32 v18, v18  }
0xf5: {  	v14 =	vadd.f32 v18, v14;
	v25 =	vld [tilespmem:s11+$0x11F10];
	v40 =	vadd.f32 v27, v31  }
0xf6: {  	v12 =	vmul.f32 v9, v9;
	v18 =	vadd.f32 v23, v22;
	v19 =	vld [tilespmem:s11+$0xF720];
	v41 =	vmul.f32 v28, v28;
	[tilespmem:s11+$0x14790] =	vst v9  }
0xf7: {  	v30 =	vadd.f32 v29, v30;
	v11 =	vadd.f32 v28, v11;
	v27 =	vld [tilespmem:s11+$0x11F30];
	[tilespmem:s11+$0x14770] =	vst v28  }
.Ltmp1:
0xf8: {  	v23 =	vadd.f32 v34, v38;
	v22 =	vmul.f32 v18, v18;
	v29 =	vld [tilespmem:s11+$0x11F20];
	v32 =	vadd.f32 v32, v26;
	[tilespmem:s11+$0x147A0] =	vst v18;
	(pc) =	sbr.rel @p0 .LBB2_5-.Ltmp1, $4  }
0xf9: {  	v35 =	vadd.f32 v37, v35;
	v37 =	vmul.f32 v40, v40;
	v10 =	vadd.f32 v41, v10;
	v31 =	vld [tilespmem:s11+$0xF730];
	[tilespmem:s11+$0x147F0] =	vst v40  }
0xfa: {  	v21 =	vadd.f32 v39, v21;
	v26 =	vmul.f32 v23, v23;
	v11 =	vadd.f32 v40, v11;
	[tilespmem:s11+$0x147B0] =	vst v23;
	v34 =	vld [tilespmem:s11+$0xF800]  }
0xfb: {  	v25 =	vadd.f32 v25, v36;
	v36 =	vmul.f32 v35, v35;
	v10 =	vadd.f32 v37, v10;
	v28 =	vld [tilespmem:s11+$0xF750];
	[tilespmem:s11+$0x147C0] =	vst v35  }
0xfc: {  	v38 =	vadd.f32 v33, v16;
	v37 =	vadd.f32 v32, v17;
	v33 =	vld [tilespmem:s11+$0x11F50]  }
0xfd: {  	v29 =	vadd.f32 v29, v19  }
0xfe: {  	v16 =	vadd.f32 v35, v30;
	v20 =	vadd.f32 v25, v20  }
0xff: {  	v58 =	vmul.f32 v32, v32;
	v27 =	vadd.f32 v27, v31;
	v17 =	vadd.f32 v36, v38  }
0x100: {  	v62 =	vmul.f32 v25, v25;
	v19 =	vadd.f32 v15, v37;
	v24 =	vadd.f32 v24, v34  }
0x101: {  	v59 =	vld [tilespmem:s11+$0x11FD0];
	v8 =	vadd.f32 v29, v8;
	v30 =	vadd.f32 v58, v6  }
0x102: {  	[tilespmem:s11+$0x14720] =	vst v29;
	v29 =	vmul.f32 v29, v29;
	v63 =	vadd.f32 v62, v2;
	v9 =	vadd.f32 v9, v20  }
0x103: {  	v5 =	vadd.f32 v27, v5;
	v60 =	vmul.f32 v27, v27;
	v61 =	vadd.f32 v33, v28  }
0x104: {  	v29 =	vadd.f32 v29, v3;
	v8 =	vadd.f32 v18, v8  }
0x105: {  	[tilespmem:s11+$0x14760] =	vst v32;
	s9 =	sadd.s32 $0x1, s9;
	v18 =	vadd.f32 v24, v14;
	v1 =	vadd.f32 v60, v1  }
0x106: {  	s10 =	smul.u32 $0x50, s10;
	[tilespmem:s11+$0x14710] =	vst v25;
	p0 =	sne.s32 s9, $0x3E;
	v6 =	vadd.f32 v23, v5;
	v13 =	vadd.f32 v59, v13  }
.Ltmp2:
0x107: {  	[tilespmem:s11+$0x14730] =	vst v27;
	v23 =	vmul.f32 v61, v61;
	v7 =	vadd.f32 v61, v7;
	v5 =	vadd.f32 v22, v29;
	(pc) =	sbr.rel @p0 .LBB2_2-.Ltmp2, $4  }
0x108: {  	s10 =	sadd.s32 s7, s10;
	[tilespmem:s11+$0x14800] =	vst v24;
	v22 =	vmul.f32 v24, v24;
	v3 =	vadd.f32 v26, v1;
	v1 =	vmul.f32 v15, v15  }
0x109: {  	s10 =	sshll.u32 s10, $0x4;
	[tilespmem:s11+$0x14750] =	vst v61;
	v15 =	vmul.f32 v13, v13;
	v4 =	vadd.f32 v23, v4;
	v7 =	vadd.f32 v13, v7  }
0x10a: {  	s10 =	sadd.s32 s6, s10;
	[tilespmem:s11+$0x147D0] =	vst v13;
	v21 =	vadd.f32 v22, v21;
	v1 =	vadd.f32 v1, v30  }
0x10b: {  	[hbm4b:s10+s3] =	stream.linear.scatter [tilespmem:s31], [sflag:$0x6], $0x2800, $0x38;
	v2 =	vadd.f32 v15, v4;
	v4 =	vadd.f32 v12, v63;
	[tilespmem:$0x17680] =	vst v63  }
0x10c: {  	_ =	swait.ge [sflag:s24], $0x2800  }
0x10d: {  	[sflag:s24] =	ssyncset.done $0x0  }
0x10e: {  	[sflag:s24] =	ssyncadd.s32 $0xFFFFD800  }
0x10f: {  	_ =	swait.ge [sflag:s25], $0x2800  }
0x110: {  	[sflag:s25] =	ssyncset.done $0x0  }
0x111: {  	s9 =	simm.s32 $0x7E00;
	[sflag:s25] =	ssyncadd.s32 $0xFFFFD800  }
0x112: {  	[spmem:s1] =	stream.indirect.scatter.add.f32 [tilespmem:s26], [sflag:$0x7], $0x1, s9, s19, $0xb8;
	[tilespmem:$0x17680] =	vst v63  }
0x113: {  	_ =	swait.ge [sflag:s16], $0x2800  }
0x114: {  	[sflag:s16] =	ssyncset.done $0x0  }
0x115: {  	s9 =	simm.s32 $0xF0;
	[sflag:s16] =	ssyncadd.s32 $0xFFFFD800  }
0x116: {  	v24 =	vld [tilespmem:s9+$0x7FC0]  }
0x117: {  	v13 =	vld [tilespmem:s9+$0x7FD0]  }
0x118: {  	v14 =	vld [tilespmem:s9+$0xA7B0]  }
0x119: {  	v27 =	vld [tilespmem:s9+$0xA7C0]  }
0x11a: {  	v23 =	vld [tilespmem:s9+$0x7FB0]  }
0x11b: {  	v15 =	vld [tilespmem:s9+$0xA740]  }
0x11c: {  	v20 =	vld [tilespmem:s9+$0xA7A0]  }
0x11d: {  	v12 =	vld [tilespmem:s9+$0xA7E0]  }
0x11e: {  	v25 =	vld [tilespmem:s9+$0x7FA0]  }
0x11f: {  	v22 =	vld [tilespmem:s9+$0x7FE0]  }
0x120: {  	v26 =	vld [tilespmem:s9+$0xA790]  }
0x121: {  	v28 =	vld [tilespmem:s9+$0x7F90]  }
0x122: {  	v29 =	vld [tilespmem:s9+$0xA780]  }
0x123: {  	v30 =	vld [tilespmem:s9+$0x7F40]  }
0x124: {  	v31 =	vld [tilespmem:s9+$0xA770]  }
0x125: {  	v32 =	vld [tilespmem:s9+$0x7F80]  }
0x126: {  	v33 =	vld [tilespmem:s9+$0xA7F0]  }
0x127: {  	v34 =	vld [tilespmem:s9+$0x7F70]  }
0x128: {  	v36 =	vld [tilespmem:s9+$0x7FF0]  }
0x129: {  	v37 =	vld [tilespmem:s9+$0xA760]  }
0x12a: {  	v39 =	vld [tilespmem:s9+$0x7F60];
	v12 =	vadd.f32 v12, v22  }
0x12b: {  	v40 =	vld [tilespmem:s9+$0x7F10];
	v35 =	vadd.f32 v15, v30;
	v38 =	vadd.f32 v29, v32  }
0x12c: {  	v22 =	vld [tilespmem:s9+$0xA800];
	v15 =	vadd.f32 v26, v28;
	v26 =	vadd.f32 v31, v34;
	[tilespmem:s9+$0xCFE0] =	vst v12  }
0x12d: {  	v28 =	vld [tilespmem:s9+$0xA710];
	v20 =	vadd.f32 v20, v25;
	v31 =	vadd.f32 v33, v36;
	[tilespmem:s9+$0xCF40] =	vst v35  }
0x12e: {  	v29 =	vld [tilespmem:s9+$0x7F20];
	v23 =	vadd.f32 v14, v23;
	v27 =	vadd.f32 v27, v24;
	[tilespmem:s9+$0xCF80] =	vst v38;
	v59 =	vmul.f32 v35, v35  }
0x12f: {  	v30 =	vld [tilespmem:s9+$0xA730];
	[tilespmem:s9+$0xCF90] =	vst v15;
	v60 =	vmul.f32 v38, v38;
	v14 =	vadd.f32 v38, v18;
	v61 =	vmul.f32 v26, v26  }
0x130: {  	v32 =	vld [tilespmem:s9+$0xA720];
	[tilespmem:s9+$0xCF70] =	vst v26;
	v25 =	vadd.f32 v35, v16;
	v18 =	vmul.f32 v15, v15;
	v11 =	vadd.f32 v26, v11  }
0x131: {  	v33 =	vld [tilespmem:s9+$0x7F30];
	[tilespmem:s9+$0xCFA0] =	vst v20;
	v26 =	vadd.f32 v37, v39;
	v63 =	vmul.f32 v31, v31;
	v62 =	vadd.f32 v61, v10  }
0x132: {  	[tilespmem:s9+$0xCFF0] =	vst v31;
	v35 =	vld [tilespmem:s9+$0x8000];
	v24 =	vmul.f32 v20, v20;
	v16 =	vadd.f32 v60, v21;
	v10 =	vadd.f32 v31, v11  }
0x133: {  	v34 =	vld [tilespmem:s9+$0x7F50];
	[tilespmem:s9+$0xCFB0] =	vst v23;
	v21 =	vmul.f32 v23, v23;
	v17 =	vadd.f32 v59, v17;
	v19 =	vadd.f32 v26, v19  }
0x134: {  	s10 =	simm.s32 $0x7C0;
	v36 =	vld [tilespmem:s9+$0xA750];
	[tilespmem:s9+$0xCFC0] =	vst v27;
	v31 =	vmul.f32 v27, v27;
	v28 =	vadd.f32 v28, v40;
	v11 =	vadd.f32 v63, v62  }
.LBB2_8:
0x135: {  	s11 =	sshra.s32 s10, $0x2;
	p0 =	sne.s32 s10, $0x9FC0;
	s10 =	sadd.s32 $0x400, s10;
	v29 =	vadd.f32 v32, v29;
	[tilespmem:s9+$0xCF60] =	vst v26;
	v26 =	vmul.f32 v26, v26;
	v25 =	vadd.f32 v27, v25;
	v27 =	vld [tilespmem:s9+$0xA7D0]  }
0x136: {  	v37 =	vld [tilespmem:s11+$0x7FC0];
	v30 =	vadd.f32 v30, v33;
	v17 =	vadd.f32 v31, v17  }
0x137: {  	v19 =	vadd.f32 v12, v19;
	v31 =	vld [tilespmem:s11+$0x7FD0];
	[tilespmem:s9+$0xCF20] =	vst v29;
	v32 =	vmul.f32 v29, v29;
	v22 =	vadd.f32 v22, v35  }
0x138: {  	v8 =	vadd.f32 v29, v8;
	v33 =	vld [tilespmem:s11+$0xA7B0];
	[tilespmem:s9+$0xCF30] =	vst v30;
	v6 =	vadd.f32 v30, v6;
	v29 =	vmul.f32 v30, v30  }
0x139: {  	v9 =	vadd.f32 v28, v9;
	v1 =	vadd.f32 v26, v1;
	v30 =	vmul.f32 v28, v28;
	v35 =	vld [tilespmem:s11+$0xA7C0];
	[tilespmem:s9+$0xD000] =	vst v22  }
0x13a: {  	v26 =	vadd.f32 v36, v34;
	v38 =	vld [tilespmem:s11+$0x7FB0];
	v3 =	vadd.f32 v29, v3;
	v29 =	vmul.f32 v22, v22  }
0x13b: {  	v5 =	vadd.f32 v32, v5;
	v6 =	vadd.f32 v23, v6;
	v34 =	vld [tilespmem:s11+$0xA740]  }
0x13c: {  	v32 =	vmul.f32 v26, v26;
	v23 =	vld [tilespmem:s11+$0xA7A0];
	[tilespmem:s9+$0xCF50] =	vst v26;
	v3 =	vadd.f32 v21, v3;
	v21 =	vadd.f32 v27, v13  }
0x13d: {  	v12 =	vmul.f32 v12, v12;
	v7 =	vadd.f32 v26, v7;
	v5 =	vadd.f32 v24, v5;
	v27 =	vld [tilespmem:s11+$0xA7E0];
	[tilespmem:s9+$0xCF10] =	vst v28  }
0x13e: {  	v8 =	vadd.f32 v20, v8;
	v2 =	vadd.f32 v32, v2;
	v24 =	vld [tilespmem:s11+$0x7FA0];
	[tilespmem:s9+$0xCFD0] =	vst v21;
	v20 =	vmul.f32 v21, v21;
	s9 =	smov.u32 s11  }
0x13f: {  	v1 =	vadd.f32 v12, v1;
	v14 =	vadd.f32 v22, v14;
	v13 =	vmov v31;
	v26 =	vld [tilespmem:s9+$0x7FE0]  }
0x140: {  	v4 =	vadd.f32 v30, v4;
	v28 =	vld [tilespmem:s9+$0xA790];
	v2 =	vadd.f32 v20, v2  }
0x141: {  	v16 =	vadd.f32 v29, v16;
	v7 =	vadd.f32 v21, v7;
	v20 =	vld [tilespmem:s9+$0x7F90]  }
0x142: {  	v9 =	vadd.f32 v15, v9;
	v4 =	vadd.f32 v18, v4;
	v21 =	vld [tilespmem:s9+$0xA780]  }
0x143: {  	v15 =	vld [tilespmem:s9+$0x7F40]  }
0x144: {  	v18 =	vld [tilespmem:s9+$0xA770];
	v12 =	vadd.f32 v27, v26  }
0x145: {  	v26 =	vld [tilespmem:s9+$0x7F80]  }
0x146: {  	[tilespmem:s9+$0xCFE0] =	vst v12;
	v27 =	vld [tilespmem:s9+$0xA7F0]  }
0x147: {  	v29 =	vld [tilespmem:s9+$0x7F70]  }
0x148: {  	v31 =	vadd.f32 v34, v15;
	v30 =	vld [tilespmem:s9+$0x7FF0]  }
0x149: {  	v22 =	vld [tilespmem:s9+$0xA800]  }
0x14a: {  	[tilespmem:s9+$0xCF40] =	vst v31;
	v36 =	vmul.f32 v31, v31;
	v34 =	vld [tilespmem:s9+$0xA760];
	v21 =	vadd.f32 v21, v26  }
0x14b: {  	v26 =	vld [tilespmem:s9+$0x7F60]  }
0x14c: {  	v15 =	vadd.f32 v28, v20;
	v39 =	vld [tilespmem:s9+$0x7F10];
	v32 =	vadd.f32 v18, v29;
	[tilespmem:s9+$0xCF80] =	vst v21;
	v40 =	vmul.f32 v21, v21  }
0x14d: {  	v14 =	vadd.f32 v21, v14;
	v28 =	vld [tilespmem:s9+$0xA710];
	v41 =	vadd.f32 v27, v30  }
0x14e: {  	v20 =	vadd.f32 v23, v24;
	v18 =	vmul.f32 v15, v15;
	v29 =	vld [tilespmem:s9+$0x7F20];
	v21 =	vmul.f32 v32, v32;
	[tilespmem:s9+$0xCF90] =	vst v15  }
0x14f: {  	v25 =	vadd.f32 v31, v25;
	v10 =	vadd.f32 v32, v10;
	v30 =	vld [tilespmem:s9+$0xA730];
	[tilespmem:s9+$0xCF70] =	vst v32  }
.Ltmp3:
0x150: {  	v23 =	vadd.f32 v33, v38;
	v24 =	vmul.f32 v20, v20;
	v32 =	vld [tilespmem:s9+$0xA720];
	v26 =	vadd.f32 v34, v26;
	[tilespmem:s9+$0xCFA0] =	vst v20;
	(pc) =	sbr.rel @p0 .LBB2_8-.Ltmp3, $4  }
0x151: {  	v27 =	vadd.f32 v35, v37;
	v37 =	vmul.f32 v41, v41;
	v11 =	vadd.f32 v21, v11;
	v33 =	vld [tilespmem:s9+$0x7F30];
	[tilespmem:s9+$0xCFF0] =	vst v41  }
0x152: {  	v16 =	vadd.f32 v40, v16;
	v21 =	vmul.f32 v23, v23;
	v10 =	vadd.f32 v41, v10;
	[tilespmem:s9+$0xCFB0] =	vst v23;
	v35 =	vld [tilespmem:s9+$0x8000]  }
0x153: {  	v31 =	vmul.f32 v27, v27;
	v28 =	vadd.f32 v28, v39;
	v11 =	vadd.f32 v37, v11;
	v34 =	vld [tilespmem:s9+$0x7F50];
	[tilespmem:s9+$0xCFC0] =	vst v27  }
0x154: {  	v17 =	vadd.f32 v36, v17;
	v19 =	vadd.f32 v26, v19;
	v36 =	vld [tilespmem:s9+$0xA750]  }
0x155: {  	v51 =	vld [tilespmem:s9+$0xA7D0]  }
0x156: {  	[tilespmem:s9+$0xCF60] =	vst v26;
	v29 =	vadd.f32 v32, v29  }
0x157: {  	[tilespmem:s9+$0xCF10] =	vst v28;
	v30 =	vadd.f32 v30, v33  }
0x158: {  	[tilespmem:s9+$0xCF20] =	vst v29;
	v22 =	vadd.f32 v22, v35  }
0x159: {  	[tilespmem:s9+$0xCF30] =	vst v30;
	v52 =	vadd.f32 v36, v34  }
0x15a: {  	[tilespmem:s9+$0xD000] =	vst v22;
	v13 =	vadd.f32 v51, v13  }
0x15b: {  	[tilespmem:s9+$0xCF50] =	vst v52  }
0x15c: {  	s12 =	rddreg [dreg:$0x6];
	[tilespmem:s9+$0xCFD0] =	vst v13  }
0x15d: {  	[hbm4b:s12+s3] =	stream.linear.scatter [tilespmem:s28], [sflag:$0x5], $0x2800, $0x38;
	[tilespmem:$0x17680] =	vst v63  }
0x15e: {  	_ =	swait.ge [sflag:s16], $0x2800  }
0x15f: {  	v53 =	vmul.f32 v28, v28;
	[sflag:s16] =	ssyncset.done $0x0  }
0x160: {  	v9 =	vadd.f32 v28, v9;
	[sflag:s16] =	ssyncadd.s32 $0xFFFFD800  }
0x161: {  	v54 =	vmul.f32 v29, v29;
	v4 =	vadd.f32 v53, v4;
	_ =	swait.ge [sflag:s0], $0x2800  }
0x162: {  	v8 =	vadd.f32 v29, v8;
	v9 =	vadd.f32 v15, v9;
	[sflag:s0] =	ssyncset.done $0x0  }
0x163: {  	v55 =	vmul.f32 v30, v30;
	v5 =	vadd.f32 v54, v5;
	v4 =	vadd.f32 v18, v4;
	[sflag:s0] =	ssyncadd.s32 $0xFFFFD800  }
0x164: {  	v6 =	vadd.f32 v30, v6;
	v8 =	vadd.f32 v20, v8;
	[tilespmem:$0x17300] =	vst v9  }
0x165: {  	v3 =	vadd.f32 v55, v3;
	v5 =	vadd.f32 v24, v5;
	[tilespmem:$0x17380] =	vst v4  }
0x166: {  	v56 =	vadd.f32 v23, v6;
	v57 =	vmul.f32 v52, v52;
	[tilespmem:$0x17310] =	vst v8  }
0x167: {  	v58 =	vmul.f32 v26, v26;
	v3 =	vadd.f32 v21, v3;
	[tilespmem:$0x17390] =	vst v5  }
0x168: {  	v59 =	vadd.f32 v27, v25;
	v61 =	vmul.f32 v13, v13;
	v2 =	vadd.f32 v57, v2;
	[tilespmem:$0x17320] =	vst v56  }
0x169: {  	v60 =	vadd.f32 v31, v17;
	[tilespmem:$0x173A0] =	vst v3  }
0x16a: {  	v62 =	vmul.f32 v12, v12;
	v1 =	vadd.f32 v58, v1;
	v2 =	vadd.f32 v61, v2;
	[tilespmem:$0x17330] =	vst v59  }
0x16b: {  	v63 =	vadd.f32 v12, v19;
	[tilespmem:$0x173B0] =	vst v60  }
0x16c: {  	v1 =	vadd.f32 v62, v1;
	[tilespmem:$0x173C0] =	vst v2  }
0x16d: {  	v7 =	vadd.f32 v52, v7;
	[tilespmem:$0x17350] =	vst v63  }
0x16e: {  	[tilespmem:$0x173D0] =	vst v1  }
0x16f: {  	v3 =	vadd.f32 v13, v7;
	v2 =	vmul.f32 v22, v22;
	[tilespmem:$0x17360] =	vst v10  }
0x170: {  	v1 =	vadd.f32 v22, v14;
	[tilespmem:$0x173E0] =	vst v11  }
0x171: {  	[tilespmem:$0x17340] =	vst v3;
	v2 =	vadd.f32 v2, v16  }
0x172: {  	[tilespmem:$0x17370] =	vst v1  }
0x173: {  	s10 =	simm.s32 $0x17300;
	s13 =	rddreg [dreg:$0x7];
	[tilespmem:$0x173F0] =	vst v2  }
0x174: {  	[hbm4b:s13+s3] =	stream.linear.scatter [tilespmem:s10], [sflag:$0x8], $0x80, $0x38;
	[tilespmem:$0x17680] =	vst v63  }
0x175: {  	_ =	swait.ge [sflag:s17], $0x80  }
0x176: {  	[sflag:s17] =	ssyncset.done $0x0  }
0x177: {  	s15 =	simm.s32 $0x17380;
	s14 =	rddreg [dreg:$0x8];
	[sflag:s17] =	ssyncadd.s32 $0xFFFFFF80  }
0x178: {  	[hbm4b:s14+s3] =	stream.linear.scatter [tilespmem:s15], [sflag:$0x8], $0x80, $0x38;
	[tilespmem:$0x17680] =	vst v63  }
0x179: {  	_ =	swait.ge [sflag:s17], $0x80  }
0x17a: {  	[sflag:s17] =	ssyncset.done $0x0  }
0x17b: {  	[sflag:s17] =	ssyncadd.s32 $0xFFFFFF80  }
0x17c: {  	_ =	swait.ge [sflag:s2], $0x50  }
0x17d: {  	s9 =	simm.s32 $0x7C;
	[sflag:s2] =	ssyncset.done $0x0  }
.LBB2_10:
0x17e: {  	p0 =	sne.s32 s9, $0x1;
	s9 =	sadd.s32 $0xFFFFFFFF, s9;
	[sflag:s2] =	ssyncadd.s32 $0xFFFFFFB0  }
.Ltmp4:
0x17f: {  	(pc) =	sbr.rel @p0 .LBB2_10-.Ltmp4, $3  }
0x180: {  	_ =	sdelay $0x1  }
0x181: {  	_ =	swait.ge [sflag:s2], $0x50  }
0x182: {  	[sflag:s2] =	ssyncset.done $0x0  }
0x183: {  	[sflag:s2] =	ssyncadd.s32 $0xFFFFFFB0;
	s9 =	stileid.u32;
	s10 =	sshrl.u32 s8, $0x3  }
0x184: {  	s12 =	simm.s32 $0x20;
	s9 =	sshll.u32 s9, $0x6;
	[bflag:$0x0] =	sbarrier.arrive $0xFFFF  }
0x185: {  	s13 =	simm.s32 $0x10;
	s9 =	sor.u32 $0x1C08, s9;
	s11 =	rddreg [dreg:$0x9]  }
0x186: {  	[hbm:s11@s12], [sflag:s9] =	dma.strided [spmem:s10@s13], $0x50, s24, $0x10   }
0x187: {  	_ =	swait.ge [sflag:s17], $0x50  }
0x188: {  	s18 =	sadd.s32 $0x1, s18;
	s15 =	rddreg [dreg:$0xa]  }
0x189: {  	p0 =	sne.s32 s18, s15  }
.Ltmp5:
0x18a: {  	_ = 	snop;
	(pc) =	sbr.rel @p0 .LBB2_1-.Ltmp5, $3  }
0x18b: {  	_ =	sdelay $0x1  }
0x18c: {  	[sflag:s17] =	ssyncset.done $0x0  }
0x18d: {  	[sflag:s17] =	ssyncadd.s32 $0xFFFFFFB0  }
0x18e: {  	_ =	sfence.sel $0x180000  }
0x18f: {  	[bflag:$0x0] =	sbarrier.arrive $0xFFFF  }
0x190: {  	_ =	strace $0x90000047  }
0x191: {  	s0 =	stileid.u32;
	[bflag:$0x2] =	sbarrier.arrive $0xFFFF  }
0x192: {  	p0 =	sne.s32 s0, $0x0;
	s0 =	rddreg [dreg:$0x3]  }
0x193: {  	s0 =	sadd.s32 @!p0 $0x100000, s0  }
0x194: {  	[sflag:s0] =	ssyncadd.tile.s32 @!p0 $0x1;
	_ =	shalt  }
.Lfunc_end2:
_tile_overlayer_lowered:
.L_overlay_start_2:
0x195: {  	(tag) =	ssettag $0x2  }
0x196: {  	s0 =	rddreg [dreg:$0x0];
	s2 =	stileid.u32  }
0x197: {  	s1 =	rddreg [dreg:$0x1];
	p0 =	sne.s32 s2, $0x0  }
0x198: {  	s3 =	rddreg [dreg:$0x2];
	[bflag:$0x3] =	sbarrier.arrive $0xFFFF;
	s2 =	simm.s32 @!p0 $0x1C08  }
0x199: {  	[timem:s3], [sflag:s2] =	dma.local @!p0 [hbm:s0], s1  }
0x19a: {  	s0 =	simm.s32 @!p0 $0x8  }
0x19b: {  	_ =	swait.ge @!p0 [sflag:s0], s1  }
0x19c: {  	s1 =	ssub.s32 @!p0 $0x0, s1;
	[sflag:s0] =	ssyncset.done @!p0 $0x0  }
0x19d: {  	[sflag:s0] =	ssyncadd.s32 @!p0 s1  }
0x19e: {  	[bflag:$0x3] =	sbarrier.arrive $0xFFFF  }
0x19f: {  	_ =	shalt  }

// kernel: kernel.14.cloned.1.call-start
scs
__scs_entry_jumppad:
0x0: {  	(pc) =	sbr.rel $0x88, $3  }
0x1: {  	(tag) =	ssettag $0x0;
	lr =	simm.s32 $0x1  }
0x2: {  	[smem:$0x3F95] =	sst lr;
	_ =	strace $0xD0000000  }
0x3: {  	_ = 	snop  }
0x4: {  	_ = 	snop  }
0x5: {  	_ = 	snop  }
0x6: {  	_ = 	snop  }
0x7: {  	_ = 	snop  }
__scs_overlays_trampoline_lowered:
0x8: {  	[smem:$0x3FA4] =	sst s0  }
0x9: {  	[smem:$0x3FA5] =	sst s1  }
0xa: {  	[smem:$0x3FA6] =	sst s2  }
0xb: {  	[smem:$0x3FA7] =	sst s3  }
0xc: {  	[smem:$0x3FA8] =	sst s4  }
0xd: {  	[smem:$0x3FA9] =	sst s5  }
0xe: {  	[smem:$0x3FAA] =	sst s6  }
0xf: {  	[smem:$0x3FAB] =	sst s7  }
0x10: {  	[smem:$0x3FAC] =	sst s8  }
0x11: {  	[smem:$0x3FAD] =	sst s9;
	s0 =	simm.s32 @!p0 $0x0  }
0x12: {  	s1 =	sld [smem:$0x3F93];
	s0 =	simm.s32 @p0 $0x1  }
0x13: {  	[smem:$0x3FAE] =	sst s0;
	s0 =	simm.s32 @!p1 $0x0  }
0x14: {  	s2 =	sld [smem:$0x3F92];
	s0 =	simm.s32 @p1 $0x1  }
0x15: {  	[smem:$0x3FAF] =	sst s0;
	s0 =	simm.s32 @!p2 $0x0  }
0x16: {  	s3 =	sld [smem:$0x3FDB];
	s0 =	simm.s32 @p2 $0x1  }
0x17: {  	s4 =	simm.s32 $0x1BF5;
	[smem:$0x3FB1] =	sst s0  }
0x18: {  	s0 =	sld [smem:$0x3F94];
	_ =	swait.ge [sflag:s4], $0x0  }
0x19: {  	s7 =	sld [smem:$0x3F95]  }
0x1a: {  	s8 =	sadd.s32 $0xFFFFE003, lr  }
0x1b: {  	s9 =	sadd.s32 $0xFFFFFEF7, lr;
	s5 =	simm.s32 $0xFFFFFFFF;
	p2 =	slt.u32 s8, $0xFFFFF086  }
0x1c: {  	p1 =	slt.u32 s9, $0xF7A;
	s5 =	simm.s32 @!p2 $0x0  }
0x1d: {  	s5 =	simm.s32 @p1 $0x1;
	p0 =	seq.s32 s7, s2  }
0x1e: {  	s7 =	smul.u32 @!p0 $0xF7A, s2;
	p2 =	seq.s32 @!p0 s5, $0x0  }
0x1f: {  	s9 =	smul.u32 $0xF7A, s1;
	s8 =	simm.s32 @!p0 $0x1BF5;
	p2 =	por !p2, p0  }
0x20: {  	[sflag:s8] =	ssyncset.s32 @!p0 $0xFFFFF086;
	s6 =	sadd.s32 @!p0 s3, s7;
	s7 =	simm.s32 @!p0 $0x108  }
0x21: {  	s3 =	sadd.s32 s3, s9;
	s6 =	sadd.s32 @!p0 $0x88, s6;
	s7 =	simm.s32 @p2 $0x1082  }
0x22: {  	[simem:s7], [sflag:s8] =	dma.local @!p0 [hbm:s6], $0xF7A  }
0x23: {  	s9 =	sor.u32 $0xD0000000, s2;
	s6 =	simm.s32 $0x108;
	_ =	swait.ge @!p0 [sflag:s8], $0x0  }
0x24: {  	s3 =	sadd.s32 $0x88, s3;
	s6 =	simm.s32 @!p1 $0x1082;
	[sflag:s4] =	ssyncset.s32 $0xFFFFF086  }
0x25: {  	[simem:s6], [sflag:s4] =	dma.local [hbm:s3], $0xF7A  }
0x26: {  	[smem:$0x3F95] =	sst s1;
	(tag) =	ssettag s2;
	_ =	strace s9  }
0x27: {  	s1 =	sld [smem:$0x3FA5]  }
0x28: {  	s2 =	sld [smem:$0x3FA6]  }
0x29: {  	s4 =	sld [smem:$0x3FA8]  }
0x2a: {  	p0 =	seq.s32 s5, $0x0;
	s5 =	sld [smem:$0x3FA9]  }
0x2b: {  	s6 =	sld [smem:$0x3FAA]  }
0x2c: {  	s7 =	sld [smem:$0x3FAB]  }
0x2d: {  	s3 =	simm.s32 $0x108;
	s8 =	sld [smem:$0x3FAC]  }
0x2e: {  	s3 =	simm.s32 @!p0 $0x1082;
	s9 =	sld [smem:$0x3FAD]  }
0x2f: {  	lr =	sadd.s32 s0, s3;
	s0 =	sld [smem:$0x3FA4]  }
0x30: {  	s3 =	sld [smem:$0x3FA7]  }
0x31: {  	[smem:$0x3FB0] =	sst s10  }
0x32: {  	s10 =	sld [smem:$0x3FAE];
	_ =	sdelay $0x3  }
0x33: {  	p0 =	seq.s32 s10, $0x1;
	s10 =	sld [smem:$0x3FB0];
	_ =	sdelay $0x3  }
0x34: {  	[smem:$0x3FB0] =	sst s10  }
0x35: {  	s10 =	sld [smem:$0x3FAF];
	_ =	sdelay $0x3  }
0x36: {  	p1 =	seq.s32 s10, $0x1;
	s10 =	sld [smem:$0x3FB0];
	_ =	sdelay $0x3  }
0x37: {  	[smem:$0x3FB0] =	sst s10  }
0x38: {  	s10 =	sld [smem:$0x3FB1]  }
0x39: {  	_ = 	snop;
	(pc) =	sbr.ind lr, $3  }
0x3a: {  	_ = 	snop  }
0x3b: {  	_ = 	snop  }
0x3c: {  	p2 =	seq.s32 s10, $0x1;
	s10 =	sld [smem:$0x3FB0]  }
0x3d: {  	_ =	shalt  }
0x3e: {  	_ =	shalt  }
0x3f: {  	_ =	shalt  }
0x40: {  	_ =	shalt  }
0x41: {  	_ =	shalt  }
0x42: {  	_ =	shalt  }
0x43: {  	_ =	shalt  }
0x44: {  	_ =	shalt  }
0x45: {  	_ =	shalt  }
0x46: {  	_ =	shalt  }
0x47: {  	_ =	shalt  }
0x48: {  	_ =	shalt  }
0x49: {  	_ =	shalt  }
0x4a: {  	_ =	shalt  }
0x4b: {  	_ =	shalt  }
0x4c: {  	_ =	shalt  }
0x4d: {  	_ =	shalt  }
0x4e: {  	_ =	shalt  }
0x4f: {  	_ =	shalt  }
0x50: {  	_ =	shalt  }
0x51: {  	_ =	shalt  }
0x52: {  	_ =	shalt  }
0x53: {  	_ =	shalt  }
0x54: {  	_ =	shalt  }
0x55: {  	_ =	shalt  }
0x56: {  	_ =	shalt  }
0x57: {  	_ =	shalt  }
0x58: {  	_ =	shalt  }
0x59: {  	_ =	shalt  }
0x5a: {  	_ =	shalt  }
0x5b: {  	_ =	shalt  }
0x5c: {  	_ =	shalt  }
0x5d: {  	_ =	shalt  }
0x5e: {  	_ =	shalt  }
0x5f: {  	_ =	shalt  }
0x60: {  	_ =	shalt  }
0x61: {  	_ =	shalt  }
0x62: {  	_ =	shalt  }
0x63: {  	_ =	shalt  }
0x64: {  	_ =	shalt  }
0x65: {  	_ =	shalt  }
0x66: {  	_ =	shalt  }
0x67: {  	_ =	shalt  }
0x68: {  	_ =	shalt  }
0x69: {  	_ =	shalt  }
0x6a: {  	_ =	shalt  }
0x6b: {  	_ =	shalt  }
0x6c: {  	_ =	shalt  }
0x6d: {  	_ =	shalt  }
0x6e: {  	_ =	shalt  }
0x6f: {  	_ =	shalt  }
0x70: {  	_ =	shalt  }
0x71: {  	_ =	shalt  }
0x72: {  	_ =	shalt  }
0x73: {  	_ =	shalt  }
0x74: {  	_ =	shalt  }
0x75: {  	_ =	shalt  }
0x76: {  	_ =	shalt  }
0x77: {  	_ =	shalt  }
0x78: {  	_ =	shalt  }
0x79: {  	_ =	shalt  }
0x7a: {  	_ =	shalt  }
0x7b: {  	_ =	shalt  }
0x7c: {  	_ =	shalt  }
0x7d: {  	_ =	shalt  }
0x7e: {  	_ =	shalt  }
0x7f: {  	_ =	shalt  }
0x80: {  	_ =	shalt  }
0x81: {  	_ =	shalt  }
0x82: {  	_ =	shalt  }
0x83: {  	_ =	shalt  }
0x84: {  	_ =	shalt  }
0x85: {  	_ =	shalt  }
0x86: {  	_ =	shalt  }
0x87: {  	_ =	shalt  }
.Lfunc_end0:
.L_simem_size_0:
called_computation.1_lowered:
.L_overlay_start_0:
0x88: {  	s2 =	sld [smem:$0x3FD9]  }
0x89: {  	s3 =	sld [smem:$0x3FFE];
	_ =	sdelay $0x1  }
0x8a: {  	s1 =	srdreg.scid  }
0x8b: {  	s0 =	sand.u32 $0x1, s1  }
0x8c: {  	s16 =	sshll.u32 s0, $0xA;
	s2 =	sadd.s32 s3, s2  }
0x8d: {  	s2 =	sadd.s32 s2, s16  }
0x8e: {  	[smem:$0x3FBC] =	sst s2  }
0x8f: {  	_ = 	snop  }
0x90: {  	(tm) =	ssettm $0x1  }
0x91: {  	s17 =	sld [smem:$0x3FFB];
	_ =	sdelay $0x3  }
0x92: {  	_ =	strace s17  }
0x93: {  	s2 =	sld [smem:$0x3FFC];
	_ =	sdelay $0x3  }
0x94: {  	_ =	strace s2  }
0x95: {  	s2 =	sld [smem:$0x3FFD];
	_ =	sdelay $0x3  }
0x96: {  	_ =	strace s2  }
0x97: {  	_ =	strace $0x8FFFFFFF  }
0x98: {  	s18 =	sld [smem:$0x3FDB];
	_ =	sdelay $0x1  }
0x99: {  	s19 =	simm.s32 $_scs_section_size  }
0x9a: {  	s4 =	simm.s32 $_size__tile_overlayer_lowered;
	s5 =	simm.s32 $_tile_overlayer_lowered  }
0x9b: {  	s22 =	simm.s32 $0x1BFF;
	s21 =	sshll.u32 s5, $0x1;
	s2 =	sadd.s32 s19, s18  }
0x9c: {  	s6 =	simm.s32 $0x0;
	s20 =	sshll.u32 s4, $0x1;
	s4 =	sadd.s32 s21, s2  }
0x9d: {  	[timem:s6], [sflag:s22] =	dma.local [hbm:s4], s20  }
0x9e: {  	_ =	swait.ge [sflag:s22], s20  }
0x9f: {  	s3 =	ssub.s32 $0x0, s20;
	[sflag:s22] =	ssyncset.done $0x0  }
0xa0: {  	[sflag:s22] =	ssyncadd.s32 s3;
	_ =	sdelay $0x1  }
0xa1: {  	s23 =	simm.s32 $0x1B8B  }
0xa2: {  	_ =	swait.ge [sflag:s23], $0x1  }
0xa3: {  	[sflag:s23] =	ssyncset.done $0x0  }
0xa4: {  	s25 =	simm.s32 $0x1B8E;
	s24 =	sld [smem:$0x3FFE];
	[sflag:s23] =	ssyncadd.s32 $0xFFFFFFFF  }
0xa5: {  	s26 =	simm.s32 $execute0_lowered;
	[smem:$0x3FD2] =	sst s25  }
0xa6: {  	s4 =	sshll.u32 s26, $0x1;
	_ =	strace $0x80000049;
	[dreg:$0x1] =	wrdreg $0xFFFFFFFF  }
0xa7: {  	s28 =	simm.s32 $_size_execute0_lowered;
	s2 =	sadd.s32 s2, s4;
	[dreg:$0x0] =	wrdreg $0x0  }
0xa8: {  	s4 =	sshll.u32 s28, $0x1;
	[dreg:$0x2] =	wrdreg s2  }
0xa9: {  	[dreg:$0x3] =	wrdreg s4  }
0xaa: {  	[dreg:$0x4] =	wrdreg $0xC0  }
0xab: {  	_ =	task [dreg:s6], $0x5FFFF  }
0xac: {  	[dreg:$0x1] =	wrdreg $0xFFFFFFFF  }
0xad: {  	[dreg:$0x0] =	wrdreg $0x60  }
0xae: {  	[dreg:$0x2] =	wrdreg s24  }
0xaf: {  	[dreg:$0x3] =	wrdreg $0x94000  }
0xb0: {  	[dreg:$0x4] =	wrdreg $0x9  }
0xb1: {  	_ =	task.clear_ibuf [dreg:s6], $0x5FFFF;
	_ =	strace $0x90000049  }
0xb2: {  	s29 =	simm.s32 $0x9;
	_ =	strace $0x8000004B  }
0xb3: {  	_ =	swait.ge [sflag:s29], $0x1  }
0xb4: {  	[sflag:s29] =	ssyncadd.s32 $0xFFFFFFFF  }
0xb5: {  	_ =	strace $0x9000004B  }
0xb6: {  	_ =	sfence  }
0xb7: {  	s30 =	sld [smem:$0x0];
	_ =	sdelay $0x2  }
0xb8: {  	s31 =	sshll.u32 s1, $0xD;
	s1 =	sshrl.u32 s1, $0x2  }
0xb9: {  	s3 =	sand.u32 $0x4000, s31;
	s1 =	sadd.s32 s1, s30  }
0xba: {  	s0 =	sor.u32 s3, s0;
	s1 =	sshll.u32 s1, $0x11  }
0xbb: {  	s0 =	sor.u32 s1, s0  }
0xbc: {  	s0 =	sadd.s32 $0x8F2B, s0  }
0xbd: {  	[sflag:s0] =	ssyncadd.remote.s32 $0x1  }
0xbe: {  	_ =	sfence.sel $0xFFFF  }
0xbf: {  	[dreg:$0x0] =	wrdreg $0xFFFFFFFF;
	(pc) =	sbr.abs _section_cstart, $3  }
0xc0: {  	[dreg:$0x1] =	wrdreg $0xFFFFFFFF  }
0xc1: {  	_ =	task.clear_ibuf [dreg:s6], $0x2FFFF;
	_ =	strace $0x9FFFFFFF  }
0xc2: {  	(tm) =	ssettm $0x7FFFFFFF  }
0xc3: {  	_ =	shalt  }
tec
execute0_lowered:
.L_overlay_start_1:
0x0: {  	(tag) =	ssettag $0x1  }
0x1: {  	s0 =	rddreg [dreg:$0x0]  }
0x2: {  	s1 =	rddreg [dreg:$0x1];
	s2 =	simm.s32 $0x0;
	s3 =	srdreg.scid  }
0x3: {  	s11 =	stileid.u32;
	s31 =	simm.s32 $0x9;
	s28 =	simm.s32 $0x4  }
0x4: {  	s29 =	simm.s32 $0x380;
	[smem:$0x7FF] =	sst s2;
	s4 =	sadd.s32 $0x552C00, s0  }
0x5: {  	s5 =	sadd.s32 $0x50800, s0;
	s3 =	sand.u32 $0x1, s3;
	s7 =	smul.u32 $0x50000, s11  }
0x6: {  	s6 =	sadd.s32 $0x60800, s0;
	s10 =	smul.u32 $0x14000, s11;
	s0 =	sadd.s32 $0x579E00, s0  }
0x7: {  	s11 =	sshll.u32 s11, $0xE;
	_ =	strace $0x8000004A;
	s8 =	ssub.s32 $0x2, s3  }
0x8: {  	s23 =	sshll.u32 s3, $0x12;
	s3 =	smul.u32 $0x140000, s3;
	s9 =	sshrl.u32 s8, $0x1  }
0x9: {  	s7 =	sshrl.u32 s7, $0x2;
	s21 =	sadd.s32 $0x4000, s10;
	s13 =	sadd.s32 $0x8000, s10  }
0xa: {  	s14 =	sadd.s32 $0xC000, s10;
	s16 =	sadd.s32 $0x10000, s10;
	s8 =	ssub.s32 s8, s9  }
0xb: {  	s12 =	sadd.s32 s7, s1;
	s22 =	sadd.s32 s21, s1;
	s9 =	sor.u32 s11, s23  }
0xc: {  	s11 =	sadd.s32 s13, s1;
	s15 =	sadd.s32 s14, s1;
	s18 =	sadd.s32 s16, s1  }
0xd: {  	s10 =	sadd.s32 s10, s3;
	s7 =	sadd.s32 s3, s21;
	s13 =	sadd.s32 s3, s13  }
0xe: {  	s14 =	sadd.s32 s3, s14;
	s3 =	sadd.s32 s3, s16;
	[dreg:$0x4] =	wrdreg s22  }
0xf: {  	s16 =	simm.s32 $0x180;
	[dreg:$0x6] =	wrdreg s15;
	s15 =	sshrl.u32 s9, $0x3  }
0x10: {  	[dreg:$0x7] =	wrdreg s18;
	s10 =	sshrl.u32 s10, $0x3;
	s7 =	sshrl.u32 s7, $0x3  }
0x11: {  	s18 =	sshrl.u32 s13, $0x3;
	s19 =	sshrl.u32 s14, $0x3;
	[dreg:$0x3] =	wrdreg s12  }
0x12: {  	s3 =	sshrl.u32 s3, $0x3;
	[dreg:$0x5] =	wrdreg s11;
	s10 =	sadd.s32 s0, s10  }
0x13: {  	s13 =	simm.s32 $0x280;
	s7 =	sadd.s32 s0, s7;
	[dreg:$0xc] =	wrdreg s10  }
0x14: {  	s14 =	simm.s32 $0x100;
	s20 =	sadd.s32 s0, s19;
	[dreg:$0xd] =	wrdreg s7  }
0x15: {  	s17 =	sor.u32 $0x10, s15;
	s23 =	sadd.s32 s5, s15;
	[dreg:$0xf] =	wrdreg s20  }
0x16: {  	s25 =	sor.u32 $0x20, s15;
	s24 =	sadd.s32 s5, s17;
	[dreg:$0x13] =	wrdreg s23  }
0x17: {  	s19 =	simm.s32 $0x400;
	s17 =	sadd.s32 s6, s17;
	[dreg:$0x8] =	wrdreg s24  }
0x18: {  	s26 =	sadd.s32 s5, s25;
	s30 =	sadd.s32 s6, s25;
	[dreg:$0x9] =	wrdreg s17  }
0x19: {  	s7 =	sadd.s32 s0, s18;
	s0 =	sadd.s32 s0, s3;
	[dreg:$0xa] =	wrdreg s26  }
0x1a: {  	s25 =	sor.u32 $0x7C0, s15;
	s3 =	simm.s32 $0x80;
	[dreg:$0xb] =	wrdreg s30  }
0x1b: {  	s18 =	simm.s32 $0x50;
	s20 =	simm.s32 $0x2;
	[dreg:$0xe] =	wrdreg s7  }
0x1c: {  	s23 =	simm.s32 $0x7;
	s17 =	sor.u32 $0x30, s15;
	[dreg:$0x10] =	wrdreg s0  }
0x1d: {  	s24 =	sadd.s32 s6, s15;
	s26 =	sadd.s32 s5, s25;
	s0 =	sadd.s32 s6, s25  }
0x1e: {  	s30 =	smax.u32 s8, $0x1;
	s15 =	simm.s32 $0x300;
	[dreg:$0x14] =	wrdreg s24  }
0x1f: {  	s25 =	simm.s32 $0x6;
	s7 =	simm.s32 $0x0;
	[dreg:$0x15] =	wrdreg s26  }
0x20: {  	s21 =	sadd.s32 s5, s17;
	s22 =	sadd.s32 s6, s17;
	[dreg:$0x16] =	wrdreg s0  }
0x21: {  	[dreg:$0x17] =	wrdreg s30;
	s0 =	simm.s32 $0x200;
	s17 =	simm.s32 $0x1  }
0x22: {  	s24 =	simm.s32 $0x3;
	s26 =	simm.s32 $0x8;
	[dreg:$0x11] =	wrdreg s21  }
0x23: {  	v0 =	vimm.f32 $0.0e+00;
	[dreg:$0x12] =	wrdreg s22;
	s21 =	simm.s32 $0x2C00;
	s22 =	simm.s32 $0x5  }
.LBB2_1:
0x24: {  	s8 =	simm.s32 $0x0;
	s10 =	simm.s32 $0x200  }
.LBB2_2:
0x25: {  	p0 =	sne.s32 s10, $0xFE00;
	[tilespmem:s8+$0x5470] =	vst v0  }
0x26: {  	[tilespmem:s8+$0x5400] =	vst v0  }
0x27: {  	[tilespmem:s8+$0x5410] =	vst v0  }
.Ltmp0:
0x28: {  	[tilespmem:s8+$0x5420] =	vst v0;
	(pc) =	sbr.rel @p0 .LBB2_2-.Ltmp0, $4  }
0x29: {  	[tilespmem:s8+$0x5430] =	vst v0  }
0x2a: {  	[tilespmem:s8+$0x5440] =	vst v0  }
0x2b: {  	[tilespmem:s8+$0x5450] =	vst v0  }
0x2c: {  	[tilespmem:s8+$0x5460] =	vst v0;
	s8 =	sshra.s32 s10, $0x2;
	s10 =	sadd.s32 $0x200, s10  }
0x2d: {  	[tilespmem:s8+$0x5470] =	vst v0  }
0x2e: {  	[tilespmem:s8+$0x5400] =	vst v0  }
0x2f: {  	[tilespmem:s8+$0x5410] =	vst v0  }
0x30: {  	[tilespmem:s8+$0x5420] =	vst v0  }
0x31: {  	[tilespmem:s8+$0x5430] =	vst v0  }
0x32: {  	[tilespmem:s8+$0x5440] =	vst v0  }
0x33: {  	[tilespmem:s8+$0x5450] =	vst v0  }
0x34: {  	[tilespmem:s8+$0x5460] =	vst v0;
	s10 =	simm.s32 $0x5400  }
0x35: {  	[spmem:s12] =	stream.linear.scatter [tilespmem:s10], [sflag:$0x9], $0x4000, $0x38;
	[tilespmem:$0x1D400] =	vst v63  }
0x36: {  	_ =	swait.ge [sflag:s31], $0x4000  }
0x37: {  	[sflag:s31] =	ssyncset.done $0x0  }
0x38: {  	s12 =	rddreg [dreg:$0x4];
	[sflag:s31] =	ssyncadd.s32 $0xFFFFC000  }
0x39: {  	[spmem:s12] =	stream.linear.scatter [tilespmem:s10], [sflag:$0x9], $0x4000, $0x38;
	[tilespmem:$0x1D400] =	vst v63  }
0x3a: {  	_ =	swait.ge [sflag:s31], $0x4000  }
0x3b: {  	[sflag:s31] =	ssyncset.done $0x0  }
0x3c: {  	[sflag:s31] =	ssyncadd.s32 $0xFFFFC000  }
0x3d: {  	[spmem:s11] =	stream.linear.scatter [tilespmem:s10], [sflag:$0x9], $0x4000, $0x38;
	[tilespmem:$0x1D400] =	vst v63  }
0x3e: {  	_ =	swait.ge [sflag:s31], $0x4000  }
0x3f: {  	[sflag:s31] =	ssyncset.done $0x0  }
0x40: {  	s30 =	rddreg [dreg:$0x6];
	[sflag:s31] =	ssyncadd.s32 $0xFFFFC000  }
0x41: {  	[spmem:s30] =	stream.linear.scatter [tilespmem:s10], [sflag:$0x9], $0x4000, $0x38;
	[tilespmem:$0x1D400] =	vst v63  }
0x42: {  	_ =	swait.ge [sflag:s31], $0x4000  }
0x43: {  	[sflag:s31] =	ssyncset.done $0x0  }
0x44: {  	s11 =	rddreg [dreg:$0x7];
	[sflag:s31] =	ssyncadd.s32 $0xFFFFC000  }
0x45: {  	[spmem:s11] =	stream.linear.scatter [tilespmem:s10], [sflag:$0x9], $0x4000, $0x38;
	[tilespmem:$0x1D400] =	vst v63  }
0x46: {  	_ =	swait.ge [sflag:s31], $0x4000  }
0x47: {  	[sflag:s31] =	ssyncset.done $0x0  }
0x48: {  	[sflag:s31] =	ssyncadd.s32 $0xFFFFC000  }
0x49: {  	[bflag:$0x0] =	sbarrier.arrive $0xFFFF  }
0x4a: {  	s12 =	rddreg [dreg:$0x13]  }
0x4b: {  	[tilespmem:s2], [sflag:$0x1] =	stream.linear.gather [hbm4b:s12+s2], $0x80, $0x38;
	[tilespmem:$0x1D400] =	vst v63  }
0x4c: {  	s30 =	rddreg [dreg:$0x14]  }
0x4d: {  	[tilespmem:s0], [sflag:$0x1] =	stream.linear.gather [hbm4b:s30+s2], $0x80, $0x38;
	[tilespmem:$0x1D400] =	vst v63  }
0x4e: {  	s10 =	rddreg [dreg:$0x8]  }
0x4f: {  	[tilespmem:s3], [sflag:$0x2] =	stream.linear.gather [hbm4b:s10+s2], $0x80, $0x38;
	[tilespmem:$0x1D400] =	vst v63  }
0x50: {  	s11 =	rddreg [dreg:$0x9]  }
0x51: {  	[tilespmem:s13], [sflag:$0x2] =	stream.linear.gather [hbm4b:s11+s2], $0x80, $0x38;
	[tilespmem:$0x1D400] =	vst v63  }
0x52: {  	s12 =	rddreg [dreg:$0xa]  }
0x53: {  	[tilespmem:s14], [sflag:$0x3] =	stream.linear.gather [hbm4b:s12+s2], $0x80, $0x38;
	[tilespmem:$0x1D400] =	vst v63  }
0x54: {  	s30 =	rddreg [dreg:$0xb]  }
0x55: {  	[tilespmem:s15], [sflag:$0x3] =	stream.linear.gather [hbm4b:s30+s2], $0x80, $0x38;
	[tilespmem:$0x1D400] =	vst v63  }
0x56: {  	s10 =	rddreg [dreg:$0x11]  }
0x57: {  	[tilespmem:s16], [sflag:$0x4] =	stream.linear.gather [hbm4b:s10+s2], $0x80, $0x38;
	[tilespmem:$0x1D400] =	vst v63  }
0x58: {  	s8 =	simm.s32 $0x380;
	s11 =	rddreg [dreg:$0x12]  }
0x59: {  	[tilespmem:s8], [sflag:$0x4] =	stream.linear.gather [hbm4b:s11+s2], $0x80, $0x38;
	[tilespmem:$0x1D400] =	vst v63  }
0x5a: {  	_ =	swait.ge [sflag:s17], $0x80  }
0x5b: {  	[sflag:s17] =	ssyncset.done $0x0  }
0x5c: {  	[sflag:s17] =	ssyncadd.s32 $0xFFFFFF80  }
0x5d: {  	_ =	swait.ge [sflag:s17], $0x80  }
0x5e: {  	[sflag:s17] =	ssyncset.done $0x0  }
0x5f: {  	[sflag:s17] =	ssyncadd.s32 $0xFFFFFF80  }
0x60: {  	[tilespmem:s19], [sflag:$0x5] =	stream.indirect.gather [hbm4b:s4+s18], $0x80, s2, s18, $0xb8;
	[tilespmem:$0x1D400] =	vst v63  }
0x61: {  	_ =	swait.ge [sflag:s20], $0x80  }
0x62: {  	[sflag:s20] =	ssyncset.done $0x0  }
0x63: {  	[sflag:s20] =	ssyncadd.s32 $0xFFFFFF80  }
0x64: {  	_ =	swait.ge [sflag:s20], $0x80  }
0x65: {  	[sflag:s20] =	ssyncset.done $0x0  }
0x66: {  	[sflag:s20] =	ssyncadd.s32 $0xFFFFFF80  }
0x67: {  	[tilespmem:s21], [sflag:$0x6] =	stream.indirect.gather [hbm4b:s4+s18], $0x80, s3, s18, $0xb8;
	[tilespmem:$0x1D400] =	vst v63  }
0x68: {  	s12 =	simm.s32 $0x200;
	_ =	swait.ge [sflag:s22], $0x2800  }
0x69: {  	s30 =	sand.u32 $0x7C00, s12;
	[sflag:s22] =	ssyncset.done $0x0  }
0x6a: {  	s10 =	sand.u32 $0x200, s12;
	s11 =	sadd.s32 s9, s30;
	[sflag:s22] =	ssyncadd.s32 $0xFFFFD800  }
0x6b: {  	[spmem:s1] =	stream.indirect.scatter.add.f32 [tilespmem:s19], [sflag:$0x7], $0x80, s0, s18, $0xb8;
	[tilespmem:$0x1D400] =	vst v63  }
0x6c: {  	s10 =	sor.u32 s10, s11;
	_ =	swait.ge [sflag:s23], $0x2800  }
0x6d: {  	s10 =	sshrl.u32 s10, $0x3;
	[sflag:s23] =	ssyncset.done $0x0  }
0x6e: {  	s12 =	sadd.s32 s5, s10;
	[sflag:s23] =	ssyncadd.s32 $0xFFFFD800  }
0x6f: {  	[tilespmem:s2], [sflag:$0x1] =	stream.linear.gather [hbm4b:s12+s2], $0x80, $0x38;
	[tilespmem:$0x1D400] =	vst v63  }
0x70: {  	s10 =	sadd.s32 s6, s10  }
0x71: {  	[tilespmem:s0], [sflag:$0x1] =	stream.linear.gather [hbm4b:s10+s2], $0x80, $0x38;
	[tilespmem:$0x1D400] =	vst v63  }
0x72: {  	_ =	swait.ge [sflag:s24], $0x80  }
0x73: {  	[sflag:s24] =	ssyncset.done $0x0  }
0x74: {  	[sflag:s24] =	ssyncadd.s32 $0xFFFFFF80  }
0x75: {  	_ =	swait.ge [sflag:s24], $0x80  }
0x76: {  	[sflag:s24] =	ssyncset.done $0x0  }
0x77: {  	[sflag:s24] =	ssyncadd.s32 $0xFFFFFF80  }
0x78: {  	[tilespmem:s19], [sflag:$0x5] =	stream.indirect.gather [hbm4b:s4+s18], $0x80, s14, s18, $0xb8;
	[tilespmem:$0x1D400] =	vst v63  }
0x79: {  	s30 =	simm.s32 $0x280;
	_ =	swait.ge [sflag:s25], $0x2800  }
0x7a: {  	s12 =	sand.u32 $0x7C00, s30;
	[sflag:s25] =	ssyncset.done $0x0  }
0x7b: {  	s11 =	sadd.s32 s9, s12;
	s10 =	sand.u32 $0x280, s30;
	[sflag:s25] =	ssyncadd.s32 $0xFFFFD800  }
0x7c: {  	[spmem:s1] =	stream.indirect.scatter.add.f32 [tilespmem:s21], [sflag:$0x8], $0x80, s13, s18, $0xb8;
	[tilespmem:$0x1D400] =	vst v63  }
0x7d: {  	s10 =	sor.u32 s10, s11;
	_ =	swait.ge [sflag:s26], $0x2800  }
0x7e: {  	s10 =	sshrl.u32 s10, $0x3;
	[sflag:s26] =	ssyncset.done $0x0  }
0x7f: {  	s30 =	sadd.s32 s5, s10;
	[sflag:s26] =	ssyncadd.s32 $0xFFFFD800  }
0x80: {  	[tilespmem:s3], [sflag:$0x2] =	stream.linear.gather [hbm4b:s30+s2], $0x80, $0x38;
	[tilespmem:$0x1D400] =	vst v63  }
0x81: {  	s10 =	sadd.s32 s6, s10  }
0x82: {  	[tilespmem:s13], [sflag:$0x2] =	stream.linear.gather [hbm4b:s10+s2], $0x80, $0x38;
	[tilespmem:$0x1D400] =	vst v63  }
0x83: {  	_ =	swait.ge [sflag:s28], $0x80  }
0x84: {  	[sflag:s28] =	ssyncset.done $0x0  }
0x85: {  	[sflag:s28] =	ssyncadd.s32 $0xFFFFFF80  }
0x86: {  	_ =	swait.ge [sflag:s28], $0x80  }
0x87: {  	[sflag:s28] =	ssyncset.done $0x0  }
0x88: {  	[sflag:s28] =	ssyncadd.s32 $0xFFFFFF80  }
0x89: {  	[tilespmem:s21], [sflag:$0x6] =	stream.indirect.gather [hbm4b:s4+s18], $0x80, s16, s18, $0xb8;
	[tilespmem:$0x1D400] =	vst v63  }
0x8a: {  	s11 =	simm.s32 $0x300;
	_ =	swait.ge [sflag:s22], $0x2800  }
0x8b: {  	s12 =	sand.u32 $0x7C00, s11;
	[sflag:s22] =	ssyncset.done $0x0  }
0x8c: {  	s10 =	sand.u32 $0x300, s11;
	s11 =	sadd.s32 s9, s12;
	[sflag:s22] =	ssyncadd.s32 $0xFFFFD800  }
0x8d: {  	[spmem:s1] =	stream.indirect.scatter.add.f32 [tilespmem:s19], [sflag:$0x7], $0x80, s15, s18, $0xb8;
	[tilespmem:$0x1D400] =	vst v63  }
0x8e: {  	s10 =	sor.u32 s10, s11;
	_ =	swait.ge [sflag:s23], $0x2800  }
0x8f: {  	s10 =	sshrl.u32 s10, $0x3;
	[sflag:s23] =	ssyncset.done $0x0  }
0x90: {  	s30 =	sadd.s32 s5, s10;
	[sflag:s23] =	ssyncadd.s32 $0xFFFFD800  }
0x91: {  	[tilespmem:s14], [sflag:$0x3] =	stream.linear.gather [hbm4b:s30+s2], $0x80, $0x38;
	[tilespmem:$0x1D400] =	vst v63  }
0x92: {  	s10 =	sadd.s32 s6, s10  }
0x93: {  	[tilespmem:s15], [sflag:$0x3] =	stream.linear.gather [hbm4b:s10+s2], $0x80, $0x38;
	[tilespmem:$0x1D400] =	vst v63  }
0x94: {  	_ =	swait.ge [sflag:s17], $0x80  }
0x95: {  	[sflag:s17] =	ssyncset.done $0x0  }
0x96: {  	[sflag:s17] =	ssyncadd.s32 $0xFFFFFF80  }
0x97: {  	_ =	swait.ge [sflag:s17], $0x80  }
0x98: {  	[sflag:s17] =	ssyncset.done $0x0  }
0x99: {  	[sflag:s17] =	ssyncadd.s32 $0xFFFFFF80  }
0x9a: {  	[tilespmem:s19], [sflag:$0x5] =	stream.indirect.gather [hbm4b:s4+s18], $0x80, s2, s18, $0xb8;
	[tilespmem:$0x1D400] =	vst v63  }
0x9b: {  	_ =	swait.ge [sflag:s25], $0x2800  }
0x9c: {  	s12 =	sand.u32 $0x7C00, s8;
	[sflag:s25] =	ssyncset.done $0x0  }
0x9d: {  	s8 =	sand.u32 $0x380, s8;
	s10 =	sadd.s32 s9, s12;
	[sflag:s25] =	ssyncadd.s32 $0xFFFFD800  }
0x9e: {  	[spmem:s1] =	stream.indirect.scatter.add.f32 [tilespmem:s21], [sflag:$0x8], $0x80, s29, s18, $0xb8;
	[tilespmem:$0x1D400] =	vst v63  }
0x9f: {  	s8 =	sor.u32 s8, s10;
	_ =	swait.ge [sflag:s26], $0x2800  }
0xa0: {  	s8 =	sshrl.u32 s8, $0x3;
	[sflag:s26] =	ssyncset.done $0x0  }
0xa1: {  	s30 =	sadd.s32 s5, s8;
	[sflag:s26] =	ssyncadd.s32 $0xFFFFD800  }
0xa2: {  	[tilespmem:s16], [sflag:$0x4] =	stream.linear.gather [hbm4b:s30+s2], $0x80, $0x38;
	[tilespmem:$0x1D400] =	vst v63  }
0xa3: {  	s8 =	sadd.s32 s6, s8  }
0xa4: {  	[tilespmem:s29], [sflag:$0x4] =	stream.linear.gather [hbm4b:s8+s2], $0x80, $0x38;
	[tilespmem:$0x1D400] =	vst v63  }
0xa5: {  	_ =	swait.ge [sflag:s20], $0x80  }
0xa6: {  	[sflag:s20] =	ssyncset.done $0x0  }
0xa7: {  	[sflag:s20] =	ssyncadd.s32 $0xFFFFFF80  }
0xa8: {  	_ =	swait.ge [sflag:s20], $0x80  }
0xa9: {  	s8 =	simm.s32 $0x580;
	[sflag:s20] =	ssyncset.done $0x0  }
.LBB2_4:
0xaa: {  	p0 =	sne.s32 s8, $0x3D80  }
0xab: {  	[sflag:s20] =	ssyncadd.s32 $0xFFFFFF80;
	s10 =	smov.u32 s8;
	s8 =	sadd.s32 $0x200, s8  }
0xac: {  	[tilespmem:s21], [sflag:$0x6] =	stream.indirect.gather [hbm4b:s4+s18], $0x80, s3, s18, $0xb8;
	[tilespmem:$0x1D400] =	vst v63  }
0xad: {  	s11 =	sadd.s32 $0xFFFFFE80, s10;
	_ =	swait.ge [sflag:s22], $0x2800  }
0xae: {  	s12 =	sand.u32 $0x7C00, s11;
	s11 =	sand.u32 $0x200, s11;
	[sflag:s22] =	ssyncset.done $0x0  }
0xaf: {  	s12 =	sadd.s32 s9, s12;
	[sflag:s22] =	ssyncadd.s32 $0xFFFFD800  }
0xb0: {  	[spmem:s1] =	stream.indirect.scatter.add.f32 [tilespmem:s19], [sflag:$0x7], $0x80, s0, s18, $0xb8;
	[tilespmem:$0x1D400] =	vst v63  }
0xb1: {  	s11 =	sor.u32 s11, s12;
	_ =	swait.ge [sflag:s23], $0x2800  }
0xb2: {  	s11 =	sshrl.u32 s11, $0x3;
	[sflag:s23] =	ssyncset.done $0x0  }
0xb3: {  	s12 =	sadd.s32 s5, s11;
	s11 =	sadd.s32 s6, s11;
	[sflag:s23] =	ssyncadd.s32 $0xFFFFD800  }
0xb4: {  	[tilespmem:s2], [sflag:$0x1] =	stream.linear.gather [hbm4b:s12+s2], $0x80, $0x38;
	[tilespmem:$0x1D400] =	vst v63  }
0xb5: {  	_ = 	snop  }
0xb6: {  	[tilespmem:s0], [sflag:$0x1] =	stream.linear.gather [hbm4b:s11+s2], $0x80, $0x38;
	[tilespmem:$0x1D400] =	vst v63  }
0xb7: {  	_ =	swait.ge [sflag:s24], $0x80  }
0xb8: {  	[sflag:s24] =	ssyncset.done $0x0  }
0xb9: {  	[sflag:s24] =	ssyncadd.s32 $0xFFFFFF80  }
0xba: {  	_ =	swait.ge [sflag:s24], $0x80  }
0xbb: {  	[sflag:s24] =	ssyncset.done $0x0  }
0xbc: {  	[sflag:s24] =	ssyncadd.s32 $0xFFFFFF80  }
0xbd: {  	[tilespmem:s19], [sflag:$0x5] =	stream.indirect.gather [hbm4b:s4+s18], $0x80, s14, s18, $0xb8;
	[tilespmem:$0x1D400] =	vst v63  }
0xbe: {  	s11 =	sadd.s32 $0xFFFFFF00, s10;
	_ =	swait.ge [sflag:s25], $0x2800  }
0xbf: {  	s12 =	sand.u32 $0x7C00, s11;
	[sflag:s25] =	ssyncset.done $0x0  }
0xc0: {  	s11 =	sand.u32 $0x280, s11;
	s12 =	sadd.s32 s9, s12;
	[sflag:s25] =	ssyncadd.s32 $0xFFFFD800  }
0xc1: {  	[spmem:s1] =	stream.indirect.scatter.add.f32 [tilespmem:s21], [sflag:$0x8], $0x80, s13, s18, $0xb8;
	[tilespmem:$0x1D400] =	vst v63  }
0xc2: {  	s11 =	sor.u32 s11, s12;
	_ =	swait.ge [sflag:s26], $0x2800  }
0xc3: {  	s11 =	sshrl.u32 s11, $0x3;
	[sflag:s26] =	ssyncset.done $0x0  }
0xc4: {  	s12 =	sadd.s32 s5, s11;
	s11 =	sadd.s32 s6, s11;
	[sflag:s26] =	ssyncadd.s32 $0xFFFFD800  }
0xc5: {  	[tilespmem:s3], [sflag:$0x2] =	stream.linear.gather [hbm4b:s12+s2], $0x80, $0x38;
	[tilespmem:$0x1D400] =	vst v63  }
0xc6: {  	_ = 	snop  }
0xc7: {  	[tilespmem:s13], [sflag:$0x2] =	stream.linear.gather [hbm4b:s11+s2], $0x80, $0x38;
	[tilespmem:$0x1D400] =	vst v63  }
0xc8: {  	_ =	swait.ge [sflag:s28], $0x80  }
0xc9: {  	[sflag:s28] =	ssyncset.done $0x0  }
0xca: {  	[sflag:s28] =	ssyncadd.s32 $0xFFFFFF80  }
0xcb: {  	_ =	swait.ge [sflag:s28], $0x80  }
0xcc: {  	[sflag:s28] =	ssyncset.done $0x0  }
0xcd: {  	[sflag:s28] =	ssyncadd.s32 $0xFFFFFF80  }
0xce: {  	[tilespmem:s21], [sflag:$0x6] =	stream.indirect.gather [hbm4b:s4+s18], $0x80, s16, s18, $0xb8;
	[tilespmem:$0x1D400] =	vst v63  }
0xcf: {  	s11 =	sadd.s32 $0xFFFFFF80, s10;
	_ =	swait.ge [sflag:s22], $0x2800  }
0xd0: {  	s12 =	sand.u32 $0x7C00, s11;
	s11 =	sand.u32 $0x300, s11;
	[sflag:s22] =	ssyncset.done $0x0  }
0xd1: {  	s12 =	sadd.s32 s9, s12;
	[sflag:s22] =	ssyncadd.s32 $0xFFFFD800  }
0xd2: {  	[spmem:s1] =	stream.indirect.scatter.add.f32 [tilespmem:s19], [sflag:$0x7], $0x80, s15, s18, $0xb8;
	[tilespmem:$0x1D400] =	vst v63  }
0xd3: {  	s11 =	sor.u32 s11, s12;
	_ =	swait.ge [sflag:s23], $0x2800  }
0xd4: {  	s11 =	sshrl.u32 s11, $0x3;
	[sflag:s23] =	ssyncset.done $0x0  }
0xd5: {  	s12 =	sadd.s32 s5, s11;
	s11 =	sadd.s32 s6, s11;
	[sflag:s23] =	ssyncadd.s32 $0xFFFFD800  }
0xd6: {  	[tilespmem:s14], [sflag:$0x3] =	stream.linear.gather [hbm4b:s12+s2], $0x80, $0x38;
	[tilespmem:$0x1D400] =	vst v63  }
0xd7: {  	_ = 	snop  }
0xd8: {  	[tilespmem:s15], [sflag:$0x3] =	stream.linear.gather [hbm4b:s11+s2], $0x80, $0x38;
	[tilespmem:$0x1D400] =	vst v63  }
0xd9: {  	_ =	swait.ge [sflag:s17], $0x80  }
0xda: {  	[sflag:s17] =	ssyncset.done $0x0  }
0xdb: {  	[sflag:s17] =	ssyncadd.s32 $0xFFFFFF80  }
0xdc: {  	_ =	swait.ge [sflag:s17], $0x80  }
0xdd: {  	[sflag:s17] =	ssyncset.done $0x0  }
0xde: {  	[sflag:s17] =	ssyncadd.s32 $0xFFFFFF80  }
0xdf: {  	[tilespmem:s19], [sflag:$0x5] =	stream.indirect.gather [hbm4b:s4+s18], $0x80, s2, s18, $0xb8;
	[tilespmem:$0x1D400] =	vst v63  }
0xe0: {  	_ =	swait.ge [sflag:s25], $0x2800  }
0xe1: {  	s11 =	sand.u32 $0x7C00, s10;
	[sflag:s25] =	ssyncset.done $0x0  }
0xe2: {  	s10 =	sand.u32 $0x380, s10;
	s11 =	sadd.s32 s9, s11;
	[sflag:s25] =	ssyncadd.s32 $0xFFFFD800  }
0xe3: {  	[spmem:s1] =	stream.indirect.scatter.add.f32 [tilespmem:s21], [sflag:$0x8], $0x80, s29, s18, $0xb8;
	[tilespmem:$0x1D400] =	vst v63  }
0xe4: {  	s10 =	sor.u32 s10, s11;
	_ =	swait.ge [sflag:s26], $0x2800  }
0xe5: {  	s10 =	sshrl.u32 s10, $0x3;
	[sflag:s26] =	ssyncset.done $0x0  }
0xe6: {  	s11 =	sadd.s32 s5, s10;
	s10 =	sadd.s32 s6, s10;
	[sflag:s26] =	ssyncadd.s32 $0xFFFFD800  }
0xe7: {  	[tilespmem:s16], [sflag:$0x4] =	stream.linear.gather [hbm4b:s11+s2], $0x80, $0x38;
	[tilespmem:$0x1D400] =	vst v63  }
0xe8: {  	_ = 	snop  }
0xe9: {  	[tilespmem:s29], [sflag:$0x4] =	stream.linear.gather [hbm4b:s10+s2], $0x80, $0x38;
	[tilespmem:$0x1D400] =	vst v63  }
.Ltmp1:
0xea: {  	_ =	swait.ge [sflag:s20], $0x80;
	(pc) =	sbr.rel @p0 .LBB2_4-.Ltmp1, $4  }
0xeb: {  	[sflag:s20] =	ssyncset.done $0x0  }
0xec: {  	[sflag:s20] =	ssyncadd.s32 $0xFFFFFF80  }
0xed: {  	_ =	swait.ge [sflag:s20], $0x80  }
0xee: {  	[sflag:s20] =	ssyncset.done $0x0  }
0xef: {  	[sflag:s20] =	ssyncadd.s32 $0xFFFFFF80  }
0xf0: {  	[tilespmem:s21], [sflag:$0x6] =	stream.indirect.gather [hbm4b:s4+s18], $0x80, s3, s18, $0xb8;
	[tilespmem:$0x1D400] =	vst v63  }
0xf1: {  	_ =	swait.ge [sflag:s22], $0x2800  }
0xf2: {  	[sflag:s22] =	ssyncset.done $0x0  }
0xf3: {  	[sflag:s22] =	ssyncadd.s32 $0xFFFFD800  }
0xf4: {  	[spmem:s1] =	stream.indirect.scatter.add.f32 [tilespmem:s19], [sflag:$0x7], $0x80, s0, s18, $0xb8;
	[tilespmem:$0x1D400] =	vst v63  }
0xf5: {  	_ =	swait.ge [sflag:s23], $0x2800  }
0xf6: {  	[sflag:s23] =	ssyncset.done $0x0  }
0xf7: {  	s8 =	rddreg [dreg:$0x15];
	[sflag:s23] =	ssyncadd.s32 $0xFFFFD800  }
0xf8: {  	[tilespmem:s2], [sflag:$0x1] =	stream.linear.gather [hbm4b:s8+s2], $0x80, $0x38;
	[tilespmem:$0x1D400] =	vst v63  }
0xf9: {  	s30 =	rddreg [dreg:$0x16]  }
0xfa: {  	[tilespmem:s0], [sflag:$0x1] =	stream.linear.gather [hbm4b:s30+s2], $0x80, $0x38;
	[tilespmem:$0x1D400] =	vst v63  }
0xfb: {  	_ =	swait.ge [sflag:s24], $0x80  }
0xfc: {  	[sflag:s24] =	ssyncset.done $0x0  }
0xfd: {  	[sflag:s24] =	ssyncadd.s32 $0xFFFFFF80  }
0xfe: {  	_ =	swait.ge [sflag:s24], $0x80  }
0xff: {  	[sflag:s24] =	ssyncset.done $0x0  }
0x100: {  	[sflag:s24] =	ssyncadd.s32 $0xFFFFFF80  }
0x101: {  	[tilespmem:s19], [sflag:$0x5] =	stream.indirect.gather [hbm4b:s4+s18], $0x80, s14, s18, $0xb8;
	[tilespmem:$0x1D400] =	vst v63  }
0x102: {  	_ =	swait.ge [sflag:s25], $0x2800  }
0x103: {  	[sflag:s25] =	ssyncset.done $0x0  }
0x104: {  	[sflag:s25] =	ssyncadd.s32 $0xFFFFD800  }
0x105: {  	[spmem:s1] =	stream.indirect.scatter.add.f32 [tilespmem:s21], [sflag:$0x8], $0x80, s13, s18, $0xb8;
	[tilespmem:$0x1D400] =	vst v63  }
0x106: {  	_ =	swait.ge [sflag:s26], $0x2800  }
0x107: {  	[sflag:s26] =	ssyncset.done $0x0  }
0x108: {  	[sflag:s26] =	ssyncadd.s32 $0xFFFFD800  }
0x109: {  	_ =	swait.ge [sflag:s28], $0x80  }
0x10a: {  	[sflag:s28] =	ssyncset.done $0x0  }
0x10b: {  	[sflag:s28] =	ssyncadd.s32 $0xFFFFFF80  }
0x10c: {  	_ =	swait.ge [sflag:s28], $0x80  }
0x10d: {  	[sflag:s28] =	ssyncset.done $0x0  }
0x10e: {  	[sflag:s28] =	ssyncadd.s32 $0xFFFFFF80  }
0x10f: {  	[tilespmem:s21], [sflag:$0x6] =	stream.indirect.gather [hbm4b:s4+s18], $0x80, s16, s18, $0xb8;
	[tilespmem:$0x1D400] =	vst v63  }
0x110: {  	_ =	swait.ge [sflag:s22], $0x2800  }
0x111: {  	[sflag:s22] =	ssyncset.done $0x0  }
0x112: {  	[sflag:s22] =	ssyncadd.s32 $0xFFFFD800  }
0x113: {  	[spmem:s1] =	stream.indirect.scatter.add.f32 [tilespmem:s19], [sflag:$0x7], $0x80, s15, s18, $0xb8;
	[tilespmem:$0x1D400] =	vst v63  }
0x114: {  	_ =	swait.ge [sflag:s23], $0x2800  }
0x115: {  	[sflag:s23] =	ssyncset.done $0x0  }
0x116: {  	[sflag:s23] =	ssyncadd.s32 $0xFFFFD800  }
0x117: {  	_ =	swait.ge [sflag:s17], $0x80  }
0x118: {  	[sflag:s17] =	ssyncset.done $0x0  }
0x119: {  	[sflag:s17] =	ssyncadd.s32 $0xFFFFFF80  }
0x11a: {  	_ =	swait.ge [sflag:s17], $0x80  }
0x11b: {  	[sflag:s17] =	ssyncset.done $0x0  }
0x11c: {  	[sflag:s17] =	ssyncadd.s32 $0xFFFFFF80  }
0x11d: {  	[tilespmem:s19], [sflag:$0x5] =	stream.indirect.gather [hbm4b:s4+s18], $0x80, s2, s18, $0xb8;
	[tilespmem:$0x1D400] =	vst v63  }
0x11e: {  	_ =	swait.ge [sflag:s25], $0x2800  }
0x11f: {  	[sflag:s25] =	ssyncset.done $0x0  }
0x120: {  	[sflag:s25] =	ssyncadd.s32 $0xFFFFD800  }
0x121: {  	[spmem:s1] =	stream.indirect.scatter.add.f32 [tilespmem:s21], [sflag:$0x8], $0x80, s29, s18, $0xb8;
	[tilespmem:$0x1D400] =	vst v63  }
0x122: {  	_ =	swait.ge [sflag:s26], $0x2800  }
0x123: {  	[sflag:s26] =	ssyncset.done $0x0  }
0x124: {  	[sflag:s26] =	ssyncadd.s32 $0xFFFFD800  }
0x125: {  	_ =	swait.ge [sflag:s22], $0x2800  }
0x126: {  	[sflag:s22] =	ssyncset.done $0x0  }
0x127: {  	[sflag:s22] =	ssyncadd.s32 $0xFFFFD800  }
0x128: {  	[spmem:s1] =	stream.indirect.scatter.add.f32 [tilespmem:s19], [sflag:$0x7], $0x80, s0, s18, $0xb8;
	[tilespmem:$0x1D400] =	vst v63  }
0x129: {  	_ =	swait.ge [sflag:s23], $0x2800  }
0x12a: {  	[sflag:s23] =	ssyncset.done $0x0  }
0x12b: {  	[sflag:s23] =	ssyncadd.s32 $0xFFFFD800  }
0x12c: {  	s10 =	stileid.u32;
	[bflag:$0x0] =	sbarrier.arrive $0xFFFF  }
0x12d: {  	s8 =	sshll.u32 s10, $0x6;
	s12 =	rddreg [dreg:$0x3]  }
0x12e: {  	s8 =	sor.u32 $0x1C09, s8;
	s11 =	rddreg [dreg:$0xc];
	s10 =	sshrl.u32 s12, $0x3  }
0x12f: {  	[hbm:s11], [sflag:s8] =	dma.local [spmem:s10], $0x800  }
0x130: {  	_ =	swait.ge [sflag:s31], $0x800  }
0x131: {  	[sflag:s31] =	ssyncset.done $0x0;
	s11 =	rddreg [dreg:$0x4]  }
0x132: {  	s30 =	rddreg [dreg:$0xd];
	[sflag:s31] =	ssyncadd.s32 $0xFFFFF800;
	s10 =	sshrl.u32 s11, $0x3  }
0x133: {  	[hbm:s30], [sflag:s8] =	dma.local [spmem:s10], $0x800  }
0x134: {  	_ =	swait.ge [sflag:s31], $0x800  }
0x135: {  	[sflag:s31] =	ssyncset.done $0x0;
	s11 =	rddreg [dreg:$0x5]  }
0x136: {  	s30 =	rddreg [dreg:$0xe];
	[sflag:s31] =	ssyncadd.s32 $0xFFFFF800;
	s10 =	sshrl.u32 s11, $0x3  }
0x137: {  	[hbm:s30], [sflag:s8] =	dma.local [spmem:s10], $0x800  }
0x138: {  	_ =	swait.ge [sflag:s31], $0x800  }
0x139: {  	[sflag:s31] =	ssyncset.done $0x0;
	s30 =	rddreg [dreg:$0x6]  }
0x13a: {  	[sflag:s31] =	ssyncadd.s32 $0xFFFFF800;
	s10 =	sshrl.u32 s30, $0x3;
	s30 =	rddreg [dreg:$0xf]  }
0x13b: {  	[hbm:s30], [sflag:s8] =	dma.local [spmem:s10], $0x800  }
0x13c: {  	_ =	swait.ge [sflag:s31], $0x800  }
0x13d: {  	[sflag:s31] =	ssyncset.done $0x0;
	s30 =	rddreg [dreg:$0x7]  }
0x13e: {  	[sflag:s31] =	ssyncadd.s32 $0xFFFFF800;
	s10 =	sshrl.u32 s30, $0x3;
	s30 =	rddreg [dreg:$0x10]  }
0x13f: {  	[hbm:s30], [sflag:s8] =	dma.local [spmem:s10], $0x800  }
0x140: {  	_ =	swait.ge [sflag:s31], $0x800  }
0x141: {  	s7 =	sadd.s32 $0x1, s7;
	s30 =	rddreg [dreg:$0x17]  }
0x142: {  	p0 =	sne.s32 s7, s30  }
.Ltmp2:
0x143: {  	_ = 	snop;
	(pc) =	sbr.rel @p0 .LBB2_1-.Ltmp2, $3  }
0x144: {  	_ =	sdelay $0x1  }
0x145: {  	[sflag:s31] =	ssyncset.done $0x0  }
0x146: {  	[sflag:s31] =	ssyncadd.s32 $0xFFFFF800  }
0x147: {  	_ =	sfence.sel $0x180000  }
0x148: {  	[bflag:$0x0] =	sbarrier.arrive $0xFFFF  }
0x149: {  	_ =	strace $0x9000004A  }
0x14a: {  	s0 =	stileid.u32;
	[bflag:$0x2] =	sbarrier.arrive $0xFFFF  }
0x14b: {  	p0 =	sne.s32 s0, $0x0;
	s0 =	rddreg [dreg:$0x2]  }
0x14c: {  	s0 =	sadd.s32 @!p0 $0x100000, s0  }
0x14d: {  	[sflag:s0] =	ssyncadd.tile.s32 @!p0 $0x1;
	_ =	shalt  }
.Lfunc_end2:
_tile_overlayer_lowered:
.L_overlay_start_2:
0x14e: {  	(tag) =	ssettag $0x2  }
0x14f: {  	s0 =	rddreg [dreg:$0x0];
	s2 =	stileid.u32  }
0x150: {  	s1 =	rddreg [dreg:$0x1];
	p0 =	sne.s32 s2, $0x0  }
0x151: {  	s3 =	rddreg [dreg:$0x2];
	[bflag:$0x3] =	sbarrier.arrive $0xFFFF;
	s2 =	simm.s32 @!p0 $0x1C09  }
0x152: {  	[timem:s3], [sflag:s2] =	dma.local @!p0 [hbm:s0], s1  }
0x153: {  	s0 =	simm.s32 @!p0 $0x9  }
0x154: {  	_ =	swait.ge @!p0 [sflag:s0], s1  }
0x155: {  	s1 =	ssub.s32 @!p0 $0x0, s1;
	[sflag:s0] =	ssyncset.done @!p0 $0x0  }
0x156: {  	[sflag:s0] =	ssyncadd.s32 @!p0 s1  }
0x157: {  	[bflag:$0x3] =	sbarrier.arrive $0xFFFF  }
0x158: {  	_ =	shalt  }

// kernel: kernel.17.cloned.1.call-start
scs
__scs_entry_jumppad:
0x0: {  	(pc) =	sbr.rel $0x88, $3  }
0x1: {  	(tag) =	ssettag $0x0;
	lr =	simm.s32 $0x1  }
0x2: {  	[smem:$0x3F95] =	sst lr;
	_ =	strace $0xD0000000  }
0x3: {  	_ = 	snop  }
0x4: {  	_ = 	snop  }
0x5: {  	_ = 	snop  }
0x6: {  	_ = 	snop  }
0x7: {  	_ = 	snop  }
__scs_overlays_trampoline_lowered:
0x8: {  	[smem:$0x3FA4] =	sst s0  }
0x9: {  	[smem:$0x3FA5] =	sst s1  }
0xa: {  	[smem:$0x3FA6] =	sst s2  }
0xb: {  	[smem:$0x3FA7] =	sst s3  }
0xc: {  	[smem:$0x3FA8] =	sst s4  }
0xd: {  	[smem:$0x3FA9] =	sst s5  }
0xe: {  	[smem:$0x3FAA] =	sst s6  }
0xf: {  	[smem:$0x3FAB] =	sst s7  }
0x10: {  	[smem:$0x3FAC] =	sst s8  }
0x11: {  	[smem:$0x3FAD] =	sst s9;
	s0 =	simm.s32 @!p0 $0x0  }
0x12: {  	s1 =	sld [smem:$0x3F93];
	s0 =	simm.s32 @p0 $0x1  }
0x13: {  	[smem:$0x3FAE] =	sst s0;
	s0 =	simm.s32 @!p1 $0x0  }
0x14: {  	s2 =	sld [smem:$0x3F92];
	s0 =	simm.s32 @p1 $0x1  }
0x15: {  	[smem:$0x3FAF] =	sst s0;
	s0 =	simm.s32 @!p2 $0x0  }
0x16: {  	s3 =	sld [smem:$0x3FDB];
	s0 =	simm.s32 @p2 $0x1  }
0x17: {  	s4 =	simm.s32 $0x1BF5;
	[smem:$0x3FB1] =	sst s0  }
0x18: {  	s0 =	sld [smem:$0x3F94];
	_ =	swait.ge [sflag:s4], $0x0  }
0x19: {  	s7 =	sld [smem:$0x3F95]  }
0x1a: {  	s8 =	sadd.s32 $0xFFFFE003, lr  }
0x1b: {  	s9 =	sadd.s32 $0xFFFFFEF7, lr;
	s5 =	simm.s32 $0xFFFFFFFF;
	p2 =	slt.u32 s8, $0xFFFFF086  }
0x1c: {  	p1 =	slt.u32 s9, $0xF7A;
	s5 =	simm.s32 @!p2 $0x0  }
0x1d: {  	s5 =	simm.s32 @p1 $0x1;
	p0 =	seq.s32 s7, s2  }
0x1e: {  	s7 =	smul.u32 @!p0 $0xF7A, s2;
	p2 =	seq.s32 @!p0 s5, $0x0  }
0x1f: {  	s9 =	smul.u32 $0xF7A, s1;
	s8 =	simm.s32 @!p0 $0x1BF5;
	p2 =	por !p2, p0  }
0x20: {  	[sflag:s8] =	ssyncset.s32 @!p0 $0xFFFFF086;
	s6 =	sadd.s32 @!p0 s3, s7;
	s7 =	simm.s32 @!p0 $0x108  }
0x21: {  	s3 =	sadd.s32 s3, s9;
	s6 =	sadd.s32 @!p0 $0x88, s6;
	s7 =	simm.s32 @p2 $0x1082  }
0x22: {  	[simem:s7], [sflag:s8] =	dma.local @!p0 [hbm:s6], $0xF7A  }
0x23: {  	s9 =	sor.u32 $0xD0000000, s2;
	s6 =	simm.s32 $0x108;
	_ =	swait.ge @!p0 [sflag:s8], $0x0  }
0x24: {  	s3 =	sadd.s32 $0x88, s3;
	s6 =	simm.s32 @!p1 $0x1082;
	[sflag:s4] =	ssyncset.s32 $0xFFFFF086  }
0x25: {  	[simem:s6], [sflag:s4] =	dma.local [hbm:s3], $0xF7A  }
0x26: {  	[smem:$0x3F95] =	sst s1;
	(tag) =	ssettag s2;
	_ =	strace s9  }
0x27: {  	s1 =	sld [smem:$0x3FA5]  }
0x28: {  	s2 =	sld [smem:$0x3FA6]  }
0x29: {  	s4 =	sld [smem:$0x3FA8]  }
0x2a: {  	p0 =	seq.s32 s5, $0x0;
	s5 =	sld [smem:$0x3FA9]  }
0x2b: {  	s6 =	sld [smem:$0x3FAA]  }
0x2c: {  	s7 =	sld [smem:$0x3FAB]  }
0x2d: {  	s3 =	simm.s32 $0x108;
	s8 =	sld [smem:$0x3FAC]  }
0x2e: {  	s3 =	simm.s32 @!p0 $0x1082;
	s9 =	sld [smem:$0x3FAD]  }
0x2f: {  	lr =	sadd.s32 s0, s3;
	s0 =	sld [smem:$0x3FA4]  }
0x30: {  	s3 =	sld [smem:$0x3FA7]  }
0x31: {  	[smem:$0x3FB0] =	sst s10  }
0x32: {  	s10 =	sld [smem:$0x3FAE];
	_ =	sdelay $0x3  }
0x33: {  	p0 =	seq.s32 s10, $0x1;
	s10 =	sld [smem:$0x3FB0];
	_ =	sdelay $0x3  }
0x34: {  	[smem:$0x3FB0] =	sst s10  }
0x35: {  	s10 =	sld [smem:$0x3FAF];
	_ =	sdelay $0x3  }
0x36: {  	p1 =	seq.s32 s10, $0x1;
	s10 =	sld [smem:$0x3FB0];
	_ =	sdelay $0x3  }
0x37: {  	[smem:$0x3FB0] =	sst s10  }
0x38: {  	s10 =	sld [smem:$0x3FB1]  }
0x39: {  	_ = 	snop;
	(pc) =	sbr.ind lr, $3  }
0x3a: {  	_ = 	snop  }
0x3b: {  	_ = 	snop  }
0x3c: {  	p2 =	seq.s32 s10, $0x1;
	s10 =	sld [smem:$0x3FB0]  }
0x3d: {  	_ =	shalt  }
0x3e: {  	_ =	shalt  }
0x3f: {  	_ =	shalt  }
0x40: {  	_ =	shalt  }
0x41: {  	_ =	shalt  }
0x42: {  	_ =	shalt  }
0x43: {  	_ =	shalt  }
0x44: {  	_ =	shalt  }
0x45: {  	_ =	shalt  }
0x46: {  	_ =	shalt  }
0x47: {  	_ =	shalt  }
0x48: {  	_ =	shalt  }
0x49: {  	_ =	shalt  }
0x4a: {  	_ =	shalt  }
0x4b: {  	_ =	shalt  }
0x4c: {  	_ =	shalt  }
0x4d: {  	_ =	shalt  }
0x4e: {  	_ =	shalt  }
0x4f: {  	_ =	shalt  }
0x50: {  	_ =	shalt  }
0x51: {  	_ =	shalt  }
0x52: {  	_ =	shalt  }
0x53: {  	_ =	shalt  }
0x54: {  	_ =	shalt  }
0x55: {  	_ =	shalt  }
0x56: {  	_ =	shalt  }
0x57: {  	_ =	shalt  }
0x58: {  	_ =	shalt  }
0x59: {  	_ =	shalt  }
0x5a: {  	_ =	shalt  }
0x5b: {  	_ =	shalt  }
0x5c: {  	_ =	shalt  }
0x5d: {  	_ =	shalt  }
0x5e: {  	_ =	shalt  }
0x5f: {  	_ =	shalt  }
0x60: {  	_ =	shalt  }
0x61: {  	_ =	shalt  }
0x62: {  	_ =	shalt  }
0x63: {  	_ =	shalt  }
0x64: {  	_ =	shalt  }
0x65: {  	_ =	shalt  }
0x66: {  	_ =	shalt  }
0x67: {  	_ =	shalt  }
0x68: {  	_ =	shalt  }
0x69: {  	_ =	shalt  }
0x6a: {  	_ =	shalt  }
0x6b: {  	_ =	shalt  }
0x6c: {  	_ =	shalt  }
0x6d: {  	_ =	shalt  }
0x6e: {  	_ =	shalt  }
0x6f: {  	_ =	shalt  }
0x70: {  	_ =	shalt  }
0x71: {  	_ =	shalt  }
0x72: {  	_ =	shalt  }
0x73: {  	_ =	shalt  }
0x74: {  	_ =	shalt  }
0x75: {  	_ =	shalt  }
0x76: {  	_ =	shalt  }
0x77: {  	_ =	shalt  }
0x78: {  	_ =	shalt  }
0x79: {  	_ =	shalt  }
0x7a: {  	_ =	shalt  }
0x7b: {  	_ =	shalt  }
0x7c: {  	_ =	shalt  }
0x7d: {  	_ =	shalt  }
0x7e: {  	_ =	shalt  }
0x7f: {  	_ =	shalt  }
0x80: {  	_ =	shalt  }
0x81: {  	_ =	shalt  }
0x82: {  	_ =	shalt  }
0x83: {  	_ =	shalt  }
0x84: {  	_ =	shalt  }
0x85: {  	_ =	shalt  }
0x86: {  	_ =	shalt  }
0x87: {  	_ =	shalt  }
.Lfunc_end0:
.L_simem_size_0:
called_computation.2_lowered:
.L_overlay_start_0:
0x88: {  	s2 =	sld [smem:$0x3FD9]  }
0x89: {  	s3 =	sld [smem:$0x3FFE];
	_ =	sdelay $0x1  }
0x8a: {  	s1 =	srdreg.scid  }
0x8b: {  	s0 =	sand.u32 $0x1, s1  }
0x8c: {  	s16 =	sshll.u32 s0, $0xA;
	s2 =	sadd.s32 s3, s2  }
0x8d: {  	s2 =	sadd.s32 s2, s16  }
0x8e: {  	[smem:$0x3FBC] =	sst s2  }
0x8f: {  	_ = 	snop  }
0x90: {  	(tm) =	ssettm $0x1  }
0x91: {  	s17 =	sld [smem:$0x3FFB];
	_ =	sdelay $0x3  }
0x92: {  	_ =	strace s17  }
0x93: {  	s2 =	sld [smem:$0x3FFC];
	_ =	sdelay $0x3  }
0x94: {  	_ =	strace s2  }
0x95: {  	s2 =	sld [smem:$0x3FFD];
	_ =	sdelay $0x3  }
0x96: {  	_ =	strace s2  }
0x97: {  	_ =	strace $0x8FFFFFFF  }
0x98: {  	s18 =	sld [smem:$0x3FDB];
	_ =	sdelay $0x1  }
0x99: {  	s19 =	simm.s32 $_scs_section_size  }
0x9a: {  	s4 =	simm.s32 $_size__tile_overlayer_lowered;
	s5 =	simm.s32 $_tile_overlayer_lowered  }
0x9b: {  	s22 =	simm.s32 $0x1BFF;
	s21 =	sshll.u32 s5, $0x1;
	s2 =	sadd.s32 s19, s18  }
0x9c: {  	s6 =	simm.s32 $0x0;
	s20 =	sshll.u32 s4, $0x1;
	s4 =	sadd.s32 s21, s2  }
0x9d: {  	[timem:s6], [sflag:s22] =	dma.local [hbm:s4], s20  }
0x9e: {  	_ =	swait.ge [sflag:s22], s20  }
0x9f: {  	s3 =	ssub.s32 $0x0, s20;
	[sflag:s22] =	ssyncset.done $0x0  }
0xa0: {  	[sflag:s22] =	ssyncadd.s32 s3;
	_ =	sdelay $0x1  }
0xa1: {  	s23 =	simm.s32 $0x1B8B  }
0xa2: {  	_ =	swait.ge [sflag:s23], $0x1  }
0xa3: {  	[sflag:s23] =	ssyncset.done $0x0  }
0xa4: {  	s25 =	simm.s32 $0x1B8E;
	s24 =	sld [smem:$0x3FFE];
	[sflag:s23] =	ssyncadd.s32 $0xFFFFFFFF  }
0xa5: {  	s26 =	simm.s32 $execute0_lowered;
	[smem:$0x3FD2] =	sst s25  }
0xa6: {  	s4 =	sshll.u32 s26, $0x1;
	_ =	strace $0x8000004C;
	[dreg:$0x1] =	wrdreg $0xFFFFFFFF  }
0xa7: {  	s28 =	simm.s32 $_size_execute0_lowered;
	s2 =	sadd.s32 s2, s4;
	[dreg:$0x0] =	wrdreg $0x0  }
0xa8: {  	s4 =	sshll.u32 s28, $0x1;
	[dreg:$0x2] =	wrdreg s2  }
0xa9: {  	[dreg:$0x3] =	wrdreg s4  }
0xaa: {  	[dreg:$0x4] =	wrdreg $0xC0  }
0xab: {  	_ =	task [dreg:s6], $0x5FFFF  }
0xac: {  	[dreg:$0x1] =	wrdreg $0xFFFFFFFF  }
0xad: {  	[dreg:$0x0] =	wrdreg $0x60  }
0xae: {  	[dreg:$0x2] =	wrdreg s24  }
0xaf: {  	[dreg:$0x3] =	wrdreg $0x94000  }
0xb0: {  	[dreg:$0x4] =	wrdreg $0x9  }
0xb1: {  	_ =	task.clear_ibuf [dreg:s6], $0x5FFFF;
	_ =	strace $0x9000004C  }
0xb2: {  	s29 =	simm.s32 $0x9;
	_ =	strace $0x8000004E  }
0xb3: {  	_ =	swait.ge [sflag:s29], $0x1  }
0xb4: {  	[sflag:s29] =	ssyncadd.s32 $0xFFFFFFFF  }
0xb5: {  	_ =	strace $0x9000004E  }
0xb6: {  	_ =	sfence  }
0xb7: {  	s30 =	sld [smem:$0x0];
	_ =	sdelay $0x2  }
0xb8: {  	s31 =	sshll.u32 s1, $0xD;
	s1 =	sshrl.u32 s1, $0x2  }
0xb9: {  	s3 =	sand.u32 $0x4000, s31;
	s1 =	sadd.s32 s1, s30  }
0xba: {  	s0 =	sor.u32 s3, s0;
	s1 =	sshll.u32 s1, $0x11  }
0xbb: {  	s0 =	sor.u32 s1, s0  }
0xbc: {  	s0 =	sadd.s32 $0x8F2B, s0  }
0xbd: {  	[sflag:s0] =	ssyncadd.remote.s32 $0x1  }
0xbe: {  	_ =	sfence.sel $0xFFFF  }
0xbf: {  	[dreg:$0x0] =	wrdreg $0xFFFFFFFF;
	(pc) =	sbr.abs _section_cstart, $3  }
0xc0: {  	[dreg:$0x1] =	wrdreg $0xFFFFFFFF  }
0xc1: {  	_ =	task.clear_ibuf [dreg:s6], $0x2FFFF;
	_ =	strace $0x9FFFFFFF  }
0xc2: {  	(tm) =	ssettm $0x7FFFFFFF  }
0xc3: {  	_ =	shalt  }
tec
execute0_lowered:
.L_overlay_start_1:
0x0: {  	(tag) =	ssettag $0x1  }
0x1: {  	s0 =	rddreg [dreg:$0x0]  }
0x2: {  	s1 =	rddreg [dreg:$0x1];
	s2 =	simm.s32 $0x0;
	s3 =	srdreg.scid  }
0x3: {  	s11 =	stileid.u32;
	s31 =	simm.s32 $0x9;
	s28 =	simm.s32 $0x4  }
0x4: {  	s29 =	simm.s32 $0x380;
	[smem:$0x7FF] =	sst s2;
	s4 =	sadd.s32 $0x579E00, s0  }
0x5: {  	s5 =	sadd.s32 $0x50800, s0;
	s3 =	sand.u32 $0x1, s3;
	s7 =	smul.u32 $0x50000, s11  }
0x6: {  	s6 =	sadd.s32 $0x60800, s0;
	s10 =	smul.u32 $0x14000, s11;
	s0 =	sadd.s32 $0x5F1000, s0  }
0x7: {  	s11 =	sshll.u32 s11, $0xE;
	_ =	strace $0x8000004D;
	s8 =	ssub.s32 $0x2, s3  }
0x8: {  	s23 =	sshll.u32 s3, $0x12;
	s3 =	smul.u32 $0x140000, s3;
	s9 =	sshrl.u32 s8, $0x1  }
0x9: {  	s7 =	sshrl.u32 s7, $0x2;
	s21 =	sadd.s32 $0x4000, s10;
	s13 =	sadd.s32 $0x8000, s10  }
0xa: {  	s14 =	sadd.s32 $0xC000, s10;
	s16 =	sadd.s32 $0x10000, s10;
	s8 =	ssub.s32 s8, s9  }
0xb: {  	s12 =	sadd.s32 s7, s1;
	s22 =	sadd.s32 s21, s1;
	s9 =	sor.u32 s11, s23  }
0xc: {  	s11 =	sadd.s32 s13, s1;
	s15 =	sadd.s32 s14, s1;
	s18 =	sadd.s32 s16, s1  }
0xd: {  	s10 =	sadd.s32 s10, s3;
	s7 =	sadd.s32 s3, s21;
	s13 =	sadd.s32 s3, s13  }
0xe: {  	s14 =	sadd.s32 s3, s14;
	s3 =	sadd.s32 s3, s16;
	[dreg:$0x4] =	wrdreg s22  }
0xf: {  	s16 =	simm.s32 $0x180;
	[dreg:$0x6] =	wrdreg s15;
	s15 =	sshrl.u32 s9, $0x3  }
0x10: {  	[dreg:$0x7] =	wrdreg s18;
	s10 =	sshrl.u32 s10, $0x3;
	s7 =	sshrl.u32 s7, $0x3  }
0x11: {  	s18 =	sshrl.u32 s13, $0x3;
	s19 =	sshrl.u32 s14, $0x3;
	[dreg:$0x3] =	wrdreg s12  }
0x12: {  	s3 =	sshrl.u32 s3, $0x3;
	[dreg:$0x5] =	wrdreg s11;
	s10 =	sadd.s32 s0, s10  }
0x13: {  	s13 =	simm.s32 $0x280;
	s7 =	sadd.s32 s0, s7;
	[dreg:$0xc] =	wrdreg s10  }
0x14: {  	s14 =	simm.s32 $0x100;
	s20 =	sadd.s32 s0, s19;
	[dreg:$0xd] =	wrdreg s7  }
0x15: {  	s17 =	sor.u32 $0x10, s15;
	s23 =	sadd.s32 s5, s15;
	[dreg:$0xf] =	wrdreg s20  }
0x16: {  	s25 =	sor.u32 $0x20, s15;
	s24 =	sadd.s32 s5, s17;
	[dreg:$0x13] =	wrdreg s23  }
0x17: {  	s19 =	simm.s32 $0x400;
	s17 =	sadd.s32 s6, s17;
	[dreg:$0x8] =	wrdreg s24  }
0x18: {  	s26 =	sadd.s32 s5, s25;
	s30 =	sadd.s32 s6, s25;
	[dreg:$0x9] =	wrdreg s17  }
0x19: {  	s7 =	sadd.s32 s0, s18;
	s0 =	sadd.s32 s0, s3;
	[dreg:$0xa] =	wrdreg s26  }
0x1a: {  	s25 =	sor.u32 $0x7C0, s15;
	s3 =	simm.s32 $0x80;
	[dreg:$0xb] =	wrdreg s30  }
0x1b: {  	s18 =	simm.s32 $0x50;
	s20 =	simm.s32 $0x2;
	[dreg:$0xe] =	wrdreg s7  }
0x1c: {  	s23 =	simm.s32 $0x7;
	s17 =	sor.u32 $0x30, s15;
	[dreg:$0x10] =	wrdreg s0  }
0x1d: {  	s24 =	sadd.s32 s6, s15;
	s26 =	sadd.s32 s5, s25;
	s0 =	sadd.s32 s6, s25  }
0x1e: {  	s30 =	smax.u32 s8, $0x1;
	s15 =	simm.s32 $0x300;
	[dreg:$0x14] =	wrdreg s24  }
0x1f: {  	s25 =	simm.s32 $0x6;
	s7 =	simm.s32 $0x0;
	[dreg:$0x15] =	wrdreg s26  }
0x20: {  	s21 =	sadd.s32 s5, s17;
	s22 =	sadd.s32 s6, s17;
	[dreg:$0x16] =	wrdreg s0  }
0x21: {  	[dreg:$0x17] =	wrdreg s30;
	s0 =	simm.s32 $0x200;
	s17 =	simm.s32 $0x1  }
0x22: {  	s24 =	simm.s32 $0x3;
	s26 =	simm.s32 $0x8;
	[dreg:$0x11] =	wrdreg s21  }
0x23: {  	v0 =	vimm.f32 $0.0e+00;
	[dreg:$0x12] =	wrdreg s22;
	s21 =	simm.s32 $0x2C00;
	s22 =	simm.s32 $0x5  }
.LBB2_1:
0x24: {  	s8 =	simm.s32 $0x0;
	s10 =	simm.s32 $0x200  }
.LBB2_2:
0x25: {  	p0 =	sne.s32 s10, $0xFE00;
	[tilespmem:s8+$0x5470] =	vst v0  }
0x26: {  	[tilespmem:s8+$0x5400] =	vst v0  }
0x27: {  	[tilespmem:s8+$0x5410] =	vst v0  }
.Ltmp0:
0x28: {  	[tilespmem:s8+$0x5420] =	vst v0;
	(pc) =	sbr.rel @p0 .LBB2_2-.Ltmp0, $4  }
0x29: {  	[tilespmem:s8+$0x5430] =	vst v0  }
0x2a: {  	[tilespmem:s8+$0x5440] =	vst v0  }
0x2b: {  	[tilespmem:s8+$0x5450] =	vst v0  }
0x2c: {  	[tilespmem:s8+$0x5460] =	vst v0;
	s8 =	sshra.s32 s10, $0x2;
	s10 =	sadd.s32 $0x200, s10  }
0x2d: {  	[tilespmem:s8+$0x5470] =	vst v0  }
0x2e: {  	[tilespmem:s8+$0x5400] =	vst v0  }
0x2f: {  	[tilespmem:s8+$0x5410] =	vst v0  }
0x30: {  	[tilespmem:s8+$0x5420] =	vst v0  }
0x31: {  	[tilespmem:s8+$0x5430] =	vst v0  }
0x32: {  	[tilespmem:s8+$0x5440] =	vst v0  }
0x33: {  	[tilespmem:s8+$0x5450] =	vst v0  }
0x34: {  	[tilespmem:s8+$0x5460] =	vst v0;
	s10 =	simm.s32 $0x5400  }
0x35: {  	[spmem:s12] =	stream.linear.scatter [tilespmem:s10], [sflag:$0x9], $0x4000, $0x38;
	[tilespmem:$0x1D400] =	vst v63  }
0x36: {  	_ =	swait.ge [sflag:s31], $0x4000  }
0x37: {  	[sflag:s31] =	ssyncset.done $0x0  }
0x38: {  	s12 =	rddreg [dreg:$0x4];
	[sflag:s31] =	ssyncadd.s32 $0xFFFFC000  }
0x39: {  	[spmem:s12] =	stream.linear.scatter [tilespmem:s10], [sflag:$0x9], $0x4000, $0x38;
	[tilespmem:$0x1D400] =	vst v63  }
0x3a: {  	_ =	swait.ge [sflag:s31], $0x4000  }
0x3b: {  	[sflag:s31] =	ssyncset.done $0x0  }
0x3c: {  	[sflag:s31] =	ssyncadd.s32 $0xFFFFC000  }
0x3d: {  	[spmem:s11] =	stream.linear.scatter [tilespmem:s10], [sflag:$0x9], $0x4000, $0x38;
	[tilespmem:$0x1D400] =	vst v63  }
0x3e: {  	_ =	swait.ge [sflag:s31], $0x4000  }
0x3f: {  	[sflag:s31] =	ssyncset.done $0x0  }
0x40: {  	s30 =	rddreg [dreg:$0x6];
	[sflag:s31] =	ssyncadd.s32 $0xFFFFC000  }
0x41: {  	[spmem:s30] =	stream.linear.scatter [tilespmem:s10], [sflag:$0x9], $0x4000, $0x38;
	[tilespmem:$0x1D400] =	vst v63  }
0x42: {  	_ =	swait.ge [sflag:s31], $0x4000  }
0x43: {  	[sflag:s31] =	ssyncset.done $0x0  }
0x44: {  	s11 =	rddreg [dreg:$0x7];
	[sflag:s31] =	ssyncadd.s32 $0xFFFFC000  }
0x45: {  	[spmem:s11] =	stream.linear.scatter [tilespmem:s10], [sflag:$0x9], $0x4000, $0x38;
	[tilespmem:$0x1D400] =	vst v63  }
0x46: {  	_ =	swait.ge [sflag:s31], $0x4000  }
0x47: {  	[sflag:s31] =	ssyncset.done $0x0  }
0x48: {  	[sflag:s31] =	ssyncadd.s32 $0xFFFFC000  }
0x49: {  	[bflag:$0x0] =	sbarrier.arrive $0xFFFF  }
0x4a: {  	s12 =	rddreg [dreg:$0x13]  }
0x4b: {  	[tilespmem:s2], [sflag:$0x1] =	stream.linear.gather [hbm4b:s12+s2], $0x80, $0x38;
	[tilespmem:$0x1D400] =	vst v63  }
0x4c: {  	s30 =	rddreg [dreg:$0x14]  }
0x4d: {  	[tilespmem:s0], [sflag:$0x1] =	stream.linear.gather [hbm4b:s30+s2], $0x80, $0x38;
	[tilespmem:$0x1D400] =	vst v63  }
0x4e: {  	s10 =	rddreg [dreg:$0x8]  }
0x4f: {  	[tilespmem:s3], [sflag:$0x2] =	stream.linear.gather [hbm4b:s10+s2], $0x80, $0x38;
	[tilespmem:$0x1D400] =	vst v63  }
0x50: {  	s11 =	rddreg [dreg:$0x9]  }
0x51: {  	[tilespmem:s13], [sflag:$0x2] =	stream.linear.gather [hbm4b:s11+s2], $0x80, $0x38;
	[tilespmem:$0x1D400] =	vst v63  }
0x52: {  	s12 =	rddreg [dreg:$0xa]  }
0x53: {  	[tilespmem:s14], [sflag:$0x3] =	stream.linear.gather [hbm4b:s12+s2], $0x80, $0x38;
	[tilespmem:$0x1D400] =	vst v63  }
0x54: {  	s30 =	rddreg [dreg:$0xb]  }
0x55: {  	[tilespmem:s15], [sflag:$0x3] =	stream.linear.gather [hbm4b:s30+s2], $0x80, $0x38;
	[tilespmem:$0x1D400] =	vst v63  }
0x56: {  	s10 =	rddreg [dreg:$0x11]  }
0x57: {  	[tilespmem:s16], [sflag:$0x4] =	stream.linear.gather [hbm4b:s10+s2], $0x80, $0x38;
	[tilespmem:$0x1D400] =	vst v63  }
0x58: {  	s8 =	simm.s32 $0x380;
	s11 =	rddreg [dreg:$0x12]  }
0x59: {  	[tilespmem:s8], [sflag:$0x4] =	stream.linear.gather [hbm4b:s11+s2], $0x80, $0x38;
	[tilespmem:$0x1D400] =	vst v63  }
0x5a: {  	_ =	swait.ge [sflag:s17], $0x80  }
0x5b: {  	[sflag:s17] =	ssyncset.done $0x0  }
0x5c: {  	[sflag:s17] =	ssyncadd.s32 $0xFFFFFF80  }
0x5d: {  	_ =	swait.ge [sflag:s17], $0x80  }
0x5e: {  	[sflag:s17] =	ssyncset.done $0x0  }
0x5f: {  	[sflag:s17] =	ssyncadd.s32 $0xFFFFFF80  }
0x60: {  	[tilespmem:s19], [sflag:$0x5] =	stream.indirect.gather [hbm4b:s4+s18], $0x80, s2, s18, $0xb8;
	[tilespmem:$0x1D400] =	vst v63  }
0x61: {  	_ =	swait.ge [sflag:s20], $0x80  }
0x62: {  	[sflag:s20] =	ssyncset.done $0x0  }
0x63: {  	[sflag:s20] =	ssyncadd.s32 $0xFFFFFF80  }
0x64: {  	_ =	swait.ge [sflag:s20], $0x80  }
0x65: {  	[sflag:s20] =	ssyncset.done $0x0  }
0x66: {  	[sflag:s20] =	ssyncadd.s32 $0xFFFFFF80  }
0x67: {  	[tilespmem:s21], [sflag:$0x6] =	stream.indirect.gather [hbm4b:s4+s18], $0x80, s3, s18, $0xb8;
	[tilespmem:$0x1D400] =	vst v63  }
0x68: {  	s12 =	simm.s32 $0x200;
	_ =	swait.ge [sflag:s22], $0x2800  }
0x69: {  	s30 =	sand.u32 $0x7C00, s12;
	[sflag:s22] =	ssyncset.done $0x0  }
0x6a: {  	s10 =	sand.u32 $0x200, s12;
	s11 =	sadd.s32 s9, s30;
	[sflag:s22] =	ssyncadd.s32 $0xFFFFD800  }
0x6b: {  	[spmem:s1] =	stream.indirect.scatter.add.f32 [tilespmem:s19], [sflag:$0x7], $0x80, s0, s18, $0xb8;
	[tilespmem:$0x1D400] =	vst v63  }
0x6c: {  	s10 =	sor.u32 s10, s11;
	_ =	swait.ge [sflag:s23], $0x2800  }
0x6d: {  	s10 =	sshrl.u32 s10, $0x3;
	[sflag:s23] =	ssyncset.done $0x0  }
0x6e: {  	s12 =	sadd.s32 s5, s10;
	[sflag:s23] =	ssyncadd.s32 $0xFFFFD800  }
0x6f: {  	[tilespmem:s2], [sflag:$0x1] =	stream.linear.gather [hbm4b:s12+s2], $0x80, $0x38;
	[tilespmem:$0x1D400] =	vst v63  }
0x70: {  	s10 =	sadd.s32 s6, s10  }
0x71: {  	[tilespmem:s0], [sflag:$0x1] =	stream.linear.gather [hbm4b:s10+s2], $0x80, $0x38;
	[tilespmem:$0x1D400] =	vst v63  }
0x72: {  	_ =	swait.ge [sflag:s24], $0x80  }
0x73: {  	[sflag:s24] =	ssyncset.done $0x0  }
0x74: {  	[sflag:s24] =	ssyncadd.s32 $0xFFFFFF80  }
0x75: {  	_ =	swait.ge [sflag:s24], $0x80  }
0x76: {  	[sflag:s24] =	ssyncset.done $0x0  }
0x77: {  	[sflag:s24] =	ssyncadd.s32 $0xFFFFFF80  }
0x78: {  	[tilespmem:s19], [sflag:$0x5] =	stream.indirect.gather [hbm4b:s4+s18], $0x80, s14, s18, $0xb8;
	[tilespmem:$0x1D400] =	vst v63  }
0x79: {  	s30 =	simm.s32 $0x280;
	_ =	swait.ge [sflag:s25], $0x2800  }
0x7a: {  	s12 =	sand.u32 $0x7C00, s30;
	[sflag:s25] =	ssyncset.done $0x0  }
0x7b: {  	s11 =	sadd.s32 s9, s12;
	s10 =	sand.u32 $0x280, s30;
	[sflag:s25] =	ssyncadd.s32 $0xFFFFD800  }
0x7c: {  	[spmem:s1] =	stream.indirect.scatter.add.f32 [tilespmem:s21], [sflag:$0x8], $0x80, s13, s18, $0xb8;
	[tilespmem:$0x1D400] =	vst v63  }
0x7d: {  	s10 =	sor.u32 s10, s11;
	_ =	swait.ge [sflag:s26], $0x2800  }
0x7e: {  	s10 =	sshrl.u32 s10, $0x3;
	[sflag:s26] =	ssyncset.done $0x0  }
0x7f: {  	s30 =	sadd.s32 s5, s10;
	[sflag:s26] =	ssyncadd.s32 $0xFFFFD800  }
0x80: {  	[tilespmem:s3], [sflag:$0x2] =	stream.linear.gather [hbm4b:s30+s2], $0x80, $0x38;
	[tilespmem:$0x1D400] =	vst v63  }
0x81: {  	s10 =	sadd.s32 s6, s10  }
0x82: {  	[tilespmem:s13], [sflag:$0x2] =	stream.linear.gather [hbm4b:s10+s2], $0x80, $0x38;
	[tilespmem:$0x1D400] =	vst v63  }
0x83: {  	_ =	swait.ge [sflag:s28], $0x80  }
0x84: {  	[sflag:s28] =	ssyncset.done $0x0  }
0x85: {  	[sflag:s28] =	ssyncadd.s32 $0xFFFFFF80  }
0x86: {  	_ =	swait.ge [sflag:s28], $0x80  }
0x87: {  	[sflag:s28] =	ssyncset.done $0x0  }
0x88: {  	[sflag:s28] =	ssyncadd.s32 $0xFFFFFF80  }
0x89: {  	[tilespmem:s21], [sflag:$0x6] =	stream.indirect.gather [hbm4b:s4+s18], $0x80, s16, s18, $0xb8;
	[tilespmem:$0x1D400] =	vst v63  }
0x8a: {  	s11 =	simm.s32 $0x300;
	_ =	swait.ge [sflag:s22], $0x2800  }
0x8b: {  	s12 =	sand.u32 $0x7C00, s11;
	[sflag:s22] =	ssyncset.done $0x0  }
0x8c: {  	s10 =	sand.u32 $0x300, s11;
	s11 =	sadd.s32 s9, s12;
	[sflag:s22] =	ssyncadd.s32 $0xFFFFD800  }
0x8d: {  	[spmem:s1] =	stream.indirect.scatter.add.f32 [tilespmem:s19], [sflag:$0x7], $0x80, s15, s18, $0xb8;
	[tilespmem:$0x1D400] =	vst v63  }
0x8e: {  	s10 =	sor.u32 s10, s11;
	_ =	swait.ge [sflag:s23], $0x2800  }
0x8f: {  	s10 =	sshrl.u32 s10, $0x3;
	[sflag:s23] =	ssyncset.done $0x0  }
0x90: {  	s30 =	sadd.s32 s5, s10;
	[sflag:s23] =	ssyncadd.s32 $0xFFFFD800  }
0x91: {  	[tilespmem:s14], [sflag:$0x3] =	stream.linear.gather [hbm4b:s30+s2], $0x80, $0x38;
	[tilespmem:$0x1D400] =	vst v63  }
0x92: {  	s10 =	sadd.s32 s6, s10  }
0x93: {  	[tilespmem:s15], [sflag:$0x3] =	stream.linear.gather [hbm4b:s10+s2], $0x80, $0x38;
	[tilespmem:$0x1D400] =	vst v63  }
0x94: {  	_ =	swait.ge [sflag:s17], $0x80  }
0x95: {  	[sflag:s17] =	ssyncset.done $0x0  }
0x96: {  	[sflag:s17] =	ssyncadd.s32 $0xFFFFFF80  }
0x97: {  	_ =	swait.ge [sflag:s17], $0x80  }
0x98: {  	[sflag:s17] =	ssyncset.done $0x0  }
0x99: {  	[sflag:s17] =	ssyncadd.s32 $0xFFFFFF80  }
0x9a: {  	[tilespmem:s19], [sflag:$0x5] =	stream.indirect.gather [hbm4b:s4+s18], $0x80, s2, s18, $0xb8;
	[tilespmem:$0x1D400] =	vst v63  }
0x9b: {  	_ =	swait.ge [sflag:s25], $0x2800  }
0x9c: {  	s12 =	sand.u32 $0x7C00, s8;
	[sflag:s25] =	ssyncset.done $0x0  }
0x9d: {  	s8 =	sand.u32 $0x380, s8;
	s10 =	sadd.s32 s9, s12;
	[sflag:s25] =	ssyncadd.s32 $0xFFFFD800  }
0x9e: {  	[spmem:s1] =	stream.indirect.scatter.add.f32 [tilespmem:s21], [sflag:$0x8], $0x80, s29, s18, $0xb8;
	[tilespmem:$0x1D400] =	vst v63  }
0x9f: {  	s8 =	sor.u32 s8, s10;
	_ =	swait.ge [sflag:s26], $0x2800  }
0xa0: {  	s8 =	sshrl.u32 s8, $0x3;
	[sflag:s26] =	ssyncset.done $0x0  }
0xa1: {  	s30 =	sadd.s32 s5, s8;
	[sflag:s26] =	ssyncadd.s32 $0xFFFFD800  }
0xa2: {  	[tilespmem:s16], [sflag:$0x4] =	stream.linear.gather [hbm4b:s30+s2], $0x80, $0x38;
	[tilespmem:$0x1D400] =	vst v63  }
0xa3: {  	s8 =	sadd.s32 s6, s8  }
0xa4: {  	[tilespmem:s29], [sflag:$0x4] =	stream.linear.gather [hbm4b:s8+s2], $0x80, $0x38;
	[tilespmem:$0x1D400] =	vst v63  }
0xa5: {  	_ =	swait.ge [sflag:s20], $0x80  }
0xa6: {  	[sflag:s20] =	ssyncset.done $0x0  }
0xa7: {  	[sflag:s20] =	ssyncadd.s32 $0xFFFFFF80  }
0xa8: {  	_ =	swait.ge [sflag:s20], $0x80  }
0xa9: {  	s8 =	simm.s32 $0x580;
	[sflag:s20] =	ssyncset.done $0x0  }
.LBB2_4:
0xaa: {  	p0 =	sne.s32 s8, $0x3D80  }
0xab: {  	[sflag:s20] =	ssyncadd.s32 $0xFFFFFF80;
	s10 =	smov.u32 s8;
	s8 =	sadd.s32 $0x200, s8  }
0xac: {  	[tilespmem:s21], [sflag:$0x6] =	stream.indirect.gather [hbm4b:s4+s18], $0x80, s3, s18, $0xb8;
	[tilespmem:$0x1D400] =	vst v63  }
0xad: {  	s11 =	sadd.s32 $0xFFFFFE80, s10;
	_ =	swait.ge [sflag:s22], $0x2800  }
0xae: {  	s12 =	sand.u32 $0x7C00, s11;
	s11 =	sand.u32 $0x200, s11;
	[sflag:s22] =	ssyncset.done $0x0  }
0xaf: {  	s12 =	sadd.s32 s9, s12;
	[sflag:s22] =	ssyncadd.s32 $0xFFFFD800  }
0xb0: {  	[spmem:s1] =	stream.indirect.scatter.add.f32 [tilespmem:s19], [sflag:$0x7], $0x80, s0, s18, $0xb8;
	[tilespmem:$0x1D400] =	vst v63  }
0xb1: {  	s11 =	sor.u32 s11, s12;
	_ =	swait.ge [sflag:s23], $0x2800  }
0xb2: {  	s11 =	sshrl.u32 s11, $0x3;
	[sflag:s23] =	ssyncset.done $0x0  }
0xb3: {  	s12 =	sadd.s32 s5, s11;
	s11 =	sadd.s32 s6, s11;
	[sflag:s23] =	ssyncadd.s32 $0xFFFFD800  }
0xb4: {  	[tilespmem:s2], [sflag:$0x1] =	stream.linear.gather [hbm4b:s12+s2], $0x80, $0x38;
	[tilespmem:$0x1D400] =	vst v63  }
0xb5: {  	_ = 	snop  }
0xb6: {  	[tilespmem:s0], [sflag:$0x1] =	stream.linear.gather [hbm4b:s11+s2], $0x80, $0x38;
	[tilespmem:$0x1D400] =	vst v63  }
0xb7: {  	_ =	swait.ge [sflag:s24], $0x80  }
0xb8: {  	[sflag:s24] =	ssyncset.done $0x0  }
0xb9: {  	[sflag:s24] =	ssyncadd.s32 $0xFFFFFF80  }
0xba: {  	_ =	swait.ge [sflag:s24], $0x80  }
0xbb: {  	[sflag:s24] =	ssyncset.done $0x0  }
0xbc: {  	[sflag:s24] =	ssyncadd.s32 $0xFFFFFF80  }
0xbd: {  	[tilespmem:s19], [sflag:$0x5] =	stream.indirect.gather [hbm4b:s4+s18], $0x80, s14, s18, $0xb8;
	[tilespmem:$0x1D400] =	vst v63  }
0xbe: {  	s11 =	sadd.s32 $0xFFFFFF00, s10;
	_ =	swait.ge [sflag:s25], $0x2800  }
0xbf: {  	s12 =	sand.u32 $0x7C00, s11;
	[sflag:s25] =	ssyncset.done $0x0  }
0xc0: {  	s11 =	sand.u32 $0x280, s11;
	s12 =	sadd.s32 s9, s12;
	[sflag:s25] =	ssyncadd.s32 $0xFFFFD800  }
0xc1: {  	[spmem:s1] =	stream.indirect.scatter.add.f32 [tilespmem:s21], [sflag:$0x8], $0x80, s13, s18, $0xb8;
	[tilespmem:$0x1D400] =	vst v63  }
0xc2: {  	s11 =	sor.u32 s11, s12;
	_ =	swait.ge [sflag:s26], $0x2800  }
0xc3: {  	s11 =	sshrl.u32 s11, $0x3;
	[sflag:s26] =	ssyncset.done $0x0  }
0xc4: {  	s12 =	sadd.s32 s5, s11;
	s11 =	sadd.s32 s6, s11;
	[sflag:s26] =	ssyncadd.s32 $0xFFFFD800  }
0xc5: {  	[tilespmem:s3], [sflag:$0x2] =	stream.linear.gather [hbm4b:s12+s2], $0x80, $0x38;
	[tilespmem:$0x1D400] =	vst v63  }
0xc6: {  	_ = 	snop  }
0xc7: {  	[tilespmem:s13], [sflag:$0x2] =	stream.linear.gather [hbm4b:s11+s2], $0x80, $0x38;
	[tilespmem:$0x1D400] =	vst v63  }
0xc8: {  	_ =	swait.ge [sflag:s28], $0x80  }
0xc9: {  	[sflag:s28] =	ssyncset.done $0x0  }
0xca: {  	[sflag:s28] =	ssyncadd.s32 $0xFFFFFF80  }
0xcb: {  	_ =	swait.ge [sflag:s28], $0x80  }
0xcc: {  	[sflag:s28] =	ssyncset.done $0x0  }
0xcd: {  	[sflag:s28] =	ssyncadd.s32 $0xFFFFFF80  }
0xce: {  	[tilespmem:s21], [sflag:$0x6] =	stream.indirect.gather [hbm4b:s4+s18], $0x80, s16, s18, $0xb8;
	[tilespmem:$0x1D400] =	vst v63  }
0xcf: {  	s11 =	sadd.s32 $0xFFFFFF80, s10;
	_ =	swait.ge [sflag:s22], $0x2800  }
0xd0: {  	s12 =	sand.u32 $0x7C00, s11;
	s11 =	sand.u32 $0x300, s11;
	[sflag:s22] =	ssyncset.done $0x0  }
0xd1: {  	s12 =	sadd.s32 s9, s12;
	[sflag:s22] =	ssyncadd.s32 $0xFFFFD800  }
0xd2: {  	[spmem:s1] =	stream.indirect.scatter.add.f32 [tilespmem:s19], [sflag:$0x7], $0x80, s15, s18, $0xb8;
	[tilespmem:$0x1D400] =	vst v63  }
0xd3: {  	s11 =	sor.u32 s11, s12;
	_ =	swait.ge [sflag:s23], $0x2800  }
0xd4: {  	s11 =	sshrl.u32 s11, $0x3;
	[sflag:s23] =	ssyncset.done $0x0  }
0xd5: {  	s12 =	sadd.s32 s5, s11;
	s11 =	sadd.s32 s6, s11;
	[sflag:s23] =	ssyncadd.s32 $0xFFFFD800  }
0xd6: {  	[tilespmem:s14], [sflag:$0x3] =	stream.linear.gather [hbm4b:s12+s2], $0x80, $0x38;
	[tilespmem:$0x1D400] =	vst v63  }
0xd7: {  	_ = 	snop  }
0xd8: {  	[tilespmem:s15], [sflag:$0x3] =	stream.linear.gather [hbm4b:s11+s2], $0x80, $0x38;
	[tilespmem:$0x1D400] =	vst v63  }
0xd9: {  	_ =	swait.ge [sflag:s17], $0x80  }
0xda: {  	[sflag:s17] =	ssyncset.done $0x0  }
0xdb: {  	[sflag:s17] =	ssyncadd.s32 $0xFFFFFF80  }
0xdc: {  	_ =	swait.ge [sflag:s17], $0x80  }
0xdd: {  	[sflag:s17] =	ssyncset.done $0x0  }
0xde: {  	[sflag:s17] =	ssyncadd.s32 $0xFFFFFF80  }
0xdf: {  	[tilespmem:s19], [sflag:$0x5] =	stream.indirect.gather [hbm4b:s4+s18], $0x80, s2, s18, $0xb8;
	[tilespmem:$0x1D400] =	vst v63  }
0xe0: {  	_ =	swait.ge [sflag:s25], $0x2800  }
0xe1: {  	s11 =	sand.u32 $0x7C00, s10;
	[sflag:s25] =	ssyncset.done $0x0  }
0xe2: {  	s10 =	sand.u32 $0x380, s10;
	s11 =	sadd.s32 s9, s11;
	[sflag:s25] =	ssyncadd.s32 $0xFFFFD800  }
0xe3: {  	[spmem:s1] =	stream.indirect.scatter.add.f32 [tilespmem:s21], [sflag:$0x8], $0x80, s29, s18, $0xb8;
	[tilespmem:$0x1D400] =	vst v63  }
0xe4: {  	s10 =	sor.u32 s10, s11;
	_ =	swait.ge [sflag:s26], $0x2800  }
0xe5: {  	s10 =	sshrl.u32 s10, $0x3;
	[sflag:s26] =	ssyncset.done $0x0  }
0xe6: {  	s11 =	sadd.s32 s5, s10;
	s10 =	sadd.s32 s6, s10;
	[sflag:s26] =	ssyncadd.s32 $0xFFFFD800  }
0xe7: {  	[tilespmem:s16], [sflag:$0x4] =	stream.linear.gather [hbm4b:s11+s2], $0x80, $0x38;
	[tilespmem:$0x1D400] =	vst v63  }
0xe8: {  	_ = 	snop  }
0xe9: {  	[tilespmem:s29], [sflag:$0x4] =	stream.linear.gather [hbm4b:s10+s2], $0x80, $0x38;
	[tilespmem:$0x1D400] =	vst v63  }
.Ltmp1:
0xea: {  	_ =	swait.ge [sflag:s20], $0x80;
	(pc) =	sbr.rel @p0 .LBB2_4-.Ltmp1, $4  }
0xeb: {  	[sflag:s20] =	ssyncset.done $0x0  }
0xec: {  	[sflag:s20] =	ssyncadd.s32 $0xFFFFFF80  }
0xed: {  	_ =	swait.ge [sflag:s20], $0x80  }
0xee: {  	[sflag:s20] =	ssyncset.done $0x0  }
0xef: {  	[sflag:s20] =	ssyncadd.s32 $0xFFFFFF80  }
0xf0: {  	[tilespmem:s21], [sflag:$0x6] =	stream.indirect.gather [hbm4b:s4+s18], $0x80, s3, s18, $0xb8;
	[tilespmem:$0x1D400] =	vst v63  }
0xf1: {  	_ =	swait.ge [sflag:s22], $0x2800  }
0xf2: {  	[sflag:s22] =	ssyncset.done $0x0  }
0xf3: {  	[sflag:s22] =	ssyncadd.s32 $0xFFFFD800  }
0xf4: {  	[spmem:s1] =	stream.indirect.scatter.add.f32 [tilespmem:s19], [sflag:$0x7], $0x80, s0, s18, $0xb8;
	[tilespmem:$0x1D400] =	vst v63  }
0xf5: {  	_ =	swait.ge [sflag:s23], $0x2800  }
0xf6: {  	[sflag:s23] =	ssyncset.done $0x0  }
0xf7: {  	s8 =	rddreg [dreg:$0x15];
	[sflag:s23] =	ssyncadd.s32 $0xFFFFD800  }
0xf8: {  	[tilespmem:s2], [sflag:$0x1] =	stream.linear.gather [hbm4b:s8+s2], $0x80, $0x38;
	[tilespmem:$0x1D400] =	vst v63  }
0xf9: {  	s30 =	rddreg [dreg:$0x16]  }
0xfa: {  	[tilespmem:s0], [sflag:$0x1] =	stream.linear.gather [hbm4b:s30+s2], $0x80, $0x38;
	[tilespmem:$0x1D400] =	vst v63  }
0xfb: {  	_ =	swait.ge [sflag:s24], $0x80  }
0xfc: {  	[sflag:s24] =	ssyncset.done $0x0  }
0xfd: {  	[sflag:s24] =	ssyncadd.s32 $0xFFFFFF80  }
0xfe: {  	_ =	swait.ge [sflag:s24], $0x80  }
0xff: {  	[sflag:s24] =	ssyncset.done $0x0  }
0x100: {  	[sflag:s24] =	ssyncadd.s32 $0xFFFFFF80  }
0x101: {  	[tilespmem:s19], [sflag:$0x5] =	stream.indirect.gather [hbm4b:s4+s18], $0x80, s14, s18, $0xb8;
	[tilespmem:$0x1D400] =	vst v63  }
0x102: {  	_ =	swait.ge [sflag:s25], $0x2800  }
0x103: {  	[sflag:s25] =	ssyncset.done $0x0  }
0x104: {  	[sflag:s25] =	ssyncadd.s32 $0xFFFFD800  }
0x105: {  	[spmem:s1] =	stream.indirect.scatter.add.f32 [tilespmem:s21], [sflag:$0x8], $0x80, s13, s18, $0xb8;
	[tilespmem:$0x1D400] =	vst v63  }
0x106: {  	_ =	swait.ge [sflag:s26], $0x2800  }
0x107: {  	[sflag:s26] =	ssyncset.done $0x0  }
0x108: {  	[sflag:s26] =	ssyncadd.s32 $0xFFFFD800  }
0x109: {  	_ =	swait.ge [sflag:s28], $0x80  }
0x10a: {  	[sflag:s28] =	ssyncset.done $0x0  }
0x10b: {  	[sflag:s28] =	ssyncadd.s32 $0xFFFFFF80  }
0x10c: {  	_ =	swait.ge [sflag:s28], $0x80  }
0x10d: {  	[sflag:s28] =	ssyncset.done $0x0  }
0x10e: {  	[sflag:s28] =	ssyncadd.s32 $0xFFFFFF80  }
0x10f: {  	[tilespmem:s21], [sflag:$0x6] =	stream.indirect.gather [hbm4b:s4+s18], $0x80, s16, s18, $0xb8;
	[tilespmem:$0x1D400] =	vst v63  }
0x110: {  	_ =	swait.ge [sflag:s22], $0x2800  }
0x111: {  	[sflag:s22] =	ssyncset.done $0x0  }
0x112: {  	[sflag:s22] =	ssyncadd.s32 $0xFFFFD800  }
0x113: {  	[spmem:s1] =	stream.indirect.scatter.add.f32 [tilespmem:s19], [sflag:$0x7], $0x80, s15, s18, $0xb8;
	[tilespmem:$0x1D400] =	vst v63  }
0x114: {  	_ =	swait.ge [sflag:s23], $0x2800  }
0x115: {  	[sflag:s23] =	ssyncset.done $0x0  }
0x116: {  	[sflag:s23] =	ssyncadd.s32 $0xFFFFD800  }
0x117: {  	_ =	swait.ge [sflag:s17], $0x80  }
0x118: {  	[sflag:s17] =	ssyncset.done $0x0  }
0x119: {  	[sflag:s17] =	ssyncadd.s32 $0xFFFFFF80  }
0x11a: {  	_ =	swait.ge [sflag:s17], $0x80  }
0x11b: {  	[sflag:s17] =	ssyncset.done $0x0  }
0x11c: {  	[sflag:s17] =	ssyncadd.s32 $0xFFFFFF80  }
0x11d: {  	[tilespmem:s19], [sflag:$0x5] =	stream.indirect.gather [hbm4b:s4+s18], $0x80, s2, s18, $0xb8;
	[tilespmem:$0x1D400] =	vst v63  }
0x11e: {  	_ =	swait.ge [sflag:s25], $0x2800  }
0x11f: {  	[sflag:s25] =	ssyncset.done $0x0  }
0x120: {  	[sflag:s25] =	ssyncadd.s32 $0xFFFFD800  }
0x121: {  	[spmem:s1] =	stream.indirect.scatter.add.f32 [tilespmem:s21], [sflag:$0x8], $0x80, s29, s18, $0xb8;
	[tilespmem:$0x1D400] =	vst v63  }
0x122: {  	_ =	swait.ge [sflag:s26], $0x2800  }
0x123: {  	[sflag:s26] =	ssyncset.done $0x0  }
0x124: {  	[sflag:s26] =	ssyncadd.s32 $0xFFFFD800  }
0x125: {  	_ =	swait.ge [sflag:s22], $0x2800  }
0x126: {  	[sflag:s22] =	ssyncset.done $0x0  }
0x127: {  	[sflag:s22] =	ssyncadd.s32 $0xFFFFD800  }
0x128: {  	[spmem:s1] =	stream.indirect.scatter.add.f32 [tilespmem:s19], [sflag:$0x7], $0x80, s0, s18, $0xb8;
	[tilespmem:$0x1D400] =	vst v63  }
0x129: {  	_ =	swait.ge [sflag:s23], $0x2800  }
0x12a: {  	[sflag:s23] =	ssyncset.done $0x0  }
0x12b: {  	[sflag:s23] =	ssyncadd.s32 $0xFFFFD800  }
0x12c: {  	s10 =	stileid.u32;
	[bflag:$0x0] =	sbarrier.arrive $0xFFFF  }
0x12d: {  	s8 =	sshll.u32 s10, $0x6;
	s12 =	rddreg [dreg:$0x3]  }
0x12e: {  	s8 =	sor.u32 $0x1C09, s8;
	s11 =	rddreg [dreg:$0xc];
	s10 =	sshrl.u32 s12, $0x3  }
0x12f: {  	[hbm:s11], [sflag:s8] =	dma.local [spmem:s10], $0x800  }
0x130: {  	_ =	swait.ge [sflag:s31], $0x800  }
0x131: {  	[sflag:s31] =	ssyncset.done $0x0;
	s11 =	rddreg [dreg:$0x4]  }
0x132: {  	s30 =	rddreg [dreg:$0xd];
	[sflag:s31] =	ssyncadd.s32 $0xFFFFF800;
	s10 =	sshrl.u32 s11, $0x3  }
0x133: {  	[hbm:s30], [sflag:s8] =	dma.local [spmem:s10], $0x800  }
0x134: {  	_ =	swait.ge [sflag:s31], $0x800  }
0x135: {  	[sflag:s31] =	ssyncset.done $0x0;
	s11 =	rddreg [dreg:$0x5]  }
0x136: {  	s30 =	rddreg [dreg:$0xe];
	[sflag:s31] =	ssyncadd.s32 $0xFFFFF800;
	s10 =	sshrl.u32 s11, $0x3  }
0x137: {  	[hbm:s30], [sflag:s8] =	dma.local [spmem:s10], $0x800  }
0x138: {  	_ =	swait.ge [sflag:s31], $0x800  }
0x139: {  	[sflag:s31] =	ssyncset.done $0x0;
	s30 =	rddreg [dreg:$0x6]  }
0x13a: {  	[sflag:s31] =	ssyncadd.s32 $0xFFFFF800;
	s10 =	sshrl.u32 s30, $0x3;
	s30 =	rddreg [dreg:$0xf]  }
0x13b: {  	[hbm:s30], [sflag:s8] =	dma.local [spmem:s10], $0x800  }
0x13c: {  	_ =	swait.ge [sflag:s31], $0x800  }
0x13d: {  	[sflag:s31] =	ssyncset.done $0x0;
	s30 =	rddreg [dreg:$0x7]  }
0x13e: {  	[sflag:s31] =	ssyncadd.s32 $0xFFFFF800;
	s10 =	sshrl.u32 s30, $0x3;
	s30 =	rddreg [dreg:$0x10]  }
0x13f: {  	[hbm:s30], [sflag:s8] =	dma.local [spmem:s10], $0x800  }
0x140: {  	_ =	swait.ge [sflag:s31], $0x800  }
0x141: {  	s7 =	sadd.s32 $0x1, s7;
	s30 =	rddreg [dreg:$0x17]  }
0x142: {  	p0 =	sne.s32 s7, s30  }
.Ltmp2:
0x143: {  	_ = 	snop;
	(pc) =	sbr.rel @p0 .LBB2_1-.Ltmp2, $3  }
0x144: {  	_ =	sdelay $0x1  }
0x145: {  	[sflag:s31] =	ssyncset.done $0x0  }
0x146: {  	[sflag:s31] =	ssyncadd.s32 $0xFFFFF800  }
0x147: {  	_ =	sfence.sel $0x180000  }
0x148: {  	[bflag:$0x0] =	sbarrier.arrive $0xFFFF  }
0x149: {  	_ =	strace $0x9000004D  }
0x14a: {  	s0 =	stileid.u32;
	[bflag:$0x2] =	sbarrier.arrive $0xFFFF  }
0x14b: {  	p0 =	sne.s32 s0, $0x0;
	s0 =	rddreg [dreg:$0x2]  }
0x14c: {  	s0 =	sadd.s32 @!p0 $0x100000, s0  }
0x14d: {  	[sflag:s0] =	ssyncadd.tile.s32 @!p0 $0x1;
	_ =	shalt  }
.Lfunc_end2:
_tile_overlayer_lowered:
.L_overlay_start_2:
0x14e: {  	(tag) =	ssettag $0x2  }
0x14f: {  	s0 =	rddreg [dreg:$0x0];
	s2 =	stileid.u32  }
0x150: {  	s1 =	rddreg [dreg:$0x1];
	p0 =	sne.s32 s2, $0x0  }
0x151: {  	s3 =	rddreg [dreg:$0x2];
	[bflag:$0x3] =	sbarrier.arrive $0xFFFF;
	s2 =	simm.s32 @!p0 $0x1C09  }
0x152: {  	[timem:s3], [sflag:s2] =	dma.local @!p0 [hbm:s0], s1  }
0x153: {  	s0 =	simm.s32 @!p0 $0x9  }
0x154: {  	_ =	swait.ge @!p0 [sflag:s0], s1  }
0x155: {  	s1 =	ssub.s32 @!p0 $0x0, s1;
	[sflag:s0] =	ssyncset.done @!p0 $0x0  }
0x156: {  	[sflag:s0] =	ssyncadd.s32 @!p0 s1  }
0x157: {  	[bflag:$0x3] =	sbarrier.arrive $0xFFFF  }
0x158: {  	_ =	shalt  }

</sc_bundles>
